<compile_context>
chip_gen: v7x
topology: tpu7x:2x2x1
jax: 0.10.2.dev20260603
libtpu: 0.0.44.dev20260713+nightly
codegen_flags: <defaults>
</compile_context>

<pallas_src>
import functools

import jax
import jax.numpy as jnp
from jax import lax
from jax.experimental import pallas as pl
from jax.experimental.pallas import tpu as pltpu
import jax.experimental.pallas.tpu_sc as plsc

_N = 10000
_E = 160000
_HID = 128
_G = 64

_NW = 32
_CH = 160
_C = 64
_BI = 16
_EP = _CH * _C
_E2P = _NW * _EP
_R = 10240
_STRIPE = _R // 16

def _full(shape):
    nd = len(shape)
    return pl.BlockSpec(shape, lambda i, _nd=nd: (0,) * _nd)


def _pack_bf16(t):
    bits = lax.bitcast_convert_type(t, jnp.int32)
    r = (bits + 0x7FFF + ((bits >> 16) & 1)) >> 16
    return (r[:, :_HID // 2] & 0xFFFF) | (r[:, _HID // 2:] << 16)


def _ln(t, g, b):
    m = jnp.mean(t, axis=-1, keepdims=True)
    v = jnp.mean((t - m) ** 2, axis=-1, keepdims=True)
    return (t - m) * lax.rsqrt(v + 1e-5) * g + b


def _edge_mlp_body(ea, W1, b1, g1, be1, W2, b2, out):
    t = jnp.dot(ea[...], W1[...], preferred_element_type=jnp.float32) + b1[...]
    t = jnp.maximum(t, 0.0)
    t = _ln(t, g1[...], be1[...])
    t = jnp.dot(t, W2[...], preferred_element_type=jnp.float32) + b2[...]
    out[...] = _pack_bf16(t)


def _edge_mlp(ea2, W1p, b1, g1, be1, W2, b2):
    blk = 2048
    grid = _E2P // blk
    return pl.pallas_call(
        _edge_mlp_body,
        grid=(grid,),
        in_specs=[
            pl.BlockSpec((blk, 32), lambda i: (i, 0)),
            _full((32, _HID)), _full((1, _HID)), _full((1, _HID)),
            _full((1, _HID)), _full((_HID, _HID)), _full((1, _HID)),
        ],
        out_specs=pl.BlockSpec((blk, _HID // 2), lambda i: (i, 0)),
        out_shape=jax.ShapeDtypeStruct((_E2P, _HID // 2), jnp.int32),
    )(ea2, W1p, b1, g1, be1, W2, b2)


def _node_in_body(x, W, b, out):
    out[...] = jnp.dot(x[...], W[...], preferred_element_type=jnp.float32) + b[...]


def _node_in(x, W, b):
    blk = 2000
    return pl.pallas_call(
        _node_in_body,
        grid=(_N // blk,),
        in_specs=[
            pl.BlockSpec((blk, _HID), lambda i: (i, 0)),
            _full((_HID, _HID)), _full((1, _HID)),
        ],
        out_specs=pl.BlockSpec((blk, _HID), lambda i: (i, 0)),
        out_shape=jax.ShapeDtypeStruct((_N, _HID), jnp.float32),
    )(x, W, b)


def _node_update_body(h, a, eps, W1, b1, g1, be1, W2, b2, ng, nb, out):
    hh = h[...]
    agg = a[0] + a[1]
    z = (1.0 + eps[0]) * hh + agg
    t = jnp.dot(z, W1[...], preferred_element_type=jnp.float32) + b1[...]
    t = jnp.maximum(t, 0.0)
    t = _ln(t, g1[...], be1[...])
    z = jnp.dot(t, W2[...], preferred_element_type=jnp.float32) + b2[...]
    z = jnp.maximum(z, 0.0)
    z = _ln(z, ng[...], nb[...])
    out[...] = z + hh


def _node_update(h, aggr, eps, W1, b1, g1, be1, W2, b2, ng, nb):
    blk = 2000
    return pl.pallas_call(
        _node_update_body,
        grid=(_N // blk,),
        in_specs=[
            pl.BlockSpec((blk, _HID), lambda i: (i, 0)),
            pl.BlockSpec((2, blk, _HID), lambda i: (0, i, 0)),
            pl.BlockSpec(memory_space=pltpu.SMEM),
            _full((_HID, _HID)), _full((1, _HID)), _full((1, _HID)),
            _full((1, _HID)), _full((_HID, _HID)), _full((1, _HID)),
            _full((1, _HID)), _full((1, _HID)),
        ],
        out_specs=pl.BlockSpec((blk, _HID), lambda i: (i, 0)),
        out_shape=jax.ShapeDtypeStruct((_N, _HID), jnp.float32),
    )(h, aggr, eps, W1, b1, g1, be1, W2, b2, ng, nb)


def _pool_body(h, bc, br, gW1, gb1, gg1, gbe1, gW2, gb2,
               hW1, hb1, hg1, hbe1, hW2, hb2, out):
    hh = h[...]
    t = jnp.dot(hh, gW1[...], preferred_element_type=jnp.float32) + gb1[...]
    t = jnp.maximum(t, 0.0)
    t = _ln(t, gg1[...], gbe1[...])
    gate = jnp.dot(t, gW2[...], preferred_element_type=jnp.float32) + gb2[...]

    oh = lax.broadcasted_iota(jnp.int32, (_N, _G), 1) == bc[...]
    ohf = oh.astype(jnp.float32)
    neg = jnp.float32(-jnp.inf)
    gmax = jnp.max(jnp.where(oh, gate, neg), axis=0, keepdims=True)
    gmax = jnp.where(jnp.isfinite(gmax), gmax, 0.0)
    gpn = jnp.sum(ohf * gmax, axis=1, keepdims=True)
    ex = jnp.exp(gate - gpn)
    den = jnp.sum(ohf * ex, axis=0, keepdims=True)
    dpn = jnp.sum(ohf * den, axis=1, keepdims=True)
    attn = ex / (dpn + 1e-16)
    ah = attn * hh

    oht = (lax.broadcasted_iota(jnp.int32, (_G, _N), 0) == br[...]).astype(jnp.float32)
    g = jnp.dot(oht, ah, preferred_element_type=jnp.float32)

    t2 = jnp.dot(g, hW1[...], preferred_element_type=jnp.float32) + hb1[...]
    t2 = jnp.maximum(t2, 0.0)
    t2 = _ln(t2, hg1[...], hbe1[...])
    out[...] = jnp.dot(t2, hW2[...], preferred_element_type=jnp.float32) + hb2[...]


def _pool(h, bc, br, gW1, gb1, gg1, gbe1, gW2, gb2, hW1, hb1, hg1, hbe1, hW2, hb2):
    return pl.pallas_call(
        _pool_body,
        out_shape=jax.ShapeDtypeStruct((_G, 1), jnp.float32),
    )(h, bc, br, gW1, gb1, gg1, gbe1, gW2, gb2, hW1, hb1, hg1, hbe1, hW2, hb2)


def _sc_aggregate(idx4, e, h):
    mesh = plsc.VectorSubcoreMesh(core_axis_name="c", subcore_axis_name="s")

    @functools.partial(
        pl.kernel,
        out_type=jax.ShapeDtypeStruct((2, _R, _HID), jnp.float32),
        mesh=mesh,
        scratch_types=[
            pltpu.VMEM((_BI, 2, _C), jnp.int32),
            pltpu.VMEM((2, _C), jnp.int32),
            pltpu.VMEM((2, _C, _HID // 2), jnp.int32),
            pltpu.VMEM((2, _C, _HID), jnp.float32),
            pltpu.VMEM_SHARED((_R, _HID), jnp.float32),
            pltpu.SemaphoreType.DMA,
            pltpu.SemaphoreType.DMA,
            pltpu.SemaphoreType.DMA,
            pltpu.SemaphoreType.DMA,
            pltpu.SemaphoreType.DMA,
            pltpu.SemaphoreType.DMA,
        ],
    )
    def k(idx_hbm, e_hbm, h_hbm, out_hbm, idxb, dstc, ebuf, hbuf,
          aggr_sh, se0, se1, sh0, sh1, ss0, ss1):
        c = lax.axis_index("c")
        s = lax.axis_index("s")
        wid = s * 2 + c
        sem_e = (se0, se1)
        sem_h = (sh0, sh1)
        sem_s = (ss0, ss1)

        zero = jnp.zeros((16,), jnp.float32)

        def zrow(r, carry):
            for kk in range(8):
                hbuf[0, r, pl.ds(kk * 16, 16)] = zero
            return carry

        lax.fori_loop(0, _C, zrow, 0)
        for b in range(_STRIPE // _C):
            pltpu.sync_copy(hbuf.at[0],
                            aggr_sh.at[pl.ds(s * _STRIPE + b * _C, _C)])
        plsc.subcore_barrier()

        def wait_e(b):
            pltpu.make_async_copy(
                e_hbm.at[pl.ds(0, _C)], ebuf.at[b], sem_e[b]).wait()

        def wait_h(b):
            pltpu.make_async_copy(
                h_hbm.at[idxb.at[0, 0]], hbuf.at[b], sem_h[b]).wait()

        def wait_s(b):
            pltpu.make_async_copy(
                hbuf.at[b], aggr_sh.at[dstc.at[b]], sem_s[b]).wait()

        pltpu.sync_copy(idx_hbm.at[wid, pl.ds(0, _BI)], idxb)
        pltpu.async_copy(e_hbm.at[pl.ds(wid * _EP, _C)], ebuf.at[0], sem_e[0])
        pltpu.async_copy(h_hbm.at[idxb.at[0, 0]], hbuf.at[0], sem_h[0])

        def pair(g, carry):
            for b in range(2):
                nb = 1 - b
                j = g * 2 + b
                jn = j + 1
                jb = 2 * lax.rem(g, _BI // 2) + b

                wait_e(b)
                wait_h(b)

                for kk in range(_C // 16):
                    dstc[b, pl.ds(kk * 16, 16)] = idxb[jb, 1,
                                                       pl.ds(kk * 16, 16)]

                if b == 0:
                    jbn = jb + 1

                    @pl.when(g >= 1)
                    def _():
                        wait_s(nb)

                    pltpu.async_copy(e_hbm.at[pl.ds(wid * _EP + jn * _C, _C)],
                                     ebuf.at[nb], sem_e[nb])
                    pltpu.async_copy(h_hbm.at[idxb.at[jbn, 0]], hbuf.at[nb],
                                     sem_h[nb])
                else:
                    @pl.when(jn < _CH)
                    def _():
                        wait_s(nb)

                        @pl.when(lax.rem(jn, _BI) == 0)
                        def _():
                            pltpu.sync_copy(idx_hbm.at[wid, pl.ds(jn, _BI)],
                                            idxb)

                        jbn = lax.rem(jn, _BI)
                        pltpu.async_copy(
                            e_hbm.at[pl.ds(wid * _EP + jn * _C, _C)],
                            ebuf.at[nb], sem_e[nb])
                        pltpu.async_copy(h_hbm.at[idxb.at[jbn, 0]],
                                         hbuf.at[nb], sem_h[nb])

                mask = jnp.full((16,), -65536, jnp.int32)

                def row(r, rc):
                    for kk in range(4):
                        sl = pl.ds(kk * 16, 16)
                        sh = pl.ds(_HID // 2 + kk * 16, 16)
                        ve = ebuf[b, r, sl]
                        lo = lax.bitcast_convert_type(ve << 16, jnp.float32)
                        hi = lax.bitcast_convert_type(ve & mask, jnp.float32)
                        hbuf[b, r, sl] = jnp.maximum(hbuf[b, r, sl] + lo, 0.0)
                        hbuf[b, r, sh] = jnp.maximum(hbuf[b, r, sh] + hi, 0.0)
                    return rc

                lax.fori_loop(0, _C, row, 0)

                pltpu.async_copy(hbuf.at[b], aggr_sh.at[dstc.at[b]],
                                 sem_s[b], add=True)
            return carry

        lax.fori_loop(0, _CH // 2, pair, 0)
        wait_s(0)
        wait_s(1)
        plsc.subcore_barrier()
        pltpu.sync_copy(aggr_sh.at[pl.ds(s * _STRIPE, _STRIPE)],
                        out_hbm.at[c, pl.ds(s * _STRIPE, _STRIPE)])

    return k(idx4, e, h)


def kernel(x, edge_index, edge_attr, batch, params):
    p = params
    f32 = jnp.float32

    dcol = jnp.ones((_E, 1), f32)
    ea2 = jnp.concatenate([
        jnp.concatenate([edge_attr, dcol], axis=1),
        jnp.concatenate([edge_attr, -dcol], axis=1),
    ], axis=0)
    ea2 = jnp.pad(ea2, ((0, _E2P - 2 * _E), (0, 32 - 17)))
    W1p = jnp.pad(p['edge_W1'], ((0, 32 - 17), (0, 0)))

    pad = _E2P - 2 * _E
    src_pad = (jnp.arange(pad, dtype=jnp.int32) * 37) % _N
    dst_pad = _N + (jnp.arange(pad, dtype=jnp.int32) % (_R - _N))
    src = jnp.concatenate([edge_index[0], edge_index[1], src_pad])
    dst = jnp.concatenate([edge_index[1], edge_index[0], dst_pad])
    idx4 = jnp.stack([src.reshape(_NW, _CH, _C), dst.reshape(_NW, _CH, _C)],
                     axis=2)

    def row(v):
        return v.reshape(1, -1)

    e = _edge_mlp(ea2, W1p, row(p['edge_b1']), row(p['edge_g1']),
                  row(p['edge_be1']), p['edge_W2'], row(p['edge_b2']))

    h = _node_in(x, p['nin_W'], row(p['nin_b']))

    for l in range(3):
        aggr = _sc_aggregate(idx4, e, h)
        h = _node_update(
            h, aggr, p['conv_eps'][l].reshape(1),
            p['conv_W1'][l], row(p['conv_b1'][l]), row(p['conv_g1'][l]),
            row(p['conv_be1'][l]), p['conv_W2'][l], row(p['conv_b2'][l]),
            row(p['norm_g'][l]), row(p['norm_be'][l]))

    logit = _pool(
        h, batch.reshape(_N, 1), batch.reshape(1, _N),
        p['gate_W1'], row(p['gate_b1']), row(p['gate_g1']), row(p['gate_be1']),
        p['gate_W2'], row(p['gate_b2']),
        p['head_W1'], row(p['head_b1']), row(p['head_g1']), row(p['head_be1']),
        p['head_W2'], row(p['head_b2']))
    return logit.reshape(_G)

# --- scband reference (transcript-rebuilt; emitter-appended) ---
"""Pipeline reference for scband-arm-likeness-gnn-17789754541041 (READ-ONLY COPY).

The authoritative reference and input builder live on the scoring server;
editing this copy changes nothing except your own understanding.
"""

import jax, jax.numpy as jnp
import numpy as np

N = 10000
E = 160000
D_NODE = 128
D_EDGE = 16
HIDDEN = 128
N_LAYERS = 3
G = 64


def _ln(x, g, b):
    m = jnp.mean(x, axis=-1, keepdims=True)
    v = jnp.var(x, axis=-1, keepdims=True)
    return (x - m) / jnp.sqrt(v + 1e-5) * g + b


def _mlp2(x, W1, b1, g1, be1, W2, b2):
    h = jax.nn.relu(x @ W1 + b1)
    h = _ln(h, g1, be1)
    return h @ W2 + b2


def _make_params(key):
    ks = iter(jax.random.split(key, 40))

    def w(shape):
        fan = shape[-2]
        return jax.random.normal(next(ks), shape, dtype=jnp.float32) / np.sqrt(fan)

    H2 = HIDDEN // 2
    p = {}
    p['edge_W1'] = w((D_EDGE + 1, HIDDEN)); p['edge_b1'] = jnp.zeros((HIDDEN,), jnp.float32)
    p['edge_g1'] = jnp.ones((HIDDEN,), jnp.float32); p['edge_be1'] = jnp.zeros((HIDDEN,), jnp.float32)
    p['edge_W2'] = w((HIDDEN, HIDDEN)); p['edge_b2'] = jnp.zeros((HIDDEN,), jnp.float32)
    p['nin_W'] = w((D_NODE, HIDDEN)); p['nin_b'] = jnp.zeros((HIDDEN,), jnp.float32)
    p['conv_W1'] = w((N_LAYERS, HIDDEN, HIDDEN)); p['conv_b1'] = jnp.zeros((N_LAYERS, HIDDEN), jnp.float32)
    p['conv_g1'] = jnp.ones((N_LAYERS, HIDDEN), jnp.float32); p['conv_be1'] = jnp.zeros((N_LAYERS, HIDDEN), jnp.float32)
    p['conv_W2'] = w((N_LAYERS, HIDDEN, HIDDEN)); p['conv_b2'] = jnp.zeros((N_LAYERS, HIDDEN), jnp.float32)
    p['conv_eps'] = jnp.zeros((N_LAYERS,), jnp.float32)
    p['norm_g'] = jnp.ones((N_LAYERS, HIDDEN), jnp.float32); p['norm_be'] = jnp.zeros((N_LAYERS, HIDDEN), jnp.float32)
    p['gate_W1'] = w((HIDDEN, H2)); p['gate_b1'] = jnp.zeros((H2,), jnp.float32)
    p['gate_g1'] = jnp.ones((H2,), jnp.float32); p['gate_be1'] = jnp.zeros((H2,), jnp.float32)
    p['gate_W2'] = w((H2, 1)); p['gate_b2'] = jnp.zeros((1,), jnp.float32)
    p['head_W1'] = w((HIDDEN, H2)); p['head_b1'] = jnp.zeros((H2,), jnp.float32)
    p['head_g1'] = jnp.ones((H2,), jnp.float32); p['head_be1'] = jnp.zeros((H2,), jnp.float32)
    p['head_W2'] = w((H2, 1)); p['head_b2'] = jnp.zeros((1,), jnp.float32)
    return p


def setup_inputs(seed: int = 0):
    key = jax.random.key(seed)
    k1, k2, k3, k4, k5 = jax.random.split(key, 5)
    x = jax.random.normal(k1, (N, D_NODE), dtype=jnp.float32)
    edge_index = jax.random.randint(k2, (2, E), 0, N, dtype=jnp.int32)
    edge_attr = jax.random.normal(k3, (E, D_EDGE), dtype=jnp.float32)
    batch = jnp.sort(jax.random.randint(k4, (N,), 0, G, dtype=jnp.int32))
    params = _make_params(k5)
    return {'x': x, 'edge_index': edge_index, 'edge_attr': edge_attr, 'batch': batch, 'params': params}


def _forward(x, edge_attr, params, edge_index, batch):
    M = edge_attr.shape[0]
    dcol = jnp.ones((M, 1), dtype=edge_attr.dtype)
    ei = jnp.concatenate([edge_index, jnp.stack([edge_index[1], edge_index[0]], axis=0)], axis=1)
    ea = jnp.concatenate([jnp.concatenate([edge_attr, dcol], axis=1), jnp.concatenate([edge_attr, -dcol], axis=1)], axis=0)
    e = _mlp2(ea, params['edge_W1'], params['edge_b1'], params['edge_g1'], params['edge_be1'], params['edge_W2'], params['edge_b2'])
    h = x @ params['nin_W'] + params['nin_b']
    src, dst = ei[0], ei[1]
    for l in range(N_LAYERS):
        res = h
        msg = jax.nn.relu(h[src] + e)
        aggr = jax.ops.segment_sum(msg, dst, num_segments=h.shape[0])
        z = (1.0 + params['conv_eps'][l]) * h + aggr
        z = _mlp2(z, params['conv_W1'][l], params['conv_b1'][l], params['conv_g1'][l], params['conv_be1'][l], params['conv_W2'][l], params['conv_b2'][l])
        z = jax.nn.relu(z)
        z = _ln(z, params['norm_g'][l], params['norm_be'][l])
        h = z + res
    gate = _mlp2(h, params['gate_W1'], params['gate_b1'], params['gate_g1'], params['gate_be1'], params['gate_W2'], params['gate_b2'])
    gmax = jax.ops.segment_max(gate, batch, num_segments=G)
    gmax = jnp.where(jnp.isfinite(gmax), gmax, 0.0)
    ex = jnp.exp(gate - gmax[batch])
    den = jax.ops.segment_sum(ex, batch, num_segments=G)
    attn = ex / (den[batch] + 1e-16)
    g = jax.ops.segment_sum(attn * h, batch, num_segments=G)
    logit = _mlp2(g, params['head_W1'], params['head_b1'], params['head_g1'], params['head_be1'], params['head_W2'], params['head_b2'])
    return jnp.squeeze(logit, -1)


def reference(x, edge_index, edge_attr, batch, params):
    return _forward(x, edge_attr, params, edge_index, batch)

if __name__ == "__main__":
    import jax
    _d = setup_inputs()
    print(jax.jit(kernel)(*tuple(_d.values())))

</pallas_src>

<mosaic_0001>
#map = affine_map<(d0, d1) -> (0, 0, 0, 0)>
#map1 = affine_map<(d0, d1) -> (0, 0)>
#map2 = affine_map<(d0, d1) -> (0, 0, 0)>
module attributes {stable_mosaic.version = 14 : i64} {
  func.func @k(%arg0: i32, %arg1: i32, %arg2: memref<32x160x2x64xi32, #tpu.memory_space<hbm>>, %arg3: memref<327680x64xi32, #tpu.memory_space<hbm>>, %arg4: memref<10000x128xf32, #tpu.memory_space<hbm>>, %arg5: memref<2x10240x128xf32, #tpu.memory_space<hbm>>, %arg6: memref<16x2x64xi32, #tpu.memory_space<vmem>>, %arg7: memref<2x64xi32, #tpu.memory_space<vmem>>, %arg8: memref<2x64x64xi32, #tpu.memory_space<vmem>>, %arg9: memref<2x64x128xf32, #tpu.memory_space<vmem>>, %arg10: memref<10240x128xf32, #tpu.memory_space<vmem_shared>>, %arg11: memref<!tpu.dma_semaphore, #tpu.memory_space<semaphore_mem>>, %arg12: memref<!tpu.dma_semaphore, #tpu.memory_space<semaphore_mem>>, %arg13: memref<!tpu.dma_semaphore, #tpu.memory_space<semaphore_mem>>, %arg14: memref<!tpu.dma_semaphore, #tpu.memory_space<semaphore_mem>>, %arg15: memref<!tpu.dma_semaphore, #tpu.memory_space<semaphore_mem>>, %arg16: memref<!tpu.dma_semaphore, #tpu.memory_space<semaphore_mem>>) attributes {dimension_semantics = [#tpu.dimension_semantics<core_parallel>, #tpu.dimension_semantics<subcore_parallel>], iteration_bounds = array<i64: 2, 16>, scalar_prefetch = 0 : i64, scratch_operands = 11 : i64, tpu.core_type = #tpu.core_type<sc_vector_subcore>, window_params = [{transform_indices = #map}, {transform_indices = #map1}, {transform_indices = #map1}, {transform_indices = #map2}]} {
    %mul3A = arith.constant 2 : i32
    %mul3A_0 = arith.muli %arg1, %mul3A : i32
    %add3A = arith.addi %mul3A_0, %arg0 : i32
    %broadcast_in_dim3A = arith.constant 0.000000e+00 : f32
    %broadcast_in_dim3A_1 = vector.broadcast %broadcast_in_dim3A : f32 to vector<16xf32>
    %scan3A = arith.constant 0 : i32
    %scan3A_2 = arith.constant 0 : i32
    %scan3A_3 = arith.constant 64 : i32
    %scan3A_4 = arith.addi %scan3A_2, %scan3A_3 : i32
    %scan3A_5 = arith.constant 1 : i32
    scf.for %scan3A_117 = %scan3A_2 to %scan3A_4 step %scan3A_5  : i32 {
      %swap3A = arith.constant 0 : i32
      %swap3A_118 = arith.index_cast %swap3A : i32 to index
      %swap3A_119 = arith.index_cast %scan3A_117 : i32 to index
      %swap3A_120 = arith.constant 0 : index
      %swap3A_121 = tpu.vector_load %arg9[%swap3A_118, %swap3A_119, %swap3A_120] {strides = array<i32>} : memref<2x64x128xf32, #tpu.memory_space<vmem>>, vector<1x1x16xf32>,
      %swap3A_122 = vector.shape_cast %swap3A_121 : vector<1x1x16xf32> to vector<16xf32>
      %swap3A_123 = vector.shape_cast %broadcast_in_dim3A_1 : vector<16xf32> to vector<1x1x16xf32>
      tpu.vector_store %arg9[%swap3A_118, %swap3A_119, %swap3A_120], %swap3A_123 {strides = array<i32>} : memref<2x64x128xf32, #tpu.memory_space<vmem>>, vector<1x1x16xf32>,
      %swap3A_124 = arith.constant 0 : i32
      %swap3A_125 = arith.index_cast %swap3A_124 : i32 to index
      %swap3A_126 = arith.index_cast %scan3A_117 : i32 to index
      %swap3A_127 = arith.constant 16 : index
      %swap3A_128 = tpu.vector_load %arg9[%swap3A_125, %swap3A_126, %swap3A_127] {strides = array<i32>} : memref<2x64x128xf32, #tpu.memory_space<vmem>>, vector<1x1x16xf32>,
      %swap3A_129 = vector.shape_cast %swap3A_128 : vector<1x1x16xf32> to vector<16xf32>
      %swap3A_130 = vector.shape_cast %broadcast_in_dim3A_1 : vector<16xf32> to vector<1x1x16xf32>
      tpu.vector_store %arg9[%swap3A_125, %swap3A_126, %swap3A_127], %swap3A_130 {strides = array<i32>} : memref<2x64x128xf32, #tpu.memory_space<vmem>>, vector<1x1x16xf32>,
      %swap3A_131 = arith.constant 0 : i32
      %swap3A_132 = arith.index_cast %swap3A_131 : i32 to index
      %swap3A_133 = arith.index_cast %scan3A_117 : i32 to index
      %swap3A_134 = arith.constant 32 : index
      %swap3A_135 = tpu.vector_load %arg9[%swap3A_132, %swap3A_133, %swap3A_134] {strides = array<i32>} : memref<2x64x128xf32, #tpu.memory_space<vmem>>, vector<1x1x16xf32>,
      %swap3A_136 = vector.shape_cast %swap3A_135 : vector<1x1x16xf32> to vector<16xf32>
      %swap3A_137 = vector.shape_cast %broadcast_in_dim3A_1 : vector<16xf32> to vector<1x1x16xf32>
      tpu.vector_store %arg9[%swap3A_132, %swap3A_133, %swap3A_134], %swap3A_137 {strides = array<i32>} : memref<2x64x128xf32, #tpu.memory_space<vmem>>, vector<1x1x16xf32>,
      %swap3A_138 = arith.constant 0 : i32
      %swap3A_139 = arith.index_cast %swap3A_138 : i32 to index
      %swap3A_140 = arith.index_cast %scan3A_117 : i32 to index
      %swap3A_141 = arith.constant 48 : index
      %swap3A_142 = tpu.vector_load %arg9[%swap3A_139, %swap3A_140, %swap3A_141] {strides = array<i32>} : memref<2x64x128xf32, #tpu.memory_space<vmem>>, vector<1x1x16xf32>,
      %swap3A_143 = vector.shape_cast %swap3A_142 : vector<1x1x16xf32> to vector<16xf32>
      %swap3A_144 = vector.shape_cast %broadcast_in_dim3A_1 : vector<16xf32> to vector<1x1x16xf32>
      tpu.vector_store %arg9[%swap3A_139, %swap3A_140, %swap3A_141], %swap3A_144 {strides = array<i32>} : memref<2x64x128xf32, #tpu.memory_space<vmem>>, vector<1x1x16xf32>,
      %swap3A_145 = arith.constant 0 : i32
      %swap3A_146 = arith.index_cast %swap3A_145 : i32 to index
      %swap3A_147 = arith.index_cast %scan3A_117 : i32 to index
      %swap3A_148 = arith.constant 64 : index
      %swap3A_149 = tpu.vector_load %arg9[%swap3A_146, %swap3A_147, %swap3A_148] {strides = array<i32>} : memref<2x64x128xf32, #tpu.memory_space<vmem>>, vector<1x1x16xf32>,
      %swap3A_150 = vector.shape_cast %swap3A_149 : vector<1x1x16xf32> to vector<16xf32>
      %swap3A_151 = vector.shape_cast %broadcast_in_dim3A_1 : vector<16xf32> to vector<1x1x16xf32>
      tpu.vector_store %arg9[%swap3A_146, %swap3A_147, %swap3A_148], %swap3A_151 {strides = array<i32>} : memref<2x64x128xf32, #tpu.memory_space<vmem>>, vector<1x1x16xf32>,
      %swap3A_152 = arith.constant 0 : i32
      %swap3A_153 = arith.index_cast %swap3A_152 : i32 to index
      %swap3A_154 = arith.index_cast %scan3A_117 : i32 to index
      %swap3A_155 = arith.constant 80 : index
      %swap3A_156 = tpu.vector_load %arg9[%swap3A_153, %swap3A_154, %swap3A_155] {strides = array<i32>} : memref<2x64x128xf32, #tpu.memory_space<vmem>>, vector<1x1x16xf32>,
      %swap3A_157 = vector.shape_cast %swap3A_156 : vector<1x1x16xf32> to vector<16xf32>
      %swap3A_158 = vector.shape_cast %broadcast_in_dim3A_1 : vector<16xf32> to vector<1x1x16xf32>
      tpu.vector_store %arg9[%swap3A_153, %swap3A_154, %swap3A_155], %swap3A_158 {strides = array<i32>} : memref<2x64x128xf32, #tpu.memory_space<vmem>>, vector<1x1x16xf32>,
      %swap3A_159 = arith.constant 0 : i32
      %swap3A_160 = arith.index_cast %swap3A_159 : i32 to index
      %swap3A_161 = arith.index_cast %scan3A_117 : i32 to index
      %swap3A_162 = arith.constant 96 : index
      %swap3A_163 = tpu.vector_load %arg9[%swap3A_160, %swap3A_161, %swap3A_162] {strides = array<i32>} : memref<2x64x128xf32, #tpu.memory_space<vmem>>, vector<1x1x16xf32>,
      %swap3A_164 = vector.shape_cast %swap3A_163 : vector<1x1x16xf32> to vector<16xf32>
      %swap3A_165 = vector.shape_cast %broadcast_in_dim3A_1 : vector<16xf32> to vector<1x1x16xf32>
      tpu.vector_store %arg9[%swap3A_160, %swap3A_161, %swap3A_162], %swap3A_165 {strides = array<i32>} : memref<2x64x128xf32, #tpu.memory_space<vmem>>, vector<1x1x16xf32>,
      %swap3A_166 = arith.constant 0 : i32
      %swap3A_167 = arith.index_cast %swap3A_166 : i32 to index
      %swap3A_168 = arith.index_cast %scan3A_117 : i32 to index
      %swap3A_169 = arith.constant 112 : index
      %swap3A_170 = tpu.vector_load %arg9[%swap3A_167, %swap3A_168, %swap3A_169] {strides = array<i32>} : memref<2x64x128xf32, #tpu.memory_space<vmem>>, vector<1x1x16xf32>,
      %swap3A_171 = vector.shape_cast %swap3A_170 : vector<1x1x16xf32> to vector<16xf32>
      %swap3A_172 = vector.shape_cast %broadcast_in_dim3A_1 : vector<16xf32> to vector<1x1x16xf32>
      tpu.vector_store %arg9[%swap3A_167, %swap3A_168, %swap3A_169], %swap3A_172 {strides = array<i32>} : memref<2x64x128xf32, #tpu.memory_space<vmem>>, vector<1x1x16xf32>,
    }
    %scan3A_6 = arith.constant 64 : i32
    %mul3A_7 = arith.constant 640 : i32
    %mul3A_8 = arith.muli %arg1, %mul3A_7 : i32
    %add3A_9 = arith.constant 0 : i32
    %add3A_10 = arith.addi %mul3A_8, %add3A_9 : i32
    %run_scoped3A = arith.constant 0 : i32
    "tpu.region"() ({
      %run_scoped3A_117 = tpu.sem_alloc : memref<!tpu.dma_semaphore, #tpu.memory_space<semaphore_mem>>
      %dma_start3A_118 = arith.constant 0 : i32
      %dma_start3A_119 = arith.constant 0 : i32
      %dma_start3A_120 = tpu.memref_slice %arg9[%run_scoped3A, %dma_start3A_118, %dma_start3A_119] : memref<2x64x128xf32, #tpu.memory_space<vmem>> -> memref<1x64x128xf32, #tpu.memory_space<vmem>>
      %dma_start3A_121 = tpu.memref_squeeze %dma_start3A_120 : memref<1x64x128xf32, #tpu.memory_space<vmem>> -> memref<64x128xf32, #tpu.memory_space<vmem>>
      %dma_start3A_122 = arith.constant 0 : i32
      %dma_start3A_123 = tpu.memref_slice %arg10[%add3A_10, %dma_start3A_122] : memref<10240x128xf32, #tpu.memory_space<vmem_shared>> -> memref<64x128xf32, #tpu.memory_space<vmem_shared>>
      %dma_start3A_124 = arith.constant 0 : i32
      %dma_start3A_125 = tpu.memref_slice %arg10[%add3A_10, %dma_start3A_124] : memref<10240x128xf32, #tpu.memory_space<vmem_shared>> -> memref<64x128xf32, #tpu.memory_space<vmem_shared>>
      %dma_start3A_126 = arith.constant 0 : i32
      %dma_start3A_127 = arith.constant 0 : i32
      %dma_start3A_128 = tpu.memref_slice %arg9[%run_scoped3A, %dma_start3A_126, %dma_start3A_127] : memref<2x64x128xf32, #tpu.memory_space<vmem>> -> memref<1x64x128xf32, #tpu.memory_space<vmem>>
      %dma_start3A_129 = tpu.memref_squeeze %dma_start3A_128 : memref<1x64x128xf32, #tpu.memory_space<vmem>> -> memref<64x128xf32, #tpu.memory_space<vmem>>
      tpu.enqueue_dma source(%dma_start3A_129 : memref<64x128xf32, #tpu.memory_space<vmem>>) target(%dma_start3A_125 : memref<64x128xf32, #tpu.memory_space<vmem_shared>>) target_semaphore(%run_scoped3A_117 : memref<!tpu.dma_semaphore, #tpu.memory_space<semaphore_mem>>)
      %dma_wait3A_130 = arith.constant 0 : i32
      %dma_wait3A_131 = arith.constant 0 : i32
      %dma_wait3A_132 = tpu.memref_slice %arg9[%run_scoped3A, %dma_wait3A_130, %dma_wait3A_131] : memref<2x64x128xf32, #tpu.memory_space<vmem>> -> memref<1x64x128xf32, #tpu.memory_space<vmem>>
      %dma_wait3A_133 = tpu.memref_squeeze %dma_wait3A_132 : memref<1x64x128xf32, #tpu.memory_space<vmem>> -> memref<64x128xf32, #tpu.memory_space<vmem>>
      %dma_wait3A_134 = arith.constant 0 : i32
      %dma_wait3A_135 = tpu.memref_slice %arg10[%add3A_10, %dma_wait3A_134] : memref<10240x128xf32, #tpu.memory_space<vmem_shared>> -> memref<64x128xf32, #tpu.memory_space<vmem_shared>>
      %dma_wait3A_136 = arith.constant 0 : i32
      %dma_wait3A_137 = tpu.memref_slice %arg10[%add3A_10, %dma_wait3A_136] : memref<10240x128xf32, #tpu.memory_space<vmem_shared>> -> memref<64x128xf32, #tpu.memory_space<vmem_shared>>
      %dma_wait3A_138 = arith.constant 0 : i32
      %dma_wait3A_139 = arith.constant 0 : i32
      %dma_wait3A_140 = tpu.memref_slice %arg9[%run_scoped3A, %dma_wait3A_138, %dma_wait3A_139] : memref<2x64x128xf32, #tpu.memory_space<vmem>> -> memref<1x64x128xf32, #tpu.memory_space<vmem>>
      %dma_wait3A_141 = tpu.memref_squeeze %dma_wait3A_140 : memref<1x64x128xf32, #tpu.memory_space<vmem>> -> memref<64x128xf32, #tpu.memory_space<vmem>>
      tpu.wait_dma2 semaphore(%run_scoped3A_117 : memref<!tpu.dma_semaphore, #tpu.memory_space<semaphore_mem>>) src(%dma_wait3A_141 : memref<64x128xf32, #tpu.memory_space<vmem>>) dst(%dma_wait3A_137 : memref<64x128xf32, #tpu.memory_space<vmem_shared>>)
      tpu.yield
    }) : () -> ()
    %mul3A_11 = arith.constant 640 : i32
    %mul3A_12 = arith.muli %arg1, %mul3A_11 : i32
    %add3A_13 = arith.constant 64 : i32
    %add3A_14 = arith.addi %mul3A_12, %add3A_13 : i32
    %run_scoped3A_15 = arith.constant 0 : i32
    "tpu.region"() ({
      %run_scoped3A_117 = tpu.sem_alloc : memref<!tpu.dma_semaphore, #tpu.memory_space<semaphore_mem>>
      %dma_start3A_118 = arith.constant 0 : i32
      %dma_start3A_119 = arith.constant 0 : i32
      %dma_start3A_120 = tpu.memref_slice %arg9[%run_scoped3A_15, %dma_start3A_118, %dma_start3A_119] : memref<2x64x128xf32, #tpu.memory_space<vmem>> -> memref<1x64x128xf32, #tpu.memory_space<vmem>>
      %dma_start3A_121 = tpu.memref_squeeze %dma_start3A_120 : memref<1x64x128xf32, #tpu.memory_space<vmem>> -> memref<64x128xf32, #tpu.memory_space<vmem>>
      %dma_start3A_122 = arith.constant 0 : i32
      %dma_start3A_123 = tpu.memref_slice %arg10[%add3A_14, %dma_start3A_122] : memref<10240x128xf32, #tpu.memory_space<vmem_shared>> -> memref<64x128xf32, #tpu.memory_space<vmem_shared>>
      %dma_start3A_124 = arith.constant 0 : i32
      %dma_start3A_125 = tpu.memref_slice %arg10[%add3A_14, %dma_start3A_124] : memref<10240x128xf32, #tpu.memory_space<vmem_shared>> -> memref<64x128xf32, #tpu.memory_space<vmem_shared>>
      %dma_start3A_126 = arith.constant 0 : i32
      %dma_start3A_127 = arith.constant 0 : i32
      %dma_start3A_128 = tpu.memref_slice %arg9[%run_scoped3A_15, %dma_start3A_126, %dma_start3A_127] : memref<2x64x128xf32, #tpu.memory_space<vmem>> -> memref<1x64x128xf32, #tpu.memory_space<vmem>>
      %dma_start3A_129 = tpu.memref_squeeze %dma_start3A_128 : memref<1x64x128xf32, #tpu.memory_space<vmem>> -> memref<64x128xf32, #tpu.memory_space<vmem>>
      tpu.enqueue_dma source(%dma_start3A_129 : memref<64x128xf32, #tpu.memory_space<vmem>>) target(%dma_start3A_125 : memref<64x128xf32, #tpu.memory_space<vmem_shared>>) target_semaphore(%run_scoped3A_117 : memref<!tpu.dma_semaphore, #tpu.memory_space<semaphore_mem>>)
      %dma_wait3A_130 = arith.constant 0 : i32
      %dma_wait3A_131 = arith.constant 0 : i32
      %dma_wait3A_132 = tpu.memref_slice %arg9[%run_scoped3A_15, %dma_wait3A_130, %dma_wait3A_131] : memref<2x64x128xf32, #tpu.memory_space<vmem>> -> memref<1x64x128xf32, #tpu.memory_space<vmem>>
      %dma_wait3A_133 = tpu.memref_squeeze %dma_wait3A_132 : memref<1x64x128xf32, #tpu.memory_space<vmem>> -> memref<64x128xf32, #tpu.memory_space<vmem>>
      %dma_wait3A_134 = arith.constant 0 : i32
      %dma_wait3A_135 = tpu.memref_slice %arg10[%add3A_14, %dma_wait3A_134] : memref<10240x128xf32, #tpu.memory_space<vmem_shared>> -> memref<64x128xf32, #tpu.memory_space<vmem_shared>>
      %dma_wait3A_136 = arith.constant 0 : i32
      %dma_wait3A_137 = tpu.memref_slice %arg10[%add3A_14, %dma_wait3A_136] : memref<10240x128xf32, #tpu.memory_space<vmem_shared>> -> memref<64x128xf32, #tpu.memory_space<vmem_shared>>
      %dma_wait3A_138 = arith.constant 0 : i32
      %dma_wait3A_139 = arith.constant 0 : i32
      %dma_wait3A_140 = tpu.memref_slice %arg9[%run_scoped3A_15, %dma_wait3A_138, %dma_wait3A_139] : memref<2x64x128xf32, #tpu.memory_space<vmem>> -> memref<1x64x128xf32, #tpu.memory_space<vmem>>
      %dma_wait3A_141 = tpu.memref_squeeze %dma_wait3A_140 : memref<1x64x128xf32, #tpu.memory_space<vmem>> -> memref<64x128xf32, #tpu.memory_space<vmem>>
      tpu.wait_dma2 semaphore(%run_scoped3A_117 : memref<!tpu.dma_semaphore, #tpu.memory_space<semaphore_mem>>) src(%dma_wait3A_141 : memref<64x128xf32, #tpu.memory_space<vmem>>) dst(%dma_wait3A_137 : memref<64x128xf32, #tpu.memory_space<vmem_shared>>)
      tpu.yield
    }) : () -> ()
    %mul3A_16 = arith.constant 640 : i32
    %mul3A_17 = arith.muli %arg1, %mul3A_16 : i32
    %add3A_18 = arith.constant 128 : i32
    %add3A_19 = arith.addi %mul3A_17, %add3A_18 : i32
    %run_scoped3A_20 = arith.constant 0 : i32
    "tpu.region"() ({
      %run_scoped3A_117 = tpu.sem_alloc : memref<!tpu.dma_semaphore, #tpu.memory_space<semaphore_mem>>
      %dma_start3A_118 = arith.constant 0 : i32
      %dma_start3A_119 = arith.constant 0 : i32
      %dma_start3A_120 = tpu.memref_slice %arg9[%run_scoped3A_20, %dma_start3A_118, %dma_start3A_119] : memref<2x64x128xf32, #tpu.memory_space<vmem>> -> memref<1x64x128xf32, #tpu.memory_space<vmem>>
      %dma_start3A_121 = tpu.memref_squeeze %dma_start3A_120 : memref<1x64x128xf32, #tpu.memory_space<vmem>> -> memref<64x128xf32, #tpu.memory_space<vmem>>
      %dma_start3A_122 = arith.constant 0 : i32
      %dma_start3A_123 = tpu.memref_slice %arg10[%add3A_19, %dma_start3A_122] : memref<10240x128xf32, #tpu.memory_space<vmem_shared>> -> memref<64x128xf32, #tpu.memory_space<vmem_shared>>
      %dma_start3A_124 = arith.constant 0 : i32
      %dma_start3A_125 = tpu.memref_slice %arg10[%add3A_19, %dma_start3A_124] : memref<10240x128xf32, #tpu.memory_space<vmem_shared>> -> memref<64x128xf32, #tpu.memory_space<vmem_shared>>
      %dma_start3A_126 = arith.constant 0 : i32
      %dma_start3A_127 = arith.constant 0 : i32
      %dma_start3A_128 = tpu.memref_slice %arg9[%run_scoped3A_20, %dma_start3A_126, %dma_start3A_127] : memref<2x64x128xf32, #tpu.memory_space<vmem>> -> memref<1x64x128xf32, #tpu.memory_space<vmem>>
      %dma_start3A_129 = tpu.memref_squeeze %dma_start3A_128 : memref<1x64x128xf32, #tpu.memory_space<vmem>> -> memref<64x128xf32, #tpu.memory_space<vmem>>
      tpu.enqueue_dma source(%dma_start3A_129 : memref<64x128xf32, #tpu.memory_space<vmem>>) target(%dma_start3A_125 : memref<64x128xf32, #tpu.memory_space<vmem_shared>>) target_semaphore(%run_scoped3A_117 : memref<!tpu.dma_semaphore, #tpu.memory_space<semaphore_mem>>)
      %dma_wait3A_130 = arith.constant 0 : i32
      %dma_wait3A_131 = arith.constant 0 : i32
      %dma_wait3A_132 = tpu.memref_slice %arg9[%run_scoped3A_20, %dma_wait3A_130, %dma_wait3A_131] : memref<2x64x128xf32, #tpu.memory_space<vmem>> -> memref<1x64x128xf32, #tpu.memory_space<vmem>>
      %dma_wait3A_133 = tpu.memref_squeeze %dma_wait3A_132 : memref<1x64x128xf32, #tpu.memory_space<vmem>> -> memref<64x128xf32, #tpu.memory_space<vmem>>
      %dma_wait3A_134 = arith.constant 0 : i32
      %dma_wait3A_135 = tpu.memref_slice %arg10[%add3A_19, %dma_wait3A_134] : memref<10240x128xf32, #tpu.memory_space<vmem_shared>> -> memref<64x128xf32, #tpu.memory_space<vmem_shared>>
      %dma_wait3A_136 = arith.constant 0 : i32
      %dma_wait3A_137 = tpu.memref_slice %arg10[%add3A_19, %dma_wait3A_136] : memref<10240x128xf32, #tpu.memory_space<vmem_shared>> -> memref<64x128xf32, #tpu.memory_space<vmem_shared>>
      %dma_wait3A_138 = arith.constant 0 : i32
      %dma_wait3A_139 = arith.constant 0 : i32
      %dma_wait3A_140 = tpu.memref_slice %arg9[%run_scoped3A_20, %dma_wait3A_138, %dma_wait3A_139] : memref<2x64x128xf32, #tpu.memory_space<vmem>> -> memref<1x64x128xf32, #tpu.memory_space<vmem>>
      %dma_wait3A_141 = tpu.memref_squeeze %dma_wait3A_140 : memref<1x64x128xf32, #tpu.memory_space<vmem>> -> memref<64x128xf32, #tpu.memory_space<vmem>>
      tpu.wait_dma2 semaphore(%run_scoped3A_117 : memref<!tpu.dma_semaphore, #tpu.memory_space<semaphore_mem>>) src(%dma_wait3A_141 : memref<64x128xf32, #tpu.memory_space<vmem>>) dst(%dma_wait3A_137 : memref<64x128xf32, #tpu.memory_space<vmem_shared>>)
      tpu.yield
    }) : () -> ()
    %mul3A_21 = arith.constant 640 : i32
    %mul3A_22 = arith.muli %arg1, %mul3A_21 : i32
    %add3A_23 = arith.constant 192 : i32
    %add3A_24 = arith.addi %mul3A_22, %add3A_23 : i32
    %run_scoped3A_25 = arith.constant 0 : i32
    "tpu.region"() ({
      %run_scoped3A_117 = tpu.sem_alloc : memref<!tpu.dma_semaphore, #tpu.memory_space<semaphore_mem>>
      %dma_start3A_118 = arith.constant 0 : i32
      %dma_start3A_119 = arith.constant 0 : i32
      %dma_start3A_120 = tpu.memref_slice %arg9[%run_scoped3A_25, %dma_start3A_118, %dma_start3A_119] : memref<2x64x128xf32, #tpu.memory_space<vmem>> -> memref<1x64x128xf32, #tpu.memory_space<vmem>>
      %dma_start3A_121 = tpu.memref_squeeze %dma_start3A_120 : memref<1x64x128xf32, #tpu.memory_space<vmem>> -> memref<64x128xf32, #tpu.memory_space<vmem>>
      %dma_start3A_122 = arith.constant 0 : i32
      %dma_start3A_123 = tpu.memref_slice %arg10[%add3A_24, %dma_start3A_122] : memref<10240x128xf32, #tpu.memory_space<vmem_shared>> -> memref<64x128xf32, #tpu.memory_space<vmem_shared>>
      %dma_start3A_124 = arith.constant 0 : i32
      %dma_start3A_125 = tpu.memref_slice %arg10[%add3A_24, %dma_start3A_124] : memref<10240x128xf32, #tpu.memory_space<vmem_shared>> -> memref<64x128xf32, #tpu.memory_space<vmem_shared>>
      %dma_start3A_126 = arith.constant 0 : i32
      %dma_start3A_127 = arith.constant 0 : i32
      %dma_start3A_128 = tpu.memref_slice %arg9[%run_scoped3A_25, %dma_start3A_126, %dma_start3A_127] : memref<2x64x128xf32, #tpu.memory_space<vmem>> -> memref<1x64x128xf32, #tpu.memory_space<vmem>>
      %dma_start3A_129 = tpu.memref_squeeze %dma_start3A_128 : memref<1x64x128xf32, #tpu.memory_space<vmem>> -> memref<64x128xf32, #tpu.memory_space<vmem>>
      tpu.enqueue_dma source(%dma_start3A_129 : memref<64x128xf32, #tpu.memory_space<vmem>>) target(%dma_start3A_125 : memref<64x128xf32, #tpu.memory_space<vmem_shared>>) target_semaphore(%run_scoped3A_117 : memref<!tpu.dma_semaphore, #tpu.memory_space<semaphore_mem>>)
      %dma_wait3A_130 = arith.constant 0 : i32
      %dma_wait3A_131 = arith.constant 0 : i32
      %dma_wait3A_132 = tpu.memref_slice %arg9[%run_scoped3A_25, %dma_wait3A_130, %dma_wait3A_131] : memref<2x64x128xf32, #tpu.memory_space<vmem>> -> memref<1x64x128xf32, #tpu.memory_space<vmem>>
      %dma_wait3A_133 = tpu.memref_squeeze %dma_wait3A_132 : memref<1x64x128xf32, #tpu.memory_space<vmem>> -> memref<64x128xf32, #tpu.memory_space<vmem>>
      %dma_wait3A_134 = arith.constant 0 : i32
      %dma_wait3A_135 = tpu.memref_slice %arg10[%add3A_24, %dma_wait3A_134] : memref<10240x128xf32, #tpu.memory_space<vmem_shared>> -> memref<64x128xf32, #tpu.memory_space<vmem_shared>>
      %dma_wait3A_136 = arith.constant 0 : i32
      %dma_wait3A_137 = tpu.memref_slice %arg10[%add3A_24, %dma_wait3A_136] : memref<10240x128xf32, #tpu.memory_space<vmem_shared>> -> memref<64x128xf32, #tpu.memory_space<vmem_shared>>
      %dma_wait3A_138 = arith.constant 0 : i32
      %dma_wait3A_139 = arith.constant 0 : i32
      %dma_wait3A_140 = tpu.memref_slice %arg9[%run_scoped3A_25, %dma_wait3A_138, %dma_wait3A_139] : memref<2x64x128xf32, #tpu.memory_space<vmem>> -> memref<1x64x128xf32, #tpu.memory_space<vmem>>
      %dma_wait3A_141 = tpu.memref_squeeze %dma_wait3A_140 : memref<1x64x128xf32, #tpu.memory_space<vmem>> -> memref<64x128xf32, #tpu.memory_space<vmem>>
      tpu.wait_dma2 semaphore(%run_scoped3A_117 : memref<!tpu.dma_semaphore, #tpu.memory_space<semaphore_mem>>) src(%dma_wait3A_141 : memref<64x128xf32, #tpu.memory_space<vmem>>) dst(%dma_wait3A_137 : memref<64x128xf32, #tpu.memory_space<vmem_shared>>)
      tpu.yield
    }) : () -> ()
    %mul3A_26 = arith.constant 640 : i32
    %mul3A_27 = arith.muli %arg1, %mul3A_26 : i32
    %add3A_28 = arith.constant 256 : i32
    %add3A_29 = arith.addi %mul3A_27, %add3A_28 : i32
    %run_scoped3A_30 = arith.constant 0 : i32
    "tpu.region"() ({
      %run_scoped3A_117 = tpu.sem_alloc : memref<!tpu.dma_semaphore, #tpu.memory_space<semaphore_mem>>
      %dma_start3A_118 = arith.constant 0 : i32
      %dma_start3A_119 = arith.constant 0 : i32
      %dma_start3A_120 = tpu.memref_slice %arg9[%run_scoped3A_30, %dma_start3A_118, %dma_start3A_119] : memref<2x64x128xf32, #tpu.memory_space<vmem>> -> memref<1x64x128xf32, #tpu.memory_space<vmem>>
      %dma_start3A_121 = tpu.memref_squeeze %dma_start3A_120 : memref<1x64x128xf32, #tpu.memory_space<vmem>> -> memref<64x128xf32, #tpu.memory_space<vmem>>
      %dma_start3A_122 = arith.constant 0 : i32
      %dma_start3A_123 = tpu.memref_slice %arg10[%add3A_29, %dma_start3A_122] : memref<10240x128xf32, #tpu.memory_space<vmem_shared>> -> memref<64x128xf32, #tpu.memory_space<vmem_shared>>
      %dma_start3A_124 = arith.constant 0 : i32
      %dma_start3A_125 = tpu.memref_slice %arg10[%add3A_29, %dma_start3A_124] : memref<10240x128xf32, #tpu.memory_space<vmem_shared>> -> memref<64x128xf32, #tpu.memory_space<vmem_shared>>
      %dma_start3A_126 = arith.constant 0 : i32
      %dma_start3A_127 = arith.constant 0 : i32
      %dma_start3A_128 = tpu.memref_slice %arg9[%run_scoped3A_30, %dma_start3A_126, %dma_start3A_127] : memref<2x64x128xf32, #tpu.memory_space<vmem>> -> memref<1x64x128xf32, #tpu.memory_space<vmem>>
      %dma_start3A_129 = tpu.memref_squeeze %dma_start3A_128 : memref<1x64x128xf32, #tpu.memory_space<vmem>> -> memref<64x128xf32, #tpu.memory_space<vmem>>
      tpu.enqueue_dma source(%dma_start3A_129 : memref<64x128xf32, #tpu.memory_space<vmem>>) target(%dma_start3A_125 : memref<64x128xf32, #tpu.memory_space<vmem_shared>>) target_semaphore(%run_scoped3A_117 : memref<!tpu.dma_semaphore, #tpu.memory_space<semaphore_mem>>)
      %dma_wait3A_130 = arith.constant 0 : i32
      %dma_wait3A_131 = arith.constant 0 : i32
      %dma_wait3A_132 = tpu.memref_slice %arg9[%run_scoped3A_30, %dma_wait3A_130, %dma_wait3A_131] : memref<2x64x128xf32, #tpu.memory_space<vmem>> -> memref<1x64x128xf32, #tpu.memory_space<vmem>>
      %dma_wait3A_133 = tpu.memref_squeeze %dma_wait3A_132 : memref<1x64x128xf32, #tpu.memory_space<vmem>> -> memref<64x128xf32, #tpu.memory_space<vmem>>
      %dma_wait3A_134 = arith.constant 0 : i32
      %dma_wait3A_135 = tpu.memref_slice %arg10[%add3A_29, %dma_wait3A_134] : memref<10240x128xf32, #tpu.memory_space<vmem_shared>> -> memref<64x128xf32, #tpu.memory_space<vmem_shared>>
      %dma_wait3A_136 = arith.constant 0 : i32
      %dma_wait3A_137 = tpu.memref_slice %arg10[%add3A_29, %dma_wait3A_136] : memref<10240x128xf32, #tpu.memory_space<vmem_shared>> -> memref<64x128xf32, #tpu.memory_space<vmem_shared>>
      %dma_wait3A_138 = arith.constant 0 : i32
      %dma_wait3A_139 = arith.constant 0 : i32
      %dma_wait3A_140 = tpu.memref_slice %arg9[%run_scoped3A_30, %dma_wait3A_138, %dma_wait3A_139] : memref<2x64x128xf32, #tpu.memory_space<vmem>> -> memref<1x64x128xf32, #tpu.memory_space<vmem>>
      %dma_wait3A_141 = tpu.memref_squeeze %dma_wait3A_140 : memref<1x64x128xf32, #tpu.memory_space<vmem>> -> memref<64x128xf32, #tpu.memory_space<vmem>>
      tpu.wait_dma2 semaphore(%run_scoped3A_117 : memref<!tpu.dma_semaphore, #tpu.memory_space<semaphore_mem>>) src(%dma_wait3A_141 : memref<64x128xf32, #tpu.memory_space<vmem>>) dst(%dma_wait3A_137 : memref<64x128xf32, #tpu.memory_space<vmem_shared>>)
      tpu.yield
    }) : () -> ()
    %mul3A_31 = arith.constant 640 : i32
    %mul3A_32 = arith.muli %arg1, %mul3A_31 : i32
    %add3A_33 = arith.constant 320 : i32
    %add3A_34 = arith.addi %mul3A_32, %add3A_33 : i32
    %run_scoped3A_35 = arith.constant 0 : i32
    "tpu.region"() ({
      %run_scoped3A_117 = tpu.sem_alloc : memref<!tpu.dma_semaphore, #tpu.memory_space<semaphore_mem>>
      %dma_start3A_118 = arith.constant 0 : i32
      %dma_start3A_119 = arith.constant 0 : i32
      %dma_start3A_120 = tpu.memref_slice %arg9[%run_scoped3A_35, %dma_start3A_118, %dma_start3A_119] : memref<2x64x128xf32, #tpu.memory_space<vmem>> -> memref<1x64x128xf32, #tpu.memory_space<vmem>>
      %dma_start3A_121 = tpu.memref_squeeze %dma_start3A_120 : memref<1x64x128xf32, #tpu.memory_space<vmem>> -> memref<64x128xf32, #tpu.memory_space<vmem>>
      %dma_start3A_122 = arith.constant 0 : i32
      %dma_start3A_123 = tpu.memref_slice %arg10[%add3A_34, %dma_start3A_122] : memref<10240x128xf32, #tpu.memory_space<vmem_shared>> -> memref<64x128xf32, #tpu.memory_space<vmem_shared>>
      %dma_start3A_124 = arith.constant 0 : i32
      %dma_start3A_125 = tpu.memref_slice %arg10[%add3A_34, %dma_start3A_124] : memref<10240x128xf32, #tpu.memory_space<vmem_shared>> -> memref<64x128xf32, #tpu.memory_space<vmem_shared>>
      %dma_start3A_126 = arith.constant 0 : i32
      %dma_start3A_127 = arith.constant 0 : i32
      %dma_start3A_128 = tpu.memref_slice %arg9[%run_scoped3A_35, %dma_start3A_126, %dma_start3A_127] : memref<2x64x128xf32, #tpu.memory_space<vmem>> -> memref<1x64x128xf32, #tpu.memory_space<vmem>>
      %dma_start3A_129 = tpu.memref_squeeze %dma_start3A_128 : memref<1x64x128xf32, #tpu.memory_space<vmem>> -> memref<64x128xf32, #tpu.memory_space<vmem>>
      tpu.enqueue_dma source(%dma_start3A_129 : memref<64x128xf32, #tpu.memory_space<vmem>>) target(%dma_start3A_125 : memref<64x128xf32, #tpu.memory_space<vmem_shared>>) target_semaphore(%run_scoped3A_117 : memref<!tpu.dma_semaphore, #tpu.memory_space<semaphore_mem>>)
      %dma_wait3A_130 = arith.constant 0 : i32
      %dma_wait3A_131 = arith.constant 0 : i32
      %dma_wait3A_132 = tpu.memref_slice %arg9[%run_scoped3A_35, %dma_wait3A_130, %dma_wait3A_131] : memref<2x64x128xf32, #tpu.memory_space<vmem>> -> memref<1x64x128xf32, #tpu.memory_space<vmem>>
      %dma_wait3A_133 = tpu.memref_squeeze %dma_wait3A_132 : memref<1x64x128xf32, #tpu.memory_space<vmem>> -> memref<64x128xf32, #tpu.memory_space<vmem>>
      %dma_wait3A_134 = arith.constant 0 : i32
      %dma_wait3A_135 = tpu.memref_slice %arg10[%add3A_34, %dma_wait3A_134] : memref<10240x128xf32, #tpu.memory_space<vmem_shared>> -> memref<64x128xf32, #tpu.memory_space<vmem_shared>>
      %dma_wait3A_136 = arith.constant 0 : i32
      %dma_wait3A_137 = tpu.memref_slice %arg10[%add3A_34, %dma_wait3A_136] : memref<10240x128xf32, #tpu.memory_space<vmem_shared>> -> memref<64x128xf32, #tpu.memory_space<vmem_shared>>
      %dma_wait3A_138 = arith.constant 0 : i32
      %dma_wait3A_139 = arith.constant 0 : i32
      %dma_wait3A_140 = tpu.memref_slice %arg9[%run_scoped3A_35, %dma_wait3A_138, %dma_wait3A_139] : memref<2x64x128xf32, #tpu.memory_space<vmem>> -> memref<1x64x128xf32, #tpu.memory_space<vmem>>
      %dma_wait3A_141 = tpu.memref_squeeze %dma_wait3A_140 : memref<1x64x128xf32, #tpu.memory_space<vmem>> -> memref<64x128xf32, #tpu.memory_space<vmem>>
      tpu.wait_dma2 semaphore(%run_scoped3A_117 : memref<!tpu.dma_semaphore, #tpu.memory_space<semaphore_mem>>) src(%dma_wait3A_141 : memref<64x128xf32, #tpu.memory_space<vmem>>) dst(%dma_wait3A_137 : memref<64x128xf32, #tpu.memory_space<vmem_shared>>)
      tpu.yield
    }) : () -> ()
    %mul3A_36 = arith.constant 640 : i32
    %mul3A_37 = arith.muli %arg1, %mul3A_36 : i32
    %add3A_38 = arith.constant 384 : i32
    %add3A_39 = arith.addi %mul3A_37, %add3A_38 : i32
    %run_scoped3A_40 = arith.constant 0 : i32
    "tpu.region"() ({
      %run_scoped3A_117 = tpu.sem_alloc : memref<!tpu.dma_semaphore, #tpu.memory_space<semaphore_mem>>
      %dma_start3A_118 = arith.constant 0 : i32
      %dma_start3A_119 = arith.constant 0 : i32
      %dma_start3A_120 = tpu.memref_slice %arg9[%run_scoped3A_40, %dma_start3A_118, %dma_start3A_119] : memref<2x64x128xf32, #tpu.memory_space<vmem>> -> memref<1x64x128xf32, #tpu.memory_space<vmem>>
      %dma_start3A_121 = tpu.memref_squeeze %dma_start3A_120 : memref<1x64x128xf32, #tpu.memory_space<vmem>> -> memref<64x128xf32, #tpu.memory_space<vmem>>
      %dma_start3A_122 = arith.constant 0 : i32
      %dma_start3A_123 = tpu.memref_slice %arg10[%add3A_39, %dma_start3A_122] : memref<10240x128xf32, #tpu.memory_space<vmem_shared>> -> memref<64x128xf32, #tpu.memory_space<vmem_shared>>
      %dma_start3A_124 = arith.constant 0 : i32
      %dma_start3A_125 = tpu.memref_slice %arg10[%add3A_39, %dma_start3A_124] : memref<10240x128xf32, #tpu.memory_space<vmem_shared>> -> memref<64x128xf32, #tpu.memory_space<vmem_shared>>
      %dma_start3A_126 = arith.constant 0 : i32
      %dma_start3A_127 = arith.constant 0 : i32
      %dma_start3A_128 = tpu.memref_slice %arg9[%run_scoped3A_40, %dma_start3A_126, %dma_start3A_127] : memref<2x64x128xf32, #tpu.memory_space<vmem>> -> memref<1x64x128xf32, #tpu.memory_space<vmem>>
      %dma_start3A_129 = tpu.memref_squeeze %dma_start3A_128 : memref<1x64x128xf32, #tpu.memory_space<vmem>> -> memref<64x128xf32, #tpu.memory_space<vmem>>
      tpu.enqueue_dma source(%dma_start3A_129 : memref<64x128xf32, #tpu.memory_space<vmem>>) target(%dma_start3A_125 : memref<64x128xf32, #tpu.memory_space<vmem_shared>>) target_semaphore(%run_scoped3A_117 : memref<!tpu.dma_semaphore, #tpu.memory_space<semaphore_mem>>)
      %dma_wait3A_130 = arith.constant 0 : i32
      %dma_wait3A_131 = arith.constant 0 : i32
      %dma_wait3A_132 = tpu.memref_slice %arg9[%run_scoped3A_40, %dma_wait3A_130, %dma_wait3A_131] : memref<2x64x128xf32, #tpu.memory_space<vmem>> -> memref<1x64x128xf32, #tpu.memory_space<vmem>>
      %dma_wait3A_133 = tpu.memref_squeeze %dma_wait3A_132 : memref<1x64x128xf32, #tpu.memory_space<vmem>> -> memref<64x128xf32, #tpu.memory_space<vmem>>
      %dma_wait3A_134 = arith.constant 0 : i32
      %dma_wait3A_135 = tpu.memref_slice %arg10[%add3A_39, %dma_wait3A_134] : memref<10240x128xf32, #tpu.memory_space<vmem_shared>> -> memref<64x128xf32, #tpu.memory_space<vmem_shared>>
      %dma_wait3A_136 = arith.constant 0 : i32
      %dma_wait3A_137 = tpu.memref_slice %arg10[%add3A_39, %dma_wait3A_136] : memref<10240x128xf32, #tpu.memory_space<vmem_shared>> -> memref<64x128xf32, #tpu.memory_space<vmem_shared>>
      %dma_wait3A_138 = arith.constant 0 : i32
      %dma_wait3A_139 = arith.constant 0 : i32
      %dma_wait3A_140 = tpu.memref_slice %arg9[%run_scoped3A_40, %dma_wait3A_138, %dma_wait3A_139] : memref<2x64x128xf32, #tpu.memory_space<vmem>> -> memref<1x64x128xf32, #tpu.memory_space<vmem>>
      %dma_wait3A_141 = tpu.memref_squeeze %dma_wait3A_140 : memref<1x64x128xf32, #tpu.memory_space<vmem>> -> memref<64x128xf32, #tpu.memory_space<vmem>>
      tpu.wait_dma2 semaphore(%run_scoped3A_117 : memref<!tpu.dma_semaphore, #tpu.memory_space<semaphore_mem>>) src(%dma_wait3A_141 : memref<64x128xf32, #tpu.memory_space<vmem>>) dst(%dma_wait3A_137 : memref<64x128xf32, #tpu.memory_space<vmem_shared>>)
      tpu.yield
    }) : () -> ()
    %mul3A_41 = arith.constant 640 : i32
    %mul3A_42 = arith.muli %arg1, %mul3A_41 : i32
    %add3A_43 = arith.constant 448 : i32
    %add3A_44 = arith.addi %mul3A_42, %add3A_43 : i32
    %run_scoped3A_45 = arith.constant 0 : i32
    "tpu.region"() ({
      %run_scoped3A_117 = tpu.sem_alloc : memref<!tpu.dma_semaphore, #tpu.memory_space<semaphore_mem>>
      %dma_start3A_118 = arith.constant 0 : i32
      %dma_start3A_119 = arith.constant 0 : i32
      %dma_start3A_120 = tpu.memref_slice %arg9[%run_scoped3A_45, %dma_start3A_118, %dma_start3A_119] : memref<2x64x128xf32, #tpu.memory_space<vmem>> -> memref<1x64x128xf32, #tpu.memory_space<vmem>>
      %dma_start3A_121 = tpu.memref_squeeze %dma_start3A_120 : memref<1x64x128xf32, #tpu.memory_space<vmem>> -> memref<64x128xf32, #tpu.memory_space<vmem>>
      %dma_start3A_122 = arith.constant 0 : i32
      %dma_start3A_123 = tpu.memref_slice %arg10[%add3A_44, %dma_start3A_122] : memref<10240x128xf32, #tpu.memory_space<vmem_shared>> -> memref<64x128xf32, #tpu.memory_space<vmem_shared>>
      %dma_start3A_124 = arith.constant 0 : i32
      %dma_start3A_125 = tpu.memref_slice %arg10[%add3A_44, %dma_start3A_124] : memref<10240x128xf32, #tpu.memory_space<vmem_shared>> -> memref<64x128xf32, #tpu.memory_space<vmem_shared>>
      %dma_start3A_126 = arith.constant 0 : i32
      %dma_start3A_127 = arith.constant 0 : i32
      %dma_start3A_128 = tpu.memref_slice %arg9[%run_scoped3A_45, %dma_start3A_126, %dma_start3A_127] : memref<2x64x128xf32, #tpu.memory_space<vmem>> -> memref<1x64x128xf32, #tpu.memory_space<vmem>>
      %dma_start3A_129 = tpu.memref_squeeze %dma_start3A_128 : memref<1x64x128xf32, #tpu.memory_space<vmem>> -> memref<64x128xf32, #tpu.memory_space<vmem>>
      tpu.enqueue_dma source(%dma_start3A_129 : memref<64x128xf32, #tpu.memory_space<vmem>>) target(%dma_start3A_125 : memref<64x128xf32, #tpu.memory_space<vmem_shared>>) target_semaphore(%run_scoped3A_117 : memref<!tpu.dma_semaphore, #tpu.memory_space<semaphore_mem>>)
      %dma_wait3A_130 = arith.constant 0 : i32
      %dma_wait3A_131 = arith.constant 0 : i32
      %dma_wait3A_132 = tpu.memref_slice %arg9[%run_scoped3A_45, %dma_wait3A_130, %dma_wait3A_131] : memref<2x64x128xf32, #tpu.memory_space<vmem>> -> memref<1x64x128xf32, #tpu.memory_space<vmem>>
      %dma_wait3A_133 = tpu.memref_squeeze %dma_wait3A_132 : memref<1x64x128xf32, #tpu.memory_space<vmem>> -> memref<64x128xf32, #tpu.memory_space<vmem>>
      %dma_wait3A_134 = arith.constant 0 : i32
      %dma_wait3A_135 = tpu.memref_slice %arg10[%add3A_44, %dma_wait3A_134] : memref<10240x128xf32, #tpu.memory_space<vmem_shared>> -> memref<64x128xf32, #tpu.memory_space<vmem_shared>>
      %dma_wait3A_136 = arith.constant 0 : i32
      %dma_wait3A_137 = tpu.memref_slice %arg10[%add3A_44, %dma_wait3A_136] : memref<10240x128xf32, #tpu.memory_space<vmem_shared>> -> memref<64x128xf32, #tpu.memory_space<vmem_shared>>
      %dma_wait3A_138 = arith.constant 0 : i32
      %dma_wait3A_139 = arith.constant 0 : i32
      %dma_wait3A_140 = tpu.memref_slice %arg9[%run_scoped3A_45, %dma_wait3A_138, %dma_wait3A_139] : memref<2x64x128xf32, #tpu.memory_space<vmem>> -> memref<1x64x128xf32, #tpu.memory_space<vmem>>
      %dma_wait3A_141 = tpu.memref_squeeze %dma_wait3A_140 : memref<1x64x128xf32, #tpu.memory_space<vmem>> -> memref<64x128xf32, #tpu.memory_space<vmem>>
      tpu.wait_dma2 semaphore(%run_scoped3A_117 : memref<!tpu.dma_semaphore, #tpu.memory_space<semaphore_mem>>) src(%dma_wait3A_141 : memref<64x128xf32, #tpu.memory_space<vmem>>) dst(%dma_wait3A_137 : memref<64x128xf32, #tpu.memory_space<vmem_shared>>)
      tpu.yield
    }) : () -> ()
    %mul3A_46 = arith.constant 640 : i32
    %mul3A_47 = arith.muli %arg1, %mul3A_46 : i32
    %add3A_48 = arith.constant 512 : i32
    %add3A_49 = arith.addi %mul3A_47, %add3A_48 : i32
    %run_scoped3A_50 = arith.constant 0 : i32
    "tpu.region"() ({
      %run_scoped3A_117 = tpu.sem_alloc : memref<!tpu.dma_semaphore, #tpu.memory_space<semaphore_mem>>
      %dma_start3A_118 = arith.constant 0 : i32
      %dma_start3A_119 = arith.constant 0 : i32
      %dma_start3A_120 = tpu.memref_slice %arg9[%run_scoped3A_50, %dma_start3A_118, %dma_start3A_119] : memref<2x64x128xf32, #tpu.memory_space<vmem>> -> memref<1x64x128xf32, #tpu.memory_space<vmem>>
      %dma_start3A_121 = tpu.memref_squeeze %dma_start3A_120 : memref<1x64x128xf32, #tpu.memory_space<vmem>> -> memref<64x128xf32, #tpu.memory_space<vmem>>
      %dma_start3A_122 = arith.constant 0 : i32
      %dma_start3A_123 = tpu.memref_slice %arg10[%add3A_49, %dma_start3A_122] : memref<10240x128xf32, #tpu.memory_space<vmem_shared>> -> memref<64x128xf32, #tpu.memory_space<vmem_shared>>
      %dma_start3A_124 = arith.constant 0 : i32
      %dma_start3A_125 = tpu.memref_slice %arg10[%add3A_49, %dma_start3A_124] : memref<10240x128xf32, #tpu.memory_space<vmem_shared>> -> memref<64x128xf32, #tpu.memory_space<vmem_shared>>
      %dma_start3A_126 = arith.constant 0 : i32
      %dma_start3A_127 = arith.constant 0 : i32
      %dma_start3A_128 = tpu.memref_slice %arg9[%run_scoped3A_50, %dma_start3A_126, %dma_start3A_127] : memref<2x64x128xf32, #tpu.memory_space<vmem>> -> memref<1x64x128xf32, #tpu.memory_space<vmem>>
      %dma_start3A_129 = tpu.memref_squeeze %dma_start3A_128 : memref<1x64x128xf32, #tpu.memory_space<vmem>> -> memref<64x128xf32, #tpu.memory_space<vmem>>
      tpu.enqueue_dma source(%dma_start3A_129 : memref<64x128xf32, #tpu.memory_space<vmem>>) target(%dma_start3A_125 : memref<64x128xf32, #tpu.memory_space<vmem_shared>>) target_semaphore(%run_scoped3A_117 : memref<!tpu.dma_semaphore, #tpu.memory_space<semaphore_mem>>)
      %dma_wait3A_130 = arith.constant 0 : i32
      %dma_wait3A_131 = arith.constant 0 : i32
      %dma_wait3A_132 = tpu.memref_slice %arg9[%run_scoped3A_50, %dma_wait3A_130, %dma_wait3A_131] : memref<2x64x128xf32, #tpu.memory_space<vmem>> -> memref<1x64x128xf32, #tpu.memory_space<vmem>>
      %dma_wait3A_133 = tpu.memref_squeeze %dma_wait3A_132 : memref<1x64x128xf32, #tpu.memory_space<vmem>> -> memref<64x128xf32, #tpu.memory_space<vmem>>
      %dma_wait3A_134 = arith.constant 0 : i32
      %dma_wait3A_135 = tpu.memref_slice %arg10[%add3A_49, %dma_wait3A_134] : memref<10240x128xf32, #tpu.memory_space<vmem_shared>> -> memref<64x128xf32, #tpu.memory_space<vmem_shared>>
      %dma_wait3A_136 = arith.constant 0 : i32
      %dma_wait3A_137 = tpu.memref_slice %arg10[%add3A_49, %dma_wait3A_136] : memref<10240x128xf32, #tpu.memory_space<vmem_shared>> -> memref<64x128xf32, #tpu.memory_space<vmem_shared>>
      %dma_wait3A_138 = arith.constant 0 : i32
      %dma_wait3A_139 = arith.constant 0 : i32
      %dma_wait3A_140 = tpu.memref_slice %arg9[%run_scoped3A_50, %dma_wait3A_138, %dma_wait3A_139] : memref<2x64x128xf32, #tpu.memory_space<vmem>> -> memref<1x64x128xf32, #tpu.memory_space<vmem>>
      %dma_wait3A_141 = tpu.memref_squeeze %dma_wait3A_140 : memref<1x64x128xf32, #tpu.memory_space<vmem>> -> memref<64x128xf32, #tpu.memory_space<vmem>>
      tpu.wait_dma2 semaphore(%run_scoped3A_117 : memref<!tpu.dma_semaphore, #tpu.memory_space<semaphore_mem>>) src(%dma_wait3A_141 : memref<64x128xf32, #tpu.memory_space<vmem>>) dst(%dma_wait3A_137 : memref<64x128xf32, #tpu.memory_space<vmem_shared>>)
      tpu.yield
    }) : () -> ()
    %mul3A_51 = arith.constant 640 : i32
    %mul3A_52 = arith.muli %arg1, %mul3A_51 : i32
    %add3A_53 = arith.constant 576 : i32
    %add3A_54 = arith.addi %mul3A_52, %add3A_53 : i32
    %run_scoped3A_55 = arith.constant 0 : i32
    "tpu.region"() ({
      %run_scoped3A_117 = tpu.sem_alloc : memref<!tpu.dma_semaphore, #tpu.memory_space<semaphore_mem>>
      %dma_start3A_118 = arith.constant 0 : i32
      %dma_start3A_119 = arith.constant 0 : i32
      %dma_start3A_120 = tpu.memref_slice %arg9[%run_scoped3A_55, %dma_start3A_118, %dma_start3A_119] : memref<2x64x128xf32, #tpu.memory_space<vmem>> -> memref<1x64x128xf32, #tpu.memory_space<vmem>>
      %dma_start3A_121 = tpu.memref_squeeze %dma_start3A_120 : memref<1x64x128xf32, #tpu.memory_space<vmem>> -> memref<64x128xf32, #tpu.memory_space<vmem>>
      %dma_start3A_122 = arith.constant 0 : i32
      %dma_start3A_123 = tpu.memref_slice %arg10[%add3A_54, %dma_start3A_122] : memref<10240x128xf32, #tpu.memory_space<vmem_shared>> -> memref<64x128xf32, #tpu.memory_space<vmem_shared>>
      %dma_start3A_124 = arith.constant 0 : i32
      %dma_start3A_125 = tpu.memref_slice %arg10[%add3A_54, %dma_start3A_124] : memref<10240x128xf32, #tpu.memory_space<vmem_shared>> -> memref<64x128xf32, #tpu.memory_space<vmem_shared>>
      %dma_start3A_126 = arith.constant 0 : i32
      %dma_start3A_127 = arith.constant 0 : i32
      %dma_start3A_128 = tpu.memref_slice %arg9[%run_scoped3A_55, %dma_start3A_126, %dma_start3A_127] : memref<2x64x128xf32, #tpu.memory_space<vmem>> -> memref<1x64x128xf32, #tpu.memory_space<vmem>>
      %dma_start3A_129 = tpu.memref_squeeze %dma_start3A_128 : memref<1x64x128xf32, #tpu.memory_space<vmem>> -> memref<64x128xf32, #tpu.memory_space<vmem>>
      tpu.enqueue_dma source(%dma_start3A_129 : memref<64x128xf32, #tpu.memory_space<vmem>>) target(%dma_start3A_125 : memref<64x128xf32, #tpu.memory_space<vmem_shared>>) target_semaphore(%run_scoped3A_117 : memref<!tpu.dma_semaphore, #tpu.memory_space<semaphore_mem>>)
      %dma_wait3A_130 = arith.constant 0 : i32
      %dma_wait3A_131 = arith.constant 0 : i32
      %dma_wait3A_132 = tpu.memref_slice %arg9[%run_scoped3A_55, %dma_wait3A_130, %dma_wait3A_131] : memref<2x64x128xf32, #tpu.memory_space<vmem>> -> memref<1x64x128xf32, #tpu.memory_space<vmem>>
      %dma_wait3A_133 = tpu.memref_squeeze %dma_wait3A_132 : memref<1x64x128xf32, #tpu.memory_space<vmem>> -> memref<64x128xf32, #tpu.memory_space<vmem>>
      %dma_wait3A_134 = arith.constant 0 : i32
      %dma_wait3A_135 = tpu.memref_slice %arg10[%add3A_54, %dma_wait3A_134] : memref<10240x128xf32, #tpu.memory_space<vmem_shared>> -> memref<64x128xf32, #tpu.memory_space<vmem_shared>>
      %dma_wait3A_136 = arith.constant 0 : i32
      %dma_wait3A_137 = tpu.memref_slice %arg10[%add3A_54, %dma_wait3A_136] : memref<10240x128xf32, #tpu.memory_space<vmem_shared>> -> memref<64x128xf32, #tpu.memory_space<vmem_shared>>
      %dma_wait3A_138 = arith.constant 0 : i32
      %dma_wait3A_139 = arith.constant 0 : i32
      %dma_wait3A_140 = tpu.memref_slice %arg9[%run_scoped3A_55, %dma_wait3A_138, %dma_wait3A_139] : memref<2x64x128xf32, #tpu.memory_space<vmem>> -> memref<1x64x128xf32, #tpu.memory_space<vmem>>
      %dma_wait3A_141 = tpu.memref_squeeze %dma_wait3A_140 : memref<1x64x128xf32, #tpu.memory_space<vmem>> -> memref<64x128xf32, #tpu.memory_space<vmem>>
      tpu.wait_dma2 semaphore(%run_scoped3A_117 : memref<!tpu.dma_semaphore, #tpu.memory_space<semaphore_mem>>) src(%dma_wait3A_141 : memref<64x128xf32, #tpu.memory_space<vmem>>) dst(%dma_wait3A_137 : memref<64x128xf32, #tpu.memory_space<vmem_shared>>)
      tpu.yield
    }) : () -> ()
    %barrier3A = arith.constant 0 : index
    tpu.barrier barrier_id(%barrier3A)
    "tpu.region"() ({
      %run_scoped3A_117 = tpu.sem_alloc : memref<!tpu.dma_semaphore, #tpu.memory_space<semaphore_mem>>
      %dma_start3A_118 = arith.constant 0 : i32
      %dma_start3A_119 = arith.constant 0 : i32
      %dma_start3A_120 = arith.constant 0 : i32
      %dma_start3A_121 = tpu.memref_slice %arg2[%add3A, %dma_start3A_118, %dma_start3A_119, %dma_start3A_120] : memref<32x160x2x64xi32, #tpu.memory_space<hbm>> -> memref<1x16x2x64xi32, #tpu.memory_space<hbm>>
      %dma_start3A_122 = tpu.memref_squeeze %dma_start3A_121 : memref<1x16x2x64xi32, #tpu.memory_space<hbm>> -> memref<16x2x64xi32, #tpu.memory_space<hbm>>
      %dma_start3A_123 = arith.constant 0 : i32
      %dma_start3A_124 = arith.constant 0 : i32
      %dma_start3A_125 = arith.constant 0 : i32
      %dma_start3A_126 = tpu.memref_slice %arg2[%add3A, %dma_start3A_123, %dma_start3A_124, %dma_start3A_125] : memref<32x160x2x64xi32, #tpu.memory_space<hbm>> -> memref<1x16x2x64xi32, #tpu.memory_space<hbm>>
      %dma_start3A_127 = tpu.memref_squeeze %dma_start3A_126 : memref<1x16x2x64xi32, #tpu.memory_space<hbm>> -> memref<16x2x64xi32, #tpu.memory_space<hbm>>
      tpu.enqueue_dma source(%dma_start3A_127 : memref<16x2x64xi32, #tpu.memory_space<hbm>>) target(%arg6 : memref<16x2x64xi32, #tpu.memory_space<vmem>>) target_semaphore(%run_scoped3A_117 : memref<!tpu.dma_semaphore, #tpu.memory_space<semaphore_mem>>)
      %dma_wait3A_128 = arith.constant 0 : i32
      %dma_wait3A_129 = arith.constant 0 : i32
      %dma_wait3A_130 = arith.constant 0 : i32
      %dma_wait3A_131 = tpu.memref_slice %arg2[%add3A, %dma_wait3A_128, %dma_wait3A_129, %dma_wait3A_130] : memref<32x160x2x64xi32, #tpu.memory_space<hbm>> -> memref<1x16x2x64xi32, #tpu.memory_space<hbm>>
      %dma_wait3A_132 = tpu.memref_squeeze %dma_wait3A_131 : memref<1x16x2x64xi32, #tpu.memory_space<hbm>> -> memref<16x2x64xi32, #tpu.memory_space<hbm>>
      %dma_wait3A_133 = arith.constant 0 : i32
      %dma_wait3A_134 = arith.constant 0 : i32
      %dma_wait3A_135 = arith.constant 0 : i32
      %dma_wait3A_136 = tpu.memref_slice %arg2[%add3A, %dma_wait3A_133, %dma_wait3A_134, %dma_wait3A_135] : memref<32x160x2x64xi32, #tpu.memory_space<hbm>> -> memref<1x16x2x64xi32, #tpu.memory_space<hbm>>
      %dma_wait3A_137 = tpu.memref_squeeze %dma_wait3A_136 : memref<1x16x2x64xi32, #tpu.memory_space<hbm>> -> memref<16x2x64xi32, #tpu.memory_space<hbm>>
      tpu.wait_dma2 semaphore(%run_scoped3A_117 : memref<!tpu.dma_semaphore, #tpu.memory_space<semaphore_mem>>) src(%dma_wait3A_137 : memref<16x2x64xi32, #tpu.memory_space<hbm>>) dst(%arg6 : memref<16x2x64xi32, #tpu.memory_space<vmem>>)
      tpu.yield
    }) : () -> ()
    %mul3A_56 = arith.constant 10240 : i32
    %mul3A_57 = arith.muli %add3A, %mul3A_56 : i32
    %dma_start3A = arith.constant 0 : i32
    %dma_start3A_58 = arith.constant 0 : i32
    %dma_start3A_59 = arith.constant 0 : i32
    %dma_start3A_60 = tpu.memref_slice %arg8[%dma_start3A, %dma_start3A_58, %dma_start3A_59] : memref<2x64x64xi32, #tpu.memory_space<vmem>> -> memref<1x64x64xi32, #tpu.memory_space<vmem>>
    %dma_start3A_61 = tpu.memref_squeeze %dma_start3A_60 : memref<1x64x64xi32, #tpu.memory_space<vmem>> -> memref<64x64xi32, #tpu.memory_space<vmem>>
    %dma_start3A_62 = arith.constant 0 : i32
    %dma_start3A_63 = tpu.memref_slice %arg3[%mul3A_57, %dma_start3A_62] : memref<327680x64xi32, #tpu.memory_space<hbm>> -> memref<64x64xi32, #tpu.memory_space<hbm>>
    %dma_start3A_64 = arith.constant 0 : i32
    %dma_start3A_65 = arith.constant 0 : i32
    %dma_start3A_66 = tpu.memref_slice %arg8[%dma_start3A, %dma_start3A_64, %dma_start3A_65] : memref<2x64x64xi32, #tpu.memory_space<vmem>> -> memref<1x64x64xi32, #tpu.memory_space<vmem>>
    %dma_start3A_67 = tpu.memref_squeeze %dma_start3A_66 : memref<1x64x64xi32, #tpu.memory_space<vmem>> -> memref<64x64xi32, #tpu.memory_space<vmem>>
    %dma_start3A_68 = arith.constant 0 : i32
    %dma_start3A_69 = tpu.memref_slice %arg3[%mul3A_57, %dma_start3A_68] : memref<327680x64xi32, #tpu.memory_space<hbm>> -> memref<64x64xi32, #tpu.memory_space<hbm>>
    tpu.enqueue_dma source(%dma_start3A_69 : memref<64x64xi32, #tpu.memory_space<hbm>>) target(%dma_start3A_67 : memref<64x64xi32, #tpu.memory_space<vmem>>) target_semaphore(%arg11 : memref<!tpu.dma_semaphore, #tpu.memory_space<semaphore_mem>>)
    %dma_start3A_70 = arith.constant 0 : i32
    %dma_start3A_71 = arith.constant 0 : i32
    %dma_start3A_72 = arith.constant 0 : i32
    %dma_start3A_73 = arith.constant 0 : i32
    %dma_start3A_74 = arith.constant 0 : i32
    %dma_start3A_75 = tpu.memref_slice %arg9[%dma_start3A_72, %dma_start3A_73, %dma_start3A_74] : memref<2x64x128xf32, #tpu.memory_space<vmem>> -> memref<1x64x128xf32, #tpu.memory_space<vmem>>
    %dma_start3A_76 = tpu.memref_squeeze %dma_start3A_75 : memref<1x64x128xf32, #tpu.memory_space<vmem>> -> memref<64x128xf32, #tpu.memory_space<vmem>>
    %dma_start3A_77 = arith.constant 0 : i32
    %dma_start3A_78 = tpu.memref_slice %arg6[%dma_start3A_70, %dma_start3A_71, %dma_start3A_77] : memref<16x2x64xi32, #tpu.memory_space<vmem>> -> memref<1x1x64xi32, #tpu.memory_space<vmem>>
    %dma_start3A_79 = tpu.memref_squeeze %dma_start3A_78 : memref<1x1x64xi32, #tpu.memory_space<vmem>> -> memref<64xi32, #tpu.memory_space<vmem>>
    %dma_start3A_80 = arith.constant 0 : i32
    %dma_start3A_81 = arith.constant 0 : i32
    %dma_start3A_82 = tpu.memref_slice %arg4[%dma_start3A_80, %dma_start3A_81] : memref<10000x128xf32, #tpu.memory_space<hbm>> -> memref<10000x128xf32, #tpu.memory_space<hbm>>
    tpu.enqueue_indirect_dma source(%dma_start3A_82 : memref<10000x128xf32, #tpu.memory_space<hbm>>) target(%dma_start3A_76 : memref<64x128xf32, #tpu.memory_space<vmem>>) offsets(%dma_start3A_79 : memref<64xi32, #tpu.memory_space<vmem>>) semaphore(%arg13 : memref<!tpu.dma_semaphore, #tpu.memory_space<semaphore_mem>>)
    %scan3A_83 = arith.constant 0 : i32
    %scan3A_84 = arith.constant 0 : i32
    %scan3A_85 = arith.constant 80 : i32
    %scan3A_86 = arith.addi %scan3A_84, %scan3A_85 : i32
    %scan3A_87 = arith.constant 1 : i32
    scf.for %scan3A_117 = %scan3A_84 to %scan3A_86 step %scan3A_87  : i32 {
      %mul3A_118 = arith.constant 2 : i32
      %mul3A_119 = arith.muli %scan3A_117, %mul3A_118 : i32
      %add3A_120 = arith.constant 0 : i32
      %add3A_121 = arith.addi %mul3A_119, %add3A_120 : i32
      %add3A_122 = arith.constant 1 : i32
      %add3A_123 = arith.addi %add3A_121, %add3A_122 : i32
      %rem3A = arith.constant 8 : i32
      %rem3A_124 = arith.remsi %scan3A_117, %rem3A : i32
      %mul3A_125 = arith.constant 2 : i32
      %mul3A_126 = arith.muli %mul3A_125, %rem3A_124 : i32
      %add3A_127 = arith.constant 0 : i32
      %add3A_128 = arith.addi %mul3A_126, %add3A_127 : i32
      %dma_wait3A_129 = arith.constant 0 : i32
      %dma_wait3A_130 = arith.constant 0 : i32
      %dma_wait3A_131 = arith.constant 0 : i32
      %dma_wait3A_132 = tpu.memref_slice %arg8[%dma_wait3A_129, %dma_wait3A_130, %dma_wait3A_131] : memref<2x64x64xi32, #tpu.memory_space<vmem>> -> memref<1x64x64xi32, #tpu.memory_space<vmem>>
      %dma_wait3A_133 = tpu.memref_squeeze %dma_wait3A_132 : memref<1x64x64xi32, #tpu.memory_space<vmem>> -> memref<64x64xi32, #tpu.memory_space<vmem>>
      %dma_wait3A_134 = arith.constant 0 : i32
      %dma_wait3A_135 = arith.constant 0 : i32
      %dma_wait3A_136 = tpu.memref_slice %arg3[%dma_wait3A_134, %dma_wait3A_135] : memref<327680x64xi32, #tpu.memory_space<hbm>> -> memref<64x64xi32, #tpu.memory_space<hbm>>
      %dma_wait3A_137 = arith.constant 0 : i32
      %dma_wait3A_138 = arith.constant 0 : i32
      %dma_wait3A_139 = tpu.memref_slice %arg8[%dma_wait3A_129, %dma_wait3A_137, %dma_wait3A_138] : memref<2x64x64xi32, #tpu.memory_space<vmem>> -> memref<1x64x64xi32, #tpu.memory_space<vmem>>
      %dma_wait3A_140 = tpu.memref_squeeze %dma_wait3A_139 : memref<1x64x64xi32, #tpu.memory_space<vmem>> -> memref<64x64xi32, #tpu.memory_space<vmem>>
      %dma_wait3A_141 = arith.constant 0 : i32
      %dma_wait3A_142 = arith.constant 0 : i32
      %dma_wait3A_143 = tpu.memref_slice %arg3[%dma_wait3A_141, %dma_wait3A_142] : memref<327680x64xi32, #tpu.memory_space<hbm>> -> memref<64x64xi32, #tpu.memory_space<hbm>>
      tpu.wait_dma2 semaphore(%arg11 : memref<!tpu.dma_semaphore, #tpu.memory_space<semaphore_mem>>) src(%dma_wait3A_143 : memref<64x64xi32, #tpu.memory_space<hbm>>) dst(%dma_wait3A_140 : memref<64x64xi32, #tpu.memory_space<vmem>>)
      %dma_wait3A_144 = arith.constant 0 : i32
      %dma_wait3A_145 = arith.constant 0 : i32
      %dma_wait3A_146 = arith.constant 0 : i32
      %dma_wait3A_147 = arith.constant 0 : i32
      %dma_wait3A_148 = arith.constant 0 : i32
      %dma_wait3A_149 = tpu.memref_slice %arg9[%dma_wait3A_146, %dma_wait3A_147, %dma_wait3A_148] : memref<2x64x128xf32, #tpu.memory_space<vmem>> -> memref<1x64x128xf32, #tpu.memory_space<vmem>>
      %dma_wait3A_150 = tpu.memref_squeeze %dma_wait3A_149 : memref<1x64x128xf32, #tpu.memory_space<vmem>> -> memref<64x128xf32, #tpu.memory_space<vmem>>
      %dma_wait3A_151 = arith.constant 0 : i32
      %dma_wait3A_152 = tpu.memref_slice %arg6[%dma_wait3A_144, %dma_wait3A_145, %dma_wait3A_151] : memref<16x2x64xi32, #tpu.memory_space<vmem>> -> memref<1x1x64xi32, #tpu.memory_space<vmem>>
      %dma_wait3A_153 = tpu.memref_squeeze %dma_wait3A_152 : memref<1x1x64xi32, #tpu.memory_space<vmem>> -> memref<64xi32, #tpu.memory_space<vmem>>
      %dma_wait3A_154 = arith.constant 0 : i32
      %dma_wait3A_155 = arith.constant 0 : i32
      %dma_wait3A_156 = tpu.memref_slice %arg4[%dma_wait3A_154, %dma_wait3A_155] : memref<10000x128xf32, #tpu.memory_space<hbm>> -> memref<10000x128xf32, #tpu.memory_space<hbm>>
      tpu.wait_indirect_dma semaphore(%arg13 : memref<!tpu.dma_semaphore, #tpu.memory_space<semaphore_mem>>) src(%dma_wait3A_156 : memref<10000x128xf32, #tpu.memory_space<hbm>>) dst(%dma_wait3A_150 : memref<64x128xf32, #tpu.memory_space<vmem>>)
      %get3A = arith.constant 1 : i32
      %get3A_157 = arith.index_cast %add3A_128 : i32 to index
      %get3A_158 = arith.index_cast %get3A : i32 to index
      %get3A_159 = arith.constant 0 : index
      %get3A_160 = tpu.vector_load %arg6[%get3A_157, %get3A_158, %get3A_159] {strides = array<i32>} : memref<16x2x64xi32, #tpu.memory_space<vmem>>, vector<1x1x16xi32>,
      %get3A_161 = vector.shape_cast %get3A_160 : vector<1x1x16xi32> to vector<16xi32>
      %swap3A = arith.constant 0 : i32
      %swap3A_162 = arith.index_cast %swap3A : i32 to index
      %swap3A_163 = arith.constant 0 : index
      %swap3A_164 = tpu.vector_load %arg7[%swap3A_162, %swap3A_163] {strides = array<i32>} : memref<2x64xi32, #tpu.memory_space<vmem>>, vector<1x16xi32>,
      %swap3A_165 = vector.shape_cast %swap3A_164 : vector<1x16xi32> to vector<16xi32>
      %swap3A_166 = vector.shape_cast %get3A_161 : vector<16xi32> to vector<1x16xi32>
      tpu.vector_store %arg7[%swap3A_162, %swap3A_163], %swap3A_166 {strides = array<i32>} : memref<2x64xi32, #tpu.memory_space<vmem>>, vector<1x16xi32>,
      %get3A_167 = arith.constant 1 : i32
      %get3A_168 = arith.index_cast %add3A_128 : i32 to index
      %get3A_169 = arith.index_cast %get3A_167 : i32 to index
      %get3A_170 = arith.constant 16 : index
      %get3A_171 = tpu.vector_load %arg6[%get3A_168, %get3A_169, %get3A_170] {strides = array<i32>} : memref<16x2x64xi32, #tpu.memory_space<vmem>>, vector<1x1x16xi32>,
      %get3A_172 = vector.shape_cast %get3A_171 : vector<1x1x16xi32> to vector<16xi32>
      %swap3A_173 = arith.constant 0 : i32
      %swap3A_174 = arith.index_cast %swap3A_173 : i32 to index
      %swap3A_175 = arith.constant 16 : index
      %swap3A_176 = tpu.vector_load %arg7[%swap3A_174, %swap3A_175] {strides = array<i32>} : memref<2x64xi32, #tpu.memory_space<vmem>>, vector<1x16xi32>,
      %swap3A_177 = vector.shape_cast %swap3A_176 : vector<1x16xi32> to vector<16xi32>
      %swap3A_178 = vector.shape_cast %get3A_172 : vector<16xi32> to vector<1x16xi32>
      tpu.vector_store %arg7[%swap3A_174, %swap3A_175], %swap3A_178 {strides = array<i32>} : memref<2x64xi32, #tpu.memory_space<vmem>>, vector<1x16xi32>,
      %get3A_179 = arith.constant 1 : i32
      %get3A_180 = arith.index_cast %add3A_128 : i32 to index
      %get3A_181 = arith.index_cast %get3A_179 : i32 to index
      %get3A_182 = arith.constant 32 : index
      %get3A_183 = tpu.vector_load %arg6[%get3A_180, %get3A_181, %get3A_182] {strides = array<i32>} : memref<16x2x64xi32, #tpu.memory_space<vmem>>, vector<1x1x16xi32>,
      %get3A_184 = vector.shape_cast %get3A_183 : vector<1x1x16xi32> to vector<16xi32>
      %swap3A_185 = arith.constant 0 : i32
      %swap3A_186 = arith.index_cast %swap3A_185 : i32 to index
      %swap3A_187 = arith.constant 32 : index
      %swap3A_188 = tpu.vector_load %arg7[%swap3A_186, %swap3A_187] {strides = array<i32>} : memref<2x64xi32, #tpu.memory_space<vmem>>, vector<1x16xi32>,
      %swap3A_189 = vector.shape_cast %swap3A_188 : vector<1x16xi32> to vector<16xi32>
      %swap3A_190 = vector.shape_cast %get3A_184 : vector<16xi32> to vector<1x16xi32>
      tpu.vector_store %arg7[%swap3A_186, %swap3A_187], %swap3A_190 {strides = array<i32>} : memref<2x64xi32, #tpu.memory_space<vmem>>, vector<1x16xi32>,
      %get3A_191 = arith.constant 1 : i32
      %get3A_192 = arith.index_cast %add3A_128 : i32 to index
      %get3A_193 = arith.index_cast %get3A_191 : i32 to index
      %get3A_194 = arith.constant 48 : index
      %get3A_195 = tpu.vector_load %arg6[%get3A_192, %get3A_193, %get3A_194] {strides = array<i32>} : memref<16x2x64xi32, #tpu.memory_space<vmem>>, vector<1x1x16xi32>,
      %get3A_196 = vector.shape_cast %get3A_195 : vector<1x1x16xi32> to vector<16xi32>
      %swap3A_197 = arith.constant 0 : i32
      %swap3A_198 = arith.index_cast %swap3A_197 : i32 to index
      %swap3A_199 = arith.constant 48 : index
      %swap3A_200 = tpu.vector_load %arg7[%swap3A_198, %swap3A_199] {strides = array<i32>} : memref<2x64xi32, #tpu.memory_space<vmem>>, vector<1x16xi32>,
      %swap3A_201 = vector.shape_cast %swap3A_200 : vector<1x16xi32> to vector<16xi32>
      %swap3A_202 = vector.shape_cast %get3A_196 : vector<16xi32> to vector<1x16xi32>
      tpu.vector_store %arg7[%swap3A_198, %swap3A_199], %swap3A_202 {strides = array<i32>} : memref<2x64xi32, #tpu.memory_space<vmem>>, vector<1x16xi32>,
      %add3A_203 = arith.constant 1 : i32
      %add3A_204 = arith.addi %add3A_128, %add3A_203 : i32
      %ge3A = arith.constant 1 : i32
      %ge3A_205 = arith.cmpi sge, %scan3A_117, %ge3A : i32
      %convert_element_type3A = arith.extui %ge3A_205 : i1 to i32
      %cond3A = arith.constant 0 : i32
      %cond3A_206 = arith.cmpi ne, %convert_element_type3A, %cond3A : i32
      scf.if %cond3A_206 {
        %dma_wait3A_369 = arith.constant 1 : i32
        %dma_wait3A_370 = arith.constant 1 : i32
        %dma_wait3A_371 = arith.constant 0 : i32
        %dma_wait3A_372 = arith.constant 0 : i32
        %dma_wait3A_373 = tpu.memref_slice %arg9[%dma_wait3A_369, %dma_wait3A_371, %dma_wait3A_372] : memref<2x64x128xf32, #tpu.memory_space<vmem>> -> memref<1x64x128xf32, #tpu.memory_space<vmem>>
        %dma_wait3A_374 = tpu.memref_squeeze %dma_wait3A_373 : memref<1x64x128xf32, #tpu.memory_space<vmem>> -> memref<64x128xf32, #tpu.memory_space<vmem>>
        %dma_wait3A_375 = arith.constant 0 : i32
        %dma_wait3A_376 = tpu.memref_slice %arg7[%dma_wait3A_370, %dma_wait3A_375] : memref<2x64xi32, #tpu.memory_space<vmem>> -> memref<1x64xi32, #tpu.memory_space<vmem>>
        %dma_wait3A_377 = tpu.memref_squeeze %dma_wait3A_376 : memref<1x64xi32, #tpu.memory_space<vmem>> -> memref<64xi32, #tpu.memory_space<vmem>>
        %dma_wait3A_378 = arith.constant 0 : i32
        %dma_wait3A_379 = arith.constant 0 : i32
        %dma_wait3A_380 = tpu.memref_slice %arg10[%dma_wait3A_378, %dma_wait3A_379] : memref<10240x128xf32, #tpu.memory_space<vmem_shared>> -> memref<10240x128xf32, #tpu.memory_space<vmem_shared>>
        tpu.wait_indirect_dma semaphore(%arg16 : memref<!tpu.dma_semaphore, #tpu.memory_space<semaphore_mem>>) src(%dma_wait3A_374 : memref<64x128xf32, #tpu.memory_space<vmem>>) dst(%dma_wait3A_380 : memref<10240x128xf32, #tpu.memory_space<vmem_shared>>)
      } else {
      }
      %mul3A_207 = arith.constant 10240 : i32
      %mul3A_208 = arith.muli %add3A, %mul3A_207 : i32
      %mul3A_209 = arith.constant 64 : i32
      %mul3A_210 = arith.muli %add3A_123, %mul3A_209 : i32
      %add3A_211 = arith.addi %mul3A_208, %mul3A_210 : i32
      %dma_start3A_212 = arith.constant 1 : i32
      %dma_start3A_213 = arith.constant 0 : i32
      %dma_start3A_214 = arith.constant 0 : i32
      %dma_start3A_215 = tpu.memref_slice %arg8[%dma_start3A_212, %dma_start3A_213, %dma_start3A_214] : memref<2x64x64xi32, #tpu.memory_space<vmem>> -> memref<1x64x64xi32, #tpu.memory_space<vmem>>
      %dma_start3A_216 = tpu.memref_squeeze %dma_start3A_215 : memref<1x64x64xi32, #tpu.memory_space<vmem>> -> memref<64x64xi32, #tpu.memory_space<vmem>>
      %dma_start3A_217 = arith.constant 0 : i32
      %dma_start3A_218 = tpu.memref_slice %arg3[%add3A_211, %dma_start3A_217] : memref<327680x64xi32, #tpu.memory_space<hbm>> -> memref<64x64xi32, #tpu.memory_space<hbm>>
      %dma_start3A_219 = arith.constant 0 : i32
      %dma_start3A_220 = arith.constant 0 : i32
      %dma_start3A_221 = tpu.memref_slice %arg8[%dma_start3A_212, %dma_start3A_219, %dma_start3A_220] : memref<2x64x64xi32, #tpu.memory_space<vmem>> -> memref<1x64x64xi32, #tpu.memory_space<vmem>>
      %dma_start3A_222 = tpu.memref_squeeze %dma_start3A_221 : memref<1x64x64xi32, #tpu.memory_space<vmem>> -> memref<64x64xi32, #tpu.memory_space<vmem>>
      %dma_start3A_223 = arith.constant 0 : i32
      %dma_start3A_224 = tpu.memref_slice %arg3[%add3A_211, %dma_start3A_223] : memref<327680x64xi32, #tpu.memory_space<hbm>> -> memref<64x64xi32, #tpu.memory_space<hbm>>
      tpu.enqueue_dma source(%dma_start3A_224 : memref<64x64xi32, #tpu.memory_space<hbm>>) target(%dma_start3A_222 : memref<64x64xi32, #tpu.memory_space<vmem>>) target_semaphore(%arg12 : memref<!tpu.dma_semaphore, #tpu.memory_space<semaphore_mem>>)
      %dma_start3A_225 = arith.constant 0 : i32
      %dma_start3A_226 = arith.constant 1 : i32
      %dma_start3A_227 = arith.constant 0 : i32
      %dma_start3A_228 = arith.constant 0 : i32
      %dma_start3A_229 = tpu.memref_slice %arg9[%dma_start3A_226, %dma_start3A_227, %dma_start3A_228] : memref<2x64x128xf32, #tpu.memory_space<vmem>> -> memref<1x64x128xf32, #tpu.memory_space<vmem>>
      %dma_start3A_230 = tpu.memref_squeeze %dma_start3A_229 : memref<1x64x128xf32, #tpu.memory_space<vmem>> -> memref<64x128xf32, #tpu.memory_space<vmem>>
      %dma_start3A_231 = arith.constant 0 : i32
      %dma_start3A_232 = tpu.memref_slice %arg6[%add3A_204, %dma_start3A_225, %dma_start3A_231] : memref<16x2x64xi32, #tpu.memory_space<vmem>> -> memref<1x1x64xi32, #tpu.memory_space<vmem>>
      %dma_start3A_233 = tpu.memref_squeeze %dma_start3A_232 : memref<1x1x64xi32, #tpu.memory_space<vmem>> -> memref<64xi32, #tpu.memory_space<vmem>>
      %dma_start3A_234 = arith.constant 0 : i32
      %dma_start3A_235 = arith.constant 0 : i32
      %dma_start3A_236 = tpu.memref_slice %arg4[%dma_start3A_234, %dma_start3A_235] : memref<10000x128xf32, #tpu.memory_space<hbm>> -> memref<10000x128xf32, #tpu.memory_space<hbm>>
      tpu.enqueue_indirect_dma source(%dma_start3A_236 : memref<10000x128xf32, #tpu.memory_space<hbm>>) target(%dma_start3A_230 : memref<64x128xf32, #tpu.memory_space<vmem>>) offsets(%dma_start3A_233 : memref<64xi32, #tpu.memory_space<vmem>>) semaphore(%arg14 : memref<!tpu.dma_semaphore, #tpu.memory_space<semaphore_mem>>)
      %broadcast_in_dim3A_237 = arith.constant -65536 : i32
      %broadcast_in_dim3A_238 = vector.broadcast %broadcast_in_dim3A_237 : i32 to vector<16xi32>
      %scan3A_239 = arith.constant 0 : i32
      %scan3A_240 = arith.constant 0 : i32
      %scan3A_241 = arith.constant 64 : i32
      %scan3A_242 = arith.addi %scan3A_240, %scan3A_241 : i32
      %scan3A_243 = arith.constant 1 : i32
      scf.for %scan3A_369 = %scan3A_240 to %scan3A_242 step %scan3A_243  : i32 {
        %get3A_370 = arith.constant 0 : i32
        %get3A_371 = arith.index_cast %get3A_370 : i32 to index
        %get3A_372 = arith.index_cast %scan3A_369 : i32 to index
        %get3A_373 = arith.constant 0 : index
        %get3A_374 = tpu.vector_load %arg8[%get3A_371, %get3A_372, %get3A_373] {strides = array<i32>} : memref<2x64x64xi32, #tpu.memory_space<vmem>>, vector<1x1x16xi32>,
        %get3A_375 = vector.shape_cast %get3A_374 : vector<1x1x16xi32> to vector<16xi32>
        %shift_left3A = arith.constant 16 : i32
        %shift_left3A_376 = vector.broadcast %shift_left3A : i32 to vector<16xi32>
        %shift_left3A_377 = arith.shli %get3A_375, %shift_left3A_376 : vector<16xi32>
        %bitcast_convert_type3A = tpu.bitcast %shift_left3A_377 : vector<16xi32> -> vector<16xf32>
        %and3A = arith.andi %get3A_375, %broadcast_in_dim3A_238 : vector<16xi32>
        %bitcast_convert_type3A_378 = tpu.bitcast %and3A : vector<16xi32> -> vector<16xf32>
        %get3A_379 = arith.constant 0 : i32
        %get3A_380 = arith.index_cast %get3A_379 : i32 to index
        %get3A_381 = arith.index_cast %scan3A_369 : i32 to index
        %get3A_382 = arith.constant 0 : index
        %get3A_383 = tpu.vector_load %arg9[%get3A_380, %get3A_381, %get3A_382] {strides = array<i32>} : memref<2x64x128xf32, #tpu.memory_space<vmem>>, vector<1x1x16xf32>,
        %get3A_384 = vector.shape_cast %get3A_383 : vector<1x1x16xf32> to vector<16xf32>
        %add3A_385 = arith.addf %get3A_384, %bitcast_convert_type3A : vector<16xf32>
        %max3A = arith.constant 0.000000e+00 : f32
        %max3A_386 = vector.broadcast %max3A : f32 to vector<16xf32>
        %max3A_387 = arith.maximumf %add3A_385, %max3A_386 : vector<16xf32>
        %swap3A_388 = arith.constant 0 : i32
        %swap3A_389 = arith.index_cast %swap3A_388 : i32 to index
        %swap3A_390 = arith.index_cast %scan3A_369 : i32 to index
        %swap3A_391 = arith.constant 0 : index
        %swap3A_392 = tpu.vector_load %arg9[%swap3A_389, %swap3A_390, %swap3A_391] {strides = array<i32>} : memref<2x64x128xf32, #tpu.memory_space<vmem>>, vector<1x1x16xf32>,
        %swap3A_393 = vector.shape_cast %swap3A_392 : vector<1x1x16xf32> to vector<16xf32>
        %swap3A_394 = vector.shape_cast %max3A_387 : vector<16xf32> to vector<1x1x16xf32>
        tpu.vector_store %arg9[%swap3A_389, %swap3A_390, %swap3A_391], %swap3A_394 {strides = array<i32>} : memref<2x64x128xf32, #tpu.memory_space<vmem>>, vector<1x1x16xf32>,
        %get3A_395 = arith.constant 0 : i32
        %get3A_396 = arith.index_cast %get3A_395 : i32 to index
        %get3A_397 = arith.index_cast %scan3A_369 : i32 to index
        %get3A_398 = arith.constant 64 : index
        %get3A_399 = tpu.vector_load %arg9[%get3A_396, %get3A_397, %get3A_398] {strides = array<i32>} : memref<2x64x128xf32, #tpu.memory_space<vmem>>, vector<1x1x16xf32>,
        %get3A_400 = vector.shape_cast %get3A_399 : vector<1x1x16xf32> to vector<16xf32>
        %add3A_401 = arith.addf %get3A_400, %bitcast_convert_type3A_378 : vector<16xf32>
        %max3A_402 = arith.constant 0.000000e+00 : f32
        %max3A_403 = vector.broadcast %max3A_402 : f32 to vector<16xf32>
        %max3A_404 = arith.maximumf %add3A_401, %max3A_403 : vector<16xf32>
        %swap3A_405 = arith.constant 0 : i32
        %swap3A_406 = arith.index_cast %swap3A_405 : i32 to index
        %swap3A_407 = arith.index_cast %scan3A_369 : i32 to index
        %swap3A_408 = arith.constant 64 : index
        %swap3A_409 = tpu.vector_load %arg9[%swap3A_406, %swap3A_407, %swap3A_408] {strides = array<i32>} : memref<2x64x128xf32, #tpu.memory_space<vmem>>, vector<1x1x16xf32>,
        %swap3A_410 = vector.shape_cast %swap3A_409 : vector<1x1x16xf32> to vector<16xf32>
        %swap3A_411 = vector.shape_cast %max3A_404 : vector<16xf32> to vector<1x1x16xf32>
        tpu.vector_store %arg9[%swap3A_406, %swap3A_407, %swap3A_408], %swap3A_411 {strides = array<i32>} : memref<2x64x128xf32, #tpu.memory_space<vmem>>, vector<1x1x16xf32>,
        %get3A_412 = arith.constant 0 : i32
        %get3A_413 = arith.index_cast %get3A_412 : i32 to index
        %get3A_414 = arith.index_cast %scan3A_369 : i32 to index
        %get3A_415 = arith.constant 16 : index
        %get3A_416 = tpu.vector_load %arg8[%get3A_413, %get3A_414, %get3A_415] {strides = array<i32>} : memref<2x64x64xi32, #tpu.memory_space<vmem>>, vector<1x1x16xi32>,
        %get3A_417 = vector.shape_cast %get3A_416 : vector<1x1x16xi32> to vector<16xi32>
        %shift_left3A_418 = arith.constant 16 : i32
        %shift_left3A_419 = vector.broadcast %shift_left3A_418 : i32 to vector<16xi32>
        %shift_left3A_420 = arith.shli %get3A_417, %shift_left3A_419 : vector<16xi32>
        %bitcast_convert_type3A_421 = tpu.bitcast %shift_left3A_420 : vector<16xi32> -> vector<16xf32>
        %and3A_422 = arith.andi %get3A_417, %broadcast_in_dim3A_238 : vector<16xi32>
        %bitcast_convert_type3A_423 = tpu.bitcast %and3A_422 : vector<16xi32> -> vector<16xf32>
        %get3A_424 = arith.constant 0 : i32
        %get3A_425 = arith.index_cast %get3A_424 : i32 to index
        %get3A_426 = arith.index_cast %scan3A_369 : i32 to index
        %get3A_427 = arith.constant 16 : index
        %get3A_428 = tpu.vector_load %arg9[%get3A_425, %get3A_426, %get3A_427] {strides = array<i32>} : memref<2x64x128xf32, #tpu.memory_space<vmem>>, vector<1x1x16xf32>,
        %get3A_429 = vector.shape_cast %get3A_428 : vector<1x1x16xf32> to vector<16xf32>
        %add3A_430 = arith.addf %get3A_429, %bitcast_convert_type3A_421 : vector<16xf32>
        %max3A_431 = arith.constant 0.000000e+00 : f32
        %max3A_432 = vector.broadcast %max3A_431 : f32 to vector<16xf32>
        %max3A_433 = arith.maximumf %add3A_430, %max3A_432 : vector<16xf32>
        %swap3A_434 = arith.constant 0 : i32
        %swap3A_435 = arith.index_cast %swap3A_434 : i32 to index
        %swap3A_436 = arith.index_cast %scan3A_369 : i32 to index
        %swap3A_437 = arith.constant 16 : index
        %swap3A_438 = tpu.vector_load %arg9[%swap3A_435, %swap3A_436, %swap3A_437] {strides = array<i32>} : memref<2x64x128xf32, #tpu.memory_space<vmem>>, vector<1x1x16xf32>,
        %swap3A_439 = vector.shape_cast %swap3A_438 : vector<1x1x16xf32> to vector<16xf32>
        %swap3A_440 = vector.shape_cast %max3A_433 : vector<16xf32> to vector<1x1x16xf32>
        tpu.vector_store %arg9[%swap3A_435, %swap3A_436, %swap3A_437], %swap3A_440 {strides = array<i32>} : memref<2x64x128xf32, #tpu.memory_space<vmem>>, vector<1x1x16xf32>,
        %get3A_441 = arith.constant 0 : i32
        %get3A_442 = arith.index_cast %get3A_441 : i32 to index
        %get3A_443 = arith.index_cast %scan3A_369 : i32 to index
        %get3A_444 = arith.constant 80 : index
        %get3A_445 = tpu.vector_load %arg9[%get3A_442, %get3A_443, %get3A_444] {strides = array<i32>} : memref<2x64x128xf32, #tpu.memory_space<vmem>>, vector<1x1x16xf32>,
        %get3A_446 = vector.shape_cast %get3A_445 : vector<1x1x16xf32> to vector<16xf32>
        %add3A_447 = arith.addf %get3A_446, %bitcast_convert_type3A_423 : vector<16xf32>
        %max3A_448 = arith.constant 0.000000e+00 : f32
        %max3A_449 = vector.broadcast %max3A_448 : f32 to vector<16xf32>
        %max3A_450 = arith.maximumf %add3A_447, %max3A_449 : vector<16xf32>
        %swap3A_451 = arith.constant 0 : i32
        %swap3A_452 = arith.index_cast %swap3A_451 : i32 to index
        %swap3A_453 = arith.index_cast %scan3A_369 : i32 to index
        %swap3A_454 = arith.constant 80 : index
        %swap3A_455 = tpu.vector_load %arg9[%swap3A_452, %swap3A_453, %swap3A_454] {strides = array<i32>} : memref<2x64x128xf32, #tpu.memory_space<vmem>>, vector<1x1x16xf32>,
        %swap3A_456 = vector.shape_cast %swap3A_455 : vector<1x1x16xf32> to vector<16xf32>
        %swap3A_457 = vector.shape_cast %max3A_450 : vector<16xf32> to vector<1x1x16xf32>
        tpu.vector_store %arg9[%swap3A_452, %swap3A_453, %swap3A_454], %swap3A_457 {strides = array<i32>} : memref<2x64x128xf32, #tpu.memory_space<vmem>>, vector<1x1x16xf32>,
        %get3A_458 = arith.constant 0 : i32
        %get3A_459 = arith.index_cast %get3A_458 : i32 to index
        %get3A_460 = arith.index_cast %scan3A_369 : i32 to index
        %get3A_461 = arith.constant 32 : index
        %get3A_462 = tpu.vector_load %arg8[%get3A_459, %get3A_460, %get3A_461] {strides = array<i32>} : memref<2x64x64xi32, #tpu.memory_space<vmem>>, vector<1x1x16xi32>,
        %get3A_463 = vector.shape_cast %get3A_462 : vector<1x1x16xi32> to vector<16xi32>
        %shift_left3A_464 = arith.constant 16 : i32
        %shift_left3A_465 = vector.broadcast %shift_left3A_464 : i32 to vector<16xi32>
        %shift_left3A_466 = arith.shli %get3A_463, %shift_left3A_465 : vector<16xi32>
        %bitcast_convert_type3A_467 = tpu.bitcast %shift_left3A_466 : vector<16xi32> -> vector<16xf32>
        %and3A_468 = arith.andi %get3A_463, %broadcast_in_dim3A_238 : vector<16xi32>
        %bitcast_convert_type3A_469 = tpu.bitcast %and3A_468 : vector<16xi32> -> vector<16xf32>
        %get3A_470 = arith.constant 0 : i32
        %get3A_471 = arith.index_cast %get3A_470 : i32 to index
        %get3A_472 = arith.index_cast %scan3A_369 : i32 to index
        %get3A_473 = arith.constant 32 : index
        %get3A_474 = tpu.vector_load %arg9[%get3A_471, %get3A_472, %get3A_473] {strides = array<i32>} : memref<2x64x128xf32, #tpu.memory_space<vmem>>, vector<1x1x16xf32>,
        %get3A_475 = vector.shape_cast %get3A_474 : vector<1x1x16xf32> to vector<16xf32>
        %add3A_476 = arith.addf %get3A_475, %bitcast_convert_type3A_467 : vector<16xf32>
        %max3A_477 = arith.constant 0.000000e+00 : f32
        %max3A_478 = vector.broadcast %max3A_477 : f32 to vector<16xf32>
        %max3A_479 = arith.maximumf %add3A_476, %max3A_478 : vector<16xf32>
        %swap3A_480 = arith.constant 0 : i32
        %swap3A_481 = arith.index_cast %swap3A_480 : i32 to index
        %swap3A_482 = arith.index_cast %scan3A_369 : i32 to index
        %swap3A_483 = arith.constant 32 : index
        %swap3A_484 = tpu.vector_load %arg9[%swap3A_481, %swap3A_482, %swap3A_483] {strides = array<i32>} : memref<2x64x128xf32, #tpu.memory_space<vmem>>, vector<1x1x16xf32>,
        %swap3A_485 = vector.shape_cast %swap3A_484 : vector<1x1x16xf32> to vector<16xf32>
        %swap3A_486 = vector.shape_cast %max3A_479 : vector<16xf32> to vector<1x1x16xf32>
        tpu.vector_store %arg9[%swap3A_481, %swap3A_482, %swap3A_483], %swap3A_486 {strides = array<i32>} : memref<2x64x128xf32, #tpu.memory_space<vmem>>, vector<1x1x16xf32>,
        %get3A_487 = arith.constant 0 : i32
        %get3A_488 = arith.index_cast %get3A_487 : i32 to index
        %get3A_489 = arith.index_cast %scan3A_369 : i32 to index
        %get3A_490 = arith.constant 96 : index
        %get3A_491 = tpu.vector_load %arg9[%get3A_488, %get3A_489, %get3A_490] {strides = array<i32>} : memref<2x64x128xf32, #tpu.memory_space<vmem>>, vector<1x1x16xf32>,
        %get3A_492 = vector.shape_cast %get3A_491 : vector<1x1x16xf32> to vector<16xf32>
        %add3A_493 = arith.addf %get3A_492, %bitcast_convert_type3A_469 : vector<16xf32>
        %max3A_494 = arith.constant 0.000000e+00 : f32
        %max3A_495 = vector.broadcast %max3A_494 : f32 to vector<16xf32>
        %max3A_496 = arith.maximumf %add3A_493, %max3A_495 : vector<16xf32>
        %swap3A_497 = arith.constant 0 : i32
        %swap3A_498 = arith.index_cast %swap3A_497 : i32 to index
        %swap3A_499 = arith.index_cast %scan3A_369 : i32 to index
        %swap3A_500 = arith.constant 96 : index
        %swap3A_501 = tpu.vector_load %arg9[%swap3A_498, %swap3A_499, %swap3A_500] {strides = array<i32>} : memref<2x64x128xf32, #tpu.memory_space<vmem>>, vector<1x1x16xf32>,
        %swap3A_502 = vector.shape_cast %swap3A_501 : vector<1x1x16xf32> to vector<16xf32>
        %swap3A_503 = vector.shape_cast %max3A_496 : vector<16xf32> to vector<1x1x16xf32>
        tpu.vector_store %arg9[%swap3A_498, %swap3A_499, %swap3A_500], %swap3A_503 {strides = array<i32>} : memref<2x64x128xf32, #tpu.memory_space<vmem>>, vector<1x1x16xf32>,
        %get3A_504 = arith.constant 0 : i32
        %get3A_505 = arith.index_cast %get3A_504 : i32 to index
        %get3A_506 = arith.index_cast %scan3A_369 : i32 to index
        %get3A_507 = arith.constant 48 : index
        %get3A_508 = tpu.vector_load %arg8[%get3A_505, %get3A_506, %get3A_507] {strides = array<i32>} : memref<2x64x64xi32, #tpu.memory_space<vmem>>, vector<1x1x16xi32>,
        %get3A_509 = vector.shape_cast %get3A_508 : vector<1x1x16xi32> to vector<16xi32>
        %shift_left3A_510 = arith.constant 16 : i32
        %shift_left3A_511 = vector.broadcast %shift_left3A_510 : i32 to vector<16xi32>
        %shift_left3A_512 = arith.shli %get3A_509, %shift_left3A_511 : vector<16xi32>
        %bitcast_convert_type3A_513 = tpu.bitcast %shift_left3A_512 : vector<16xi32> -> vector<16xf32>
        %and3A_514 = arith.andi %get3A_509, %broadcast_in_dim3A_238 : vector<16xi32>
        %bitcast_convert_type3A_515 = tpu.bitcast %and3A_514 : vector<16xi32> -> vector<16xf32>
        %get3A_516 = arith.constant 0 : i32
        %get3A_517 = arith.index_cast %get3A_516 : i32 to index
        %get3A_518 = arith.index_cast %scan3A_369 : i32 to index
        %get3A_519 = arith.constant 48 : index
        %get3A_520 = tpu.vector_load %arg9[%get3A_517, %get3A_518, %get3A_519] {strides = array<i32>} : memref<2x64x128xf32, #tpu.memory_space<vmem>>, vector<1x1x16xf32>,
        %get3A_521 = vector.shape_cast %get3A_520 : vector<1x1x16xf32> to vector<16xf32>
        %add3A_522 = arith.addf %get3A_521, %bitcast_convert_type3A_513 : vector<16xf32>
        %max3A_523 = arith.constant 0.000000e+00 : f32
        %max3A_524 = vector.broadcast %max3A_523 : f32 to vector<16xf32>
        %max3A_525 = arith.maximumf %add3A_522, %max3A_524 : vector<16xf32>
        %swap3A_526 = arith.constant 0 : i32
        %swap3A_527 = arith.index_cast %swap3A_526 : i32 to index
        %swap3A_528 = arith.index_cast %scan3A_369 : i32 to index
        %swap3A_529 = arith.constant 48 : index
        %swap3A_530 = tpu.vector_load %arg9[%swap3A_527, %swap3A_528, %swap3A_529] {strides = array<i32>} : memref<2x64x128xf32, #tpu.memory_space<vmem>>, vector<1x1x16xf32>,
        %swap3A_531 = vector.shape_cast %swap3A_530 : vector<1x1x16xf32> to vector<16xf32>
        %swap3A_532 = vector.shape_cast %max3A_525 : vector<16xf32> to vector<1x1x16xf32>
        tpu.vector_store %arg9[%swap3A_527, %swap3A_528, %swap3A_529], %swap3A_532 {strides = array<i32>} : memref<2x64x128xf32, #tpu.memory_space<vmem>>, vector<1x1x16xf32>,
        %get3A_533 = arith.constant 0 : i32
        %get3A_534 = arith.index_cast %get3A_533 : i32 to index
        %get3A_535 = arith.index_cast %scan3A_369 : i32 to index
        %get3A_536 = arith.constant 112 : index
        %get3A_537 = tpu.vector_load %arg9[%get3A_534, %get3A_535, %get3A_536] {strides = array<i32>} : memref<2x64x128xf32, #tpu.memory_space<vmem>>, vector<1x1x16xf32>,
        %get3A_538 = vector.shape_cast %get3A_537 : vector<1x1x16xf32> to vector<16xf32>
        %add3A_539 = arith.addf %get3A_538, %bitcast_convert_type3A_515 : vector<16xf32>
        %max3A_540 = arith.constant 0.000000e+00 : f32
        %max3A_541 = vector.broadcast %max3A_540 : f32 to vector<16xf32>
        %max3A_542 = arith.maximumf %add3A_539, %max3A_541 : vector<16xf32>
        %swap3A_543 = arith.constant 0 : i32
        %swap3A_544 = arith.index_cast %swap3A_543 : i32 to index
        %swap3A_545 = arith.index_cast %scan3A_369 : i32 to index
        %swap3A_546 = arith.constant 112 : index
        %swap3A_547 = tpu.vector_load %arg9[%swap3A_544, %swap3A_545, %swap3A_546] {strides = array<i32>} : memref<2x64x128xf32, #tpu.memory_space<vmem>>, vector<1x1x16xf32>,
        %swap3A_548 = vector.shape_cast %swap3A_547 : vector<1x1x16xf32> to vector<16xf32>
        %swap3A_549 = vector.shape_cast %max3A_542 : vector<16xf32> to vector<1x1x16xf32>
        tpu.vector_store %arg9[%swap3A_544, %swap3A_545, %swap3A_546], %swap3A_549 {strides = array<i32>} : memref<2x64x128xf32, #tpu.memory_space<vmem>>, vector<1x1x16xf32>,
      }
      %scan3A_244 = arith.constant 64 : i32
      %dma_start3A_245 = arith.constant 0 : i32
      %dma_start3A_246 = arith.constant 0 : i32
      %dma_start3A_247 = arith.constant 0 : i32
      %dma_start3A_248 = arith.constant 0 : i32
      %dma_start3A_249 = tpu.memref_slice %arg9[%dma_start3A_245, %dma_start3A_247, %dma_start3A_248] : memref<2x64x128xf32, #tpu.memory_space<vmem>> -> memref<1x64x128xf32, #tpu.memory_space<vmem>>
      %dma_start3A_250 = tpu.memref_squeeze %dma_start3A_249 : memref<1x64x128xf32, #tpu.memory_space<vmem>> -> memref<64x128xf32, #tpu.memory_space<vmem>>
      %dma_start3A_251 = arith.constant 0 : i32
      %dma_start3A_252 = tpu.memref_slice %arg7[%dma_start3A_246, %dma_start3A_251] : memref<2x64xi32, #tpu.memory_space<vmem>> -> memref<1x64xi32, #tpu.memory_space<vmem>>
      %dma_start3A_253 = tpu.memref_squeeze %dma_start3A_252 : memref<1x64xi32, #tpu.memory_space<vmem>> -> memref<64xi32, #tpu.memory_space<vmem>>
      %dma_start3A_254 = arith.constant 0 : i32
      %dma_start3A_255 = arith.constant 0 : i32
      %dma_start3A_256 = tpu.memref_slice %arg10[%dma_start3A_254, %dma_start3A_255] : memref<10240x128xf32, #tpu.memory_space<vmem_shared>> -> memref<10240x128xf32, #tpu.memory_space<vmem_shared>>
      tpu.enqueue_indirect_dma source(%dma_start3A_250 : memref<64x128xf32, #tpu.memory_space<vmem>>) target(%dma_start3A_256 : memref<10240x128xf32, #tpu.memory_space<vmem_shared>>) offsets(%dma_start3A_253 : memref<64xi32, #tpu.memory_space<vmem>>) semaphore(%arg15 : memref<!tpu.dma_semaphore, #tpu.memory_space<semaphore_mem>>) {add = true}
      %mul3A_257 = arith.constant 2 : i32
      %mul3A_258 = arith.muli %scan3A_117, %mul3A_257 : i32
      %add3A_259 = arith.constant 1 : i32
      %add3A_260 = arith.addi %mul3A_258, %add3A_259 : i32
      %add3A_261 = arith.constant 1 : i32
      %add3A_262 = arith.addi %add3A_260, %add3A_261 : i32
      %rem3A_263 = arith.constant 8 : i32
      %rem3A_264 = arith.remsi %scan3A_117, %rem3A_263 : i32
      %mul3A_265 = arith.constant 2 : i32
      %mul3A_266 = arith.muli %mul3A_265, %rem3A_264 : i32
      %add3A_267 = arith.constant 1 : i32
      %add3A_268 = arith.addi %mul3A_266, %add3A_267 : i32
      %dma_wait3A_269 = arith.constant 1 : i32
      %dma_wait3A_270 = arith.constant 0 : i32
      %dma_wait3A_271 = arith.constant 0 : i32
      %dma_wait3A_272 = tpu.memref_slice %arg8[%dma_wait3A_269, %dma_wait3A_270, %dma_wait3A_271] : memref<2x64x64xi32, #tpu.memory_space<vmem>> -> memref<1x64x64xi32, #tpu.memory_space<vmem>>
      %dma_wait3A_273 = tpu.memref_squeeze %dma_wait3A_272 : memref<1x64x64xi32, #tpu.memory_space<vmem>> -> memref<64x64xi32, #tpu.memory_space<vmem>>
      %dma_wait3A_274 = arith.constant 0 : i32
      %dma_wait3A_275 = arith.constant 0 : i32
      %dma_wait3A_276 = tpu.memref_slice %arg3[%dma_wait3A_274, %dma_wait3A_275] : memref<327680x64xi32, #tpu.memory_space<hbm>> -> memref<64x64xi32, #tpu.memory_space<hbm>>
      %dma_wait3A_277 = arith.constant 0 : i32
      %dma_wait3A_278 = arith.constant 0 : i32
      %dma_wait3A_279 = tpu.memref_slice %arg8[%dma_wait3A_269, %dma_wait3A_277, %dma_wait3A_278] : memref<2x64x64xi32, #tpu.memory_space<vmem>> -> memref<1x64x64xi32, #tpu.memory_space<vmem>>
      %dma_wait3A_280 = tpu.memref_squeeze %dma_wait3A_279 : memref<1x64x64xi32, #tpu.memory_space<vmem>> -> memref<64x64xi32, #tpu.memory_space<vmem>>
      %dma_wait3A_281 = arith.constant 0 : i32
      %dma_wait3A_282 = arith.constant 0 : i32
      %dma_wait3A_283 = tpu.memref_slice %arg3[%dma_wait3A_281, %dma_wait3A_282] : memref<327680x64xi32, #tpu.memory_space<hbm>> -> memref<64x64xi32, #tpu.memory_space<hbm>>
      tpu.wait_dma2 semaphore(%arg12 : memref<!tpu.dma_semaphore, #tpu.memory_space<semaphore_mem>>) src(%dma_wait3A_283 : memref<64x64xi32, #tpu.memory_space<hbm>>) dst(%dma_wait3A_280 : memref<64x64xi32, #tpu.memory_space<vmem>>)
      %dma_wait3A_284 = arith.constant 0 : i32
      %dma_wait3A_285 = arith.constant 0 : i32
      %dma_wait3A_286 = arith.constant 1 : i32
      %dma_wait3A_287 = arith.constant 0 : i32
      %dma_wait3A_288 = arith.constant 0 : i32
      %dma_wait3A_289 = tpu.memref_slice %arg9[%dma_wait3A_286, %dma_wait3A_287, %dma_wait3A_288] : memref<2x64x128xf32, #tpu.memory_space<vmem>> -> memref<1x64x128xf32, #tpu.memory_space<vmem>>
      %dma_wait3A_290 = tpu.memref_squeeze %dma_wait3A_289 : memref<1x64x128xf32, #tpu.memory_space<vmem>> -> memref<64x128xf32, #tpu.memory_space<vmem>>
      %dma_wait3A_291 = arith.constant 0 : i32
      %dma_wait3A_292 = tpu.memref_slice %arg6[%dma_wait3A_284, %dma_wait3A_285, %dma_wait3A_291] : memref<16x2x64xi32, #tpu.memory_space<vmem>> -> memref<1x1x64xi32, #tpu.memory_space<vmem>>
      %dma_wait3A_293 = tpu.memref_squeeze %dma_wait3A_292 : memref<1x1x64xi32, #tpu.memory_space<vmem>> -> memref<64xi32, #tpu.memory_space<vmem>>
      %dma_wait3A_294 = arith.constant 0 : i32
      %dma_wait3A_295 = arith.constant 0 : i32
      %dma_wait3A_296 = tpu.memref_slice %arg4[%dma_wait3A_294, %dma_wait3A_295] : memref<10000x128xf32, #tpu.memory_space<hbm>> -> memref<10000x128xf32, #tpu.memory_space<hbm>>
      tpu.wait_indirect_dma semaphore(%arg14 : memref<!tpu.dma_semaphore, #tpu.memory_space<semaphore_mem>>) src(%dma_wait3A_296 : memref<10000x128xf32, #tpu.memory_space<hbm>>) dst(%dma_wait3A_290 : memref<64x128xf32, #tpu.memory_space<vmem>>)
      %get3A_297 = arith.constant 1 : i32
      %get3A_298 = arith.index_cast %add3A_268 : i32 to index
      %get3A_299 = arith.index_cast %get3A_297 : i32 to index
      %get3A_300 = arith.constant 0 : index
      %get3A_301 = tpu.vector_load %arg6[%get3A_298, %get3A_299, %get3A_300] {strides = array<i32>} : memref<16x2x64xi32, #tpu.memory_space<vmem>>, vector<1x1x16xi32>,
      %get3A_302 = vector.shape_cast %get3A_301 : vector<1x1x16xi32> to vector<16xi32>
      %swap3A_303 = arith.constant 1 : i32
      %swap3A_304 = arith.index_cast %swap3A_303 : i32 to index
      %swap3A_305 = arith.constant 0 : index
      %swap3A_306 = tpu.vector_load %arg7[%swap3A_304, %swap3A_305] {strides = array<i32>} : memref<2x64xi32, #tpu.memory_space<vmem>>, vector<1x16xi32>,
      %swap3A_307 = vector.shape_cast %swap3A_306 : vector<1x16xi32> to vector<16xi32>
      %swap3A_308 = vector.shape_cast %get3A_302 : vector<16xi32> to vector<1x16xi32>
      tpu.vector_store %arg7[%swap3A_304, %swap3A_305], %swap3A_308 {strides = array<i32>} : memref<2x64xi32, #tpu.memory_space<vmem>>, vector<1x16xi32>,
      %get3A_309 = arith.constant 1 : i32
      %get3A_310 = arith.index_cast %add3A_268 : i32 to index
      %get3A_311 = arith.index_cast %get3A_309 : i32 to index
      %get3A_312 = arith.constant 16 : index
      %get3A_313 = tpu.vector_load %arg6[%get3A_310, %get3A_311, %get3A_312] {strides = array<i32>} : memref<16x2x64xi32, #tpu.memory_space<vmem>>, vector<1x1x16xi32>,
      %get3A_314 = vector.shape_cast %get3A_313 : vector<1x1x16xi32> to vector<16xi32>
      %swap3A_315 = arith.constant 1 : i32
      %swap3A_316 = arith.index_cast %swap3A_315 : i32 to index
      %swap3A_317 = arith.constant 16 : index
      %swap3A_318 = tpu.vector_load %arg7[%swap3A_316, %swap3A_317] {strides = array<i32>} : memref<2x64xi32, #tpu.memory_space<vmem>>, vector<1x16xi32>,
      %swap3A_319 = vector.shape_cast %swap3A_318 : vector<1x16xi32> to vector<16xi32>
      %swap3A_320 = vector.shape_cast %get3A_314 : vector<16xi32> to vector<1x16xi32>
      tpu.vector_store %arg7[%swap3A_316, %swap3A_317], %swap3A_320 {strides = array<i32>} : memref<2x64xi32, #tpu.memory_space<vmem>>, vector<1x16xi32>,
      %get3A_321 = arith.constant 1 : i32
      %get3A_322 = arith.index_cast %add3A_268 : i32 to index
      %get3A_323 = arith.index_cast %get3A_321 : i32 to index
      %get3A_324 = arith.constant 32 : index
      %get3A_325 = tpu.vector_load %arg6[%get3A_322, %get3A_323, %get3A_324] {strides = array<i32>} : memref<16x2x64xi32, #tpu.memory_space<vmem>>, vector<1x1x16xi32>,
      %get3A_326 = vector.shape_cast %get3A_325 : vector<1x1x16xi32> to vector<16xi32>
      %swap3A_327 = arith.constant 1 : i32
      %swap3A_328 = arith.index_cast %swap3A_327 : i32 to index
      %swap3A_329 = arith.constant 32 : index
      %swap3A_330 = tpu.vector_load %arg7[%swap3A_328, %swap3A_329] {strides = array<i32>} : memref<2x64xi32, #tpu.memory_space<vmem>>, vector<1x16xi32>,
      %swap3A_331 = vector.shape_cast %swap3A_330 : vector<1x16xi32> to vector<16xi32>
      %swap3A_332 = vector.shape_cast %get3A_326 : vector<16xi32> to vector<1x16xi32>
      tpu.vector_store %arg7[%swap3A_328, %swap3A_329], %swap3A_332 {strides = array<i32>} : memref<2x64xi32, #tpu.memory_space<vmem>>, vector<1x16xi32>,
      %get3A_333 = arith.constant 1 : i32
      %get3A_334 = arith.index_cast %add3A_268 : i32 to index
      %get3A_335 = arith.index_cast %get3A_333 : i32 to index
      %get3A_336 = arith.constant 48 : index
      %get3A_337 = tpu.vector_load %arg6[%get3A_334, %get3A_335, %get3A_336] {strides = array<i32>} : memref<16x2x64xi32, #tpu.memory_space<vmem>>, vector<1x1x16xi32>,
      %get3A_338 = vector.shape_cast %get3A_337 : vector<1x1x16xi32> to vector<16xi32>
      %swap3A_339 = arith.constant 1 : i32
      %swap3A_340 = arith.index_cast %swap3A_339 : i32 to index
      %swap3A_341 = arith.constant 48 : index
      %swap3A_342 = tpu.vector_load %arg7[%swap3A_340, %swap3A_341] {strides = array<i32>} : memref<2x64xi32, #tpu.memory_space<vmem>>, vector<1x16xi32>,
      %swap3A_343 = vector.shape_cast %swap3A_342 : vector<1x16xi32> to vector<16xi32>
      %swap3A_344 = vector.shape_cast %get3A_338 : vector<16xi32> to vector<1x16xi32>
      tpu.vector_store %arg7[%swap3A_340, %swap3A_341], %swap3A_344 {strides = array<i32>} : memref<2x64xi32, #tpu.memory_space<vmem>>, vector<1x16xi32>,
      %lt3A = arith.constant 160 : i32
      %lt3A_345 = arith.cmpi slt, %add3A_262, %lt3A : i32
      %convert_element_type3A_346 = arith.extui %lt3A_345 : i1 to i32
      %cond3A_347 = arith.constant 0 : i32
      %cond3A_348 = arith.cmpi ne, %convert_element_type3A_346, %cond3A_347 : i32
      scf.if %cond3A_348 {
        %dma_wait3A_369 = arith.constant 0 : i32
        %dma_wait3A_370 = arith.constant 0 : i32
        %dma_wait3A_371 = arith.constant 0 : i32
        %dma_wait3A_372 = arith.constant 0 : i32
        %dma_wait3A_373 = tpu.memref_slice %arg9[%dma_wait3A_369, %dma_wait3A_371, %dma_wait3A_372] : memref<2x64x128xf32, #tpu.memory_space<vmem>> -> memref<1x64x128xf32, #tpu.memory_space<vmem>>
        %dma_wait3A_374 = tpu.memref_squeeze %dma_wait3A_373 : memref<1x64x128xf32, #tpu.memory_space<vmem>> -> memref<64x128xf32, #tpu.memory_space<vmem>>
        %dma_wait3A_375 = arith.constant 0 : i32
        %dma_wait3A_376 = tpu.memref_slice %arg7[%dma_wait3A_370, %dma_wait3A_375] : memref<2x64xi32, #tpu.memory_space<vmem>> -> memref<1x64xi32, #tpu.memory_space<vmem>>
        %dma_wait3A_377 = tpu.memref_squeeze %dma_wait3A_376 : memref<1x64xi32, #tpu.memory_space<vmem>> -> memref<64xi32, #tpu.memory_space<vmem>>
        %dma_wait3A_378 = arith.constant 0 : i32
        %dma_wait3A_379 = arith.constant 0 : i32
        %dma_wait3A_380 = tpu.memref_slice %arg10[%dma_wait3A_378, %dma_wait3A_379] : memref<10240x128xf32, #tpu.memory_space<vmem_shared>> -> memref<10240x128xf32, #tpu.memory_space<vmem_shared>>
        tpu.wait_indirect_dma semaphore(%arg15 : memref<!tpu.dma_semaphore, #tpu.memory_space<semaphore_mem>>) src(%dma_wait3A_374 : memref<64x128xf32, #tpu.memory_space<vmem>>) dst(%dma_wait3A_380 : memref<10240x128xf32, #tpu.memory_space<vmem_shared>>)
        %rem3A_381 = arith.constant 16 : i32
        %rem3A_382 = arith.remsi %add3A_262, %rem3A_381 : i32
        %eq3A = arith.constant 0 : i32
        %eq3A_383 = arith.cmpi eq, %rem3A_382, %eq3A : i32
        %convert_element_type3A_384 = arith.extui %eq3A_383 : i1 to i32
        %cond3A_385 = arith.constant 0 : i32
        %cond3A_386 = arith.cmpi ne, %convert_element_type3A_384, %cond3A_385 : i32
        scf.if %cond3A_386 {
          "tpu.region"() ({
            %run_scoped3A_419 = tpu.sem_alloc : memref<!tpu.dma_semaphore, #tpu.memory_space<semaphore_mem>>
            %dma_start3A_420 = arith.constant 0 : i32
            %dma_start3A_421 = arith.constant 0 : i32
            %dma_start3A_422 = tpu.memref_slice %arg2[%add3A, %add3A_262, %dma_start3A_420, %dma_start3A_421] : memref<32x160x2x64xi32, #tpu.memory_space<hbm>> -> memref<1x16x2x64xi32, #tpu.memory_space<hbm>>
            %dma_start3A_423 = tpu.memref_squeeze %dma_start3A_422 : memref<1x16x2x64xi32, #tpu.memory_space<hbm>> -> memref<16x2x64xi32, #tpu.memory_space<hbm>>
            %dma_start3A_424 = arith.constant 0 : i32
            %dma_start3A_425 = arith.constant 0 : i32
            %dma_start3A_426 = tpu.memref_slice %arg2[%add3A, %add3A_262, %dma_start3A_424, %dma_start3A_425] : memref<32x160x2x64xi32, #tpu.memory_space<hbm>> -> memref<1x16x2x64xi32, #tpu.memory_space<hbm>>
            %dma_start3A_427 = tpu.memref_squeeze %dma_start3A_426 : memref<1x16x2x64xi32, #tpu.memory_space<hbm>> -> memref<16x2x64xi32, #tpu.memory_space<hbm>>
            tpu.enqueue_dma source(%dma_start3A_427 : memref<16x2x64xi32, #tpu.memory_space<hbm>>) target(%arg6 : memref<16x2x64xi32, #tpu.memory_space<vmem>>) target_semaphore(%run_scoped3A_419 : memref<!tpu.dma_semaphore, #tpu.memory_space<semaphore_mem>>)
            %dma_wait3A_428 = arith.constant 0 : i32
            %dma_wait3A_429 = arith.constant 0 : i32
            %dma_wait3A_430 = tpu.memref_slice %arg2[%add3A, %add3A_262, %dma_wait3A_428, %dma_wait3A_429] : memref<32x160x2x64xi32, #tpu.memory_space<hbm>> -> memref<1x16x2x64xi32, #tpu.memory_space<hbm>>
            %dma_wait3A_431 = tpu.memref_squeeze %dma_wait3A_430 : memref<1x16x2x64xi32, #tpu.memory_space<hbm>> -> memref<16x2x64xi32, #tpu.memory_space<hbm>>
            %dma_wait3A_432 = arith.constant 0 : i32
            %dma_wait3A_433 = arith.constant 0 : i32
            %dma_wait3A_434 = tpu.memref_slice %arg2[%add3A, %add3A_262, %dma_wait3A_432, %dma_wait3A_433] : memref<32x160x2x64xi32, #tpu.memory_space<hbm>> -> memref<1x16x2x64xi32, #tpu.memory_space<hbm>>
            %dma_wait3A_435 = tpu.memref_squeeze %dma_wait3A_434 : memref<1x16x2x64xi32, #tpu.memory_space<hbm>> -> memref<16x2x64xi32, #tpu.memory_space<hbm>>
            tpu.wait_dma2 semaphore(%run_scoped3A_419 : memref<!tpu.dma_semaphore, #tpu.memory_space<semaphore_mem>>) src(%dma_wait3A_435 : memref<16x2x64xi32, #tpu.memory_space<hbm>>) dst(%arg6 : memref<16x2x64xi32, #tpu.memory_space<vmem>>)
            tpu.yield
          }) : () -> ()
        } else {
        }
        %rem3A_387 = arith.constant 16 : i32
        %rem3A_388 = arith.remsi %add3A_262, %rem3A_387 : i32
        %mul3A_389 = arith.constant 10240 : i32
        %mul3A_390 = arith.muli %add3A, %mul3A_389 : i32
        %mul3A_391 = arith.constant 64 : i32
        %mul3A_392 = arith.muli %add3A_262, %mul3A_391 : i32
        %add3A_393 = arith.addi %mul3A_390, %mul3A_392 : i32
        %dma_start3A_394 = arith.constant 0 : i32
        %dma_start3A_395 = arith.constant 0 : i32
        %dma_start3A_396 = arith.constant 0 : i32
        %dma_start3A_397 = tpu.memref_slice %arg8[%dma_start3A_394, %dma_start3A_395, %dma_start3A_396] : memref<2x64x64xi32, #tpu.memory_space<vmem>> -> memref<1x64x64xi32, #tpu.memory_space<vmem>>
        %dma_start3A_398 = tpu.memref_squeeze %dma_start3A_397 : memref<1x64x64xi32, #tpu.memory_space<vmem>> -> memref<64x64xi32, #tpu.memory_space<vmem>>
        %dma_start3A_399 = arith.constant 0 : i32
        %dma_start3A_400 = tpu.memref_slice %arg3[%add3A_393, %dma_start3A_399] : memref<327680x64xi32, #tpu.memory_space<hbm>> -> memref<64x64xi32, #tpu.memory_space<hbm>>
        %dma_start3A_401 = arith.constant 0 : i32
        %dma_start3A_402 = arith.constant 0 : i32
        %dma_start3A_403 = tpu.memref_slice %arg8[%dma_start3A_394, %dma_start3A_401, %dma_start3A_402] : memref<2x64x64xi32, #tpu.memory_space<vmem>> -> memref<1x64x64xi32, #tpu.memory_space<vmem>>
        %dma_start3A_404 = tpu.memref_squeeze %dma_start3A_403 : memref<1x64x64xi32, #tpu.memory_space<vmem>> -> memref<64x64xi32, #tpu.memory_space<vmem>>
        %dma_start3A_405 = arith.constant 0 : i32
        %dma_start3A_406 = tpu.memref_slice %arg3[%add3A_393, %dma_start3A_405] : memref<327680x64xi32, #tpu.memory_space<hbm>> -> memref<64x64xi32, #tpu.memory_space<hbm>>
        tpu.enqueue_dma source(%dma_start3A_406 : memref<64x64xi32, #tpu.memory_space<hbm>>) target(%dma_start3A_404 : memref<64x64xi32, #tpu.memory_space<vmem>>) target_semaphore(%arg11 : memref<!tpu.dma_semaphore, #tpu.memory_space<semaphore_mem>>)
        %dma_start3A_407 = arith.constant 0 : i32
        %dma_start3A_408 = arith.constant 0 : i32
        %dma_start3A_409 = arith.constant 0 : i32
        %dma_start3A_410 = arith.constant 0 : i32
        %dma_start3A_411 = tpu.memref_slice %arg9[%dma_start3A_408, %dma_start3A_409, %dma_start3A_410] : memref<2x64x128xf32, #tpu.memory_space<vmem>> -> memref<1x64x128xf32, #tpu.memory_space<vmem>>
        %dma_start3A_412 = tpu.memref_squeeze %dma_start3A_411 : memref<1x64x128xf32, #tpu.memory_space<vmem>> -> memref<64x128xf32, #tpu.memory_space<vmem>>
        %dma_start3A_413 = arith.constant 0 : i32
        %dma_start3A_414 = tpu.memref_slice %arg6[%rem3A_388, %dma_start3A_407, %dma_start3A_413] : memref<16x2x64xi32, #tpu.memory_space<vmem>> -> memref<1x1x64xi32, #tpu.memory_space<vmem>>
        %dma_start3A_415 = tpu.memref_squeeze %dma_start3A_414 : memref<1x1x64xi32, #tpu.memory_space<vmem>> -> memref<64xi32, #tpu.memory_space<vmem>>
        %dma_start3A_416 = arith.constant 0 : i32
        %dma_start3A_417 = arith.constant 0 : i32
        %dma_start3A_418 = tpu.memref_slice %arg4[%dma_start3A_416, %dma_start3A_417] : memref<10000x128xf32, #tpu.memory_space<hbm>> -> memref<10000x128xf32, #tpu.memory_space<hbm>>
        tpu.enqueue_indirect_dma source(%dma_start3A_418 : memref<10000x128xf32, #tpu.memory_space<hbm>>) target(%dma_start3A_412 : memref<64x128xf32, #tpu.memory_space<vmem>>) offsets(%dma_start3A_415 : memref<64xi32, #tpu.memory_space<vmem>>) semaphore(%arg13 : memref<!tpu.dma_semaphore, #tpu.memory_space<semaphore_mem>>)
      } else {
      }
      %broadcast_in_dim3A_349 = arith.constant -65536 : i32
      %broadcast_in_dim3A_350 = vector.broadcast %broadcast_in_dim3A_349 : i32 to vector<16xi32>
      %scan3A_351 = arith.constant 0 : i32
      %scan3A_352 = arith.constant 0 : i32
      %scan3A_353 = arith.constant 64 : i32
      %scan3A_354 = arith.addi %scan3A_352, %scan3A_353 : i32
      %scan3A_355 = arith.constant 1 : i32
      scf.for %scan3A_369 = %scan3A_352 to %scan3A_354 step %scan3A_355  : i32 {
        %get3A_370 = arith.constant 1 : i32
        %get3A_371 = arith.index_cast %get3A_370 : i32 to index
        %get3A_372 = arith.index_cast %scan3A_369 : i32 to index
        %get3A_373 = arith.constant 0 : index
        %get3A_374 = tpu.vector_load %arg8[%get3A_371, %get3A_372, %get3A_373] {strides = array<i32>} : memref<2x64x64xi32, #tpu.memory_space<vmem>>, vector<1x1x16xi32>,
        %get3A_375 = vector.shape_cast %get3A_374 : vector<1x1x16xi32> to vector<16xi32>
        %shift_left3A = arith.constant 16 : i32
        %shift_left3A_376 = vector.broadcast %shift_left3A : i32 to vector<16xi32>
        %shift_left3A_377 = arith.shli %get3A_375, %shift_left3A_376 : vector<16xi32>
        %bitcast_convert_type3A = tpu.bitcast %shift_left3A_377 : vector<16xi32> -> vector<16xf32>
        %and3A = arith.andi %get3A_375, %broadcast_in_dim3A_350 : vector<16xi32>
        %bitcast_convert_type3A_378 = tpu.bitcast %and3A : vector<16xi32> -> vector<16xf32>
        %get3A_379 = arith.constant 1 : i32
        %get3A_380 = arith.index_cast %get3A_379 : i32 to index
        %get3A_381 = arith.index_cast %scan3A_369 : i32 to index
        %get3A_382 = arith.constant 0 : index
        %get3A_383 = tpu.vector_load %arg9[%get3A_380, %get3A_381, %get3A_382] {strides = array<i32>} : memref<2x64x128xf32, #tpu.memory_space<vmem>>, vector<1x1x16xf32>,
        %get3A_384 = vector.shape_cast %get3A_383 : vector<1x1x16xf32> to vector<16xf32>
        %add3A_385 = arith.addf %get3A_384, %bitcast_convert_type3A : vector<16xf32>
        %max3A = arith.constant 0.000000e+00 : f32
        %max3A_386 = vector.broadcast %max3A : f32 to vector<16xf32>
        %max3A_387 = arith.maximumf %add3A_385, %max3A_386 : vector<16xf32>
        %swap3A_388 = arith.constant 1 : i32
        %swap3A_389 = arith.index_cast %swap3A_388 : i32 to index
        %swap3A_390 = arith.index_cast %scan3A_369 : i32 to index
        %swap3A_391 = arith.constant 0 : index
        %swap3A_392 = tpu.vector_load %arg9[%swap3A_389, %swap3A_390, %swap3A_391] {strides = array<i32>} : memref<2x64x128xf32, #tpu.memory_space<vmem>>, vector<1x1x16xf32>,
        %swap3A_393 = vector.shape_cast %swap3A_392 : vector<1x1x16xf32> to vector<16xf32>
        %swap3A_394 = vector.shape_cast %max3A_387 : vector<16xf32> to vector<1x1x16xf32>
        tpu.vector_store %arg9[%swap3A_389, %swap3A_390, %swap3A_391], %swap3A_394 {strides = array<i32>} : memref<2x64x128xf32, #tpu.memory_space<vmem>>, vector<1x1x16xf32>,
        %get3A_395 = arith.constant 1 : i32
        %get3A_396 = arith.index_cast %get3A_395 : i32 to index
        %get3A_397 = arith.index_cast %scan3A_369 : i32 to index
        %get3A_398 = arith.constant 64 : index
        %get3A_399 = tpu.vector_load %arg9[%get3A_396, %get3A_397, %get3A_398] {strides = array<i32>} : memref<2x64x128xf32, #tpu.memory_space<vmem>>, vector<1x1x16xf32>,
        %get3A_400 = vector.shape_cast %get3A_399 : vector<1x1x16xf32> to vector<16xf32>
        %add3A_401 = arith.addf %get3A_400, %bitcast_convert_type3A_378 : vector<16xf32>
        %max3A_402 = arith.constant 0.000000e+00 : f32
        %max3A_403 = vector.broadcast %max3A_402 : f32 to vector<16xf32>
        %max3A_404 = arith.maximumf %add3A_401, %max3A_403 : vector<16xf32>
        %swap3A_405 = arith.constant 1 : i32
        %swap3A_406 = arith.index_cast %swap3A_405 : i32 to index
        %swap3A_407 = arith.index_cast %scan3A_369 : i32 to index
        %swap3A_408 = arith.constant 64 : index
        %swap3A_409 = tpu.vector_load %arg9[%swap3A_406, %swap3A_407, %swap3A_408] {strides = array<i32>} : memref<2x64x128xf32, #tpu.memory_space<vmem>>, vector<1x1x16xf32>,
        %swap3A_410 = vector.shape_cast %swap3A_409 : vector<1x1x16xf32> to vector<16xf32>
        %swap3A_411 = vector.shape_cast %max3A_404 : vector<16xf32> to vector<1x1x16xf32>
        tpu.vector_store %arg9[%swap3A_406, %swap3A_407, %swap3A_408], %swap3A_411 {strides = array<i32>} : memref<2x64x128xf32, #tpu.memory_space<vmem>>, vector<1x1x16xf32>,
        %get3A_412 = arith.constant 1 : i32
        %get3A_413 = arith.index_cast %get3A_412 : i32 to index
        %get3A_414 = arith.index_cast %scan3A_369 : i32 to index
        %get3A_415 = arith.constant 16 : index
        %get3A_416 = tpu.vector_load %arg8[%get3A_413, %get3A_414, %get3A_415] {strides = array<i32>} : memref<2x64x64xi32, #tpu.memory_space<vmem>>, vector<1x1x16xi32>,
        %get3A_417 = vector.shape_cast %get3A_416 : vector<1x1x16xi32> to vector<16xi32>
        %shift_left3A_418 = arith.constant 16 : i32
        %shift_left3A_419 = vector.broadcast %shift_left3A_418 : i32 to vector<16xi32>
        %shift_left3A_420 = arith.shli %get3A_417, %shift_left3A_419 : vector<16xi32>
        %bitcast_convert_type3A_421 = tpu.bitcast %shift_left3A_420 : vector<16xi32> -> vector<16xf32>
        %and3A_422 = arith.andi %get3A_417, %broadcast_in_dim3A_350 : vector<16xi32>
        %bitcast_convert_type3A_423 = tpu.bitcast %and3A_422 : vector<16xi32> -> vector<16xf32>
        %get3A_424 = arith.constant 1 : i32
        %get3A_425 = arith.index_cast %get3A_424 : i32 to index
        %get3A_426 = arith.index_cast %scan3A_369 : i32 to index
        %get3A_427 = arith.constant 16 : index
        %get3A_428 = tpu.vector_load %arg9[%get3A_425, %get3A_426, %get3A_427] {strides = array<i32>} : memref<2x64x128xf32, #tpu.memory_space<vmem>>, vector<1x1x16xf32>,
        %get3A_429 = vector.shape_cast %get3A_428 : vector<1x1x16xf32> to vector<16xf32>
        %add3A_430 = arith.addf %get3A_429, %bitcast_convert_type3A_421 : vector<16xf32>
        %max3A_431 = arith.constant 0.000000e+00 : f32
        %max3A_432 = vector.broadcast %max3A_431 : f32 to vector<16xf32>
        %max3A_433 = arith.maximumf %add3A_430, %max3A_432 : vector<16xf32>
        %swap3A_434 = arith.constant 1 : i32
        %swap3A_435 = arith.index_cast %swap3A_434 : i32 to index
        %swap3A_436 = arith.index_cast %scan3A_369 : i32 to index
        %swap3A_437 = arith.constant 16 : index
        %swap3A_438 = tpu.vector_load %arg9[%swap3A_435, %swap3A_436, %swap3A_437] {strides = array<i32>} : memref<2x64x128xf32, #tpu.memory_space<vmem>>, vector<1x1x16xf32>,
        %swap3A_439 = vector.shape_cast %swap3A_438 : vector<1x1x16xf32> to vector<16xf32>
        %swap3A_440 = vector.shape_cast %max3A_433 : vector<16xf32> to vector<1x1x16xf32>
        tpu.vector_store %arg9[%swap3A_435, %swap3A_436, %swap3A_437], %swap3A_440 {strides = array<i32>} : memref<2x64x128xf32, #tpu.memory_space<vmem>>, vector<1x1x16xf32>,
        %get3A_441 = arith.constant 1 : i32
        %get3A_442 = arith.index_cast %get3A_441 : i32 to index
        %get3A_443 = arith.index_cast %scan3A_369 : i32 to index
        %get3A_444 = arith.constant 80 : index
        %get3A_445 = tpu.vector_load %arg9[%get3A_442, %get3A_443, %get3A_444] {strides = array<i32>} : memref<2x64x128xf32, #tpu.memory_space<vmem>>, vector<1x1x16xf32>,
        %get3A_446 = vector.shape_cast %get3A_445 : vector<1x1x16xf32> to vector<16xf32>
        %add3A_447 = arith.addf %get3A_446, %bitcast_convert_type3A_423 : vector<16xf32>
        %max3A_448 = arith.constant 0.000000e+00 : f32
        %max3A_449 = vector.broadcast %max3A_448 : f32 to vector<16xf32>
        %max3A_450 = arith.maximumf %add3A_447, %max3A_449 : vector<16xf32>
        %swap3A_451 = arith.constant 1 : i32
        %swap3A_452 = arith.index_cast %swap3A_451 : i32 to index
        %swap3A_453 = arith.index_cast %scan3A_369 : i32 to index
        %swap3A_454 = arith.constant 80 : index
        %swap3A_455 = tpu.vector_load %arg9[%swap3A_452, %swap3A_453, %swap3A_454] {strides = array<i32>} : memref<2x64x128xf32, #tpu.memory_space<vmem>>, vector<1x1x16xf32>,
        %swap3A_456 = vector.shape_cast %swap3A_455 : vector<1x1x16xf32> to vector<16xf32>
        %swap3A_457 = vector.shape_cast %max3A_450 : vector<16xf32> to vector<1x1x16xf32>
        tpu.vector_store %arg9[%swap3A_452, %swap3A_453, %swap3A_454], %swap3A_457 {strides = array<i32>} : memref<2x64x128xf32, #tpu.memory_space<vmem>>, vector<1x1x16xf32>,
        %get3A_458 = arith.constant 1 : i32
        %get3A_459 = arith.index_cast %get3A_458 : i32 to index
        %get3A_460 = arith.index_cast %scan3A_369 : i32 to index
        %get3A_461 = arith.constant 32 : index
        %get3A_462 = tpu.vector_load %arg8[%get3A_459, %get3A_460, %get3A_461] {strides = array<i32>} : memref<2x64x64xi32, #tpu.memory_space<vmem>>, vector<1x1x16xi32>,
        %get3A_463 = vector.shape_cast %get3A_462 : vector<1x1x16xi32> to vector<16xi32>
        %shift_left3A_464 = arith.constant 16 : i32
        %shift_left3A_465 = vector.broadcast %shift_left3A_464 : i32 to vector<16xi32>
        %shift_left3A_466 = arith.shli %get3A_463, %shift_left3A_465 : vector<16xi32>
        %bitcast_convert_type3A_467 = tpu.bitcast %shift_left3A_466 : vector<16xi32> -> vector<16xf32>
        %and3A_468 = arith.andi %get3A_463, %broadcast_in_dim3A_350 : vector<16xi32>
        %bitcast_convert_type3A_469 = tpu.bitcast %and3A_468 : vector<16xi32> -> vector<16xf32>
        %get3A_470 = arith.constant 1 : i32
        %get3A_471 = arith.index_cast %get3A_470 : i32 to index
        %get3A_472 = arith.index_cast %scan3A_369 : i32 to index
        %get3A_473 = arith.constant 32 : index
        %get3A_474 = tpu.vector_load %arg9[%get3A_471, %get3A_472, %get3A_473] {strides = array<i32>} : memref<2x64x128xf32, #tpu.memory_space<vmem>>, vector<1x1x16xf32>,
        %get3A_475 = vector.shape_cast %get3A_474 : vector<1x1x16xf32> to vector<16xf32>
        %add3A_476 = arith.addf %get3A_475, %bitcast_convert_type3A_467 : vector<16xf32>
        %max3A_477 = arith.constant 0.000000e+00 : f32
        %max3A_478 = vector.broadcast %max3A_477 : f32 to vector<16xf32>
        %max3A_479 = arith.maximumf %add3A_476, %max3A_478 : vector<16xf32>
        %swap3A_480 = arith.constant 1 : i32
        %swap3A_481 = arith.index_cast %swap3A_480 : i32 to index
        %swap3A_482 = arith.index_cast %scan3A_369 : i32 to index
        %swap3A_483 = arith.constant 32 : index
        %swap3A_484 = tpu.vector_load %arg9[%swap3A_481, %swap3A_482, %swap3A_483] {strides = array<i32>} : memref<2x64x128xf32, #tpu.memory_space<vmem>>, vector<1x1x16xf32>,
        %swap3A_485 = vector.shape_cast %swap3A_484 : vector<1x1x16xf32> to vector<16xf32>
        %swap3A_486 = vector.shape_cast %max3A_479 : vector<16xf32> to vector<1x1x16xf32>
        tpu.vector_store %arg9[%swap3A_481, %swap3A_482, %swap3A_483], %swap3A_486 {strides = array<i32>} : memref<2x64x128xf32, #tpu.memory_space<vmem>>, vector<1x1x16xf32>,
        %get3A_487 = arith.constant 1 : i32
        %get3A_488 = arith.index_cast %get3A_487 : i32 to index
        %get3A_489 = arith.index_cast %scan3A_369 : i32 to index
        %get3A_490 = arith.constant 96 : index
        %get3A_491 = tpu.vector_load %arg9[%get3A_488, %get3A_489, %get3A_490] {strides = array<i32>} : memref<2x64x128xf32, #tpu.memory_space<vmem>>, vector<1x1x16xf32>,
        %get3A_492 = vector.shape_cast %get3A_491 : vector<1x1x16xf32> to vector<16xf32>
        %add3A_493 = arith.addf %get3A_492, %bitcast_convert_type3A_469 : vector<16xf32>
        %max3A_494 = arith.constant 0.000000e+00 : f32
        %max3A_495 = vector.broadcast %max3A_494 : f32 to vector<16xf32>
        %max3A_496 = arith.maximumf %add3A_493, %max3A_495 : vector<16xf32>
        %swap3A_497 = arith.constant 1 : i32
        %swap3A_498 = arith.index_cast %swap3A_497 : i32 to index
        %swap3A_499 = arith.index_cast %scan3A_369 : i32 to index
        %swap3A_500 = arith.constant 96 : index
        %swap3A_501 = tpu.vector_load %arg9[%swap3A_498, %swap3A_499, %swap3A_500] {strides = array<i32>} : memref<2x64x128xf32, #tpu.memory_space<vmem>>, vector<1x1x16xf32>,
        %swap3A_502 = vector.shape_cast %swap3A_501 : vector<1x1x16xf32> to vector<16xf32>
        %swap3A_503 = vector.shape_cast %max3A_496 : vector<16xf32> to vector<1x1x16xf32>
        tpu.vector_store %arg9[%swap3A_498, %swap3A_499, %swap3A_500], %swap3A_503 {strides = array<i32>} : memref<2x64x128xf32, #tpu.memory_space<vmem>>, vector<1x1x16xf32>,
        %get3A_504 = arith.constant 1 : i32
        %get3A_505 = arith.index_cast %get3A_504 : i32 to index
        %get3A_506 = arith.index_cast %scan3A_369 : i32 to index
        %get3A_507 = arith.constant 48 : index
        %get3A_508 = tpu.vector_load %arg8[%get3A_505, %get3A_506, %get3A_507] {strides = array<i32>} : memref<2x64x64xi32, #tpu.memory_space<vmem>>, vector<1x1x16xi32>,
        %get3A_509 = vector.shape_cast %get3A_508 : vector<1x1x16xi32> to vector<16xi32>
        %shift_left3A_510 = arith.constant 16 : i32
        %shift_left3A_511 = vector.broadcast %shift_left3A_510 : i32 to vector<16xi32>
        %shift_left3A_512 = arith.shli %get3A_509, %shift_left3A_511 : vector<16xi32>
        %bitcast_convert_type3A_513 = tpu.bitcast %shift_left3A_512 : vector<16xi32> -> vector<16xf32>
        %and3A_514 = arith.andi %get3A_509, %broadcast_in_dim3A_350 : vector<16xi32>
        %bitcast_convert_type3A_515 = tpu.bitcast %and3A_514 : vector<16xi32> -> vector<16xf32>
        %get3A_516 = arith.constant 1 : i32
        %get3A_517 = arith.index_cast %get3A_516 : i32 to index
        %get3A_518 = arith.index_cast %scan3A_369 : i32 to index
        %get3A_519 = arith.constant 48 : index
        %get3A_520 = tpu.vector_load %arg9[%get3A_517, %get3A_518, %get3A_519] {strides = array<i32>} : memref<2x64x128xf32, #tpu.memory_space<vmem>>, vector<1x1x16xf32>,
        %get3A_521 = vector.shape_cast %get3A_520 : vector<1x1x16xf32> to vector<16xf32>
        %add3A_522 = arith.addf %get3A_521, %bitcast_convert_type3A_513 : vector<16xf32>
        %max3A_523 = arith.constant 0.000000e+00 : f32
        %max3A_524 = vector.broadcast %max3A_523 : f32 to vector<16xf32>
        %max3A_525 = arith.maximumf %add3A_522, %max3A_524 : vector<16xf32>
        %swap3A_526 = arith.constant 1 : i32
        %swap3A_527 = arith.index_cast %swap3A_526 : i32 to index
        %swap3A_528 = arith.index_cast %scan3A_369 : i32 to index
        %swap3A_529 = arith.constant 48 : index
        %swap3A_530 = tpu.vector_load %arg9[%swap3A_527, %swap3A_528, %swap3A_529] {strides = array<i32>} : memref<2x64x128xf32, #tpu.memory_space<vmem>>, vector<1x1x16xf32>,
        %swap3A_531 = vector.shape_cast %swap3A_530 : vector<1x1x16xf32> to vector<16xf32>
        %swap3A_532 = vector.shape_cast %max3A_525 : vector<16xf32> to vector<1x1x16xf32>
        tpu.vector_store %arg9[%swap3A_527, %swap3A_528, %swap3A_529], %swap3A_532 {strides = array<i32>} : memref<2x64x128xf32, #tpu.memory_space<vmem>>, vector<1x1x16xf32>,
        %get3A_533 = arith.constant 1 : i32
        %get3A_534 = arith.index_cast %get3A_533 : i32 to index
        %get3A_535 = arith.index_cast %scan3A_369 : i32 to index
        %get3A_536 = arith.constant 112 : index
        %get3A_537 = tpu.vector_load %arg9[%get3A_534, %get3A_535, %get3A_536] {strides = array<i32>} : memref<2x64x128xf32, #tpu.memory_space<vmem>>, vector<1x1x16xf32>,
        %get3A_538 = vector.shape_cast %get3A_537 : vector<1x1x16xf32> to vector<16xf32>
        %add3A_539 = arith.addf %get3A_538, %bitcast_convert_type3A_515 : vector<16xf32>
        %max3A_540 = arith.constant 0.000000e+00 : f32
        %max3A_541 = vector.broadcast %max3A_540 : f32 to vector<16xf32>
        %max3A_542 = arith.maximumf %add3A_539, %max3A_541 : vector<16xf32>
        %swap3A_543 = arith.constant 1 : i32
        %swap3A_544 = arith.index_cast %swap3A_543 : i32 to index
        %swap3A_545 = arith.index_cast %scan3A_369 : i32 to index
        %swap3A_546 = arith.constant 112 : index
        %swap3A_547 = tpu.vector_load %arg9[%swap3A_544, %swap3A_545, %swap3A_546] {strides = array<i32>} : memref<2x64x128xf32, #tpu.memory_space<vmem>>, vector<1x1x16xf32>,
        %swap3A_548 = vector.shape_cast %swap3A_547 : vector<1x1x16xf32> to vector<16xf32>
        %swap3A_549 = vector.shape_cast %max3A_542 : vector<16xf32> to vector<1x1x16xf32>
        tpu.vector_store %arg9[%swap3A_544, %swap3A_545, %swap3A_546], %swap3A_549 {strides = array<i32>} : memref<2x64x128xf32, #tpu.memory_space<vmem>>, vector<1x1x16xf32>,
      }
      %scan3A_356 = arith.constant 64 : i32
      %dma_start3A_357 = arith.constant 1 : i32
      %dma_start3A_358 = arith.constant 1 : i32
      %dma_start3A_359 = arith.constant 0 : i32
      %dma_start3A_360 = arith.constant 0 : i32
      %dma_start3A_361 = tpu.memref_slice %arg9[%dma_start3A_357, %dma_start3A_359, %dma_start3A_360] : memref<2x64x128xf32, #tpu.memory_space<vmem>> -> memref<1x64x128xf32, #tpu.memory_space<vmem>>
      %dma_start3A_362 = tpu.memref_squeeze %dma_start3A_361 : memref<1x64x128xf32, #tpu.memory_space<vmem>> -> memref<64x128xf32, #tpu.memory_space<vmem>>
      %dma_start3A_363 = arith.constant 0 : i32
      %dma_start3A_364 = tpu.memref_slice %arg7[%dma_start3A_358, %dma_start3A_363] : memref<2x64xi32, #tpu.memory_space<vmem>> -> memref<1x64xi32, #tpu.memory_space<vmem>>
      %dma_start3A_365 = tpu.memref_squeeze %dma_start3A_364 : memref<1x64xi32, #tpu.memory_space<vmem>> -> memref<64xi32, #tpu.memory_space<vmem>>
      %dma_start3A_366 = arith.constant 0 : i32
      %dma_start3A_367 = arith.constant 0 : i32
      %dma_start3A_368 = tpu.memref_slice %arg10[%dma_start3A_366, %dma_start3A_367] : memref<10240x128xf32, #tpu.memory_space<vmem_shared>> -> memref<10240x128xf32, #tpu.memory_space<vmem_shared>>
      tpu.enqueue_indirect_dma source(%dma_start3A_362 : memref<64x128xf32, #tpu.memory_space<vmem>>) target(%dma_start3A_368 : memref<10240x128xf32, #tpu.memory_space<vmem_shared>>) offsets(%dma_start3A_365 : memref<64xi32, #tpu.memory_space<vmem>>) semaphore(%arg16 : memref<!tpu.dma_semaphore, #tpu.memory_space<semaphore_mem>>) {add = true}
    }
    %scan3A_88 = arith.constant 80 : i32
    %dma_wait3A = arith.constant 0 : i32
    %dma_wait3A_89 = arith.constant 0 : i32
    %dma_wait3A_90 = arith.constant 0 : i32
    %dma_wait3A_91 = arith.constant 0 : i32
    %dma_wait3A_92 = tpu.memref_slice %arg9[%dma_wait3A, %dma_wait3A_90, %dma_wait3A_91] : memref<2x64x128xf32, #tpu.memory_space<vmem>> -> memref<1x64x128xf32, #tpu.memory_space<vmem>>
    %dma_wait3A_93 = tpu.memref_squeeze %dma_wait3A_92 : memref<1x64x128xf32, #tpu.memory_space<vmem>> -> memref<64x128xf32, #tpu.memory_space<vmem>>
    %dma_wait3A_94 = arith.constant 0 : i32
    %dma_wait3A_95 = tpu.memref_slice %arg7[%dma_wait3A_89, %dma_wait3A_94] : memref<2x64xi32, #tpu.memory_space<vmem>> -> memref<1x64xi32, #tpu.memory_space<vmem>>
    %dma_wait3A_96 = tpu.memref_squeeze %dma_wait3A_95 : memref<1x64xi32, #tpu.memory_space<vmem>> -> memref<64xi32, #tpu.memory_space<vmem>>
    %dma_wait3A_97 = arith.constant 0 : i32
    %dma_wait3A_98 = arith.constant 0 : i32
    %dma_wait3A_99 = tpu.memref_slice %arg10[%dma_wait3A_97, %dma_wait3A_98] : memref<10240x128xf32, #tpu.memory_space<vmem_shared>> -> memref<10240x128xf32, #tpu.memory_space<vmem_shared>>
    tpu.wait_indirect_dma semaphore(%arg15 : memref<!tpu.dma_semaphore, #tpu.memory_space<semaphore_mem>>) src(%dma_wait3A_93 : memref<64x128xf32, #tpu.memory_space<vmem>>) dst(%dma_wait3A_99 : memref<10240x128xf32, #tpu.memory_space<vmem_shared>>)
    %dma_wait3A_100 = arith.constant 1 : i32
    %dma_wait3A_101 = arith.constant 1 : i32
    %dma_wait3A_102 = arith.constant 0 : i32
    %dma_wait3A_103 = arith.constant 0 : i32
    %dma_wait3A_104 = tpu.memref_slice %arg9[%dma_wait3A_100, %dma_wait3A_102, %dma_wait3A_103] : memref<2x64x128xf32, #tpu.memory_space<vmem>> -> memref<1x64x128xf32, #tpu.memory_space<vmem>>
    %dma_wait3A_105 = tpu.memref_squeeze %dma_wait3A_104 : memref<1x64x128xf32, #tpu.memory_space<vmem>> -> memref<64x128xf32, #tpu.memory_space<vmem>>
    %dma_wait3A_106 = arith.constant 0 : i32
    %dma_wait3A_107 = tpu.memref_slice %arg7[%dma_wait3A_101, %dma_wait3A_106] : memref<2x64xi32, #tpu.memory_space<vmem>> -> memref<1x64xi32, #tpu.memory_space<vmem>>
    %dma_wait3A_108 = tpu.memref_squeeze %dma_wait3A_107 : memref<1x64xi32, #tpu.memory_space<vmem>> -> memref<64xi32, #tpu.memory_space<vmem>>
    %dma_wait3A_109 = arith.constant 0 : i32
    %dma_wait3A_110 = arith.constant 0 : i32
    %dma_wait3A_111 = tpu.memref_slice %arg10[%dma_wait3A_109, %dma_wait3A_110] : memref<10240x128xf32, #tpu.memory_space<vmem_shared>> -> memref<10240x128xf32, #tpu.memory_space<vmem_shared>>
    tpu.wait_indirect_dma semaphore(%arg16 : memref<!tpu.dma_semaphore, #tpu.memory_space<semaphore_mem>>) src(%dma_wait3A_105 : memref<64x128xf32, #tpu.memory_space<vmem>>) dst(%dma_wait3A_111 : memref<10240x128xf32, #tpu.memory_space<vmem_shared>>)
    %barrier3A_112 = arith.constant 0 : index
    tpu.barrier barrier_id(%barrier3A_112)
    %mul3A_113 = arith.constant 640 : i32
    %mul3A_114 = arith.muli %arg1, %mul3A_113 : i32
    %mul3A_115 = arith.constant 640 : i32
    %mul3A_116 = arith.muli %arg1, %mul3A_115 : i32
    "tpu.region"() ({
      %run_scoped3A_117 = tpu.sem_alloc : memref<!tpu.dma_semaphore, #tpu.memory_space<semaphore_mem>>
      %dma_start3A_118 = arith.constant 0 : i32
      %dma_start3A_119 = tpu.memref_slice %arg5[%arg0, %mul3A_116, %dma_start3A_118] : memref<2x10240x128xf32, #tpu.memory_space<hbm>> -> memref<1x640x128xf32, #tpu.memory_space<hbm>>
      %dma_start3A_120 = tpu.memref_squeeze %dma_start3A_119 : memref<1x640x128xf32, #tpu.memory_space<hbm>> -> memref<640x128xf32, #tpu.memory_space<hbm>>
      %dma_start3A_121 = arith.constant 0 : i32
      %dma_start3A_122 = tpu.memref_slice %arg10[%mul3A_114, %dma_start3A_121] : memref<10240x128xf32, #tpu.memory_space<vmem_shared>> -> memref<640x128xf32, #tpu.memory_space<vmem_shared>>
      tpu.enqueue_dma source(%dma_start3A_122 : memref<640x128xf32, #tpu.memory_space<vmem_shared>>) target(%dma_start3A_120 : memref<640x128xf32, #tpu.memory_space<hbm>>) target_semaphore(%run_scoped3A_117 : memref<!tpu.dma_semaphore, #tpu.memory_space<semaphore_mem>>)
      %dma_wait3A_123 = arith.constant 0 : i32
      %dma_wait3A_124 = tpu.memref_slice %arg5[%arg0, %mul3A_116, %dma_wait3A_123] : memref<2x10240x128xf32, #tpu.memory_space<hbm>> -> memref<1x640x128xf32, #tpu.memory_space<hbm>>
      %dma_wait3A_125 = tpu.memref_squeeze %dma_wait3A_124 : memref<1x640x128xf32, #tpu.memory_space<hbm>> -> memref<640x128xf32, #tpu.memory_space<hbm>>
      %dma_wait3A_126 = arith.constant 0 : i32
      %dma_wait3A_127 = tpu.memref_slice %arg10[%mul3A_114, %dma_wait3A_126] : memref<10240x128xf32, #tpu.memory_space<vmem_shared>> -> memref<640x128xf32, #tpu.memory_space<vmem_shared>>
      tpu.wait_dma2 semaphore(%run_scoped3A_117 : memref<!tpu.dma_semaphore, #tpu.memory_space<semaphore_mem>>) src(%dma_wait3A_127 : memref<640x128xf32, #tpu.memory_space<vmem_shared>>) dst(%dma_wait3A_125 : memref<640x128xf32, #tpu.memory_space<hbm>>)
      tpu.yield
    }) : () -> ()
    return
  }
}

#map = affine_map<(d0, d1) -> (0, 0, 0, 0)>
#map1 = affine_map<(d0, d1) -> (0, 0)>
#map2 = affine_map<(d0, d1) -> (0, 0, 0)>
module attributes {stable_mosaic.version = 14 : i64} {
  func.func @k(%arg0: i32, %arg1: i32, %arg2: memref<32x160x2x64xi32, #tpu.memory_space<hbm>>, %arg3: memref<327680x64xi32, #tpu.memory_space<hbm>>, %arg4: memref<10000x128xf32, #tpu.memory_space<hbm>>, %arg5: memref<2x10240x128xf32, #tpu.memory_space<hbm>>, %arg6: memref<16x2x64xi32, #tpu.memory_space<vmem>>, %arg7: memref<2x64xi32, #tpu.memory_space<vmem>>, %arg8: memref<2x64x64xi32, #tpu.memory_space<vmem>>, %arg9: memref<2x64x128xf32, #tpu.memory_space<vmem>>, %arg10: memref<10240x128xf32, #tpu.memory_space<vmem_shared>>, %arg11: memref<!tpu.dma_semaphore, #tpu.memory_space<semaphore_mem>>, %arg12: memref<!tpu.dma_semaphore, #tpu.memory_space<semaphore_mem>>, %arg13: memref<!tpu.dma_semaphore, #tpu.memory_space<semaphore_mem>>, %arg14: memref<!tpu.dma_semaphore, #tpu.memory_space<semaphore_mem>>, %arg15: memref<!tpu.dma_semaphore, #tpu.memory_space<semaphore_mem>>, %arg16: memref<!tpu.dma_semaphore, #tpu.memory_space<semaphore_mem>>) attributes {dimension_semantics = [#tpu.dimension_semantics<core_parallel>, #tpu.dimension_semantics<subcore_parallel>], iteration_bounds = array<i64: 2, 16>, scalar_prefetch = 0 : i64, scratch_operands = 11 : i64, tpu.core_type = #tpu.core_type<sc_vector_subcore>, window_params = [{transform_indices = #map}, {transform_indices = #map1}, {transform_indices = #map1}, {transform_indices = #map2}]} {
    %mul3A = arith.constant 2 : i32
    %mul3A_0 = arith.muli %arg1, %mul3A : i32
    %add3A = arith.addi %mul3A_0, %arg0 : i32
    %broadcast_in_dim3A = arith.constant 0.000000e+00 : f32
    %broadcast_in_dim3A_1 = vector.broadcast %broadcast_in_dim3A : f32 to vector<16xf32>
    %scan3A = arith.constant 0 : i32
    %scan3A_2 = arith.constant 0 : i32
    %scan3A_3 = arith.constant 64 : i32
    %scan3A_4 = arith.addi %scan3A_2, %scan3A_3 : i32
    %scan3A_5 = arith.constant 1 : i32
    scf.for %scan3A_117 = %scan3A_2 to %scan3A_4 step %scan3A_5  : i32 {
      %swap3A = arith.constant 0 : i32
      %swap3A_118 = arith.index_cast %swap3A : i32 to index
      %swap3A_119 = arith.index_cast %scan3A_117 : i32 to index
      %swap3A_120 = arith.constant 0 : index
      %swap3A_121 = tpu.vector_load %arg9[%swap3A_118, %swap3A_119, %swap3A_120] {strides = array<i32>} : memref<2x64x128xf32, #tpu.memory_space<vmem>>, vector<1x1x16xf32>,
      %swap3A_122 = vector.shape_cast %swap3A_121 : vector<1x1x16xf32> to vector<16xf32>
      %swap3A_123 = vector.shape_cast %broadcast_in_dim3A_1 : vector<16xf32> to vector<1x1x16xf32>
      tpu.vector_store %arg9[%swap3A_118, %swap3A_119, %swap3A_120], %swap3A_123 {strides = array<i32>} : memref<2x64x128xf32, #tpu.memory_space<vmem>>, vector<1x1x16xf32>,
      %swap3A_124 = arith.constant 0 : i32
      %swap3A_125 = arith.index_cast %swap3A_124 : i32 to index
      %swap3A_126 = arith.index_cast %scan3A_117 : i32 to index
      %swap3A_127 = arith.constant 16 : index
      %swap3A_128 = tpu.vector_load %arg9[%swap3A_125, %swap3A_126, %swap3A_127] {strides = array<i32>} : memref<2x64x128xf32, #tpu.memory_space<vmem>>, vector<1x1x16xf32>,
      %swap3A_129 = vector.shape_cast %swap3A_128 : vector<1x1x16xf32> to vector<16xf32>
      %swap3A_130 = vector.shape_cast %broadcast_in_dim3A_1 : vector<16xf32> to vector<1x1x16xf32>
      tpu.vector_store %arg9[%swap3A_125, %swap3A_126, %swap3A_127], %swap3A_130 {strides = array<i32>} : memref<2x64x128xf32, #tpu.memory_space<vmem>>, vector<1x1x16xf32>,
      %swap3A_131 = arith.constant 0 : i32
      %swap3A_132 = arith.index_cast %swap3A_131 : i32 to index
      %swap3A_133 = arith.index_cast %scan3A_117 : i32 to index
      %swap3A_134 = arith.constant 32 : index
      %swap3A_135 = tpu.vector_load %arg9[%swap3A_132, %swap3A_133, %swap3A_134] {strides = array<i32>} : memref<2x64x128xf32, #tpu.memory_space<vmem>>, vector<1x1x16xf32>,
      %swap3A_136 = vector.shape_cast %swap3A_135 : vector<1x1x16xf32> to vector<16xf32>
      %swap3A_137 = vector.shape_cast %broadcast_in_dim3A_1 : vector<16xf32> to vector<1x1x16xf32>
      tpu.vector_store %arg9[%swap3A_132, %swap3A_133, %swap3A_134], %swap3A_137 {strides = array<i32>} : memref<2x64x128xf32, #tpu.memory_space<vmem>>, vector<1x1x16xf32>,
      %swap3A_138 = arith.constant 0 : i32
      %swap3A_139 = arith.index_cast %swap3A_138 : i32 to index
      %swap3A_140 = arith.index_cast %scan3A_117 : i32 to index
      %swap3A_141 = arith.constant 48 : index
      %swap3A_142 = tpu.vector_load %arg9[%swap3A_139, %swap3A_140, %swap3A_141] {strides = array<i32>} : memref<2x64x128xf32, #tpu.memory_space<vmem>>, vector<1x1x16xf32>,
      %swap3A_143 = vector.shape_cast %swap3A_142 : vector<1x1x16xf32> to vector<16xf32>
      %swap3A_144 = vector.shape_cast %broadcast_in_dim3A_1 : vector<16xf32> to vector<1x1x16xf32>
      tpu.vector_store %arg9[%swap3A_139, %swap3A_140, %swap3A_141], %swap3A_144 {strides = array<i32>} : memref<2x64x128xf32, #tpu.memory_space<vmem>>, vector<1x1x16xf32>,
      %swap3A_145 = arith.constant 0 : i32
      %swap3A_146 = arith.index_cast %swap3A_145 : i32 to index
      %swap3A_147 = arith.index_cast %scan3A_117 : i32 to index
      %swap3A_148 = arith.constant 64 : index
      %swap3A_149 = tpu.vector_load %arg9[%swap3A_146, %swap3A_147, %swap3A_148] {strides = array<i32>} : memref<2x64x128xf32, #tpu.memory_space<vmem>>, vector<1x1x16xf32>,
      %swap3A_150 = vector.shape_cast %swap3A_149 : vector<1x1x16xf32> to vector<16xf32>
      %swap3A_151 = vector.shape_cast %broadcast_in_dim3A_1 : vector<16xf32> to vector<1x1x16xf32>
      tpu.vector_store %arg9[%swap3A_146, %swap3A_147, %swap3A_148], %swap3A_151 {strides = array<i32>} : memref<2x64x128xf32, #tpu.memory_space<vmem>>, vector<1x1x16xf32>,
      %swap3A_152 = arith.constant 0 : i32
      %swap3A_153 = arith.index_cast %swap3A_152 : i32 to index
      %swap3A_154 = arith.index_cast %scan3A_117 : i32 to index
      %swap3A_155 = arith.constant 80 : index
      %swap3A_156 = tpu.vector_load %arg9[%swap3A_153, %swap3A_154, %swap3A_155] {strides = array<i32>} : memref<2x64x128xf32, #tpu.memory_space<vmem>>, vector<1x1x16xf32>,
      %swap3A_157 = vector.shape_cast %swap3A_156 : vector<1x1x16xf32> to vector<16xf32>
      %swap3A_158 = vector.shape_cast %broadcast_in_dim3A_1 : vector<16xf32> to vector<1x1x16xf32>
      tpu.vector_store %arg9[%swap3A_153, %swap3A_154, %swap3A_155], %swap3A_158 {strides = array<i32>} : memref<2x64x128xf32, #tpu.memory_space<vmem>>, vector<1x1x16xf32>,
      %swap3A_159 = arith.constant 0 : i32
      %swap3A_160 = arith.index_cast %swap3A_159 : i32 to index
      %swap3A_161 = arith.index_cast %scan3A_117 : i32 to index
      %swap3A_162 = arith.constant 96 : index
      %swap3A_163 = tpu.vector_load %arg9[%swap3A_160, %swap3A_161, %swap3A_162] {strides = array<i32>} : memref<2x64x128xf32, #tpu.memory_space<vmem>>, vector<1x1x16xf32>,
      %swap3A_164 = vector.shape_cast %swap3A_163 : vector<1x1x16xf32> to vector<16xf32>
      %swap3A_165 = vector.shape_cast %broadcast_in_dim3A_1 : vector<16xf32> to vector<1x1x16xf32>
      tpu.vector_store %arg9[%swap3A_160, %swap3A_161, %swap3A_162], %swap3A_165 {strides = array<i32>} : memref<2x64x128xf32, #tpu.memory_space<vmem>>, vector<1x1x16xf32>,
      %swap3A_166 = arith.constant 0 : i32
      %swap3A_167 = arith.index_cast %swap3A_166 : i32 to index
      %swap3A_168 = arith.index_cast %scan3A_117 : i32 to index
      %swap3A_169 = arith.constant 112 : index
      %swap3A_170 = tpu.vector_load %arg9[%swap3A_167, %swap3A_168, %swap3A_169] {strides = array<i32>} : memref<2x64x128xf32, #tpu.memory_space<vmem>>, vector<1x1x16xf32>,
      %swap3A_171 = vector.shape_cast %swap3A_170 : vector<1x1x16xf32> to vector<16xf32>
      %swap3A_172 = vector.shape_cast %broadcast_in_dim3A_1 : vector<16xf32> to vector<1x1x16xf32>
      tpu.vector_store %arg9[%swap3A_167, %swap3A_168, %swap3A_169], %swap3A_172 {strides = array<i32>} : memref<2x64x128xf32, #tpu.memory_space<vmem>>, vector<1x1x16xf32>,
    }
    %scan3A_6 = arith.constant 64 : i32
    %mul3A_7 = arith.constant 640 : i32
    %mul3A_8 = arith.muli %arg1, %mul3A_7 : i32
    %add3A_9 = arith.constant 0 : i32
    %add3A_10 = arith.addi %mul3A_8, %add3A_9 : i32
    %run_scoped3A = arith.constant 0 : i32
    "tpu.region"() ({
      %run_scoped3A_117 = tpu.sem_alloc : memref<!tpu.dma_semaphore, #tpu.memory_space<semaphore_mem>>
      %dma_start3A_118 = arith.constant 0 : i32
      %dma_start3A_119 = arith.constant 0 : i32
      %dma_start3A_120 = tpu.memref_slice %arg9[%run_scoped3A, %dma_start3A_118, %dma_start3A_119] : memref<2x64x128xf32, #tpu.memory_space<vmem>> -> memref<1x64x128xf32, #tpu.memory_space<vmem>>
      %dma_start3A_121 = tpu.memref_squeeze %dma_start3A_120 : memref<1x64x128xf32, #tpu.memory_space<vmem>> -> memref<64x128xf32, #tpu.memory_space<vmem>>
      %dma_start3A_122 = arith.constant 0 : i32
      %dma_start3A_123 = tpu.memref_slice %arg10[%add3A_10, %dma_start3A_122] : memref<10240x128xf32, #tpu.memory_space<vmem_shared>> -> memref<64x128xf32, #tpu.memory_space<vmem_shared>>
      %dma_start3A_124 = arith.constant 0 : i32
      %dma_start3A_125 = tpu.memref_slice %arg10[%add3A_10, %dma_start3A_124] : memref<10240x128xf32, #tpu.memory_space<vmem_shared>> -> memref<64x128xf32, #tpu.memory_space<vmem_shared>>
      %dma_start3A_126 = arith.constant 0 : i32
      %dma_start3A_127 = arith.constant 0 : i32
      %dma_start3A_128 = tpu.memref_slice %arg9[%run_scoped3A, %dma_start3A_126, %dma_start3A_127] : memref<2x64x128xf32, #tpu.memory_space<vmem>> -> memref<1x64x128xf32, #tpu.memory_space<vmem>>
      %dma_start3A_129 = tpu.memref_squeeze %dma_start3A_128 : memref<1x64x128xf32, #tpu.memory_space<vmem>> -> memref<64x128xf32, #tpu.memory_space<vmem>>
      tpu.enqueue_dma source(%dma_start3A_129 : memref<64x128xf32, #tpu.memory_space<vmem>>) target(%dma_start3A_125 : memref<64x128xf32, #tpu.memory_space<vmem_shared>>) target_semaphore(%run_scoped3A_117 : memref<!tpu.dma_semaphore, #tpu.memory_space<semaphore_mem>>)
      %dma_wait3A_130 = arith.constant 0 : i32
      %dma_wait3A_131 = arith.constant 0 : i32
      %dma_wait3A_132 = tpu.memref_slice %arg9[%run_scoped3A, %dma_wait3A_130, %dma_wait3A_131] : memref<2x64x128xf32, #tpu.memory_space<vmem>> -> memref<1x64x128xf32, #tpu.memory_space<vmem>>
      %dma_wait3A_133 = tpu.memref_squeeze %dma_wait3A_132 : memref<1x64x128xf32, #tpu.memory_space<vmem>> -> memref<64x128xf32, #tpu.memory_space<vmem>>
      %dma_wait3A_134 = arith.constant 0 : i32
      %dma_wait3A_135 = tpu.memref_slice %arg10[%add3A_10, %dma_wait3A_134] : memref<10240x128xf32, #tpu.memory_space<vmem_shared>> -> memref<64x128xf32, #tpu.memory_space<vmem_shared>>
      %dma_wait3A_136 = arith.constant 0 : i32
      %dma_wait3A_137 = tpu.memref_slice %arg10[%add3A_10, %dma_wait3A_136] : memref<10240x128xf32, #tpu.memory_space<vmem_shared>> -> memref<64x128xf32, #tpu.memory_space<vmem_shared>>
      %dma_wait3A_138 = arith.constant 0 : i32
      %dma_wait3A_139 = arith.constant 0 : i32
      %dma_wait3A_140 = tpu.memref_slice %arg9[%run_scoped3A, %dma_wait3A_138, %dma_wait3A_139] : memref<2x64x128xf32, #tpu.memory_space<vmem>> -> memref<1x64x128xf32, #tpu.memory_space<vmem>>
      %dma_wait3A_141 = tpu.memref_squeeze %dma_wait3A_140 : memref<1x64x128xf32, #tpu.memory_space<vmem>> -> memref<64x128xf32, #tpu.memory_space<vmem>>
      tpu.wait_dma2 semaphore(%run_scoped3A_117 : memref<!tpu.dma_semaphore, #tpu.memory_space<semaphore_mem>>) src(%dma_wait3A_141 : memref<64x128xf32, #tpu.memory_space<vmem>>) dst(%dma_wait3A_137 : memref<64x128xf32, #tpu.memory_space<vmem_shared>>)
      tpu.yield
    }) : () -> ()
    %mul3A_11 = arith.constant 640 : i32
    %mul3A_12 = arith.muli %arg1, %mul3A_11 : i32
    %add3A_13 = arith.constant 64 : i32
    %add3A_14 = arith.addi %mul3A_12, %add3A_13 : i32
    %run_scoped3A_15 = arith.constant 0 : i32
    "tpu.region"() ({
      %run_scoped3A_117 = tpu.sem_alloc : memref<!tpu.dma_semaphore, #tpu.memory_space<semaphore_mem>>
      %dma_start3A_118 = arith.constant 0 : i32
      %dma_start3A_119 = arith.constant 0 : i32
      %dma_start3A_120 = tpu.memref_slice %arg9[%run_scoped3A_15, %dma_start3A_118, %dma_start3A_119] : memref<2x64x128xf32, #tpu.memory_space<vmem>> -> memref<1x64x128xf32, #tpu.memory_space<vmem>>
      %dma_start3A_121 = tpu.memref_squeeze %dma_start3A_120 : memref<1x64x128xf32, #tpu.memory_space<vmem>> -> memref<64x128xf32, #tpu.memory_space<vmem>>
      %dma_start3A_122 = arith.constant 0 : i32
      %dma_start3A_123 = tpu.memref_slice %arg10[%add3A_14, %dma_start3A_122] : memref<10240x128xf32, #tpu.memory_space<vmem_shared>> -> memref<64x128xf32, #tpu.memory_space<vmem_shared>>
      %dma_start3A_124 = arith.constant 0 : i32
      %dma_start3A_125 = tpu.memref_slice %arg10[%add3A_14, %dma_start3A_124] : memref<10240x128xf32, #tpu.memory_space<vmem_shared>> -> memref<64x128xf32, #tpu.memory_space<vmem_shared>>
      %dma_start3A_126 = arith.constant 0 : i32
      %dma_start3A_127 = arith.constant 0 : i32
      %dma_start3A_128 = tpu.memref_slice %arg9[%run_scoped3A_15, %dma_start3A_126, %dma_start3A_127] : memref<2x64x128xf32, #tpu.memory_space<vmem>> -> memref<1x64x128xf32, #tpu.memory_space<vmem>>
      %dma_start3A_129 = tpu.memref_squeeze %dma_start3A_128 : memref<1x64x128xf32, #tpu.memory_space<vmem>> -> memref<64x128xf32, #tpu.memory_space<vmem>>
      tpu.enqueue_dma source(%dma_start3A_129 : memref<64x128xf32, #tpu.memory_space<vmem>>) target(%dma_start3A_125 : memref<64x128xf32, #tpu.memory_space<vmem_shared>>) target_semaphore(%run_scoped3A_117 : memref<!tpu.dma_semaphore, #tpu.memory_space<semaphore_mem>>)
      %dma_wait3A_130 = arith.constant 0 : i32
      %dma_wait3A_131 = arith.constant 0 : i32
      %dma_wait3A_132 = tpu.memref_slice %arg9[%run_scoped3A_15, %dma_wait3A_130, %dma_wait3A_131] : memref<2x64x128xf32, #tpu.memory_space<vmem>> -> memref<1x64x128xf32, #tpu.memory_space<vmem>>
      %dma_wait3A_133 = tpu.memref_squeeze %dma_wait3A_132 : memref<1x64x128xf32, #tpu.memory_space<vmem>> -> memref<64x128xf32, #tpu.memory_space<vmem>>
      %dma_wait3A_134 = arith.constant 0 : i32
      %dma_wait3A_135 = tpu.memref_slice %arg10[%add3A_14, %dma_wait3A_134] : memref<10240x128xf32, #tpu.memory_space<vmem_shared>> -> memref<64x128xf32, #tpu.memory_space<vmem_shared>>
      %dma_wait3A_136 = arith.constant 0 : i32
      %dma_wait3A_137 = tpu.memref_slice %arg10[%add3A_14, %dma_wait3A_136] : memref<10240x128xf32, #tpu.memory_space<vmem_shared>> -> memref<64x128xf32, #tpu.memory_space<vmem_shared>>
      %dma_wait3A_138 = arith.constant 0 : i32
      %dma_wait3A_139 = arith.constant 0 : i32
      %dma_wait3A_140 = tpu.memref_slice %arg9[%run_scoped3A_15, %dma_wait3A_138, %dma_wait3A_139] : memref<2x64x128xf32, #tpu.memory_space<vmem>> -> memref<1x64x128xf32, #tpu.memory_space<vmem>>
      %dma_wait3A_141 = tpu.memref_squeeze %dma_wait3A_140 : memref<1x64x128xf32, #tpu.memory_space<vmem>> -> memref<64x128xf32, #tpu.memory_space<vmem>>
      tpu.wait_dma2 semaphore(%run_scoped3A_117 : memref<!tpu.dma_semaphore, #tpu.memory_space<semaphore_mem>>) src(%dma_wait3A_141 : memref<64x128xf32, #tpu.memory_space<vmem>>) dst(%dma_wait3A_137 : memref<64x128xf32, #tpu.memory_space<vmem_shared>>)
      tpu.yield
    }) : () -> ()
    %mul3A_16 = arith.constant 640 : i32
    %mul3A_17 = arith.muli %arg1, %mul3A_16 : i32
    %add3A_18 = arith.constant 128 : i32
    %add3A_19 = arith.addi %mul3A_17, %add3A_18 : i32
    %run_scoped3A_20 = arith.constant 0 : i32
    "tpu.region"() ({
      %run_scoped3A_117 = tpu.sem_alloc : memref<!tpu.dma_semaphore, #tpu.memory_space<semaphore_mem>>
      %dma_start3A_118 = arith.constant 0 : i32
      %dma_start3A_119 = arith.constant 0 : i32
      %dma_start3A_120 = tpu.memref_slice %arg9[%run_scoped3A_20, %dma_start3A_118, %dma_start3A_119] : memref<2x64x128xf32, #tpu.memory_space<vmem>> -> memref<1x64x128xf32, #tpu.memory_space<vmem>>
      %dma_start3A_121 = tpu.memref_squeeze %dma_start3A_120 : memref<1x64x128xf32, #tpu.memory_space<vmem>> -> memref<64x128xf32, #tpu.memory_space<vmem>>
      %dma_start3A_122 = arith.constant 0 : i32
      %dma_start3A_123 = tpu.memref_slice %arg10[%add3A_19, %dma_start3A_122] : memref<10240x128xf32, #tpu.memory_space<vmem_shared>> -> memref<64x128xf32, #tpu.memory_space<vmem_shared>>
      %dma_start3A_124 = arith.constant 0 : i32
      %dma_start3A_125 = tpu.memref_slice %arg10[%add3A_19, %dma_start3A_124] : memref<10240x128xf32, #tpu.memory_space<vmem_shared>> -> memref<64x128xf32, #tpu.memory_space<vmem_shared>>
      %dma_start3A_126 = arith.constant 0 : i32
      %dma_start3A_127 = arith.constant 0 : i32
      %dma_start3A_128 = tpu.memref_slice %arg9[%run_scoped3A_20, %dma_start3A_126, %dma_start3A_127] : memref<2x64x128xf32, #tpu.memory_space<vmem>> -> memref<1x64x128xf32, #tpu.memory_space<vmem>>
      %dma_start3A_129 = tpu.memref_squeeze %dma_start3A_128 : memref<1x64x128xf32, #tpu.memory_space<vmem>> -> memref<64x128xf32, #tpu.memory_space<vmem>>
      tpu.enqueue_dma source(%dma_start3A_129 : memref<64x128xf32, #tpu.memory_space<vmem>>) target(%dma_start3A_125 : memref<64x128xf32, #tpu.memory_space<vmem_shared>>) target_semaphore(%run_scoped3A_117 : memref<!tpu.dma_semaphore, #tpu.memory_space<semaphore_mem>>)
      %dma_wait3A_130 = arith.constant 0 : i32
      %dma_wait3A_131 = arith.constant 0 : i32
      %dma_wait3A_132 = tpu.memref_slice %arg9[%run_scoped3A_20, %dma_wait3A_130, %dma_wait3A_131] : memref<2x64x128xf32, #tpu.memory_space<vmem>> -> memref<1x64x128xf32, #tpu.memory_space<vmem>>
      %dma_wait3A_133 = tpu.memref_squeeze %dma_wait3A_132 : memref<1x64x128xf32, #tpu.memory_space<vmem>> -> memref<64x128xf32, #tpu.memory_space<vmem>>
      %dma_wait3A_134 = arith.constant 0 : i32
      %dma_wait3A_135 = tpu.memref_slice %arg10[%add3A_19, %dma_wait3A_134] : memref<10240x128xf32, #tpu.memory_space<vmem_shared>> -> memref<64x128xf32, #tpu.memory_space<vmem_shared>>
      %dma_wait3A_136 = arith.constant 0 : i32
      %dma_wait3A_137 = tpu.memref_slice %arg10[%add3A_19, %dma_wait3A_136] : memref<10240x128xf32, #tpu.memory_space<vmem_shared>> -> memref<64x128xf32, #tpu.memory_space<vmem_shared>>
      %dma_wait3A_138 = arith.constant 0 : i32
      %dma_wait3A_139 = arith.constant 0 : i32
      %dma_wait3A_140 = tpu.memref_slice %arg9[%run_scoped3A_20, %dma_wait3A_138, %dma_wait3A_139] : memref<2x64x128xf32, #tpu.memory_space<vmem>> -> memref<1x64x128xf32, #tpu.memory_space<vmem>>
      %dma_wait3A_141 = tpu.memref_squeeze %dma_wait3A_140 : memref<1x64x128xf32, #tpu.memory_space<vmem>> -> memref<64x128xf32, #tpu.memory_space<vmem>>
      tpu.wait_dma2 semaphore(%run_scoped3A_117 : memref<!tpu.dma_semaphore, #tpu.memory_space<semaphore_mem>>) src(%dma_wait3A_141 : memref<64x128xf32, #tpu.memory_space<vmem>>) dst(%dma_wait3A_137 : memref<64x128xf32, #tpu.memory_space<vmem_shared>>)
      tpu.yield
    }) : () -> ()
    %mul3A_21 = arith.constant 640 : i32
    %mul3A_22 = arith.muli %arg1, %mul3A_21 : i32
    %add3A_23 = arith.constant 192 : i32
    %add3A_24 = arith.addi %mul3A_22, %add3A_23 : i32
    %run_scoped3A_25 = arith.constant 0 : i32
    "tpu.region"() ({
      %run_scoped3A_117 = tpu.sem_alloc : memref<!tpu.dma_semaphore, #tpu.memory_space<semaphore_mem>>
      %dma_start3A_118 = arith.constant 0 : i32
      %dma_start3A_119 = arith.constant 0 : i32
      %dma_start3A_120 = tpu.memref_slice %arg9[%run_scoped3A_25, %dma_start3A_118, %dma_start3A_119] : memref<2x64x128xf32, #tpu.memory_space<vmem>> -> memref<1x64x128xf32, #tpu.memory_space<vmem>>
      %dma_start3A_121 = tpu.memref_squeeze %dma_start3A_120 : memref<1x64x128xf32, #tpu.memory_space<vmem>> -> memref<64x128xf32, #tpu.memory_space<vmem>>
      %dma_start3A_122 = arith.constant 0 : i32
      %dma_start3A_123 = tpu.memref_slice %arg10[%add3A_24, %dma_start3A_122] : memref<10240x128xf32, #tpu.memory_space<vmem_shared>> -> memref<64x128xf32, #tpu.memory_space<vmem_shared>>
      %dma_start3A_124 = arith.constant 0 : i32
      %dma_start3A_125 = tpu.memref_slice %arg10[%add3A_24, %dma_start3A_124] : memref<10240x128xf32, #tpu.memory_space<vmem_shared>> -> memref<64x128xf32, #tpu.memory_space<vmem_shared>>
      %dma_start3A_126 = arith.constant 0 : i32
      %dma_start3A_127 = arith.constant 0 : i32
      %dma_start3A_128 = tpu.memref_slice %arg9[%run_scoped3A_25, %dma_start3A_126, %dma_start3A_127] : memref<2x64x128xf32, #tpu.memory_space<vmem>> -> memref<1x64x128xf32, #tpu.memory_space<vmem>>
      %dma_start3A_129 = tpu.memref_squeeze %dma_start3A_128 : memref<1x64x128xf32, #tpu.memory_space<vmem>> -> memref<64x128xf32, #tpu.memory_space<vmem>>
      tpu.enqueue_dma source(%dma_start3A_129 : memref<64x128xf32, #tpu.memory_space<vmem>>) target(%dma_start3A_125 : memref<64x128xf32, #tpu.memory_space<vmem_shared>>) target_semaphore(%run_scoped3A_117 : memref<!tpu.dma_semaphore, #tpu.memory_space<semaphore_mem>>)
      %dma_wait3A_130 = arith.constant 0 : i32
      %dma_wait3A_131 = arith.constant 0 : i32
      %dma_wait3A_132 = tpu.memref_slice %arg9[%run_scoped3A_25, %dma_wait3A_130, %dma_wait3A_131] : memref<2x64x128xf32, #tpu.memory_space<vmem>> -> memref<1x64x128xf32, #tpu.memory_space<vmem>>
      %dma_wait3A_133 = tpu.memref_squeeze %dma_wait3A_132 : memref<1x64x128xf32, #tpu.memory_space<vmem>> -> memref<64x128xf32, #tpu.memory_space<vmem>>
      %dma_wait3A_134 = arith.constant 0 : i32
      %dma_wait3A_135 = tpu.memref_slice %arg10[%add3A_24, %dma_wait3A_134] : memref<10240x128xf32, #tpu.memory_space<vmem_shared>> -> memref<64x128xf32, #tpu.memory_space<vmem_shared>>
      %dma_wait3A_136 = arith.constant 0 : i32
      %dma_wait3A_137 = tpu.memref_slice %arg10[%add3A_24, %dma_wait3A_136] : memref<10240x128xf32, #tpu.memory_space<vmem_shared>> -> memref<64x128xf32, #tpu.memory_space<vmem_shared>>
      %dma_wait3A_138 = arith.constant 0 : i32
      %dma_wait3A_139 = arith.constant 0 : i32
      %dma_wait3A_140 = tpu.memref_slice %arg9[%run_scoped3A_25, %dma_wait3A_138, %dma_wait3A_139] : memref<2x64x128xf32, #tpu.memory_space<vmem>> -> memref<1x64x128xf32, #tpu.memory_space<vmem>>
      %dma_wait3A_141 = tpu.memref_squeeze %dma_wait3A_140 : memref<1x64x128xf32, #tpu.memory_space<vmem>> -> memref<64x128xf32, #tpu.memory_space<vmem>>
      tpu.wait_dma2 semaphore(%run_scoped3A_117 : memref<!tpu.dma_semaphore, #tpu.memory_space<semaphore_mem>>) src(%dma_wait3A_141 : memref<64x128xf32, #tpu.memory_space<vmem>>) dst(%dma_wait3A_137 : memref<64x128xf32, #tpu.memory_space<vmem_shared>>)
      tpu.yield
    }) : () -> ()
    %mul3A_26 = arith.constant 640 : i32
    %mul3A_27 = arith.muli %arg1, %mul3A_26 : i32
    %add3A_28 = arith.constant 256 : i32
    %add3A_29 = arith.addi %mul3A_27, %add3A_28 : i32
    %run_scoped3A_30 = arith.constant 0 : i32
    "tpu.region"() ({
      %run_scoped3A_117 = tpu.sem_alloc : memref<!tpu.dma_semaphore, #tpu.memory_space<semaphore_mem>>
      %dma_start3A_118 = arith.constant 0 : i32
      %dma_start3A_119 = arith.constant 0 : i32
      %dma_start3A_120 = tpu.memref_slice %arg9[%run_scoped3A_30, %dma_start3A_118, %dma_start3A_119] : memref<2x64x128xf32, #tpu.memory_space<vmem>> -> memref<1x64x128xf32, #tpu.memory_space<vmem>>
      %dma_start3A_121 = tpu.memref_squeeze %dma_start3A_120 : memref<1x64x128xf32, #tpu.memory_space<vmem>> -> memref<64x128xf32, #tpu.memory_space<vmem>>
      %dma_start3A_122 = arith.constant 0 : i32
      %dma_start3A_123 = tpu.memref_slice %arg10[%add3A_29, %dma_start3A_122] : memref<10240x128xf32, #tpu.memory_space<vmem_shared>> -> memref<64x128xf32, #tpu.memory_space<vmem_shared>>
      %dma_start3A_124 = arith.constant 0 : i32
      %dma_start3A_125 = tpu.memref_slice %arg10[%add3A_29, %dma_start3A_124] : memref<10240x128xf32, #tpu.memory_space<vmem_shared>> -> memref<64x128xf32, #tpu.memory_space<vmem_shared>>
      %dma_start3A_126 = arith.constant 0 : i32
      %dma_start3A_127 = arith.constant 0 : i32
      %dma_start3A_128 = tpu.memref_slice %arg9[%run_scoped3A_30, %dma_start3A_126, %dma_start3A_127] : memref<2x64x128xf32, #tpu.memory_space<vmem>> -> memref<1x64x128xf32, #tpu.memory_space<vmem>>
      %dma_start3A_129 = tpu.memref_squeeze %dma_start3A_128 : memref<1x64x128xf32, #tpu.memory_space<vmem>> -> memref<64x128xf32, #tpu.memory_space<vmem>>
      tpu.enqueue_dma source(%dma_start3A_129 : memref<64x128xf32, #tpu.memory_space<vmem>>) target(%dma_start3A_125 : memref<64x128xf32, #tpu.memory_space<vmem_shared>>) target_semaphore(%run_scoped3A_117 : memref<!tpu.dma_semaphore, #tpu.memory_space<semaphore_mem>>)
      %dma_wait3A_130 = arith.constant 0 : i32
      %dma_wait3A_131 = arith.constant 0 : i32
      %dma_wait3A_132 = tpu.memref_slice %arg9[%run_scoped3A_30, %dma_wait3A_130, %dma_wait3A_131] : memref<2x64x128xf32, #tpu.memory_space<vmem>> -> memref<1x64x128xf32, #tpu.memory_space<vmem>>
      %dma_wait3A_133 = tpu.memref_squeeze %dma_wait3A_132 : memref<1x64x128xf32, #tpu.memory_space<vmem>> -> memref<64x128xf32, #tpu.memory_space<vmem>>
      %dma_wait3A_134 = arith.constant 0 : i32
      %dma_wait3A_135 = tpu.memref_slice %arg10[%add3A_29, %dma_wait3A_134] : memref<10240x128xf32, #tpu.memory_space<vmem_shared>> -> memref<64x128xf32, #tpu.memory_space<vmem_shared>>
      %dma_wait3A_136 = arith.constant 0 : i32
      %dma_wait3A_137 = tpu.memref_slice %arg10[%add3A_29, %dma_wait3A_136] : memref<10240x128xf32, #tpu.memory_space<vmem_shared>> -> memref<64x128xf32, #tpu.memory_space<vmem_shared>>
      %dma_wait3A_138 = arith.constant 0 : i32
      %dma_wait3A_139 = arith.constant 0 : i32
      %dma_wait3A_140 = tpu.memref_slice %arg9[%run_scoped3A_30, %dma_wait3A_138, %dma_wait3A_139] : memref<2x64x128xf32, #tpu.memory_space<vmem>> -> memref<1x64x128xf32, #tpu.memory_space<vmem>>
      %dma_wait3A_141 = tpu.memref_squeeze %dma_wait3A_140 : memref<1x64x128xf32, #tpu.memory_space<vmem>> -> memref<64x128xf32, #tpu.memory_space<vmem>>
      tpu.wait_dma2 semaphore(%run_scoped3A_117 : memref<!tpu.dma_semaphore, #tpu.memory_space<semaphore_mem>>) src(%dma_wait3A_141 : memref<64x128xf32, #tpu.memory_space<vmem>>) dst(%dma_wait3A_137 : memref<64x128xf32, #tpu.memory_space<vmem_shared>>)
      tpu.yield
    }) : () -> ()
    %mul3A_31 = arith.constant 640 : i32
    %mul3A_32 = arith.muli %arg1, %mul3A_31 : i32
    %add3A_33 = arith.constant 320 : i32
    %add3A_34 = arith.addi %mul3A_32, %add3A_33 : i32
    %run_scoped3A_35 = arith.constant 0 : i32
    "tpu.region"() ({
      %run_scoped3A_117 = tpu.sem_alloc : memref<!tpu.dma_semaphore, #tpu.memory_space<semaphore_mem>>
      %dma_start3A_118 = arith.constant 0 : i32
      %dma_start3A_119 = arith.constant 0 : i32
      %dma_start3A_120 = tpu.memref_slice %arg9[%run_scoped3A_35, %dma_start3A_118, %dma_start3A_119] : memref<2x64x128xf32, #tpu.memory_space<vmem>> -> memref<1x64x128xf32, #tpu.memory_space<vmem>>
      %dma_start3A_121 = tpu.memref_squeeze %dma_start3A_120 : memref<1x64x128xf32, #tpu.memory_space<vmem>> -> memref<64x128xf32, #tpu.memory_space<vmem>>
      %dma_start3A_122 = arith.constant 0 : i32
      %dma_start3A_123 = tpu.memref_slice %arg10[%add3A_34, %dma_start3A_122] : memref<10240x128xf32, #tpu.memory_space<vmem_shared>> -> memref<64x128xf32, #tpu.memory_space<vmem_shared>>
      %dma_start3A_124 = arith.constant 0 : i32
      %dma_start3A_125 = tpu.memref_slice %arg10[%add3A_34, %dma_start3A_124] : memref<10240x128xf32, #tpu.memory_space<vmem_shared>> -> memref<64x128xf32, #tpu.memory_space<vmem_shared>>
      %dma_start3A_126 = arith.constant 0 : i32
      %dma_start3A_127 = arith.constant 0 : i32
      %dma_start3A_128 = tpu.memref_slice %arg9[%run_scoped3A_35, %dma_start3A_126, %dma_start3A_127] : memref<2x64x128xf32, #tpu.memory_space<vmem>> -> memref<1x64x128xf32, #tpu.memory_space<vmem>>
      %dma_start3A_129 = tpu.memref_squeeze %dma_start3A_128 : memref<1x64x128xf32, #tpu.memory_space<vmem>> -> memref<64x128xf32, #tpu.memory_space<vmem>>
      tpu.enqueue_dma source(%dma_start3A_129 : memref<64x128xf32, #tpu.memory_space<vmem>>) target(%dma_start3A_125 : memref<64x128xf32, #tpu.memory_space<vmem_shared>>) target_semaphore(%run_scoped3A_117 : memref<!tpu.dma_semaphore, #tpu.memory_space<semaphore_mem>>)
      %dma_wait3A_130 = arith.constant 0 : i32
      %dma_wait3A_131 = arith.constant 0 : i32
      %dma_wait3A_132 = tpu.memref_slice %arg9[%run_scoped3A_35, %dma_wait3A_130, %dma_wait3A_131] : memref<2x64x128xf32, #tpu.memory_space<vmem>> -> memref<1x64x128xf32, #tpu.memory_space<vmem>>
      %dma_wait3A_133 = tpu.memref_squeeze %dma_wait3A_132 : memref<1x64x128xf32, #tpu.memory_space<vmem>> -> memref<64x128xf32, #tpu.memory_space<vmem>>
      %dma_wait3A_134 = arith.constant 0 : i32
      %dma_wait3A_135 = tpu.memref_slice %arg10[%add3A_34, %dma_wait3A_134] : memref<10240x128xf32, #tpu.memory_space<vmem_shared>> -> memref<64x128xf32, #tpu.memory_space<vmem_shared>>
      %dma_wait3A_136 = arith.constant 0 : i32
      %dma_wait3A_137 = tpu.memref_slice %arg10[%add3A_34, %dma_wait3A_136] : memref<10240x128xf32, #tpu.memory_space<vmem_shared>> -> memref<64x128xf32, #tpu.memory_space<vmem_shared>>
      %dma_wait3A_138 = arith.constant 0 : i32
      %dma_wait3A_139 = arith.constant 0 : i32
      %dma_wait3A_140 = tpu.memref_slice %arg9[%run_scoped3A_35, %dma_wait3A_138, %dma_wait3A_139] : memref<2x64x128xf32, #tpu.memory_space<vmem>> -> memref<1x64x128xf32, #tpu.memory_space<vmem>>
      %dma_wait3A_141 = tpu.memref_squeeze %dma_wait3A_140 : memref<1x64x128xf32, #tpu.memory_space<vmem>> -> memref<64x128xf32, #tpu.memory_space<vmem>>
      tpu.wait_dma2 semaphore(%run_scoped3A_117 : memref<!tpu.dma_semaphore, #tpu.memory_space<semaphore_mem>>) src(%dma_wait3A_141 : memref<64x128xf32, #tpu.memory_space<vmem>>) dst(%dma_wait3A_137 : memref<64x128xf32, #tpu.memory_space<vmem_shared>>)
      tpu.yield
    }) : () -> ()
    %mul3A_36 = arith.constant 640 : i32
    %mul3A_37 = arith.muli %arg1, %mul3A_36 : i32
    %add3A_38 = arith.constant 384 : i32
    %add3A_39 = arith.addi %mul3A_37, %add3A_38 : i32
    %run_scoped3A_40 = arith.constant 0 : i32
    "tpu.region"() ({
      %run_scoped3A_117 = tpu.sem_alloc : memref<!tpu.dma_semaphore, #tpu.memory_space<semaphore_mem>>
      %dma_start3A_118 = arith.constant 0 : i32
      %dma_start3A_119 = arith.constant 0 : i32
      %dma_start3A_120 = tpu.memref_slice %arg9[%run_scoped3A_40, %dma_start3A_118, %dma_start3A_119] : memref<2x64x128xf32, #tpu.memory_space<vmem>> -> memref<1x64x128xf32, #tpu.memory_space<vmem>>
      %dma_start3A_121 = tpu.memref_squeeze %dma_start3A_120 : memref<1x64x128xf32, #tpu.memory_space<vmem>> -> memref<64x128xf32, #tpu.memory_space<vmem>>
      %dma_start3A_122 = arith.constant 0 : i32
      %dma_start3A_123 = tpu.memref_slice %arg10[%add3A_39, %dma_start3A_122] : memref<10240x128xf32, #tpu.memory_space<vmem_shared>> -> memref<64x128xf32, #tpu.memory_space<vmem_shared>>
      %dma_start3A_124 = arith.constant 0 : i32
      %dma_start3A_125 = tpu.memref_slice %arg10[%add3A_39, %dma_start3A_124] : memref<10240x128xf32, #tpu.memory_space<vmem_shared>> -> memref<64x128xf32, #tpu.memory_space<vmem_shared>>
      %dma_start3A_126 = arith.constant 0 : i32
      %dma_start3A_127 = arith.constant 0 : i32
      %dma_start3A_128 = tpu.memref_slice %arg9[%run_scoped3A_40, %dma_start3A_126, %dma_start3A_127] : memref<2x64x128xf32, #tpu.memory_space<vmem>> -> memref<1x64x128xf32, #tpu.memory_space<vmem>>
      %dma_start3A_129 = tpu.memref_squeeze %dma_start3A_128 : memref<1x64x128xf32, #tpu.memory_space<vmem>> -> memref<64x128xf32, #tpu.memory_space<vmem>>
      tpu.enqueue_dma source(%dma_start3A_129 : memref<64x128xf32, #tpu.memory_space<vmem>>) target(%dma_start3A_125 : memref<64x128xf32, #tpu.memory_space<vmem_shared>>) target_semaphore(%run_scoped3A_117 : memref<!tpu.dma_semaphore, #tpu.memory_space<semaphore_mem>>)
      %dma_wait3A_130 = arith.constant 0 : i32
      %dma_wait3A_131 = arith.constant 0 : i32
      %dma_wait3A_132 = tpu.memref_slice %arg9[%run_scoped3A_40, %dma_wait3A_130, %dma_wait3A_131] : memref<2x64x128xf32, #tpu.memory_space<vmem>> -> memref<1x64x128xf32, #tpu.memory_space<vmem>>
      %dma_wait3A_133 = tpu.memref_squeeze %dma_wait3A_132 : memref<1x64x128xf32, #tpu.memory_space<vmem>> -> memref<64x128xf32, #tpu.memory_space<vmem>>
      %dma_wait3A_134 = arith.constant 0 : i32
      %dma_wait3A_135 = tpu.memref_slice %arg10[%add3A_39, %dma_wait3A_134] : memref<10240x128xf32, #tpu.memory_space<vmem_shared>> -> memref<64x128xf32, #tpu.memory_space<vmem_shared>>
      %dma_wait3A_136 = arith.constant 0 : i32
      %dma_wait3A_137 = tpu.memref_slice %arg10[%add3A_39, %dma_wait3A_136] : memref<10240x128xf32, #tpu.memory_space<vmem_shared>> -> memref<64x128xf32, #tpu.memory_space<vmem_shared>>
      %dma_wait3A_138 = arith.constant 0 : i32
      %dma_wait3A_139 = arith.constant 0 : i32
      %dma_wait3A_140 = tpu.memref_slice %arg9[%run_scoped3A_40, %dma_wait3A_138, %dma_wait3A_139] : memref<2x64x128xf32, #tpu.memory_space<vmem>> -> memref<1x64x128xf32, #tpu.memory_space<vmem>>
      %dma_wait3A_141 = tpu.memref_squeeze %dma_wait3A_140 : memref<1x64x128xf32, #tpu.memory_space<vmem>> -> memref<64x128xf32, #tpu.memory_space<vmem>>
      tpu.wait_dma2 semaphore(%run_scoped3A_117 : memref<!tpu.dma_semaphore, #tpu.memory_space<semaphore_mem>>) src(%dma_wait3A_141 : memref<64x128xf32, #tpu.memory_space<vmem>>) dst(%dma_wait3A_137 : memref<64x128xf32, #tpu.memory_space<vmem_shared>>)
      tpu.yield
    }) : () -> ()
    %mul3A_41 = arith.constant 640 : i32
    %mul3A_42 = arith.muli %arg1, %mul3A_41 : i32
    %add3A_43 = arith.constant 448 : i32
    %add3A_44 = arith.addi %mul3A_42, %add3A_43 : i32
    %run_scoped3A_45 = arith.constant 0 : i32
    "tpu.region"() ({
      %run_scoped3A_117 = tpu.sem_alloc : memref<!tpu.dma_semaphore, #tpu.memory_space<semaphore_mem>>
      %dma_start3A_118 = arith.constant 0 : i32
      %dma_start3A_119 = arith.constant 0 : i32
      %dma_start3A_120 = tpu.memref_slice %arg9[%run_scoped3A_45, %dma_start3A_118, %dma_start3A_119] : memref<2x64x128xf32, #tpu.memory_space<vmem>> -> memref<1x64x128xf32, #tpu.memory_space<vmem>>
      %dma_start3A_121 = tpu.memref_squeeze %dma_start3A_120 : memref<1x64x128xf32, #tpu.memory_space<vmem>> -> memref<64x128xf32, #tpu.memory_space<vmem>>
      %dma_start3A_122 = arith.constant 0 : i32
      %dma_start3A_123 = tpu.memref_slice %arg10[%add3A_44, %dma_start3A_122] : memref<10240x128xf32, #tpu.memory_space<vmem_shared>> -> memref<64x128xf32, #tpu.memory_space<vmem_shared>>
      %dma_start3A_124 = arith.constant 0 : i32
      %dma_start3A_125 = tpu.memref_slice %arg10[%add3A_44, %dma_start3A_124] : memref<10240x128xf32, #tpu.memory_space<vmem_shared>> -> memref<64x128xf32, #tpu.memory_space<vmem_shared>>
      %dma_start3A_126 = arith.constant 0 : i32
      %dma_start3A_127 = arith.constant 0 : i32
      %dma_start3A_128 = tpu.memref_slice %arg9[%run_scoped3A_45, %dma_start3A_126, %dma_start3A_127] : memref<2x64x128xf32, #tpu.memory_space<vmem>> -> memref<1x64x128xf32, #tpu.memory_space<vmem>>
      %dma_start3A_129 = tpu.memref_squeeze %dma_start3A_128 : memref<1x64x128xf32, #tpu.memory_space<vmem>> -> memref<64x128xf32, #tpu.memory_space<vmem>>
      tpu.enqueue_dma source(%dma_start3A_129 : memref<64x128xf32, #tpu.memory_space<vmem>>) target(%dma_start3A_125 : memref<64x128xf32, #tpu.memory_space<vmem_shared>>) target_semaphore(%run_scoped3A_117 : memref<!tpu.dma_semaphore, #tpu.memory_space<semaphore_mem>>)
      %dma_wait3A_130 = arith.constant 0 : i32
      %dma_wait3A_131 = arith.constant 0 : i32
      %dma_wait3A_132 = tpu.memref_slice %arg9[%run_scoped3A_45, %dma_wait3A_130, %dma_wait3A_131] : memref<2x64x128xf32, #tpu.memory_space<vmem>> -> memref<1x64x128xf32, #tpu.memory_space<vmem>>
      %dma_wait3A_133 = tpu.memref_squeeze %dma_wait3A_132 : memref<1x64x128xf32, #tpu.memory_space<vmem>> -> memref<64x128xf32, #tpu.memory_space<vmem>>
      %dma_wait3A_134 = arith.constant 0 : i32
      %dma_wait3A_135 = tpu.memref_slice %arg10[%add3A_44, %dma_wait3A_134] : memref<10240x128xf32, #tpu.memory_space<vmem_shared>> -> memref<64x128xf32, #tpu.memory_space<vmem_shared>>
      %dma_wait3A_136 = arith.constant 0 : i32
      %dma_wait3A_137 = tpu.memref_slice %arg10[%add3A_44, %dma_wait3A_136] : memref<10240x128xf32, #tpu.memory_space<vmem_shared>> -> memref<64x128xf32, #tpu.memory_space<vmem_shared>>
      %dma_wait3A_138 = arith.constant 0 : i32
      %dma_wait3A_139 = arith.constant 0 : i32
      %dma_wait3A_140 = tpu.memref_slice %arg9[%run_scoped3A_45, %dma_wait3A_138, %dma_wait3A_139] : memref<2x64x128xf32, #tpu.memory_space<vmem>> -> memref<1x64x128xf32, #tpu.memory_space<vmem>>
      %dma_wait3A_141 = tpu.memref_squeeze %dma_wait3A_140 : memref<1x64x128xf32, #tpu.memory_space<vmem>> -> memref<64x128xf32, #tpu.memory_space<vmem>>
      tpu.wait_dma2 semaphore(%run_scoped3A_117 : memref<!tpu.dma_semaphore, #tpu.memory_space<semaphore_mem>>) src(%dma_wait3A_141 : memref<64x128xf32, #tpu.memory_space<vmem>>) dst(%dma_wait3A_137 : memref<64x128xf32, #tpu.memory_space<vmem_shared>>)
      tpu.yield
    }) : () -> ()
    %mul3A_46 = arith.constant 640 : i32
    %mul3A_47 = arith.muli %arg1, %mul3A_46 : i32
    %add3A_48 = arith.constant 512 : i32
    %add3A_49 = arith.addi %mul3A_47, %add3A_48 : i32
    %run_scoped3A_50 = arith.constant 0 : i32
    "tpu.region"() ({
      %run_scoped3A_117 = tpu.sem_alloc : memref<!tpu.dma_semaphore, #tpu.memory_space<semaphore_mem>>
      %dma_start3A_118 = arith.constant 0 : i32
      %dma_start3A_119 = arith.constant 0 : i32
      %dma_start3A_120 = tpu.memref_slice %arg9[%run_scoped3A_50, %dma_start3A_118, %dma_start3A_119] : memref<2x64x128xf32, #tpu.memory_space<vmem>> -> memref<1x64x128xf32, #tpu.memory_space<vmem>>
      %dma_start3A_121 = tpu.memref_squeeze %dma_start3A_120 : memref<1x64x128xf32, #tpu.memory_space<vmem>> -> memref<64x128xf32, #tpu.memory_space<vmem>>
      %dma_start3A_122 = arith.constant 0 : i32
      %dma_start3A_123 = tpu.memref_slice %arg10[%add3A_49, %dma_start3A_122] : memref<10240x128xf32, #tpu.memory_space<vmem_shared>> -> memref<64x128xf32, #tpu.memory_space<vmem_shared>>
      %dma_start3A_124 = arith.constant 0 : i32
      %dma_start3A_125 = tpu.memref_slice %arg10[%add3A_49, %dma_start3A_124] : memref<10240x128xf32, #tpu.memory_space<vmem_shared>> -> memref<64x128xf32, #tpu.memory_space<vmem_shared>>
      %dma_start3A_126 = arith.constant 0 : i32
      %dma_start3A_127 = arith.constant 0 : i32
      %dma_start3A_128 = tpu.memref_slice %arg9[%run_scoped3A_50, %dma_start3A_126, %dma_start3A_127] : memref<2x64x128xf32, #tpu.memory_space<vmem>> -> memref<1x64x128xf32, #tpu.memory_space<vmem>>
      %dma_start3A_129 = tpu.memref_squeeze %dma_start3A_128 : memref<1x64x128xf32, #tpu.memory_space<vmem>> -> memref<64x128xf32, #tpu.memory_space<vmem>>
      tpu.enqueue_dma source(%dma_start3A_129 : memref<64x128xf32, #tpu.memory_space<vmem>>) target(%dma_start3A_125 : memref<64x128xf32, #tpu.memory_space<vmem_shared>>) target_semaphore(%run_scoped3A_117 : memref<!tpu.dma_semaphore, #tpu.memory_space<semaphore_mem>>)
      %dma_wait3A_130 = arith.constant 0 : i32
      %dma_wait3A_131 = arith.constant 0 : i32
      %dma_wait3A_132 = tpu.memref_slice %arg9[%run_scoped3A_50, %dma_wait3A_130, %dma_wait3A_131] : memref<2x64x128xf32, #tpu.memory_space<vmem>> -> memref<1x64x128xf32, #tpu.memory_space<vmem>>
      %dma_wait3A_133 = tpu.memref_squeeze %dma_wait3A_132 : memref<1x64x128xf32, #tpu.memory_space<vmem>> -> memref<64x128xf32, #tpu.memory_space<vmem>>
      %dma_wait3A_134 = arith.constant 0 : i32
      %dma_wait3A_135 = tpu.memref_slice %arg10[%add3A_49, %dma_wait3A_134] : memref<10240x128xf32, #tpu.memory_space<vmem_shared>> -> memref<64x128xf32, #tpu.memory_space<vmem_shared>>
      %dma_wait3A_136 = arith.constant 0 : i32
      %dma_wait3A_137 = tpu.memref_slice %arg10[%add3A_49, %dma_wait3A_136] : memref<10240x128xf32, #tpu.memory_space<vmem_shared>> -> memref<64x128xf32, #tpu.memory_space<vmem_shared>>
      %dma_wait3A_138 = arith.constant 0 : i32
      %dma_wait3A_139 = arith.constant 0 : i32
      %dma_wait3A_140 = tpu.memref_slice %arg9[%run_scoped3A_50, %dma_wait3A_138, %dma_wait3A_139] : memref<2x64x128xf32, #tpu.memory_space<vmem>> -> memref<1x64x128xf32, #tpu.memory_space<vmem>>
      %dma_wait3A_141 = tpu.memref_squeeze %dma_wait3A_140 : memref<1x64x128xf32, #tpu.memory_space<vmem>> -> memref<64x128xf32, #tpu.memory_space<vmem>>
      tpu.wait_dma2 semaphore(%run_scoped3A_117 : memref<!tpu.dma_semaphore, #tpu.memory_space<semaphore_mem>>) src(%dma_wait3A_141 : memref<64x128xf32, #tpu.memory_space<vmem>>) dst(%dma_wait3A_137 : memref<64x128xf32, #tpu.memory_space<vmem_shared>>)
      tpu.yield
    }) : () -> ()
    %mul3A_51 = arith.constant 640 : i32
    %mul3A_52 = arith.muli %arg1, %mul3A_51 : i32
    %add3A_53 = arith.constant 576 : i32
    %add3A_54 = arith.addi %mul3A_52, %add3A_53 : i32
    %run_scoped3A_55 = arith.constant 0 : i32
    "tpu.region"() ({
      %run_scoped3A_117 = tpu.sem_alloc : memref<!tpu.dma_semaphore, #tpu.memory_space<semaphore_mem>>
      %dma_start3A_118 = arith.constant 0 : i32
      %dma_start3A_119 = arith.constant 0 : i32
      %dma_start3A_120 = tpu.memref_slice %arg9[%run_scoped3A_55, %dma_start3A_118, %dma_start3A_119] : memref<2x64x128xf32, #tpu.memory_space<vmem>> -> memref<1x64x128xf32, #tpu.memory_space<vmem>>
      %dma_start3A_121 = tpu.memref_squeeze %dma_start3A_120 : memref<1x64x128xf32, #tpu.memory_space<vmem>> -> memref<64x128xf32, #tpu.memory_space<vmem>>
      %dma_start3A_122 = arith.constant 0 : i32
      %dma_start3A_123 = tpu.memref_slice %arg10[%add3A_54, %dma_start3A_122] : memref<10240x128xf32, #tpu.memory_space<vmem_shared>> -> memref<64x128xf32, #tpu.memory_space<vmem_shared>>
      %dma_start3A_124 = arith.constant 0 : i32
      %dma_start3A_125 = tpu.memref_slice %arg10[%add3A_54, %dma_start3A_124] : memref<10240x128xf32, #tpu.memory_space<vmem_shared>> -> memref<64x128xf32, #tpu.memory_space<vmem_shared>>
      %dma_start3A_126 = arith.constant 0 : i32
      %dma_start3A_127 = arith.constant 0 : i32
      %dma_start3A_128 = tpu.memref_slice %arg9[%run_scoped3A_55, %dma_start3A_126, %dma_start3A_127] : memref<2x64x128xf32, #tpu.memory_space<vmem>> -> memref<1x64x128xf32, #tpu.memory_space<vmem>>
      %dma_start3A_129 = tpu.memref_squeeze %dma_start3A_128 : memref<1x64x128xf32, #tpu.memory_space<vmem>> -> memref<64x128xf32, #tpu.memory_space<vmem>>
      tpu.enqueue_dma source(%dma_start3A_129 : memref<64x128xf32, #tpu.memory_space<vmem>>) target(%dma_start3A_125 : memref<64x128xf32, #tpu.memory_space<vmem_shared>>) target_semaphore(%run_scoped3A_117 : memref<!tpu.dma_semaphore, #tpu.memory_space<semaphore_mem>>)
      %dma_wait3A_130 = arith.constant 0 : i32
      %dma_wait3A_131 = arith.constant 0 : i32
      %dma_wait3A_132 = tpu.memref_slice %arg9[%run_scoped3A_55, %dma_wait3A_130, %dma_wait3A_131] : memref<2x64x128xf32, #tpu.memory_space<vmem>> -> memref<1x64x128xf32, #tpu.memory_space<vmem>>
      %dma_wait3A_133 = tpu.memref_squeeze %dma_wait3A_132 : memref<1x64x128xf32, #tpu.memory_space<vmem>> -> memref<64x128xf32, #tpu.memory_space<vmem>>
      %dma_wait3A_134 = arith.constant 0 : i32
      %dma_wait3A_135 = tpu.memref_slice %arg10[%add3A_54, %dma_wait3A_134] : memref<10240x128xf32, #tpu.memory_space<vmem_shared>> -> memref<64x128xf32, #tpu.memory_space<vmem_shared>>
      %dma_wait3A_136 = arith.constant 0 : i32
      %dma_wait3A_137 = tpu.memref_slice %arg10[%add3A_54, %dma_wait3A_136] : memref<10240x128xf32, #tpu.memory_space<vmem_shared>> -> memref<64x128xf32, #tpu.memory_space<vmem_shared>>
      %dma_wait3A_138 = arith.constant 0 : i32
      %dma_wait3A_139 = arith.constant 0 : i32
      %dma_wait3A_140 = tpu.memref_slice %arg9[%run_scoped3A_55, %dma_wait3A_138, %dma_wait3A_139] : memref<2x64x128xf32, #tpu.memory_space<vmem>> -> memref<1x64x128xf32, #tpu.memory_space<vmem>>
      %dma_wait3A_141 = tpu.memref_squeeze %dma_wait3A_140 : memref<1x64x128xf32, #tpu.memory_space<vmem>> -> memref<64x128xf32, #tpu.memory_space<vmem>>
      tpu.wait_dma2 semaphore(%run_scoped3A_117 : memref<!tpu.dma_semaphore, #tpu.memory_space<semaphore_mem>>) src(%dma_wait3A_141 : memref<64x128xf32, #tpu.memory_space<vmem>>) dst(%dma_wait3A_137 : memref<64x128xf32, #tpu.memory_space<vmem_shared>>)
      tpu.yield
    }) : () -> ()
    %barrier3A = arith.constant 0 : index
    tpu.barrier barrier_id(%barrier3A)
    "tpu.region"() ({
      %run_scoped3A_117 = tpu.sem_alloc : memref<!tpu.dma_semaphore, #tpu.memory_space<semaphore_mem>>
      %dma_start3A_118 = arith.constant 0 : i32
      %dma_start3A_119 = arith.constant 0 : i32
      %dma_start3A_120 = arith.constant 0 : i32
      %dma_start3A_121 = tpu.memref_slice %arg2[%add3A, %dma_start3A_118, %dma_start3A_119, %dma_start3A_120] : memref<32x160x2x64xi32, #tpu.memory_space<hbm>> -> memref<1x16x2x64xi32, #tpu.memory_space<hbm>>
      %dma_start3A_122 = tpu.memref_squeeze %dma_start3A_121 : memref<1x16x2x64xi32, #tpu.memory_space<hbm>> -> memref<16x2x64xi32, #tpu.memory_space<hbm>>
      %dma_start3A_123 = arith.constant 0 : i32
      %dma_start3A_124 = arith.constant 0 : i32
      %dma_start3A_125 = arith.constant 0 : i32
      %dma_start3A_126 = tpu.memref_slice %arg2[%add3A, %dma_start3A_123, %dma_start3A_124, %dma_start3A_125] : memref<32x160x2x64xi32, #tpu.memory_space<hbm>> -> memref<1x16x2x64xi32, #tpu.memory_space<hbm>>
      %dma_start3A_127 = tpu.memref_squeeze %dma_start3A_126 : memref<1x16x2x64xi32, #tpu.memory_space<hbm>> -> memref<16x2x64xi32, #tpu.memory_space<hbm>>
      tpu.enqueue_dma source(%dma_start3A_127 : memref<16x2x64xi32, #tpu.memory_space<hbm>>) target(%arg6 : memref<16x2x64xi32, #tpu.memory_space<vmem>>) target_semaphore(%run_scoped3A_117 : memref<!tpu.dma_semaphore, #tpu.memory_space<semaphore_mem>>)
      %dma_wait3A_128 = arith.constant 0 : i32
      %dma_wait3A_129 = arith.constant 0 : i32
      %dma_wait3A_130 = arith.constant 0 : i32
      %dma_wait3A_131 = tpu.memref_slice %arg2[%add3A, %dma_wait3A_128, %dma_wait3A_129, %dma_wait3A_130] : memref<32x160x2x64xi32, #tpu.memory_space<hbm>> -> memref<1x16x2x64xi32, #tpu.memory_space<hbm>>
      %dma_wait3A_132 = tpu.memref_squeeze %dma_wait3A_131 : memref<1x16x2x64xi32, #tpu.memory_space<hbm>> -> memref<16x2x64xi32, #tpu.memory_space<hbm>>
      %dma_wait3A_133 = arith.constant 0 : i32
      %dma_wait3A_134 = arith.constant 0 : i32
      %dma_wait3A_135 = arith.constant 0 : i32
      %dma_wait3A_136 = tpu.memref_slice %arg2[%add3A, %dma_wait3A_133, %dma_wait3A_134, %dma_wait3A_135] : memref<32x160x2x64xi32, #tpu.memory_space<hbm>> -> memref<1x16x2x64xi32, #tpu.memory_space<hbm>>
      %dma_wait3A_137 = tpu.memref_squeeze %dma_wait3A_136 : memref<1x16x2x64xi32, #tpu.memory_space<hbm>> -> memref<16x2x64xi32, #tpu.memory_space<hbm>>
      tpu.wait_dma2 semaphore(%run_scoped3A_117 : memref<!tpu.dma_semaphore, #tpu.memory_space<semaphore_mem>>) src(%dma_wait3A_137 : memref<16x2x64xi32, #tpu.memory_space<hbm>>) dst(%arg6 : memref<16x2x64xi32, #tpu.memory_space<vmem>>)
      tpu.yield
    }) : () -> ()
    %mul3A_56 = arith.constant 10240 : i32
    %mul3A_57 = arith.muli %add3A, %mul3A_56 : i32
    %dma_start3A = arith.constant 0 : i32
    %dma_start3A_58 = arith.constant 0 : i32
    %dma_start3A_59 = arith.constant 0 : i32
    %dma_start3A_60 = tpu.memref_slice %arg8[%dma_start3A, %dma_start3A_58, %dma_start3A_59] : memref<2x64x64xi32, #tpu.memory_space<vmem>> -> memref<1x64x64xi32, #tpu.memory_space<vmem>>
    %dma_start3A_61 = tpu.memref_squeeze %dma_start3A_60 : memref<1x64x64xi32, #tpu.memory_space<vmem>> -> memref<64x64xi32, #tpu.memory_space<vmem>>
    %dma_start3A_62 = arith.constant 0 : i32
    %dma_start3A_63 = tpu.memref_slice %arg3[%mul3A_57, %dma_start3A_62] : memref<327680x64xi32, #tpu.memory_space<hbm>> -> memref<64x64xi32, #tpu.memory_space<hbm>>
    %dma_start3A_64 = arith.constant 0 : i32
    %dma_start3A_65 = arith.constant 0 : i32
    %dma_start3A_66 = tpu.memref_slice %arg8[%dma_start3A, %dma_start3A_64, %dma_start3A_65] : memref<2x64x64xi32, #tpu.memory_space<vmem>> -> memref<1x64x64xi32, #tpu.memory_space<vmem>>
    %dma_start3A_67 = tpu.memref_squeeze %dma_start3A_66 : memref<1x64x64xi32, #tpu.memory_space<vmem>> -> memref<64x64xi32, #tpu.memory_space<vmem>>
    %dma_start3A_68 = arith.constant 0 : i32
    %dma_start3A_69 = tpu.memref_slice %arg3[%mul3A_57, %dma_start3A_68] : memref<327680x64xi32, #tpu.memory_space<hbm>> -> memref<64x64xi32, #tpu.memory_space<hbm>>
    tpu.enqueue_dma source(%dma_start3A_69 : memref<64x64xi32, #tpu.memory_space<hbm>>) target(%dma_start3A_67 : memref<64x64xi32, #tpu.memory_space<vmem>>) target_semaphore(%arg11 : memref<!tpu.dma_semaphore, #tpu.memory_space<semaphore_mem>>)
    %dma_start3A_70 = arith.constant 0 : i32
    %dma_start3A_71 = arith.constant 0 : i32
    %dma_start3A_72 = arith.constant 0 : i32
    %dma_start3A_73 = arith.constant 0 : i32
    %dma_start3A_74 = arith.constant 0 : i32
    %dma_start3A_75 = tpu.memref_slice %arg9[%dma_start3A_72, %dma_start3A_73, %dma_start3A_74] : memref<2x64x128xf32, #tpu.memory_space<vmem>> -> memref<1x64x128xf32, #tpu.memory_space<vmem>>
    %dma_start3A_76 = tpu.memref_squeeze %dma_start3A_75 : memref<1x64x128xf32, #tpu.memory_space<vmem>> -> memref<64x128xf32, #tpu.memory_space<vmem>>
    %dma_start3A_77 = arith.constant 0 : i32
    %dma_start3A_78 = tpu.memref_slice %arg6[%dma_start3A_70, %dma_start3A_71, %dma_start3A_77] : memref<16x2x64xi32, #tpu.memory_space<vmem>> -> memref<1x1x64xi32, #tpu.memory_space<vmem>>
    %dma_start3A_79 = tpu.memref_squeeze %dma_start3A_78 : memref<1x1x64xi32, #tpu.memory_space<vmem>> -> memref<64xi32, #tpu.memory_space<vmem>>
    %dma_start3A_80 = arith.constant 0 : i32
    %dma_start3A_81 = arith.constant 0 : i32
    %dma_start3A_82 = tpu.memref_slice %arg4[%dma_start3A_80, %dma_start3A_81] : memref<10000x128xf32, #tpu.memory_space<hbm>> -> memref<10000x128xf32, #tpu.memory_space<hbm>>
    tpu.enqueue_indirect_dma source(%dma_start3A_82 : memref<10000x128xf32, #tpu.memory_space<hbm>>) target(%dma_start3A_76 : memref<64x128xf32, #tpu.memory_space<vmem>>) offsets(%dma_start3A_79 : memref<64xi32, #tpu.memory_space<vmem>>) semaphore(%arg13 : memref<!tpu.dma_semaphore, #tpu.memory_space<semaphore_mem>>)
    %scan3A_83 = arith.constant 0 : i32
    %scan3A_84 = arith.constant 0 : i32
    %scan3A_85 = arith.constant 80 : i32
    %scan3A_86 = arith.addi %scan3A_84, %scan3A_85 : i32
    %scan3A_87 = arith.constant 1 : i32
    scf.for %scan3A_117 = %scan3A_84 to %scan3A_86 step %scan3A_87  : i32 {
      %mul3A_118 = arith.constant 2 : i32
      %mul3A_119 = arith.muli %scan3A_117, %mul3A_118 : i32
      %add3A_120 = arith.constant 0 : i32
      %add3A_121 = arith.addi %mul3A_119, %add3A_120 : i32
      %add3A_122 = arith.constant 1 : i32
      %add3A_123 = arith.addi %add3A_121, %add3A_122 : i32
      %rem3A = arith.constant 8 : i32
      %rem3A_124 = arith.remsi %scan3A_117, %rem3A : i32
      %mul3A_125 = arith.constant 2 : i32
      %mul3A_126 = arith.muli %mul3A_125, %rem3A_124 : i32
      %add3A_127 = arith.constant 0 : i32
      %add3A_128 = arith.addi %mul3A_126, %add3A_127 : i32
      %dma_wait3A_129 = arith.constant 0 : i32
      %dma_wait3A_130 = arith.constant 0 : i32
      %dma_wait3A_131 = arith.constant 0 : i32
      %dma_wait3A_132 = tpu.memref_slice %arg8[%dma_wait3A_129, %dma_wait3A_130, %dma_wait3A_131] : memref<2x64x64xi32, #tpu.memory_space<vmem>> -> memref<1x64x64xi32, #tpu.memory_space<vmem>>
      %dma_wait3A_133 = tpu.memref_squeeze %dma_wait3A_132 : memref<1x64x64xi32, #tpu.memory_space<vmem>> -> memref<64x64xi32, #tpu.memory_space<vmem>>
      %dma_wait3A_134 = arith.constant 0 : i32
      %dma_wait3A_135 = arith.constant 0 : i32
      %dma_wait3A_136 = tpu.memref_slice %arg3[%dma_wait3A_134, %dma_wait3A_135] : memref<327680x64xi32, #tpu.memory_space<hbm>> -> memref<64x64xi32, #tpu.memory_space<hbm>>
      %dma_wait3A_137 = arith.constant 0 : i32
      %dma_wait3A_138 = arith.constant 0 : i32
      %dma_wait3A_139 = tpu.memref_slice %arg8[%dma_wait3A_129, %dma_wait3A_137, %dma_wait3A_138] : memref<2x64x64xi32, #tpu.memory_space<vmem>> -> memref<1x64x64xi32, #tpu.memory_space<vmem>>
      %dma_wait3A_140 = tpu.memref_squeeze %dma_wait3A_139 : memref<1x64x64xi32, #tpu.memory_space<vmem>> -> memref<64x64xi32, #tpu.memory_space<vmem>>
      %dma_wait3A_141 = arith.constant 0 : i32
      %dma_wait3A_142 = arith.constant 0 : i32
      %dma_wait3A_143 = tpu.memref_slice %arg3[%dma_wait3A_141, %dma_wait3A_142] : memref<327680x64xi32, #tpu.memory_space<hbm>> -> memref<64x64xi32, #tpu.memory_space<hbm>>
      tpu.wait_dma2 semaphore(%arg11 : memref<!tpu.dma_semaphore, #tpu.memory_space<semaphore_mem>>) src(%dma_wait3A_143 : memref<64x64xi32, #tpu.memory_space<hbm>>) dst(%dma_wait3A_140 : memref<64x64xi32, #tpu.memory_space<vmem>>)
      %dma_wait3A_144 = arith.constant 0 : i32
      %dma_wait3A_145 = arith.constant 0 : i32
      %dma_wait3A_146 = arith.constant 0 : i32
      %dma_wait3A_147 = arith.constant 0 : i32
      %dma_wait3A_148 = arith.constant 0 : i32
      %dma_wait3A_149 = tpu.memref_slice %arg9[%dma_wait3A_146, %dma_wait3A_147, %dma_wait3A_148] : memref<2x64x128xf32, #tpu.memory_space<vmem>> -> memref<1x64x128xf32, #tpu.memory_space<vmem>>
      %dma_wait3A_150 = tpu.memref_squeeze %dma_wait3A_149 : memref<1x64x128xf32, #tpu.memory_space<vmem>> -> memref<64x128xf32, #tpu.memory_space<vmem>>
      %dma_wait3A_151 = arith.constant 0 : i32
      %dma_wait3A_152 = tpu.memref_slice %arg6[%dma_wait3A_144, %dma_wait3A_145, %dma_wait3A_151] : memref<16x2x64xi32, #tpu.memory_space<vmem>> -> memref<1x1x64xi32, #tpu.memory_space<vmem>>
      %dma_wait3A_153 = tpu.memref_squeeze %dma_wait3A_152 : memref<1x1x64xi32, #tpu.memory_space<vmem>> -> memref<64xi32, #tpu.memory_space<vmem>>
      %dma_wait3A_154 = arith.constant 0 : i32
      %dma_wait3A_155 = arith.constant 0 : i32
      %dma_wait3A_156 = tpu.memref_slice %arg4[%dma_wait3A_154, %dma_wait3A_155] : memref<10000x128xf32, #tpu.memory_space<hbm>> -> memref<10000x128xf32, #tpu.memory_space<hbm>>
      tpu.wait_indirect_dma semaphore(%arg13 : memref<!tpu.dma_semaphore, #tpu.memory_space<semaphore_mem>>) src(%dma_wait3A_156 : memref<10000x128xf32, #tpu.memory_space<hbm>>) dst(%dma_wait3A_150 : memref<64x128xf32, #tpu.memory_space<vmem>>)
      %get3A = arith.constant 1 : i32
      %get3A_157 = arith.index_cast %add3A_128 : i32 to index
      %get3A_158 = arith.index_cast %get3A : i32 to index
      %get3A_159 = arith.constant 0 : index
      %get3A_160 = tpu.vector_load %arg6[%get3A_157, %get3A_158, %get3A_159] {strides = array<i32>} : memref<16x2x64xi32, #tpu.memory_space<vmem>>, vector<1x1x16xi32>,
      %get3A_161 = vector.shape_cast %get3A_160 : vector<1x1x16xi32> to vector<16xi32>
      %swap3A = arith.constant 0 : i32
      %swap3A_162 = arith.index_cast %swap3A : i32 to index
      %swap3A_163 = arith.constant 0 : index
      %swap3A_164 = tpu.vector_load %arg7[%swap3A_162, %swap3A_163] {strides = array<i32>} : memref<2x64xi32, #tpu.memory_space<vmem>>, vector<1x16xi32>,
      %swap3A_165 = vector.shape_cast %swap3A_164 : vector<1x16xi32> to vector<16xi32>
      %swap3A_166 = vector.shape_cast %get3A_161 : vector<16xi32> to vector<1x16xi32>
      tpu.vector_store %arg7[%swap3A_162, %swap3A_163], %swap3A_166 {strides = array<i32>} : memref<2x64xi32, #tpu.memory_space<vmem>>, vector<1x16xi32>,
      %get3A_167 = arith.constant 1 : i32
      %get3A_168 = arith.index_cast %add3A_128 : i32 to index
      %get3A_169 = arith.index_cast %get3A_167 : i32 to index
      %get3A_170 = arith.constant 16 : index
      %get3A_171 = tpu.vector_load %arg6[%get3A_168, %get3A_169, %get3A_170] {strides = array<i32>} : memref<16x2x64xi32, #tpu.memory_space<vmem>>, vector<1x1x16xi32>,
      %get3A_172 = vector.shape_cast %get3A_171 : vector<1x1x16xi32> to vector<16xi32>
      %swap3A_173 = arith.constant 0 : i32
      %swap3A_174 = arith.index_cast %swap3A_173 : i32 to index
      %swap3A_175 = arith.constant 16 : index
      %swap3A_176 = tpu.vector_load %arg7[%swap3A_174, %swap3A_175] {strides = array<i32>} : memref<2x64xi32, #tpu.memory_space<vmem>>, vector<1x16xi32>,
      %swap3A_177 = vector.shape_cast %swap3A_176 : vector<1x16xi32> to vector<16xi32>
      %swap3A_178 = vector.shape_cast %get3A_172 : vector<16xi32> to vector<1x16xi32>
      tpu.vector_store %arg7[%swap3A_174, %swap3A_175], %swap3A_178 {strides = array<i32>} : memref<2x64xi32, #tpu.memory_space<vmem>>, vector<1x16xi32>,
      %get3A_179 = arith.constant 1 : i32
      %get3A_180 = arith.index_cast %add3A_128 : i32 to index
      %get3A_181 = arith.index_cast %get3A_179 : i32 to index
      %get3A_182 = arith.constant 32 : index
      %get3A_183 = tpu.vector_load %arg6[%get3A_180, %get3A_181, %get3A_182] {strides = array<i32>} : memref<16x2x64xi32, #tpu.memory_space<vmem>>, vector<1x1x16xi32>,
      %get3A_184 = vector.shape_cast %get3A_183 : vector<1x1x16xi32> to vector<16xi32>
      %swap3A_185 = arith.constant 0 : i32
      %swap3A_186 = arith.index_cast %swap3A_185 : i32 to index
      %swap3A_187 = arith.constant 32 : index
      %swap3A_188 = tpu.vector_load %arg7[%swap3A_186, %swap3A_187] {strides = array<i32>} : memref<2x64xi32, #tpu.memory_space<vmem>>, vector<1x16xi32>,
      %swap3A_189 = vector.shape_cast %swap3A_188 : vector<1x16xi32> to vector<16xi32>
      %swap3A_190 = vector.shape_cast %get3A_184 : vector<16xi32> to vector<1x16xi32>
      tpu.vector_store %arg7[%swap3A_186, %swap3A_187], %swap3A_190 {strides = array<i32>} : memref<2x64xi32, #tpu.memory_space<vmem>>, vector<1x16xi32>,
      %get3A_191 = arith.constant 1 : i32
      %get3A_192 = arith.index_cast %add3A_128 : i32 to index
      %get3A_193 = arith.index_cast %get3A_191 : i32 to index
      %get3A_194 = arith.constant 48 : index
      %get3A_195 = tpu.vector_load %arg6[%get3A_192, %get3A_193, %get3A_194] {strides = array<i32>} : memref<16x2x64xi32, #tpu.memory_space<vmem>>, vector<1x1x16xi32>,
      %get3A_196 = vector.shape_cast %get3A_195 : vector<1x1x16xi32> to vector<16xi32>
      %swap3A_197 = arith.constant 0 : i32
      %swap3A_198 = arith.index_cast %swap3A_197 : i32 to index
      %swap3A_199 = arith.constant 48 : index
      %swap3A_200 = tpu.vector_load %arg7[%swap3A_198, %swap3A_199] {strides = array<i32>} : memref<2x64xi32, #tpu.memory_space<vmem>>, vector<1x16xi32>,
      %swap3A_201 = vector.shape_cast %swap3A_200 : vector<1x16xi32> to vector<16xi32>
      %swap3A_202 = vector.shape_cast %get3A_196 : vector<16xi32> to vector<1x16xi32>
      tpu.vector_store %arg7[%swap3A_198, %swap3A_199], %swap3A_202 {strides = array<i32>} : memref<2x64xi32, #tpu.memory_space<vmem>>, vector<1x16xi32>,
      %add3A_203 = arith.constant 1 : i32
      %add3A_204 = arith.addi %add3A_128, %add3A_203 : i32
      %ge3A = arith.constant 1 : i32
      %ge3A_205 = arith.cmpi sge, %scan3A_117, %ge3A : i32
      %convert_element_type3A = arith.extui %ge3A_205 : i1 to i32
      %cond3A = arith.constant 0 : i32
      %cond3A_206 = arith.cmpi ne, %convert_element_type3A, %cond3A : i32
      scf.if %cond3A_206 {
        %dma_wait3A_369 = arith.constant 1 : i32
        %dma_wait3A_370 = arith.constant 1 : i32
        %dma_wait3A_371 = arith.constant 0 : i32
        %dma_wait3A_372 = arith.constant 0 : i32
        %dma_wait3A_373 = tpu.memref_slice %arg9[%dma_wait3A_369, %dma_wait3A_371, %dma_wait3A_372] : memref<2x64x128xf32, #tpu.memory_space<vmem>> -> memref<1x64x128xf32, #tpu.memory_space<vmem>>
        %dma_wait3A_374 = tpu.memref_squeeze %dma_wait3A_373 : memref<1x64x128xf32, #tpu.memory_space<vmem>> -> memref<64x128xf32, #tpu.memory_space<vmem>>
        %dma_wait3A_375 = arith.constant 0 : i32
        %dma_wait3A_376 = tpu.memref_slice %arg7[%dma_wait3A_370, %dma_wait3A_375] : memref<2x64xi32, #tpu.memory_space<vmem>> -> memref<1x64xi32, #tpu.memory_space<vmem>>
        %dma_wait3A_377 = tpu.memref_squeeze %dma_wait3A_376 : memref<1x64xi32, #tpu.memory_space<vmem>> -> memref<64xi32, #tpu.memory_space<vmem>>
        %dma_wait3A_378 = arith.constant 0 : i32
        %dma_wait3A_379 = arith.constant 0 : i32
        %dma_wait3A_380 = tpu.memref_slice %arg10[%dma_wait3A_378, %dma_wait3A_379] : memref<10240x128xf32, #tpu.memory_space<vmem_shared>> -> memref<10240x128xf32, #tpu.memory_space<vmem_shared>>
        tpu.wait_indirect_dma semaphore(%arg16 : memref<!tpu.dma_semaphore, #tpu.memory_space<semaphore_mem>>) src(%dma_wait3A_374 : memref<64x128xf32, #tpu.memory_space<vmem>>) dst(%dma_wait3A_380 : memref<10240x128xf32, #tpu.memory_space<vmem_shared>>)
      } else {
      }
      %mul3A_207 = arith.constant 10240 : i32
      %mul3A_208 = arith.muli %add3A, %mul3A_207 : i32
      %mul3A_209 = arith.constant 64 : i32
      %mul3A_210 = arith.muli %add3A_123, %mul3A_209 : i32
      %add3A_211 = arith.addi %mul3A_208, %mul3A_210 : i32
      %dma_start3A_212 = arith.constant 1 : i32
      %dma_start3A_213 = arith.constant 0 : i32
      %dma_start3A_214 = arith.constant 0 : i32
      %dma_start3A_215 = tpu.memref_slice %arg8[%dma_start3A_212, %dma_start3A_213, %dma_start3A_214] : memref<2x64x64xi32, #tpu.memory_space<vmem>> -> memref<1x64x64xi32, #tpu.memory_space<vmem>>
      %dma_start3A_216 = tpu.memref_squeeze %dma_start3A_215 : memref<1x64x64xi32, #tpu.memory_space<vmem>> -> memref<64x64xi32, #tpu.memory_space<vmem>>
      %dma_start3A_217 = arith.constant 0 : i32
      %dma_start3A_218 = tpu.memref_slice %arg3[%add3A_211, %dma_start3A_217] : memref<327680x64xi32, #tpu.memory_space<hbm>> -> memref<64x64xi32, #tpu.memory_space<hbm>>
      %dma_start3A_219 = arith.constant 0 : i32
      %dma_start3A_220 = arith.constant 0 : i32
      %dma_start3A_221 = tpu.memref_slice %arg8[%dma_start3A_212, %dma_start3A_219, %dma_start3A_220] : memref<2x64x64xi32, #tpu.memory_space<vmem>> -> memref<1x64x64xi32, #tpu.memory_space<vmem>>
      %dma_start3A_222 = tpu.memref_squeeze %dma_start3A_221 : memref<1x64x64xi32, #tpu.memory_space<vmem>> -> memref<64x64xi32, #tpu.memory_space<vmem>>
      %dma_start3A_223 = arith.constant 0 : i32
      %dma_start3A_224 = tpu.memref_slice %arg3[%add3A_211, %dma_start3A_223] : memref<327680x64xi32, #tpu.memory_space<hbm>> -> memref<64x64xi32, #tpu.memory_space<hbm>>
      tpu.enqueue_dma source(%dma_start3A_224 : memref<64x64xi32, #tpu.memory_space<hbm>>) target(%dma_start3A_222 : memref<64x64xi32, #tpu.memory_space<vmem>>) target_semaphore(%arg12 : memref<!tpu.dma_semaphore, #tpu.memory_space<semaphore_mem>>)
      %dma_start3A_225 = arith.constant 0 : i32
      %dma_start3A_226 = arith.constant 1 : i32
      %dma_start3A_227 = arith.constant 0 : i32
      %dma_start3A_228 = arith.constant 0 : i32
      %dma_start3A_229 = tpu.memref_slice %arg9[%dma_start3A_226, %dma_start3A_227, %dma_start3A_228] : memref<2x64x128xf32, #tpu.memory_space<vmem>> -> memref<1x64x128xf32, #tpu.memory_space<vmem>>
      %dma_start3A_230 = tpu.memref_squeeze %dma_start3A_229 : memref<1x64x128xf32, #tpu.memory_space<vmem>> -> memref<64x128xf32, #tpu.memory_space<vmem>>
      %dma_start3A_231 = arith.constant 0 : i32
      %dma_start3A_232 = tpu.memref_slice %arg6[%add3A_204, %dma_start3A_225, %dma_start3A_231] : memref<16x2x64xi32, #tpu.memory_space<vmem>> -> memref<1x1x64xi32, #tpu.memory_space<vmem>>
      %dma_start3A_233 = tpu.memref_squeeze %dma_start3A_232 : memref<1x1x64xi32, #tpu.memory_space<vmem>> -> memref<64xi32, #tpu.memory_space<vmem>>
      %dma_start3A_234 = arith.constant 0 : i32
      %dma_start3A_235 = arith.constant 0 : i32
      %dma_start3A_236 = tpu.memref_slice %arg4[%dma_start3A_234, %dma_start3A_235] : memref<10000x128xf32, #tpu.memory_space<hbm>> -> memref<10000x128xf32, #tpu.memory_space<hbm>>
      tpu.enqueue_indirect_dma source(%dma_start3A_236 : memref<10000x128xf32, #tpu.memory_space<hbm>>) target(%dma_start3A_230 : memref<64x128xf32, #tpu.memory_space<vmem>>) offsets(%dma_start3A_233 : memref<64xi32, #tpu.memory_space<vmem>>) semaphore(%arg14 : memref<!tpu.dma_semaphore, #tpu.memory_space<semaphore_mem>>)
      %broadcast_in_dim3A_237 = arith.constant -65536 : i32
      %broadcast_in_dim3A_238 = vector.broadcast %broadcast_in_dim3A_237 : i32 to vector<16xi32>
      %scan3A_239 = arith.constant 0 : i32
      %scan3A_240 = arith.constant 0 : i32
      %scan3A_241 = arith.constant 64 : i32
      %scan3A_242 = arith.addi %scan3A_240, %scan3A_241 : i32
      %scan3A_243 = arith.constant 1 : i32
      scf.for %scan3A_369 = %scan3A_240 to %scan3A_242 step %scan3A_243  : i32 {
        %get3A_370 = arith.constant 0 : i32
        %get3A_371 = arith.index_cast %get3A_370 : i32 to index
        %get3A_372 = arith.index_cast %scan3A_369 : i32 to index
        %get3A_373 = arith.constant 0 : index
        %get3A_374 = tpu.vector_load %arg8[%get3A_371, %get3A_372, %get3A_373] {strides = array<i32>} : memref<2x64x64xi32, #tpu.memory_space<vmem>>, vector<1x1x16xi32>,
        %get3A_375 = vector.shape_cast %get3A_374 : vector<1x1x16xi32> to vector<16xi32>
        %shift_left3A = arith.constant 16 : i32
        %shift_left3A_376 = vector.broadcast %shift_left3A : i32 to vector<16xi32>
        %shift_left3A_377 = arith.shli %get3A_375, %shift_left3A_376 : vector<16xi32>
        %bitcast_convert_type3A = tpu.bitcast %shift_left3A_377 : vector<16xi32> -> vector<16xf32>
        %and3A = arith.andi %get3A_375, %broadcast_in_dim3A_238 : vector<16xi32>
        %bitcast_convert_type3A_378 = tpu.bitcast %and3A : vector<16xi32> -> vector<16xf32>
        %get3A_379 = arith.constant 0 : i32
        %get3A_380 = arith.index_cast %get3A_379 : i32 to index
        %get3A_381 = arith.index_cast %scan3A_369 : i32 to index
        %get3A_382 = arith.constant 0 : index
        %get3A_383 = tpu.vector_load %arg9[%get3A_380, %get3A_381, %get3A_382] {strides = array<i32>} : memref<2x64x128xf32, #tpu.memory_space<vmem>>, vector<1x1x16xf32>,
        %get3A_384 = vector.shape_cast %get3A_383 : vector<1x1x16xf32> to vector<16xf32>
        %add3A_385 = arith.addf %get3A_384, %bitcast_convert_type3A : vector<16xf32>
        %max3A = arith.constant 0.000000e+00 : f32
        %max3A_386 = vector.broadcast %max3A : f32 to vector<16xf32>
        %max3A_387 = arith.maximumf %add3A_385, %max3A_386 : vector<16xf32>
        %swap3A_388 = arith.constant 0 : i32
        %swap3A_389 = arith.index_cast %swap3A_388 : i32 to index
        %swap3A_390 = arith.index_cast %scan3A_369 : i32 to index
        %swap3A_391 = arith.constant 0 : index
        %swap3A_392 = tpu.vector_load %arg9[%swap3A_389, %swap3A_390, %swap3A_391] {strides = array<i32>} : memref<2x64x128xf32, #tpu.memory_space<vmem>>, vector<1x1x16xf32>,
        %swap3A_393 = vector.shape_cast %swap3A_392 : vector<1x1x16xf32> to vector<16xf32>
        %swap3A_394 = vector.shape_cast %max3A_387 : vector<16xf32> to vector<1x1x16xf32>
        tpu.vector_store %arg9[%swap3A_389, %swap3A_390, %swap3A_391], %swap3A_394 {strides = array<i32>} : memref<2x64x128xf32, #tpu.memory_space<vmem>>, vector<1x1x16xf32>,
        %get3A_395 = arith.constant 0 : i32
        %get3A_396 = arith.index_cast %get3A_395 : i32 to index
        %get3A_397 = arith.index_cast %scan3A_369 : i32 to index
        %get3A_398 = arith.constant 64 : index
        %get3A_399 = tpu.vector_load %arg9[%get3A_396, %get3A_397, %get3A_398] {strides = array<i32>} : memref<2x64x128xf32, #tpu.memory_space<vmem>>, vector<1x1x16xf32>,
        %get3A_400 = vector.shape_cast %get3A_399 : vector<1x1x16xf32> to vector<16xf32>
        %add3A_401 = arith.addf %get3A_400, %bitcast_convert_type3A_378 : vector<16xf32>
        %max3A_402 = arith.constant 0.000000e+00 : f32
        %max3A_403 = vector.broadcast %max3A_402 : f32 to vector<16xf32>
        %max3A_404 = arith.maximumf %add3A_401, %max3A_403 : vector<16xf32>
        %swap3A_405 = arith.constant 0 : i32
        %swap3A_406 = arith.index_cast %swap3A_405 : i32 to index
        %swap3A_407 = arith.index_cast %scan3A_369 : i32 to index
        %swap3A_408 = arith.constant 64 : index
        %swap3A_409 = tpu.vector_load %arg9[%swap3A_406, %swap3A_407, %swap3A_408] {strides = array<i32>} : memref<2x64x128xf32, #tpu.memory_space<vmem>>, vector<1x1x16xf32>,
        %swap3A_410 = vector.shape_cast %swap3A_409 : vector<1x1x16xf32> to vector<16xf32>
        %swap3A_411 = vector.shape_cast %max3A_404 : vector<16xf32> to vector<1x1x16xf32>
        tpu.vector_store %arg9[%swap3A_406, %swap3A_407, %swap3A_408], %swap3A_411 {strides = array<i32>} : memref<2x64x128xf32, #tpu.memory_space<vmem>>, vector<1x1x16xf32>,
        %get3A_412 = arith.constant 0 : i32
        %get3A_413 = arith.index_cast %get3A_412 : i32 to index
        %get3A_414 = arith.index_cast %scan3A_369 : i32 to index
        %get3A_415 = arith.constant 16 : index
        %get3A_416 = tpu.vector_load %arg8[%get3A_413, %get3A_414, %get3A_415] {strides = array<i32>} : memref<2x64x64xi32, #tpu.memory_space<vmem>>, vector<1x1x16xi32>,
        %get3A_417 = vector.shape_cast %get3A_416 : vector<1x1x16xi32> to vector<16xi32>
        %shift_left3A_418 = arith.constant 16 : i32
        %shift_left3A_419 = vector.broadcast %shift_left3A_418 : i32 to vector<16xi32>
        %shift_left3A_420 = arith.shli %get3A_417, %shift_left3A_419 : vector<16xi32>
        %bitcast_convert_type3A_421 = tpu.bitcast %shift_left3A_420 : vector<16xi32> -> vector<16xf32>
        %and3A_422 = arith.andi %get3A_417, %broadcast_in_dim3A_238 : vector<16xi32>
        %bitcast_convert_type3A_423 = tpu.bitcast %and3A_422 : vector<16xi32> -> vector<16xf32>
        %get3A_424 = arith.constant 0 : i32
        %get3A_425 = arith.index_cast %get3A_424 : i32 to index
        %get3A_426 = arith.index_cast %scan3A_369 : i32 to index
        %get3A_427 = arith.constant 16 : index
        %get3A_428 = tpu.vector_load %arg9[%get3A_425, %get3A_426, %get3A_427] {strides = array<i32>} : memref<2x64x128xf32, #tpu.memory_space<vmem>>, vector<1x1x16xf32>,
        %get3A_429 = vector.shape_cast %get3A_428 : vector<1x1x16xf32> to vector<16xf32>
        %add3A_430 = arith.addf %get3A_429, %bitcast_convert_type3A_421 : vector<16xf32>
        %max3A_431 = arith.constant 0.000000e+00 : f32
        %max3A_432 = vector.broadcast %max3A_431 : f32 to vector<16xf32>
        %max3A_433 = arith.maximumf %add3A_430, %max3A_432 : vector<16xf32>
        %swap3A_434 = arith.constant 0 : i32
        %swap3A_435 = arith.index_cast %swap3A_434 : i32 to index
        %swap3A_436 = arith.index_cast %scan3A_369 : i32 to index
        %swap3A_437 = arith.constant 16 : index
        %swap3A_438 = tpu.vector_load %arg9[%swap3A_435, %swap3A_436, %swap3A_437] {strides = array<i32>} : memref<2x64x128xf32, #tpu.memory_space<vmem>>, vector<1x1x16xf32>,
        %swap3A_439 = vector.shape_cast %swap3A_438 : vector<1x1x16xf32> to vector<16xf32>
        %swap3A_440 = vector.shape_cast %max3A_433 : vector<16xf32> to vector<1x1x16xf32>
        tpu.vector_store %arg9[%swap3A_435, %swap3A_436, %swap3A_437], %swap3A_440 {strides = array<i32>} : memref<2x64x128xf32, #tpu.memory_space<vmem>>, vector<1x1x16xf32>,
        %get3A_441 = arith.constant 0 : i32
        %get3A_442 = arith.index_cast %get3A_441 : i32 to index
        %get3A_443 = arith.index_cast %scan3A_369 : i32 to index
        %get3A_444 = arith.constant 80 : index
        %get3A_445 = tpu.vector_load %arg9[%get3A_442, %get3A_443, %get3A_444] {strides = array<i32>} : memref<2x64x128xf32, #tpu.memory_space<vmem>>, vector<1x1x16xf32>,
        %get3A_446 = vector.shape_cast %get3A_445 : vector<1x1x16xf32> to vector<16xf32>
        %add3A_447 = arith.addf %get3A_446, %bitcast_convert_type3A_423 : vector<16xf32>
        %max3A_448 = arith.constant 0.000000e+00 : f32
        %max3A_449 = vector.broadcast %max3A_448 : f32 to vector<16xf32>
        %max3A_450 = arith.maximumf %add3A_447, %max3A_449 : vector<16xf32>
        %swap3A_451 = arith.constant 0 : i32
        %swap3A_452 = arith.index_cast %swap3A_451 : i32 to index
        %swap3A_453 = arith.index_cast %scan3A_369 : i32 to index
        %swap3A_454 = arith.constant 80 : index
        %swap3A_455 = tpu.vector_load %arg9[%swap3A_452, %swap3A_453, %swap3A_454] {strides = array<i32>} : memref<2x64x128xf32, #tpu.memory_space<vmem>>, vector<1x1x16xf32>,
        %swap3A_456 = vector.shape_cast %swap3A_455 : vector<1x1x16xf32> to vector<16xf32>
        %swap3A_457 = vector.shape_cast %max3A_450 : vector<16xf32> to vector<1x1x16xf32>
        tpu.vector_store %arg9[%swap3A_452, %swap3A_453, %swap3A_454], %swap3A_457 {strides = array<i32>} : memref<2x64x128xf32, #tpu.memory_space<vmem>>, vector<1x1x16xf32>,
        %get3A_458 = arith.constant 0 : i32
        %get3A_459 = arith.index_cast %get3A_458 : i32 to index
        %get3A_460 = arith.index_cast %scan3A_369 : i32 to index
        %get3A_461 = arith.constant 32 : index
        %get3A_462 = tpu.vector_load %arg8[%get3A_459, %get3A_460, %get3A_461] {strides = array<i32>} : memref<2x64x64xi32, #tpu.memory_space<vmem>>, vector<1x1x16xi32>,
        %get3A_463 = vector.shape_cast %get3A_462 : vector<1x1x16xi32> to vector<16xi32>
        %shift_left3A_464 = arith.constant 16 : i32
        %shift_left3A_465 = vector.broadcast %shift_left3A_464 : i32 to vector<16xi32>
        %shift_left3A_466 = arith.shli %get3A_463, %shift_left3A_465 : vector<16xi32>
        %bitcast_convert_type3A_467 = tpu.bitcast %shift_left3A_466 : vector<16xi32> -> vector<16xf32>
        %and3A_468 = arith.andi %get3A_463, %broadcast_in_dim3A_238 : vector<16xi32>
        %bitcast_convert_type3A_469 = tpu.bitcast %and3A_468 : vector<16xi32> -> vector<16xf32>
        %get3A_470 = arith.constant 0 : i32
        %get3A_471 = arith.index_cast %get3A_470 : i32 to index
        %get3A_472 = arith.index_cast %scan3A_369 : i32 to index
        %get3A_473 = arith.constant 32 : index
        %get3A_474 = tpu.vector_load %arg9[%get3A_471, %get3A_472, %get3A_473] {strides = array<i32>} : memref<2x64x128xf32, #tpu.memory_space<vmem>>, vector<1x1x16xf32>,
        %get3A_475 = vector.shape_cast %get3A_474 : vector<1x1x16xf32> to vector<16xf32>
        %add3A_476 = arith.addf %get3A_475, %bitcast_convert_type3A_467 : vector<16xf32>
        %max3A_477 = arith.constant 0.000000e+00 : f32
        %max3A_478 = vector.broadcast %max3A_477 : f32 to vector<16xf32>
        %max3A_479 = arith.maximumf %add3A_476, %max3A_478 : vector<16xf32>
        %swap3A_480 = arith.constant 0 : i32
        %swap3A_481 = arith.index_cast %swap3A_480 : i32 to index
        %swap3A_482 = arith.index_cast %scan3A_369 : i32 to index
        %swap3A_483 = arith.constant 32 : index
        %swap3A_484 = tpu.vector_load %arg9[%swap3A_481, %swap3A_482, %swap3A_483] {strides = array<i32>} : memref<2x64x128xf32, #tpu.memory_space<vmem>>, vector<1x1x16xf32>,
        %swap3A_485 = vector.shape_cast %swap3A_484 : vector<1x1x16xf32> to vector<16xf32>
        %swap3A_486 = vector.shape_cast %max3A_479 : vector<16xf32> to vector<1x1x16xf32>
        tpu.vector_store %arg9[%swap3A_481, %swap3A_482, %swap3A_483], %swap3A_486 {strides = array<i32>} : memref<2x64x128xf32, #tpu.memory_space<vmem>>, vector<1x1x16xf32>,
        %get3A_487 = arith.constant 0 : i32
        %get3A_488 = arith.index_cast %get3A_487 : i32 to index
        %get3A_489 = arith.index_cast %scan3A_369 : i32 to index
        %get3A_490 = arith.constant 96 : index
        %get3A_491 = tpu.vector_load %arg9[%get3A_488, %get3A_489, %get3A_490] {strides = array<i32>} : memref<2x64x128xf32, #tpu.memory_space<vmem>>, vector<1x1x16xf32>,
        %get3A_492 = vector.shape_cast %get3A_491 : vector<1x1x16xf32> to vector<16xf32>
        %add3A_493 = arith.addf %get3A_492, %bitcast_convert_type3A_469 : vector<16xf32>
        %max3A_494 = arith.constant 0.000000e+00 : f32
        %max3A_495 = vector.broadcast %max3A_494 : f32 to vector<16xf32>
        %max3A_496 = arith.maximumf %add3A_493, %max3A_495 : vector<16xf32>
        %swap3A_497 = arith.constant 0 : i32
        %swap3A_498 = arith.index_cast %swap3A_497 : i32 to index
        %swap3A_499 = arith.index_cast %scan3A_369 : i32 to index
        %swap3A_500 = arith.constant 96 : index
        %swap3A_501 = tpu.vector_load %arg9[%swap3A_498, %swap3A_499, %swap3A_500] {strides = array<i32>} : memref<2x64x128xf32, #tpu.memory_space<vmem>>, vector<1x1x16xf32>,
        %swap3A_502 = vector.shape_cast %swap3A_501 : vector<1x1x16xf32> to vector<16xf32>
        %swap3A_503 = vector.shape_cast %max3A_496 : vector<16xf32> to vector<1x1x16xf32>
        tpu.vector_store %arg9[%swap3A_498, %swap3A_499, %swap3A_500], %swap3A_503 {strides = array<i32>} : memref<2x64x128xf32, #tpu.memory_space<vmem>>, vector<1x1x16xf32>,
        %get3A_504 = arith.constant 0 : i32
        %get3A_505 = arith.index_cast %get3A_504 : i32 to index
        %get3A_506 = arith.index_cast %scan3A_369 : i32 to index
        %get3A_507 = arith.constant 48 : index
        %get3A_508 = tpu.vector_load %arg8[%get3A_505, %get3A_506, %get3A_507] {strides = array<i32>} : memref<2x64x64xi32, #tpu.memory_space<vmem>>, vector<1x1x16xi32>,
        %get3A_509 = vector.shape_cast %get3A_508 : vector<1x1x16xi32> to vector<16xi32>
        %shift_left3A_510 = arith.constant 16 : i32
        %shift_left3A_511 = vector.broadcast %shift_left3A_510 : i32 to vector<16xi32>
        %shift_left3A_512 = arith.shli %get3A_509, %shift_left3A_511 : vector<16xi32>
        %bitcast_convert_type3A_513 = tpu.bitcast %shift_left3A_512 : vector<16xi32> -> vector<16xf32>
        %and3A_514 = arith.andi %get3A_509, %broadcast_in_dim3A_238 : vector<16xi32>
        %bitcast_convert_type3A_515 = tpu.bitcast %and3A_514 : vector<16xi32> -> vector<16xf32>
        %get3A_516 = arith.constant 0 : i32
        %get3A_517 = arith.index_cast %get3A_516 : i32 to index
        %get3A_518 = arith.index_cast %scan3A_369 : i32 to index
        %get3A_519 = arith.constant 48 : index
        %get3A_520 = tpu.vector_load %arg9[%get3A_517, %get3A_518, %get3A_519] {strides = array<i32>} : memref<2x64x128xf32, #tpu.memory_space<vmem>>, vector<1x1x16xf32>,
        %get3A_521 = vector.shape_cast %get3A_520 : vector<1x1x16xf32> to vector<16xf32>
        %add3A_522 = arith.addf %get3A_521, %bitcast_convert_type3A_513 : vector<16xf32>
        %max3A_523 = arith.constant 0.000000e+00 : f32
        %max3A_524 = vector.broadcast %max3A_523 : f32 to vector<16xf32>
        %max3A_525 = arith.maximumf %add3A_522, %max3A_524 : vector<16xf32>
        %swap3A_526 = arith.constant 0 : i32
        %swap3A_527 = arith.index_cast %swap3A_526 : i32 to index
        %swap3A_528 = arith.index_cast %scan3A_369 : i32 to index
        %swap3A_529 = arith.constant 48 : index
        %swap3A_530 = tpu.vector_load %arg9[%swap3A_527, %swap3A_528, %swap3A_529] {strides = array<i32>} : memref<2x64x128xf32, #tpu.memory_space<vmem>>, vector<1x1x16xf32>,
        %swap3A_531 = vector.shape_cast %swap3A_530 : vector<1x1x16xf32> to vector<16xf32>
        %swap3A_532 = vector.shape_cast %max3A_525 : vector<16xf32> to vector<1x1x16xf32>
        tpu.vector_store %arg9[%swap3A_527, %swap3A_528, %swap3A_529], %swap3A_532 {strides = array<i32>} : memref<2x64x128xf32, #tpu.memory_space<vmem>>, vector<1x1x16xf32>,
        %get3A_533 = arith.constant 0 : i32
        %get3A_534 = arith.index_cast %get3A_533 : i32 to index
        %get3A_535 = arith.index_cast %scan3A_369 : i32 to index
        %get3A_536 = arith.constant 112 : index
        %get3A_537 = tpu.vector_load %arg9[%get3A_534, %get3A_535, %get3A_536] {strides = array<i32>} : memref<2x64x128xf32, #tpu.memory_space<vmem>>, vector<1x1x16xf32>,
        %get3A_538 = vector.shape_cast %get3A_537 : vector<1x1x16xf32> to vector<16xf32>
        %add3A_539 = arith.addf %get3A_538, %bitcast_convert_type3A_515 : vector<16xf32>
        %max3A_540 = arith.constant 0.000000e+00 : f32
        %max3A_541 = vector.broadcast %max3A_540 : f32 to vector<16xf32>
        %max3A_542 = arith.maximumf %add3A_539, %max3A_541 : vector<16xf32>
        %swap3A_543 = arith.constant 0 : i32
        %swap3A_544 = arith.index_cast %swap3A_543 : i32 to index
        %swap3A_545 = arith.index_cast %scan3A_369 : i32 to index
        %swap3A_546 = arith.constant 112 : index
        %swap3A_547 = tpu.vector_load %arg9[%swap3A_544, %swap3A_545, %swap3A_546] {strides = array<i32>} : memref<2x64x128xf32, #tpu.memory_space<vmem>>, vector<1x1x16xf32>,
        %swap3A_548 = vector.shape_cast %swap3A_547 : vector<1x1x16xf32> to vector<16xf32>
        %swap3A_549 = vector.shape_cast %max3A_542 : vector<16xf32> to vector<1x1x16xf32>
        tpu.vector_store %arg9[%swap3A_544, %swap3A_545, %swap3A_546], %swap3A_549 {strides = array<i32>} : memref<2x64x128xf32, #tpu.memory_space<vmem>>, vector<1x1x16xf32>,
      }
      %scan3A_244 = arith.constant 64 : i32
      %dma_start3A_245 = arith.constant 0 : i32
      %dma_start3A_246 = arith.constant 0 : i32
      %dma_start3A_247 = arith.constant 0 : i32
      %dma_start3A_248 = arith.constant 0 : i32
      %dma_start3A_249 = tpu.memref_slice %arg9[%dma_start3A_245, %dma_start3A_247, %dma_start3A_248] : memref<2x64x128xf32, #tpu.memory_space<vmem>> -> memref<1x64x128xf32, #tpu.memory_space<vmem>>
      %dma_start3A_250 = tpu.memref_squeeze %dma_start3A_249 : memref<1x64x128xf32, #tpu.memory_space<vmem>> -> memref<64x128xf32, #tpu.memory_space<vmem>>
      %dma_start3A_251 = arith.constant 0 : i32
      %dma_start3A_252 = tpu.memref_slice %arg7[%dma_start3A_246, %dma_start3A_251] : memref<2x64xi32, #tpu.memory_space<vmem>> -> memref<1x64xi32, #tpu.memory_space<vmem>>
      %dma_start3A_253 = tpu.memref_squeeze %dma_start3A_252 : memref<1x64xi32, #tpu.memory_space<vmem>> -> memref<64xi32, #tpu.memory_space<vmem>>
      %dma_start3A_254 = arith.constant 0 : i32
      %dma_start3A_255 = arith.constant 0 : i32
      %dma_start3A_256 = tpu.memref_slice %arg10[%dma_start3A_254, %dma_start3A_255] : memref<10240x128xf32, #tpu.memory_space<vmem_shared>> -> memref<10240x128xf32, #tpu.memory_space<vmem_shared>>
      tpu.enqueue_indirect_dma source(%dma_start3A_250 : memref<64x128xf32, #tpu.memory_space<vmem>>) target(%dma_start3A_256 : memref<10240x128xf32, #tpu.memory_space<vmem_shared>>) offsets(%dma_start3A_253 : memref<64xi32, #tpu.memory_space<vmem>>) semaphore(%arg15 : memref<!tpu.dma_semaphore, #tpu.memory_space<semaphore_mem>>) {add = true}
      %mul3A_257 = arith.constant 2 : i32
      %mul3A_258 = arith.muli %scan3A_117, %mul3A_257 : i32
      %add3A_259 = arith.constant 1 : i32
      %add3A_260 = arith.addi %mul3A_258, %add3A_259 : i32
      %add3A_261 = arith.constant 1 : i32
      %add3A_262 = arith.addi %add3A_260, %add3A_261 : i32
      %rem3A_263 = arith.constant 8 : i32
      %rem3A_264 = arith.remsi %scan3A_117, %rem3A_263 : i32
      %mul3A_265 = arith.constant 2 : i32
      %mul3A_266 = arith.muli %mul3A_265, %rem3A_264 : i32
      %add3A_267 = arith.constant 1 : i32
      %add3A_268 = arith.addi %mul3A_266, %add3A_267 : i32
      %dma_wait3A_269 = arith.constant 1 : i32
      %dma_wait3A_270 = arith.constant 0 : i32
      %dma_wait3A_271 = arith.constant 0 : i32
      %dma_wait3A_272 = tpu.memref_slice %arg8[%dma_wait3A_269, %dma_wait3A_270, %dma_wait3A_271] : memref<2x64x64xi32, #tpu.memory_space<vmem>> -> memref<1x64x64xi32, #tpu.memory_space<vmem>>
      %dma_wait3A_273 = tpu.memref_squeeze %dma_wait3A_272 : memref<1x64x64xi32, #tpu.memory_space<vmem>> -> memref<64x64xi32, #tpu.memory_space<vmem>>
      %dma_wait3A_274 = arith.constant 0 : i32
      %dma_wait3A_275 = arith.constant 0 : i32
      %dma_wait3A_276 = tpu.memref_slice %arg3[%dma_wait3A_274, %dma_wait3A_275] : memref<327680x64xi32, #tpu.memory_space<hbm>> -> memref<64x64xi32, #tpu.memory_space<hbm>>
      %dma_wait3A_277 = arith.constant 0 : i32
      %dma_wait3A_278 = arith.constant 0 : i32
      %dma_wait3A_279 = tpu.memref_slice %arg8[%dma_wait3A_269, %dma_wait3A_277, %dma_wait3A_278] : memref<2x64x64xi32, #tpu.memory_space<vmem>> -> memref<1x64x64xi32, #tpu.memory_space<vmem>>
      %dma_wait3A_280 = tpu.memref_squeeze %dma_wait3A_279 : memref<1x64x64xi32, #tpu.memory_space<vmem>> -> memref<64x64xi32, #tpu.memory_space<vmem>>
      %dma_wait3A_281 = arith.constant 0 : i32
      %dma_wait3A_282 = arith.constant 0 : i32
      %dma_wait3A_283 = tpu.memref_slice %arg3[%dma_wait3A_281, %dma_wait3A_282] : memref<327680x64xi32, #tpu.memory_space<hbm>> -> memref<64x64xi32, #tpu.memory_space<hbm>>
      tpu.wait_dma2 semaphore(%arg12 : memref<!tpu.dma_semaphore, #tpu.memory_space<semaphore_mem>>) src(%dma_wait3A_283 : memref<64x64xi32, #tpu.memory_space<hbm>>) dst(%dma_wait3A_280 : memref<64x64xi32, #tpu.memory_space<vmem>>)
      %dma_wait3A_284 = arith.constant 0 : i32
      %dma_wait3A_285 = arith.constant 0 : i32
      %dma_wait3A_286 = arith.constant 1 : i32
      %dma_wait3A_287 = arith.constant 0 : i32
      %dma_wait3A_288 = arith.constant 0 : i32
      %dma_wait3A_289 = tpu.memref_slice %arg9[%dma_wait3A_286, %dma_wait3A_287, %dma_wait3A_288] : memref<2x64x128xf32, #tpu.memory_space<vmem>> -> memref<1x64x128xf32, #tpu.memory_space<vmem>>
      %dma_wait3A_290 = tpu.memref_squeeze %dma_wait3A_289 : memref<1x64x128xf32, #tpu.memory_space<vmem>> -> memref<64x128xf32, #tpu.memory_space<vmem>>
      %dma_wait3A_291 = arith.constant 0 : i32
      %dma_wait3A_292 = tpu.memref_slice %arg6[%dma_wait3A_284, %dma_wait3A_285, %dma_wait3A_291] : memref<16x2x64xi32, #tpu.memory_space<vmem>> -> memref<1x1x64xi32, #tpu.memory_space<vmem>>
      %dma_wait3A_293 = tpu.memref_squeeze %dma_wait3A_292 : memref<1x1x64xi32, #tpu.memory_space<vmem>> -> memref<64xi32, #tpu.memory_space<vmem>>
      %dma_wait3A_294 = arith.constant 0 : i32
      %dma_wait3A_295 = arith.constant 0 : i32
      %dma_wait3A_296 = tpu.memref_slice %arg4[%dma_wait3A_294, %dma_wait3A_295] : memref<10000x128xf32, #tpu.memory_space<hbm>> -> memref<10000x128xf32, #tpu.memory_space<hbm>>
      tpu.wait_indirect_dma semaphore(%arg14 : memref<!tpu.dma_semaphore, #tpu.memory_space<semaphore_mem>>) src(%dma_wait3A_296 : memref<10000x128xf32, #tpu.memory_space<hbm>>) dst(%dma_wait3A_290 : memref<64x128xf32, #tpu.memory_space<vmem>>)
      %get3A_297 = arith.constant 1 : i32
      %get3A_298 = arith.index_cast %add3A_268 : i32 to index
      %get3A_299 = arith.index_cast %get3A_297 : i32 to index
      %get3A_300 = arith.constant 0 : index
      %get3A_301 = tpu.vector_load %arg6[%get3A_298, %get3A_299, %get3A_300] {strides = array<i32>} : memref<16x2x64xi32, #tpu.memory_space<vmem>>, vector<1x1x16xi32>,
      %get3A_302 = vector.shape_cast %get3A_301 : vector<1x1x16xi32> to vector<16xi32>
      %swap3A_303 = arith.constant 1 : i32
      %swap3A_304 = arith.index_cast %swap3A_303 : i32 to index
      %swap3A_305 = arith.constant 0 : index
      %swap3A_306 = tpu.vector_load %arg7[%swap3A_304, %swap3A_305] {strides = array<i32>} : memref<2x64xi32, #tpu.memory_space<vmem>>, vector<1x16xi32>,
      %swap3A_307 = vector.shape_cast %swap3A_306 : vector<1x16xi32> to vector<16xi32>
      %swap3A_308 = vector.shape_cast %get3A_302 : vector<16xi32> to vector<1x16xi32>
      tpu.vector_store %arg7[%swap3A_304, %swap3A_305], %swap3A_308 {strides = array<i32>} : memref<2x64xi32, #tpu.memory_space<vmem>>, vector<1x16xi32>,
      %get3A_309 = arith.constant 1 : i32
      %get3A_310 = arith.index_cast %add3A_268 : i32 to index
      %get3A_311 = arith.index_cast %get3A_309 : i32 to index
      %get3A_312 = arith.constant 16 : index
      %get3A_313 = tpu.vector_load %arg6[%get3A_310, %get3A_311, %get3A_312] {strides = array<i32>} : memref<16x2x64xi32, #tpu.memory_space<vmem>>, vector<1x1x16xi32>,
      %get3A_314 = vector.shape_cast %get3A_313 : vector<1x1x16xi32> to vector<16xi32>
      %swap3A_315 = arith.constant 1 : i32
      %swap3A_316 = arith.index_cast %swap3A_315 : i32 to index
      %swap3A_317 = arith.constant 16 : index
      %swap3A_318 = tpu.vector_load %arg7[%swap3A_316, %swap3A_317] {strides = array<i32>} : memref<2x64xi32, #tpu.memory_space<vmem>>, vector<1x16xi32>,
      %swap3A_319 = vector.shape_cast %swap3A_318 : vector<1x16xi32> to vector<16xi32>
      %swap3A_320 = vector.shape_cast %get3A_314 : vector<16xi32> to vector<1x16xi32>
      tpu.vector_store %arg7[%swap3A_316, %swap3A_317], %swap3A_320 {strides = array<i32>} : memref<2x64xi32, #tpu.memory_space<vmem>>, vector<1x16xi32>,
      %get3A_321 = arith.constant 1 : i32
      %get3A_322 = arith.index_cast %add3A_268 : i32 to index
      %get3A_323 = arith.index_cast %get3A_321 : i32 to index
      %get3A_324 = arith.constant 32 : index
      %get3A_325 = tpu.vector_load %arg6[%get3A_322, %get3A_323, %get3A_324] {strides = array<i32>} : memref<16x2x64xi32, #tpu.memory_space<vmem>>, vector<1x1x16xi32>,
      %get3A_326 = vector.shape_cast %get3A_325 : vector<1x1x16xi32> to vector<16xi32>
      %swap3A_327 = arith.constant 1 : i32
      %swap3A_328 = arith.index_cast %swap3A_327 : i32 to index
      %swap3A_329 = arith.constant 32 : index
      %swap3A_330 = tpu.vector_load %arg7[%swap3A_328, %swap3A_329] {strides = array<i32>} : memref<2x64xi32, #tpu.memory_space<vmem>>, vector<1x16xi32>,
      %swap3A_331 = vector.shape_cast %swap3A_330 : vector<1x16xi32> to vector<16xi32>
      %swap3A_332 = vector.shape_cast %get3A_326 : vector<16xi32> to vector<1x16xi32>
      tpu.vector_store %arg7[%swap3A_328, %swap3A_329], %swap3A_332 {strides = array<i32>} : memref<2x64xi32, #tpu.memory_space<vmem>>, vector<1x16xi32>,
      %get3A_333 = arith.constant 1 : i32
      %get3A_334 = arith.index_cast %add3A_268 : i32 to index
      %get3A_335 = arith.index_cast %get3A_333 : i32 to index
      %get3A_336 = arith.constant 48 : index
      %get3A_337 = tpu.vector_load %arg6[%get3A_334, %get3A_335, %get3A_336] {strides = array<i32>} : memref<16x2x64xi32, #tpu.memory_space<vmem>>, vector<1x1x16xi32>,
      %get3A_338 = vector.shape_cast %get3A_337 : vector<1x1x16xi32> to vector<16xi32>
      %swap3A_339 = arith.constant 1 : i32
      %swap3A_340 = arith.index_cast %swap3A_339 : i32 to index
      %swap3A_341 = arith.constant 48 : index
      %swap3A_342 = tpu.vector_load %arg7[%swap3A_340, %swap3A_341] {strides = array<i32>} : memref<2x64xi32, #tpu.memory_space<vmem>>, vector<1x16xi32>,
      %swap3A_343 = vector.shape_cast %swap3A_342 : vector<1x16xi32> to vector<16xi32>
      %swap3A_344 = vector.shape_cast %get3A_338 : vector<16xi32> to vector<1x16xi32>
      tpu.vector_store %arg7[%swap3A_340, %swap3A_341], %swap3A_344 {strides = array<i32>} : memref<2x64xi32, #tpu.memory_space<vmem>>, vector<1x16xi32>,
      %lt3A = arith.constant 160 : i32
      %lt3A_345 = arith.cmpi slt, %add3A_262, %lt3A : i32
      %convert_element_type3A_346 = arith.extui %lt3A_345 : i1 to i32
      %cond3A_347 = arith.constant 0 : i32
      %cond3A_348 = arith.cmpi ne, %convert_element_type3A_346, %cond3A_347 : i32
      scf.if %cond3A_348 {
        %dma_wait3A_369 = arith.constant 0 : i32
        %dma_wait3A_370 = arith.constant 0 : i32
        %dma_wait3A_371 = arith.constant 0 : i32
        %dma_wait3A_372 = arith.constant 0 : i32
        %dma_wait3A_373 = tpu.memref_slice %arg9[%dma_wait3A_369, %dma_wait3A_371, %dma_wait3A_372] : memref<2x64x128xf32, #tpu.memory_space<vmem>> -> memref<1x64x128xf32, #tpu.memory_space<vmem>>
        %dma_wait3A_374 = tpu.memref_squeeze %dma_wait3A_373 : memref<1x64x128xf32, #tpu.memory_space<vmem>> -> memref<64x128xf32, #tpu.memory_space<vmem>>
        %dma_wait3A_375 = arith.constant 0 : i32
        %dma_wait3A_376 = tpu.memref_slice %arg7[%dma_wait3A_370, %dma_wait3A_375] : memref<2x64xi32, #tpu.memory_space<vmem>> -> memref<1x64xi32, #tpu.memory_space<vmem>>
        %dma_wait3A_377 = tpu.memref_squeeze %dma_wait3A_376 : memref<1x64xi32, #tpu.memory_space<vmem>> -> memref<64xi32, #tpu.memory_space<vmem>>
        %dma_wait3A_378 = arith.constant 0 : i32
        %dma_wait3A_379 = arith.constant 0 : i32
        %dma_wait3A_380 = tpu.memref_slice %arg10[%dma_wait3A_378, %dma_wait3A_379] : memref<10240x128xf32, #tpu.memory_space<vmem_shared>> -> memref<10240x128xf32, #tpu.memory_space<vmem_shared>>
        tpu.wait_indirect_dma semaphore(%arg15 : memref<!tpu.dma_semaphore, #tpu.memory_space<semaphore_mem>>) src(%dma_wait3A_374 : memref<64x128xf32, #tpu.memory_space<vmem>>) dst(%dma_wait3A_380 : memref<10240x128xf32, #tpu.memory_space<vmem_shared>>)
        %rem3A_381 = arith.constant 16 : i32
        %rem3A_382 = arith.remsi %add3A_262, %rem3A_381 : i32
        %eq3A = arith.constant 0 : i32
        %eq3A_383 = arith.cmpi eq, %rem3A_382, %eq3A : i32
        %convert_element_type3A_384 = arith.extui %eq3A_383 : i1 to i32
        %cond3A_385 = arith.constant 0 : i32
        %cond3A_386 = arith.cmpi ne, %convert_element_type3A_384, %cond3A_385 : i32
        scf.if %cond3A_386 {
          "tpu.region"() ({
            %run_scoped3A_419 = tpu.sem_alloc : memref<!tpu.dma_semaphore, #tpu.memory_space<semaphore_mem>>
            %dma_start3A_420 = arith.constant 0 : i32
            %dma_start3A_421 = arith.constant 0 : i32
            %dma_start3A_422 = tpu.memref_slice %arg2[%add3A, %add3A_262, %dma_start3A_420, %dma_start3A_421] : memref<32x160x2x64xi32, #tpu.memory_space<hbm>> -> memref<1x16x2x64xi32, #tpu.memory_space<hbm>>
            %dma_start3A_423 = tpu.memref_squeeze %dma_start3A_422 : memref<1x16x2x64xi32, #tpu.memory_space<hbm>> -> memref<16x2x64xi32, #tpu.memory_space<hbm>>
            %dma_start3A_424 = arith.constant 0 : i32
            %dma_start3A_425 = arith.constant 0 : i32
            %dma_start3A_426 = tpu.memref_slice %arg2[%add3A, %add3A_262, %dma_start3A_424, %dma_start3A_425] : memref<32x160x2x64xi32, #tpu.memory_space<hbm>> -> memref<1x16x2x64xi32, #tpu.memory_space<hbm>>
            %dma_start3A_427 = tpu.memref_squeeze %dma_start3A_426 : memref<1x16x2x64xi32, #tpu.memory_space<hbm>> -> memref<16x2x64xi32, #tpu.memory_space<hbm>>
            tpu.enqueue_dma source(%dma_start3A_427 : memref<16x2x64xi32, #tpu.memory_space<hbm>>) target(%arg6 : memref<16x2x64xi32, #tpu.memory_space<vmem>>) target_semaphore(%run_scoped3A_419 : memref<!tpu.dma_semaphore, #tpu.memory_space<semaphore_mem>>)
            %dma_wait3A_428 = arith.constant 0 : i32
            %dma_wait3A_429 = arith.constant 0 : i32
            %dma_wait3A_430 = tpu.memref_slice %arg2[%add3A, %add3A_262, %dma_wait3A_428, %dma_wait3A_429] : memref<32x160x2x64xi32, #tpu.memory_space<hbm>> -> memref<1x16x2x64xi32, #tpu.memory_space<hbm>>
            %dma_wait3A_431 = tpu.memref_squeeze %dma_wait3A_430 : memref<1x16x2x64xi32, #tpu.memory_space<hbm>> -> memref<16x2x64xi32, #tpu.memory_space<hbm>>
            %dma_wait3A_432 = arith.constant 0 : i32
            %dma_wait3A_433 = arith.constant 0 : i32
            %dma_wait3A_434 = tpu.memref_slice %arg2[%add3A, %add3A_262, %dma_wait3A_432, %dma_wait3A_433] : memref<32x160x2x64xi32, #tpu.memory_space<hbm>> -> memref<1x16x2x64xi32, #tpu.memory_space<hbm>>
            %dma_wait3A_435 = tpu.memref_squeeze %dma_wait3A_434 : memref<1x16x2x64xi32, #tpu.memory_space<hbm>> -> memref<16x2x64xi32, #tpu.memory_space<hbm>>
            tpu.wait_dma2 semaphore(%run_scoped3A_419 : memref<!tpu.dma_semaphore, #tpu.memory_space<semaphore_mem>>) src(%dma_wait3A_435 : memref<16x2x64xi32, #tpu.memory_space<hbm>>) dst(%arg6 : memref<16x2x64xi32, #tpu.memory_space<vmem>>)
            tpu.yield
          }) : () -> ()
        } else {
        }
        %rem3A_387 = arith.constant 16 : i32
        %rem3A_388 = arith.remsi %add3A_262, %rem3A_387 : i32
        %mul3A_389 = arith.constant 10240 : i32
        %mul3A_390 = arith.muli %add3A, %mul3A_389 : i32
        %mul3A_391 = arith.constant 64 : i32
        %mul3A_392 = arith.muli %add3A_262, %mul3A_391 : i32
        %add3A_393 = arith.addi %mul3A_390, %mul3A_392 : i32
        %dma_start3A_394 = arith.constant 0 : i32
        %dma_start3A_395 = arith.constant 0 : i32
        %dma_start3A_396 = arith.constant 0 : i32
        %dma_start3A_397 = tpu.memref_slice %arg8[%dma_start3A_394, %dma_start3A_395, %dma_start3A_396] : memref<2x64x64xi32, #tpu.memory_space<vmem>> -> memref<1x64x64xi32, #tpu.memory_space<vmem>>
        %dma_start3A_398 = tpu.memref_squeeze %dma_start3A_397 : memref<1x64x64xi32, #tpu.memory_space<vmem>> -> memref<64x64xi32, #tpu.memory_space<vmem>>
        %dma_start3A_399 = arith.constant 0 : i32
        %dma_start3A_400 = tpu.memref_slice %arg3[%add3A_393, %dma_start3A_399] : memref<327680x64xi32, #tpu.memory_space<hbm>> -> memref<64x64xi32, #tpu.memory_space<hbm>>
        %dma_start3A_401 = arith.constant 0 : i32
        %dma_start3A_402 = arith.constant 0 : i32
        %dma_start3A_403 = tpu.memref_slice %arg8[%dma_start3A_394, %dma_start3A_401, %dma_start3A_402] : memref<2x64x64xi32, #tpu.memory_space<vmem>> -> memref<1x64x64xi32, #tpu.memory_space<vmem>>
        %dma_start3A_404 = tpu.memref_squeeze %dma_start3A_403 : memref<1x64x64xi32, #tpu.memory_space<vmem>> -> memref<64x64xi32, #tpu.memory_space<vmem>>
        %dma_start3A_405 = arith.constant 0 : i32
        %dma_start3A_406 = tpu.memref_slice %arg3[%add3A_393, %dma_start3A_405] : memref<327680x64xi32, #tpu.memory_space<hbm>> -> memref<64x64xi32, #tpu.memory_space<hbm>>
        tpu.enqueue_dma source(%dma_start3A_406 : memref<64x64xi32, #tpu.memory_space<hbm>>) target(%dma_start3A_404 : memref<64x64xi32, #tpu.memory_space<vmem>>) target_semaphore(%arg11 : memref<!tpu.dma_semaphore, #tpu.memory_space<semaphore_mem>>)
        %dma_start3A_407 = arith.constant 0 : i32
        %dma_start3A_408 = arith.constant 0 : i32
        %dma_start3A_409 = arith.constant 0 : i32
        %dma_start3A_410 = arith.constant 0 : i32
        %dma_start3A_411 = tpu.memref_slice %arg9[%dma_start3A_408, %dma_start3A_409, %dma_start3A_410] : memref<2x64x128xf32, #tpu.memory_space<vmem>> -> memref<1x64x128xf32, #tpu.memory_space<vmem>>
        %dma_start3A_412 = tpu.memref_squeeze %dma_start3A_411 : memref<1x64x128xf32, #tpu.memory_space<vmem>> -> memref<64x128xf32, #tpu.memory_space<vmem>>
        %dma_start3A_413 = arith.constant 0 : i32
        %dma_start3A_414 = tpu.memref_slice %arg6[%rem3A_388, %dma_start3A_407, %dma_start3A_413] : memref<16x2x64xi32, #tpu.memory_space<vmem>> -> memref<1x1x64xi32, #tpu.memory_space<vmem>>
        %dma_start3A_415 = tpu.memref_squeeze %dma_start3A_414 : memref<1x1x64xi32, #tpu.memory_space<vmem>> -> memref<64xi32, #tpu.memory_space<vmem>>
        %dma_start3A_416 = arith.constant 0 : i32
        %dma_start3A_417 = arith.constant 0 : i32
        %dma_start3A_418 = tpu.memref_slice %arg4[%dma_start3A_416, %dma_start3A_417] : memref<10000x128xf32, #tpu.memory_space<hbm>> -> memref<10000x128xf32, #tpu.memory_space<hbm>>
        tpu.enqueue_indirect_dma source(%dma_start3A_418 : memref<10000x128xf32, #tpu.memory_space<hbm>>) target(%dma_start3A_412 : memref<64x128xf32, #tpu.memory_space<vmem>>) offsets(%dma_start3A_415 : memref<64xi32, #tpu.memory_space<vmem>>) semaphore(%arg13 : memref<!tpu.dma_semaphore, #tpu.memory_space<semaphore_mem>>)
      } else {
      }
      %broadcast_in_dim3A_349 = arith.constant -65536 : i32
      %broadcast_in_dim3A_350 = vector.broadcast %broadcast_in_dim3A_349 : i32 to vector<16xi32>
      %scan3A_351 = arith.constant 0 : i32
      %scan3A_352 = arith.constant 0 : i32
      %scan3A_353 = arith.constant 64 : i32
      %scan3A_354 = arith.addi %scan3A_352, %scan3A_353 : i32
      %scan3A_355 = arith.constant 1 : i32
      scf.for %scan3A_369 = %scan3A_352 to %scan3A_354 step %scan3A_355  : i32 {
        %get3A_370 = arith.constant 1 : i32
        %get3A_371 = arith.index_cast %get3A_370 : i32 to index
        %get3A_372 = arith.index_cast %scan3A_369 : i32 to index
        %get3A_373 = arith.constant 0 : index
        %get3A_374 = tpu.vector_load %arg8[%get3A_371, %get3A_372, %get3A_373] {strides = array<i32>} : memref<2x64x64xi32, #tpu.memory_space<vmem>>, vector<1x1x16xi32>,
        %get3A_375 = vector.shape_cast %get3A_374 : vector<1x1x16xi32> to vector<16xi32>
        %shift_left3A = arith.constant 16 : i32
        %shift_left3A_376 = vector.broadcast %shift_left3A : i32 to vector<16xi32>
        %shift_left3A_377 = arith.shli %get3A_375, %shift_left3A_376 : vector<16xi32>
        %bitcast_convert_type3A = tpu.bitcast %shift_left3A_377 : vector<16xi32> -> vector<16xf32>
        %and3A = arith.andi %get3A_375, %broadcast_in_dim3A_350 : vector<16xi32>
        %bitcast_convert_type3A_378 = tpu.bitcast %and3A : vector<16xi32> -> vector<16xf32>
        %get3A_379 = arith.constant 1 : i32
        %get3A_380 = arith.index_cast %get3A_379 : i32 to index
        %get3A_381 = arith.index_cast %scan3A_369 : i32 to index
        %get3A_382 = arith.constant 0 : index
        %get3A_383 = tpu.vector_load %arg9[%get3A_380, %get3A_381, %get3A_382] {strides = array<i32>} : memref<2x64x128xf32, #tpu.memory_space<vmem>>, vector<1x1x16xf32>,
        %get3A_384 = vector.shape_cast %get3A_383 : vector<1x1x16xf32> to vector<16xf32>
        %add3A_385 = arith.addf %get3A_384, %bitcast_convert_type3A : vector<16xf32>
        %max3A = arith.constant 0.000000e+00 : f32
        %max3A_386 = vector.broadcast %max3A : f32 to vector<16xf32>
        %max3A_387 = arith.maximumf %add3A_385, %max3A_386 : vector<16xf32>
        %swap3A_388 = arith.constant 1 : i32
        %swap3A_389 = arith.index_cast %swap3A_388 : i32 to index
        %swap3A_390 = arith.index_cast %scan3A_369 : i32 to index
        %swap3A_391 = arith.constant 0 : index
        %swap3A_392 = tpu.vector_load %arg9[%swap3A_389, %swap3A_390, %swap3A_391] {strides = array<i32>} : memref<2x64x128xf32, #tpu.memory_space<vmem>>, vector<1x1x16xf32>,
        %swap3A_393 = vector.shape_cast %swap3A_392 : vector<1x1x16xf32> to vector<16xf32>
        %swap3A_394 = vector.shape_cast %max3A_387 : vector<16xf32> to vector<1x1x16xf32>
        tpu.vector_store %arg9[%swap3A_389, %swap3A_390, %swap3A_391], %swap3A_394 {strides = array<i32>} : memref<2x64x128xf32, #tpu.memory_space<vmem>>, vector<1x1x16xf32>,
        %get3A_395 = arith.constant 1 : i32
        %get3A_396 = arith.index_cast %get3A_395 : i32 to index
        %get3A_397 = arith.index_cast %scan3A_369 : i32 to index
        %get3A_398 = arith.constant 64 : index
        %get3A_399 = tpu.vector_load %arg9[%get3A_396, %get3A_397, %get3A_398] {strides = array<i32>} : memref<2x64x128xf32, #tpu.memory_space<vmem>>, vector<1x1x16xf32>,
        %get3A_400 = vector.shape_cast %get3A_399 : vector<1x1x16xf32> to vector<16xf32>
        %add3A_401 = arith.addf %get3A_400, %bitcast_convert_type3A_378 : vector<16xf32>
        %max3A_402 = arith.constant 0.000000e+00 : f32
        %max3A_403 = vector.broadcast %max3A_402 : f32 to vector<16xf32>
        %max3A_404 = arith.maximumf %add3A_401, %max3A_403 : vector<16xf32>
        %swap3A_405 = arith.constant 1 : i32
        %swap3A_406 = arith.index_cast %swap3A_405 : i32 to index
        %swap3A_407 = arith.index_cast %scan3A_369 : i32 to index
        %swap3A_408 = arith.constant 64 : index
        %swap3A_409 = tpu.vector_load %arg9[%swap3A_406, %swap3A_407, %swap3A_408] {strides = array<i32>} : memref<2x64x128xf32, #tpu.memory_space<vmem>>, vector<1x1x16xf32>,
        %swap3A_410 = vector.shape_cast %swap3A_409 : vector<1x1x16xf32> to vector<16xf32>
        %swap3A_411 = vector.shape_cast %max3A_404 : vector<16xf32> to vector<1x1x16xf32>
        tpu.vector_store %arg9[%swap3A_406, %swap3A_407, %swap3A_408], %swap3A_411 {strides = array<i32>} : memref<2x64x128xf32, #tpu.memory_space<vmem>>, vector<1x1x16xf32>,
        %get3A_412 = arith.constant 1 : i32
        %get3A_413 = arith.index_cast %get3A_412 : i32 to index
        %get3A_414 = arith.index_cast %scan3A_369 : i32 to index
        %get3A_415 = arith.constant 16 : index
        %get3A_416 = tpu.vector_load %arg8[%get3A_413, %get3A_414, %get3A_415] {strides = array<i32>} : memref<2x64x64xi32, #tpu.memory_space<vmem>>, vector<1x1x16xi32>,
        %get3A_417 = vector.shape_cast %get3A_416 : vector<1x1x16xi32> to vector<16xi32>
        %shift_left3A_418 = arith.constant 16 : i32
        %shift_left3A_419 = vector.broadcast %shift_left3A_418 : i32 to vector<16xi32>
        %shift_left3A_420 = arith.shli %get3A_417, %shift_left3A_419 : vector<16xi32>
        %bitcast_convert_type3A_421 = tpu.bitcast %shift_left3A_420 : vector<16xi32> -> vector<16xf32>
        %and3A_422 = arith.andi %get3A_417, %broadcast_in_dim3A_350 : vector<16xi32>
        %bitcast_convert_type3A_423 = tpu.bitcast %and3A_422 : vector<16xi32> -> vector<16xf32>
        %get3A_424 = arith.constant 1 : i32
        %get3A_425 = arith.index_cast %get3A_424 : i32 to index
        %get3A_426 = arith.index_cast %scan3A_369 : i32 to index
        %get3A_427 = arith.constant 16 : index
        %get3A_428 = tpu.vector_load %arg9[%get3A_425, %get3A_426, %get3A_427] {strides = array<i32>} : memref<2x64x128xf32, #tpu.memory_space<vmem>>, vector<1x1x16xf32>,
        %get3A_429 = vector.shape_cast %get3A_428 : vector<1x1x16xf32> to vector<16xf32>
        %add3A_430 = arith.addf %get3A_429, %bitcast_convert_type3A_421 : vector<16xf32>
        %max3A_431 = arith.constant 0.000000e+00 : f32
        %max3A_432 = vector.broadcast %max3A_431 : f32 to vector<16xf32>
        %max3A_433 = arith.maximumf %add3A_430, %max3A_432 : vector<16xf32>
        %swap3A_434 = arith.constant 1 : i32
        %swap3A_435 = arith.index_cast %swap3A_434 : i32 to index
        %swap3A_436 = arith.index_cast %scan3A_369 : i32 to index
        %swap3A_437 = arith.constant 16 : index
        %swap3A_438 = tpu.vector_load %arg9[%swap3A_435, %swap3A_436, %swap3A_437] {strides = array<i32>} : memref<2x64x128xf32, #tpu.memory_space<vmem>>, vector<1x1x16xf32>,
        %swap3A_439 = vector.shape_cast %swap3A_438 : vector<1x1x16xf32> to vector<16xf32>
        %swap3A_440 = vector.shape_cast %max3A_433 : vector<16xf32> to vector<1x1x16xf32>
        tpu.vector_store %arg9[%swap3A_435, %swap3A_436, %swap3A_437], %swap3A_440 {strides = array<i32>} : memref<2x64x128xf32, #tpu.memory_space<vmem>>, vector<1x1x16xf32>,
        %get3A_441 = arith.constant 1 : i32
        %get3A_442 = arith.index_cast %get3A_441 : i32 to index
        %get3A_443 = arith.index_cast %scan3A_369 : i32 to index
        %get3A_444 = arith.constant 80 : index
        %get3A_445 = tpu.vector_load %arg9[%get3A_442, %get3A_443, %get3A_444] {strides = array<i32>} : memref<2x64x128xf32, #tpu.memory_space<vmem>>, vector<1x1x16xf32>,
        %get3A_446 = vector.shape_cast %get3A_445 : vector<1x1x16xf32> to vector<16xf32>
        %add3A_447 = arith.addf %get3A_446, %bitcast_convert_type3A_423 : vector<16xf32>
        %max3A_448 = arith.constant 0.000000e+00 : f32
        %max3A_449 = vector.broadcast %max3A_448 : f32 to vector<16xf32>
        %max3A_450 = arith.maximumf %add3A_447, %max3A_449 : vector<16xf32>
        %swap3A_451 = arith.constant 1 : i32
        %swap3A_452 = arith.index_cast %swap3A_451 : i32 to index
        %swap3A_453 = arith.index_cast %scan3A_369 : i32 to index
        %swap3A_454 = arith.constant 80 : index
        %swap3A_455 = tpu.vector_load %arg9[%swap3A_452, %swap3A_453, %swap3A_454] {strides = array<i32>} : memref<2x64x128xf32, #tpu.memory_space<vmem>>, vector<1x1x16xf32>,
        %swap3A_456 = vector.shape_cast %swap3A_455 : vector<1x1x16xf32> to vector<16xf32>
        %swap3A_457 = vector.shape_cast %max3A_450 : vector<16xf32> to vector<1x1x16xf32>
        tpu.vector_store %arg9[%swap3A_452, %swap3A_453, %swap3A_454], %swap3A_457 {strides = array<i32>} : memref<2x64x128xf32, #tpu.memory_space<vmem>>, vector<1x1x16xf32>,
        %get3A_458 = arith.constant 1 : i32
        %get3A_459 = arith.index_cast %get3A_458 : i32 to index
        %get3A_460 = arith.index_cast %scan3A_369 : i32 to index
        %get3A_461 = arith.constant 32 : index
        %get3A_462 = tpu.vector_load %arg8[%get3A_459, %get3A_460, %get3A_461] {strides = array<i32>} : memref<2x64x64xi32, #tpu.memory_space<vmem>>, vector<1x1x16xi32>,
        %get3A_463 = vector.shape_cast %get3A_462 : vector<1x1x16xi32> to vector<16xi32>
        %shift_left3A_464 = arith.constant 16 : i32
        %shift_left3A_465 = vector.broadcast %shift_left3A_464 : i32 to vector<16xi32>
        %shift_left3A_466 = arith.shli %get3A_463, %shift_left3A_465 : vector<16xi32>
        %bitcast_convert_type3A_467 = tpu.bitcast %shift_left3A_466 : vector<16xi32> -> vector<16xf32>
        %and3A_468 = arith.andi %get3A_463, %broadcast_in_dim3A_350 : vector<16xi32>
        %bitcast_convert_type3A_469 = tpu.bitcast %and3A_468 : vector<16xi32> -> vector<16xf32>
        %get3A_470 = arith.constant 1 : i32
        %get3A_471 = arith.index_cast %get3A_470 : i32 to index
        %get3A_472 = arith.index_cast %scan3A_369 : i32 to index
        %get3A_473 = arith.constant 32 : index
        %get3A_474 = tpu.vector_load %arg9[%get3A_471, %get3A_472, %get3A_473] {strides = array<i32>} : memref<2x64x128xf32, #tpu.memory_space<vmem>>, vector<1x1x16xf32>,
        %get3A_475 = vector.shape_cast %get3A_474 : vector<1x1x16xf32> to vector<16xf32>
        %add3A_476 = arith.addf %get3A_475, %bitcast_convert_type3A_467 : vector<16xf32>
        %max3A_477 = arith.constant 0.000000e+00 : f32
        %max3A_478 = vector.broadcast %max3A_477 : f32 to vector<16xf32>
        %max3A_479 = arith.maximumf %add3A_476, %max3A_478 : vector<16xf32>
        %swap3A_480 = arith.constant 1 : i32
        %swap3A_481 = arith.index_cast %swap3A_480 : i32 to index
        %swap3A_482 = arith.index_cast %scan3A_369 : i32 to index
        %swap3A_483 = arith.constant 32 : index
        %swap3A_484 = tpu.vector_load %arg9[%swap3A_481, %swap3A_482, %swap3A_483] {strides = array<i32>} : memref<2x64x128xf32, #tpu.memory_space<vmem>>, vector<1x1x16xf32>,
        %swap3A_485 = vector.shape_cast %swap3A_484 : vector<1x1x16xf32> to vector<16xf32>
        %swap3A_486 = vector.shape_cast %max3A_479 : vector<16xf32> to vector<1x1x16xf32>
        tpu.vector_store %arg9[%swap3A_481, %swap3A_482, %swap3A_483], %swap3A_486 {strides = array<i32>} : memref<2x64x128xf32, #tpu.memory_space<vmem>>, vector<1x1x16xf32>,
        %get3A_487 = arith.constant 1 : i32
        %get3A_488 = arith.index_cast %get3A_487 : i32 to index
        %get3A_489 = arith.index_cast %scan3A_369 : i32 to index
        %get3A_490 = arith.constant 96 : index
        %get3A_491 = tpu.vector_load %arg9[%get3A_488, %get3A_489, %get3A_490] {strides = array<i32>} : memref<2x64x128xf32, #tpu.memory_space<vmem>>, vector<1x1x16xf32>,
        %get3A_492 = vector.shape_cast %get3A_491 : vector<1x1x16xf32> to vector<16xf32>
        %add3A_493 = arith.addf %get3A_492, %bitcast_convert_type3A_469 : vector<16xf32>
        %max3A_494 = arith.constant 0.000000e+00 : f32
        %max3A_495 = vector.broadcast %max3A_494 : f32 to vector<16xf32>
        %max3A_496 = arith.maximumf %add3A_493, %max3A_495 : vector<16xf32>
        %swap3A_497 = arith.constant 1 : i32
        %swap3A_498 = arith.index_cast %swap3A_497 : i32 to index
        %swap3A_499 = arith.index_cast %scan3A_369 : i32 to index
        %swap3A_500 = arith.constant 96 : index
        %swap3A_501 = tpu.vector_load %arg9[%swap3A_498, %swap3A_499, %swap3A_500] {strides = array<i32>} : memref<2x64x128xf32, #tpu.memory_space<vmem>>, vector<1x1x16xf32>,
        %swap3A_502 = vector.shape_cast %swap3A_501 : vector<1x1x16xf32> to vector<16xf32>
        %swap3A_503 = vector.shape_cast %max3A_496 : vector<16xf32> to vector<1x1x16xf32>
        tpu.vector_store %arg9[%swap3A_498, %swap3A_499, %swap3A_500], %swap3A_503 {strides = array<i32>} : memref<2x64x128xf32, #tpu.memory_space<vmem>>, vector<1x1x16xf32>,
        %get3A_504 = arith.constant 1 : i32
        %get3A_505 = arith.index_cast %get3A_504 : i32 to index
        %get3A_506 = arith.index_cast %scan3A_369 : i32 to index
        %get3A_507 = arith.constant 48 : index
        %get3A_508 = tpu.vector_load %arg8[%get3A_505, %get3A_506, %get3A_507] {strides = array<i32>} : memref<2x64x64xi32, #tpu.memory_space<vmem>>, vector<1x1x16xi32>,
        %get3A_509 = vector.shape_cast %get3A_508 : vector<1x1x16xi32> to vector<16xi32>
        %shift_left3A_510 = arith.constant 16 : i32
        %shift_left3A_511 = vector.broadcast %shift_left3A_510 : i32 to vector<16xi32>
        %shift_left3A_512 = arith.shli %get3A_509, %shift_left3A_511 : vector<16xi32>
        %bitcast_convert_type3A_513 = tpu.bitcast %shift_left3A_512 : vector<16xi32> -> vector<16xf32>
        %and3A_514 = arith.andi %get3A_509, %broadcast_in_dim3A_350 : vector<16xi32>
        %bitcast_convert_type3A_515 = tpu.bitcast %and3A_514 : vector<16xi32> -> vector<16xf32>
        %get3A_516 = arith.constant 1 : i32
        %get3A_517 = arith.index_cast %get3A_516 : i32 to index
        %get3A_518 = arith.index_cast %scan3A_369 : i32 to index
        %get3A_519 = arith.constant 48 : index
        %get3A_520 = tpu.vector_load %arg9[%get3A_517, %get3A_518, %get3A_519] {strides = array<i32>} : memref<2x64x128xf32, #tpu.memory_space<vmem>>, vector<1x1x16xf32>,
        %get3A_521 = vector.shape_cast %get3A_520 : vector<1x1x16xf32> to vector<16xf32>
        %add3A_522 = arith.addf %get3A_521, %bitcast_convert_type3A_513 : vector<16xf32>
        %max3A_523 = arith.constant 0.000000e+00 : f32
        %max3A_524 = vector.broadcast %max3A_523 : f32 to vector<16xf32>
        %max3A_525 = arith.maximumf %add3A_522, %max3A_524 : vector<16xf32>
        %swap3A_526 = arith.constant 1 : i32
        %swap3A_527 = arith.index_cast %swap3A_526 : i32 to index
        %swap3A_528 = arith.index_cast %scan3A_369 : i32 to index
        %swap3A_529 = arith.constant 48 : index
        %swap3A_530 = tpu.vector_load %arg9[%swap3A_527, %swap3A_528, %swap3A_529] {strides = array<i32>} : memref<2x64x128xf32, #tpu.memory_space<vmem>>, vector<1x1x16xf32>,
        %swap3A_531 = vector.shape_cast %swap3A_530 : vector<1x1x16xf32> to vector<16xf32>
        %swap3A_532 = vector.shape_cast %max3A_525 : vector<16xf32> to vector<1x1x16xf32>
        tpu.vector_store %arg9[%swap3A_527, %swap3A_528, %swap3A_529], %swap3A_532 {strides = array<i32>} : memref<2x64x128xf32, #tpu.memory_space<vmem>>, vector<1x1x16xf32>,
        %get3A_533 = arith.constant 1 : i32
        %get3A_534 = arith.index_cast %get3A_533 : i32 to index
        %get3A_535 = arith.index_cast %scan3A_369 : i32 to index
        %get3A_536 = arith.constant 112 : index
        %get3A_537 = tpu.vector_load %arg9[%get3A_534, %get3A_535, %get3A_536] {strides = array<i32>} : memref<2x64x128xf32, #tpu.memory_space<vmem>>, vector<1x1x16xf32>,
        %get3A_538 = vector.shape_cast %get3A_537 : vector<1x1x16xf32> to vector<16xf32>
        %add3A_539 = arith.addf %get3A_538, %bitcast_convert_type3A_515 : vector<16xf32>
        %max3A_540 = arith.constant 0.000000e+00 : f32
        %max3A_541 = vector.broadcast %max3A_540 : f32 to vector<16xf32>
        %max3A_542 = arith.maximumf %add3A_539, %max3A_541 : vector<16xf32>
        %swap3A_543 = arith.constant 1 : i32
        %swap3A_544 = arith.index_cast %swap3A_543 : i32 to index
        %swap3A_545 = arith.index_cast %scan3A_369 : i32 to index
        %swap3A_546 = arith.constant 112 : index
        %swap3A_547 = tpu.vector_load %arg9[%swap3A_544, %swap3A_545, %swap3A_546] {strides = array<i32>} : memref<2x64x128xf32, #tpu.memory_space<vmem>>, vector<1x1x16xf32>,
        %swap3A_548 = vector.shape_cast %swap3A_547 : vector<1x1x16xf32> to vector<16xf32>
        %swap3A_549 = vector.shape_cast %max3A_542 : vector<16xf32> to vector<1x1x16xf32>
        tpu.vector_store %arg9[%swap3A_544, %swap3A_545, %swap3A_546], %swap3A_549 {strides = array<i32>} : memref<2x64x128xf32, #tpu.memory_space<vmem>>, vector<1x1x16xf32>,
      }
      %scan3A_356 = arith.constant 64 : i32
      %dma_start3A_357 = arith.constant 1 : i32
      %dma_start3A_358 = arith.constant 1 : i32
      %dma_start3A_359 = arith.constant 0 : i32
      %dma_start3A_360 = arith.constant 0 : i32
      %dma_start3A_361 = tpu.memref_slice %arg9[%dma_start3A_357, %dma_start3A_359, %dma_start3A_360] : memref<2x64x128xf32, #tpu.memory_space<vmem>> -> memref<1x64x128xf32, #tpu.memory_space<vmem>>
      %dma_start3A_362 = tpu.memref_squeeze %dma_start3A_361 : memref<1x64x128xf32, #tpu.memory_space<vmem>> -> memref<64x128xf32, #tpu.memory_space<vmem>>
      %dma_start3A_363 = arith.constant 0 : i32
      %dma_start3A_364 = tpu.memref_slice %arg7[%dma_start3A_358, %dma_start3A_363] : memref<2x64xi32, #tpu.memory_space<vmem>> -> memref<1x64xi32, #tpu.memory_space<vmem>>
      %dma_start3A_365 = tpu.memref_squeeze %dma_start3A_364 : memref<1x64xi32, #tpu.memory_space<vmem>> -> memref<64xi32, #tpu.memory_space<vmem>>
      %dma_start3A_366 = arith.constant 0 : i32
      %dma_start3A_367 = arith.constant 0 : i32
      %dma_start3A_368 = tpu.memref_slice %arg10[%dma_start3A_366, %dma_start3A_367] : memref<10240x128xf32, #tpu.memory_space<vmem_shared>> -> memref<10240x128xf32, #tpu.memory_space<vmem_shared>>
      tpu.enqueue_indirect_dma source(%dma_start3A_362 : memref<64x128xf32, #tpu.memory_space<vmem>>) target(%dma_start3A_368 : memref<10240x128xf32, #tpu.memory_space<vmem_shared>>) offsets(%dma_start3A_365 : memref<64xi32, #tpu.memory_space<vmem>>) semaphore(%arg16 : memref<!tpu.dma_semaphore, #tpu.memory_space<semaphore_mem>>) {add = true}
    }
    %scan3A_88 = arith.constant 80 : i32
    %dma_wait3A = arith.constant 0 : i32
    %dma_wait3A_89 = arith.constant 0 : i32
    %dma_wait3A_90 = arith.constant 0 : i32
    %dma_wait3A_91 = arith.constant 0 : i32
    %dma_wait3A_92 = tpu.memref_slice %arg9[%dma_wait3A, %dma_wait3A_90, %dma_wait3A_91] : memref<2x64x128xf32, #tpu.memory_space<vmem>> -> memref<1x64x128xf32, #tpu.memory_space<vmem>>
    %dma_wait3A_93 = tpu.memref_squeeze %dma_wait3A_92 : memref<1x64x128xf32, #tpu.memory_space<vmem>> -> memref<64x128xf32, #tpu.memory_space<vmem>>
    %dma_wait3A_94 = arith.constant 0 : i32
    %dma_wait3A_95 = tpu.memref_slice %arg7[%dma_wait3A_89, %dma_wait3A_94] : memref<2x64xi32, #tpu.memory_space<vmem>> -> memref<1x64xi32, #tpu.memory_space<vmem>>
    %dma_wait3A_96 = tpu.memref_squeeze %dma_wait3A_95 : memref<1x64xi32, #tpu.memory_space<vmem>> -> memref<64xi32, #tpu.memory_space<vmem>>
    %dma_wait3A_97 = arith.constant 0 : i32
    %dma_wait3A_98 = arith.constant 0 : i32
    %dma_wait3A_99 = tpu.memref_slice %arg10[%dma_wait3A_97, %dma_wait3A_98] : memref<10240x128xf32, #tpu.memory_space<vmem_shared>> -> memref<10240x128xf32, #tpu.memory_space<vmem_shared>>
    tpu.wait_indirect_dma semaphore(%arg15 : memref<!tpu.dma_semaphore, #tpu.memory_space<semaphore_mem>>) src(%dma_wait3A_93 : memref<64x128xf32, #tpu.memory_space<vmem>>) dst(%dma_wait3A_99 : memref<10240x128xf32, #tpu.memory_space<vmem_shared>>)
    %dma_wait3A_100 = arith.constant 1 : i32
    %dma_wait3A_101 = arith.constant 1 : i32
    %dma_wait3A_102 = arith.constant 0 : i32
    %dma_wait3A_103 = arith.constant 0 : i32
    %dma_wait3A_104 = tpu.memref_slice %arg9[%dma_wait3A_100, %dma_wait3A_102, %dma_wait3A_103] : memref<2x64x128xf32, #tpu.memory_space<vmem>> -> memref<1x64x128xf32, #tpu.memory_space<vmem>>
    %dma_wait3A_105 = tpu.memref_squeeze %dma_wait3A_104 : memref<1x64x128xf32, #tpu.memory_space<vmem>> -> memref<64x128xf32, #tpu.memory_space<vmem>>
    %dma_wait3A_106 = arith.constant 0 : i32
    %dma_wait3A_107 = tpu.memref_slice %arg7[%dma_wait3A_101, %dma_wait3A_106] : memref<2x64xi32, #tpu.memory_space<vmem>> -> memref<1x64xi32, #tpu.memory_space<vmem>>
    %dma_wait3A_108 = tpu.memref_squeeze %dma_wait3A_107 : memref<1x64xi32, #tpu.memory_space<vmem>> -> memref<64xi32, #tpu.memory_space<vmem>>
    %dma_wait3A_109 = arith.constant 0 : i32
    %dma_wait3A_110 = arith.constant 0 : i32
    %dma_wait3A_111 = tpu.memref_slice %arg10[%dma_wait3A_109, %dma_wait3A_110] : memref<10240x128xf32, #tpu.memory_space<vmem_shared>> -> memref<10240x128xf32, #tpu.memory_space<vmem_shared>>
    tpu.wait_indirect_dma semaphore(%arg16 : memref<!tpu.dma_semaphore, #tpu.memory_space<semaphore_mem>>) src(%dma_wait3A_105 : memref<64x128xf32, #tpu.memory_space<vmem>>) dst(%dma_wait3A_111 : memref<10240x128xf32, #tpu.memory_space<vmem_shared>>)
    %barrier3A_112 = arith.constant 0 : index
    tpu.barrier barrier_id(%barrier3A_112)
    %mul3A_113 = arith.constant 640 : i32
    %mul3A_114 = arith.muli %arg1, %mul3A_113 : i32
    %mul3A_115 = arith.constant 640 : i32
    %mul3A_116 = arith.muli %arg1, %mul3A_115 : i32
    "tpu.region"() ({
      %run_scoped3A_117 = tpu.sem_alloc : memref<!tpu.dma_semaphore, #tpu.memory_space<semaphore_mem>>
      %dma_start3A_118 = arith.constant 0 : i32
      %dma_start3A_119 = tpu.memref_slice %arg5[%arg0, %mul3A_116, %dma_start3A_118] : memref<2x10240x128xf32, #tpu.memory_space<hbm>> -> memref<1x640x128xf32, #tpu.memory_space<hbm>>
      %dma_start3A_120 = tpu.memref_squeeze %dma_start3A_119 : memref<1x640x128xf32, #tpu.memory_space<hbm>> -> memref<640x128xf32, #tpu.memory_space<hbm>>
      %dma_start3A_121 = arith.constant 0 : i32
      %dma_start3A_122 = tpu.memref_slice %arg10[%mul3A_114, %dma_start3A_121] : memref<10240x128xf32, #tpu.memory_space<vmem_shared>> -> memref<640x128xf32, #tpu.memory_space<vmem_shared>>
      tpu.enqueue_dma source(%dma_start3A_122 : memref<640x128xf32, #tpu.memory_space<vmem_shared>>) target(%dma_start3A_120 : memref<640x128xf32, #tpu.memory_space<hbm>>) target_semaphore(%run_scoped3A_117 : memref<!tpu.dma_semaphore, #tpu.memory_space<semaphore_mem>>)
      %dma_wait3A_123 = arith.constant 0 : i32
      %dma_wait3A_124 = tpu.memref_slice %arg5[%arg0, %mul3A_116, %dma_wait3A_123] : memref<2x10240x128xf32, #tpu.memory_space<hbm>> -> memref<1x640x128xf32, #tpu.memory_space<hbm>>
      %dma_wait3A_125 = tpu.memref_squeeze %dma_wait3A_124 : memref<1x640x128xf32, #tpu.memory_space<hbm>> -> memref<640x128xf32, #tpu.memory_space<hbm>>
      %dma_wait3A_126 = arith.constant 0 : i32
      %dma_wait3A_127 = tpu.memref_slice %arg10[%mul3A_114, %dma_wait3A_126] : memref<10240x128xf32, #tpu.memory_space<vmem_shared>> -> memref<640x128xf32, #tpu.memory_space<vmem_shared>>
      tpu.wait_dma2 semaphore(%run_scoped3A_117 : memref<!tpu.dma_semaphore, #tpu.memory_space<semaphore_mem>>) src(%dma_wait3A_127 : memref<640x128xf32, #tpu.memory_space<vmem_shared>>) dst(%dma_wait3A_125 : memref<640x128xf32, #tpu.memory_space<hbm>>)
      tpu.yield
    }) : () -> ()
    return
  }
}

#map = affine_map<(d0, d1) -> (0, 0, 0, 0)>
#map1 = affine_map<(d0, d1) -> (0, 0)>
#map2 = affine_map<(d0, d1) -> (0, 0, 0)>
module attributes {stable_mosaic.version = 14 : i64} {
  func.func @k(%arg0: i32, %arg1: i32, %arg2: memref<32x160x2x64xi32, #tpu.memory_space<hbm>>, %arg3: memref<327680x64xi32, #tpu.memory_space<hbm>>, %arg4: memref<10000x128xf32, #tpu.memory_space<hbm>>, %arg5: memref<2x10240x128xf32, #tpu.memory_space<hbm>>, %arg6: memref<16x2x64xi32, #tpu.memory_space<vmem>>, %arg7: memref<2x64xi32, #tpu.memory_space<vmem>>, %arg8: memref<2x64x64xi32, #tpu.memory_space<vmem>>, %arg9: memref<2x64x128xf32, #tpu.memory_space<vmem>>, %arg10: memref<10240x128xf32, #tpu.memory_space<vmem_shared>>, %arg11: memref<!tpu.dma_semaphore, #tpu.memory_space<semaphore_mem>>, %arg12: memref<!tpu.dma_semaphore, #tpu.memory_space<semaphore_mem>>, %arg13: memref<!tpu.dma_semaphore, #tpu.memory_space<semaphore_mem>>, %arg14: memref<!tpu.dma_semaphore, #tpu.memory_space<semaphore_mem>>, %arg15: memref<!tpu.dma_semaphore, #tpu.memory_space<semaphore_mem>>, %arg16: memref<!tpu.dma_semaphore, #tpu.memory_space<semaphore_mem>>) attributes {dimension_semantics = [#tpu.dimension_semantics<core_parallel>, #tpu.dimension_semantics<subcore_parallel>], iteration_bounds = array<i64: 2, 16>, scalar_prefetch = 0 : i64, scratch_operands = 11 : i64, tpu.core_type = #tpu.core_type<sc_vector_subcore>, window_params = [{transform_indices = #map}, {transform_indices = #map1}, {transform_indices = #map1}, {transform_indices = #map2}]} {
    %mul3A = arith.constant 2 : i32
    %mul3A_0 = arith.muli %arg1, %mul3A : i32
    %add3A = arith.addi %mul3A_0, %arg0 : i32
    %broadcast_in_dim3A = arith.constant 0.000000e+00 : f32
    %broadcast_in_dim3A_1 = vector.broadcast %broadcast_in_dim3A : f32 to vector<16xf32>
    %scan3A = arith.constant 0 : i32
    %scan3A_2 = arith.constant 0 : i32
    %scan3A_3 = arith.constant 64 : i32
    %scan3A_4 = arith.addi %scan3A_2, %scan3A_3 : i32
    %scan3A_5 = arith.constant 1 : i32
    scf.for %scan3A_117 = %scan3A_2 to %scan3A_4 step %scan3A_5  : i32 {
      %swap3A = arith.constant 0 : i32
      %swap3A_118 = arith.index_cast %swap3A : i32 to index
      %swap3A_119 = arith.index_cast %scan3A_117 : i32 to index
      %swap3A_120 = arith.constant 0 : index
      %swap3A_121 = tpu.vector_load %arg9[%swap3A_118, %swap3A_119, %swap3A_120] {strides = array<i32>} : memref<2x64x128xf32, #tpu.memory_space<vmem>>, vector<1x1x16xf32>,
      %swap3A_122 = vector.shape_cast %swap3A_121 : vector<1x1x16xf32> to vector<16xf32>
      %swap3A_123 = vector.shape_cast %broadcast_in_dim3A_1 : vector<16xf32> to vector<1x1x16xf32>
      tpu.vector_store %arg9[%swap3A_118, %swap3A_119, %swap3A_120], %swap3A_123 {strides = array<i32>} : memref<2x64x128xf32, #tpu.memory_space<vmem>>, vector<1x1x16xf32>,
      %swap3A_124 = arith.constant 0 : i32
      %swap3A_125 = arith.index_cast %swap3A_124 : i32 to index
      %swap3A_126 = arith.index_cast %scan3A_117 : i32 to index
      %swap3A_127 = arith.constant 16 : index
      %swap3A_128 = tpu.vector_load %arg9[%swap3A_125, %swap3A_126, %swap3A_127] {strides = array<i32>} : memref<2x64x128xf32, #tpu.memory_space<vmem>>, vector<1x1x16xf32>,
      %swap3A_129 = vector.shape_cast %swap3A_128 : vector<1x1x16xf32> to vector<16xf32>
      %swap3A_130 = vector.shape_cast %broadcast_in_dim3A_1 : vector<16xf32> to vector<1x1x16xf32>
      tpu.vector_store %arg9[%swap3A_125, %swap3A_126, %swap3A_127], %swap3A_130 {strides = array<i32>} : memref<2x64x128xf32, #tpu.memory_space<vmem>>, vector<1x1x16xf32>,
      %swap3A_131 = arith.constant 0 : i32
      %swap3A_132 = arith.index_cast %swap3A_131 : i32 to index
      %swap3A_133 = arith.index_cast %scan3A_117 : i32 to index
      %swap3A_134 = arith.constant 32 : index
      %swap3A_135 = tpu.vector_load %arg9[%swap3A_132, %swap3A_133, %swap3A_134] {strides = array<i32>} : memref<2x64x128xf32, #tpu.memory_space<vmem>>, vector<1x1x16xf32>,
      %swap3A_136 = vector.shape_cast %swap3A_135 : vector<1x1x16xf32> to vector<16xf32>
      %swap3A_137 = vector.shape_cast %broadcast_in_dim3A_1 : vector<16xf32> to vector<1x1x16xf32>
      tpu.vector_store %arg9[%swap3A_132, %swap3A_133, %swap3A_134], %swap3A_137 {strides = array<i32>} : memref<2x64x128xf32, #tpu.memory_space<vmem>>, vector<1x1x16xf32>,
      %swap3A_138 = arith.constant 0 : i32
      %swap3A_139 = arith.index_cast %swap3A_138 : i32 to index
      %swap3A_140 = arith.index_cast %scan3A_117 : i32 to index
      %swap3A_141 = arith.constant 48 : index
      %swap3A_142 = tpu.vector_load %arg9[%swap3A_139, %swap3A_140, %swap3A_141] {strides = array<i32>} : memref<2x64x128xf32, #tpu.memory_space<vmem>>, vector<1x1x16xf32>,
      %swap3A_143 = vector.shape_cast %swap3A_142 : vector<1x1x16xf32> to vector<16xf32>
      %swap3A_144 = vector.shape_cast %broadcast_in_dim3A_1 : vector<16xf32> to vector<1x1x16xf32>
      tpu.vector_store %arg9[%swap3A_139, %swap3A_140, %swap3A_141], %swap3A_144 {strides = array<i32>} : memref<2x64x128xf32, #tpu.memory_space<vmem>>, vector<1x1x16xf32>,
      %swap3A_145 = arith.constant 0 : i32
      %swap3A_146 = arith.index_cast %swap3A_145 : i32 to index
      %swap3A_147 = arith.index_cast %scan3A_117 : i32 to index
      %swap3A_148 = arith.constant 64 : index
      %swap3A_149 = tpu.vector_load %arg9[%swap3A_146, %swap3A_147, %swap3A_148] {strides = array<i32>} : memref<2x64x128xf32, #tpu.memory_space<vmem>>, vector<1x1x16xf32>,
      %swap3A_150 = vector.shape_cast %swap3A_149 : vector<1x1x16xf32> to vector<16xf32>
      %swap3A_151 = vector.shape_cast %broadcast_in_dim3A_1 : vector<16xf32> to vector<1x1x16xf32>
      tpu.vector_store %arg9[%swap3A_146, %swap3A_147, %swap3A_148], %swap3A_151 {strides = array<i32>} : memref<2x64x128xf32, #tpu.memory_space<vmem>>, vector<1x1x16xf32>,
      %swap3A_152 = arith.constant 0 : i32
      %swap3A_153 = arith.index_cast %swap3A_152 : i32 to index
      %swap3A_154 = arith.index_cast %scan3A_117 : i32 to index
      %swap3A_155 = arith.constant 80 : index
      %swap3A_156 = tpu.vector_load %arg9[%swap3A_153, %swap3A_154, %swap3A_155] {strides = array<i32>} : memref<2x64x128xf32, #tpu.memory_space<vmem>>, vector<1x1x16xf32>,
      %swap3A_157 = vector.shape_cast %swap3A_156 : vector<1x1x16xf32> to vector<16xf32>
      %swap3A_158 = vector.shape_cast %broadcast_in_dim3A_1 : vector<16xf32> to vector<1x1x16xf32>
      tpu.vector_store %arg9[%swap3A_153, %swap3A_154, %swap3A_155], %swap3A_158 {strides = array<i32>} : memref<2x64x128xf32, #tpu.memory_space<vmem>>, vector<1x1x16xf32>,
      %swap3A_159 = arith.constant 0 : i32
      %swap3A_160 = arith.index_cast %swap3A_159 : i32 to index
      %swap3A_161 = arith.index_cast %scan3A_117 : i32 to index
      %swap3A_162 = arith.constant 96 : index
      %swap3A_163 = tpu.vector_load %arg9[%swap3A_160, %swap3A_161, %swap3A_162] {strides = array<i32>} : memref<2x64x128xf32, #tpu.memory_space<vmem>>, vector<1x1x16xf32>,
      %swap3A_164 = vector.shape_cast %swap3A_163 : vector<1x1x16xf32> to vector<16xf32>
      %swap3A_165 = vector.shape_cast %broadcast_in_dim3A_1 : vector<16xf32> to vector<1x1x16xf32>
      tpu.vector_store %arg9[%swap3A_160, %swap3A_161, %swap3A_162], %swap3A_165 {strides = array<i32>} : memref<2x64x128xf32, #tpu.memory_space<vmem>>, vector<1x1x16xf32>,
      %swap3A_166 = arith.constant 0 : i32
      %swap3A_167 = arith.index_cast %swap3A_166 : i32 to index
      %swap3A_168 = arith.index_cast %scan3A_117 : i32 to index
      %swap3A_169 = arith.constant 112 : index
      %swap3A_170 = tpu.vector_load %arg9[%swap3A_167, %swap3A_168, %swap3A_169] {strides = array<i32>} : memref<2x64x128xf32, #tpu.memory_space<vmem>>, vector<1x1x16xf32>,
      %swap3A_171 = vector.shape_cast %swap3A_170 : vector<1x1x16xf32> to vector<16xf32>
      %swap3A_172 = vector.shape_cast %broadcast_in_dim3A_1 : vector<16xf32> to vector<1x1x16xf32>
      tpu.vector_store %arg9[%swap3A_167, %swap3A_168, %swap3A_169], %swap3A_172 {strides = array<i32>} : memref<2x64x128xf32, #tpu.memory_space<vmem>>, vector<1x1x16xf32>,
    }
    %scan3A_6 = arith.constant 64 : i32
    %mul3A_7 = arith.constant 640 : i32
    %mul3A_8 = arith.muli %arg1, %mul3A_7 : i32
    %add3A_9 = arith.constant 0 : i32
    %add3A_10 = arith.addi %mul3A_8, %add3A_9 : i32
    %run_scoped3A = arith.constant 0 : i32
    "tpu.region"() ({
      %run_scoped3A_117 = tpu.sem_alloc : memref<!tpu.dma_semaphore, #tpu.memory_space<semaphore_mem>>
      %dma_start3A_118 = arith.constant 0 : i32
      %dma_start3A_119 = arith.constant 0 : i32
      %dma_start3A_120 = tpu.memref_slice %arg9[%run_scoped3A, %dma_start3A_118, %dma_start3A_119] : memref<2x64x128xf32, #tpu.memory_space<vmem>> -> memref<1x64x128xf32, #tpu.memory_space<vmem>>
      %dma_start3A_121 = tpu.memref_squeeze %dma_start3A_120 : memref<1x64x128xf32, #tpu.memory_space<vmem>> -> memref<64x128xf32, #tpu.memory_space<vmem>>
      %dma_start3A_122 = arith.constant 0 : i32
      %dma_start3A_123 = tpu.memref_slice %arg10[%add3A_10, %dma_start3A_122] : memref<10240x128xf32, #tpu.memory_space<vmem_shared>> -> memref<64x128xf32, #tpu.memory_space<vmem_shared>>
      %dma_start3A_124 = arith.constant 0 : i32
      %dma_start3A_125 = tpu.memref_slice %arg10[%add3A_10, %dma_start3A_124] : memref<10240x128xf32, #tpu.memory_space<vmem_shared>> -> memref<64x128xf32, #tpu.memory_space<vmem_shared>>
      %dma_start3A_126 = arith.constant 0 : i32
      %dma_start3A_127 = arith.constant 0 : i32
      %dma_start3A_128 = tpu.memref_slice %arg9[%run_scoped3A, %dma_start3A_126, %dma_start3A_127] : memref<2x64x128xf32, #tpu.memory_space<vmem>> -> memref<1x64x128xf32, #tpu.memory_space<vmem>>
      %dma_start3A_129 = tpu.memref_squeeze %dma_start3A_128 : memref<1x64x128xf32, #tpu.memory_space<vmem>> -> memref<64x128xf32, #tpu.memory_space<vmem>>
      tpu.enqueue_dma source(%dma_start3A_129 : memref<64x128xf32, #tpu.memory_space<vmem>>) target(%dma_start3A_125 : memref<64x128xf32, #tpu.memory_space<vmem_shared>>) target_semaphore(%run_scoped3A_117 : memref<!tpu.dma_semaphore, #tpu.memory_space<semaphore_mem>>)
      %dma_wait3A_130 = arith.constant 0 : i32
      %dma_wait3A_131 = arith.constant 0 : i32
      %dma_wait3A_132 = tpu.memref_slice %arg9[%run_scoped3A, %dma_wait3A_130, %dma_wait3A_131] : memref<2x64x128xf32, #tpu.memory_space<vmem>> -> memref<1x64x128xf32, #tpu.memory_space<vmem>>
      %dma_wait3A_133 = tpu.memref_squeeze %dma_wait3A_132 : memref<1x64x128xf32, #tpu.memory_space<vmem>> -> memref<64x128xf32, #tpu.memory_space<vmem>>
      %dma_wait3A_134 = arith.constant 0 : i32
      %dma_wait3A_135 = tpu.memref_slice %arg10[%add3A_10, %dma_wait3A_134] : memref<10240x128xf32, #tpu.memory_space<vmem_shared>> -> memref<64x128xf32, #tpu.memory_space<vmem_shared>>
      %dma_wait3A_136 = arith.constant 0 : i32
      %dma_wait3A_137 = tpu.memref_slice %arg10[%add3A_10, %dma_wait3A_136] : memref<10240x128xf32, #tpu.memory_space<vmem_shared>> -> memref<64x128xf32, #tpu.memory_space<vmem_shared>>
      %dma_wait3A_138 = arith.constant 0 : i32
      %dma_wait3A_139 = arith.constant 0 : i32
      %dma_wait3A_140 = tpu.memref_slice %arg9[%run_scoped3A, %dma_wait3A_138, %dma_wait3A_139] : memref<2x64x128xf32, #tpu.memory_space<vmem>> -> memref<1x64x128xf32, #tpu.memory_space<vmem>>
      %dma_wait3A_141 = tpu.memref_squeeze %dma_wait3A_140 : memref<1x64x128xf32, #tpu.memory_space<vmem>> -> memref<64x128xf32, #tpu.memory_space<vmem>>
      tpu.wait_dma2 semaphore(%run_scoped3A_117 : memref<!tpu.dma_semaphore, #tpu.memory_space<semaphore_mem>>) src(%dma_wait3A_141 : memref<64x128xf32, #tpu.memory_space<vmem>>) dst(%dma_wait3A_137 : memref<64x128xf32, #tpu.memory_space<vmem_shared>>)
      tpu.yield
    }) : () -> ()
    %mul3A_11 = arith.constant 640 : i32
    %mul3A_12 = arith.muli %arg1, %mul3A_11 : i32
    %add3A_13 = arith.constant 64 : i32
    %add3A_14 = arith.addi %mul3A_12, %add3A_13 : i32
    %run_scoped3A_15 = arith.constant 0 : i32
    "tpu.region"() ({
      %run_scoped3A_117 = tpu.sem_alloc : memref<!tpu.dma_semaphore, #tpu.memory_space<semaphore_mem>>
      %dma_start3A_118 = arith.constant 0 : i32
      %dma_start3A_119 = arith.constant 0 : i32
      %dma_start3A_120 = tpu.memref_slice %arg9[%run_scoped3A_15, %dma_start3A_118, %dma_start3A_119] : memref<2x64x128xf32, #tpu.memory_space<vmem>> -> memref<1x64x128xf32, #tpu.memory_space<vmem>>
      %dma_start3A_121 = tpu.memref_squeeze %dma_start3A_120 : memref<1x64x128xf32, #tpu.memory_space<vmem>> -> memref<64x128xf32, #tpu.memory_space<vmem>>
      %dma_start3A_122 = arith.constant 0 : i32
      %dma_start3A_123 = tpu.memref_slice %arg10[%add3A_14, %dma_start3A_122] : memref<10240x128xf32, #tpu.memory_space<vmem_shared>> -> memref<64x128xf32, #tpu.memory_space<vmem_shared>>
      %dma_start3A_124 = arith.constant 0 : i32
      %dma_start3A_125 = tpu.memref_slice %arg10[%add3A_14, %dma_start3A_124] : memref<10240x128xf32, #tpu.memory_space<vmem_shared>> -> memref<64x128xf32, #tpu.memory_space<vmem_shared>>
      %dma_start3A_126 = arith.constant 0 : i32
      %dma_start3A_127 = arith.constant 0 : i32
      %dma_start3A_128 = tpu.memref_slice %arg9[%run_scoped3A_15, %dma_start3A_126, %dma_start3A_127] : memref<2x64x128xf32, #tpu.memory_space<vmem>> -> memref<1x64x128xf32, #tpu.memory_space<vmem>>
      %dma_start3A_129 = tpu.memref_squeeze %dma_start3A_128 : memref<1x64x128xf32, #tpu.memory_space<vmem>> -> memref<64x128xf32, #tpu.memory_space<vmem>>
      tpu.enqueue_dma source(%dma_start3A_129 : memref<64x128xf32, #tpu.memory_space<vmem>>) target(%dma_start3A_125 : memref<64x128xf32, #tpu.memory_space<vmem_shared>>) target_semaphore(%run_scoped3A_117 : memref<!tpu.dma_semaphore, #tpu.memory_space<semaphore_mem>>)
      %dma_wait3A_130 = arith.constant 0 : i32
      %dma_wait3A_131 = arith.constant 0 : i32
      %dma_wait3A_132 = tpu.memref_slice %arg9[%run_scoped3A_15, %dma_wait3A_130, %dma_wait3A_131] : memref<2x64x128xf32, #tpu.memory_space<vmem>> -> memref<1x64x128xf32, #tpu.memory_space<vmem>>
      %dma_wait3A_133 = tpu.memref_squeeze %dma_wait3A_132 : memref<1x64x128xf32, #tpu.memory_space<vmem>> -> memref<64x128xf32, #tpu.memory_space<vmem>>
      %dma_wait3A_134 = arith.constant 0 : i32
      %dma_wait3A_135 = tpu.memref_slice %arg10[%add3A_14, %dma_wait3A_134] : memref<10240x128xf32, #tpu.memory_space<vmem_shared>> -> memref<64x128xf32, #tpu.memory_space<vmem_shared>>
      %dma_wait3A_136 = arith.constant 0 : i32
      %dma_wait3A_137 = tpu.memref_slice %arg10[%add3A_14, %dma_wait3A_136] : memref<10240x128xf32, #tpu.memory_space<vmem_shared>> -> memref<64x128xf32, #tpu.memory_space<vmem_shared>>
      %dma_wait3A_138 = arith.constant 0 : i32
      %dma_wait3A_139 = arith.constant 0 : i32
      %dma_wait3A_140 = tpu.memref_slice %arg9[%run_scoped3A_15, %dma_wait3A_138, %dma_wait3A_139] : memref<2x64x128xf32, #tpu.memory_space<vmem>> -> memref<1x64x128xf32, #tpu.memory_space<vmem>>
      %dma_wait3A_141 = tpu.memref_squeeze %dma_wait3A_140 : memref<1x64x128xf32, #tpu.memory_space<vmem>> -> memref<64x128xf32, #tpu.memory_space<vmem>>
      tpu.wait_dma2 semaphore(%run_scoped3A_117 : memref<!tpu.dma_semaphore, #tpu.memory_space<semaphore_mem>>) src(%dma_wait3A_141 : memref<64x128xf32, #tpu.memory_space<vmem>>) dst(%dma_wait3A_137 : memref<64x128xf32, #tpu.memory_space<vmem_shared>>)
      tpu.yield
    }) : () -> ()
    %mul3A_16 = arith.constant 640 : i32
    %mul3A_17 = arith.muli %arg1, %mul3A_16 : i32
    %add3A_18 = arith.constant 128 : i32
    %add3A_19 = arith.addi %mul3A_17, %add3A_18 : i32
    %run_scoped3A_20 = arith.constant 0 : i32
    "tpu.region"() ({
      %run_scoped3A_117 = tpu.sem_alloc : memref<!tpu.dma_semaphore, #tpu.memory_space<semaphore_mem>>
      %dma_start3A_118 = arith.constant 0 : i32
      %dma_start3A_119 = arith.constant 0 : i32
      %dma_start3A_120 = tpu.memref_slice %arg9[%run_scoped3A_20, %dma_start3A_118, %dma_start3A_119] : memref<2x64x128xf32, #tpu.memory_space<vmem>> -> memref<1x64x128xf32, #tpu.memory_space<vmem>>
      %dma_start3A_121 = tpu.memref_squeeze %dma_start3A_120 : memref<1x64x128xf32, #tpu.memory_space<vmem>> -> memref<64x128xf32, #tpu.memory_space<vmem>>
      %dma_start3A_122 = arith.constant 0 : i32
      %dma_start3A_123 = tpu.memref_slice %arg10[%add3A_19, %dma_start3A_122] : memref<10240x128xf32, #tpu.memory_space<vmem_shared>> -> memref<64x128xf32, #tpu.memory_space<vmem_shared>>
      %dma_start3A_124 = arith.constant 0 : i32
      %dma_start3A_125 = tpu.memref_slice %arg10[%add3A_19, %dma_start3A_124] : memref<10240x128xf32, #tpu.memory_space<vmem_shared>> -> memref<64x128xf32, #tpu.memory_space<vmem_shared>>
      %dma_start3A_126 = arith.constant 0 : i32
      %dma_start3A_127 = arith.constant 0 : i32
      %dma_start3A_128 = tpu.memref_slice %arg9[%run_scoped3A_20, %dma_start3A_126, %dma_start3A_127] : memref<2x64x128xf32, #tpu.memory_space<vmem>> -> memref<1x64x128xf32, #tpu.memory_space<vmem>>
      %dma_start3A_129 = tpu.memref_squeeze %dma_start3A_128 : memref<1x64x128xf32, #tpu.memory_space<vmem>> -> memref<64x128xf32, #tpu.memory_space<vmem>>
      tpu.enqueue_dma source(%dma_start3A_129 : memref<64x128xf32, #tpu.memory_space<vmem>>) target(%dma_start3A_125 : memref<64x128xf32, #tpu.memory_space<vmem_shared>>) target_semaphore(%run_scoped3A_117 : memref<!tpu.dma_semaphore, #tpu.memory_space<semaphore_mem>>)
      %dma_wait3A_130 = arith.constant 0 : i32
      %dma_wait3A_131 = arith.constant 0 : i32
      %dma_wait3A_132 = tpu.memref_slice %arg9[%run_scoped3A_20, %dma_wait3A_130, %dma_wait3A_131] : memref<2x64x128xf32, #tpu.memory_space<vmem>> -> memref<1x64x128xf32, #tpu.memory_space<vmem>>
      %dma_wait3A_133 = tpu.memref_squeeze %dma_wait3A_132 : memref<1x64x128xf32, #tpu.memory_space<vmem>> -> memref<64x128xf32, #tpu.memory_space<vmem>>
      %dma_wait3A_134 = arith.constant 0 : i32
      %dma_wait3A_135 = tpu.memref_slice %arg10[%add3A_19, %dma_wait3A_134] : memref<10240x128xf32, #tpu.memory_space<vmem_shared>> -> memref<64x128xf32, #tpu.memory_space<vmem_shared>>
      %dma_wait3A_136 = arith.constant 0 : i32
      %dma_wait3A_137 = tpu.memref_slice %arg10[%add3A_19, %dma_wait3A_136] : memref<10240x128xf32, #tpu.memory_space<vmem_shared>> -> memref<64x128xf32, #tpu.memory_space<vmem_shared>>
      %dma_wait3A_138 = arith.constant 0 : i32
      %dma_wait3A_139 = arith.constant 0 : i32
      %dma_wait3A_140 = tpu.memref_slice %arg9[%run_scoped3A_20, %dma_wait3A_138, %dma_wait3A_139] : memref<2x64x128xf32, #tpu.memory_space<vmem>> -> memref<1x64x128xf32, #tpu.memory_space<vmem>>
      %dma_wait3A_141 = tpu.memref_squeeze %dma_wait3A_140 : memref<1x64x128xf32, #tpu.memory_space<vmem>> -> memref<64x128xf32, #tpu.memory_space<vmem>>
      tpu.wait_dma2 semaphore(%run_scoped3A_117 : memref<!tpu.dma_semaphore, #tpu.memory_space<semaphore_mem>>) src(%dma_wait3A_141 : memref<64x128xf32, #tpu.memory_space<vmem>>) dst(%dma_wait3A_137 : memref<64x128xf32, #tpu.memory_space<vmem_shared>>)
      tpu.yield
    }) : () -> ()
    %mul3A_21 = arith.constant 640 : i32
    %mul3A_22 = arith.muli %arg1, %mul3A_21 : i32
    %add3A_23 = arith.constant 192 : i32
    %add3A_24 = arith.addi %mul3A_22, %add3A_23 : i32
    %run_scoped3A_25 = arith.constant 0 : i32
    "tpu.region"() ({
      %run_scoped3A_117 = tpu.sem_alloc : memref<!tpu.dma_semaphore, #tpu.memory_space<semaphore_mem>>
      %dma_start3A_118 = arith.constant 0 : i32
      %dma_start3A_119 = arith.constant 0 : i32
      %dma_start3A_120 = tpu.memref_slice %arg9[%run_scoped3A_25, %dma_start3A_118, %dma_start3A_119] : memref<2x64x128xf32, #tpu.memory_space<vmem>> -> memref<1x64x128xf32, #tpu.memory_space<vmem>>
      %dma_start3A_121 = tpu.memref_squeeze %dma_start3A_120 : memref<1x64x128xf32, #tpu.memory_space<vmem>> -> memref<64x128xf32, #tpu.memory_space<vmem>>
      %dma_start3A_122 = arith.constant 0 : i32
      %dma_start3A_123 = tpu.memref_slice %arg10[%add3A_24, %dma_start3A_122] : memref<10240x128xf32, #tpu.memory_space<vmem_shared>> -> memref<64x128xf32, #tpu.memory_space<vmem_shared>>
      %dma_start3A_124 = arith.constant 0 : i32
      %dma_start3A_125 = tpu.memref_slice %arg10[%add3A_24, %dma_start3A_124] : memref<10240x128xf32, #tpu.memory_space<vmem_shared>> -> memref<64x128xf32, #tpu.memory_space<vmem_shared>>
      %dma_start3A_126 = arith.constant 0 : i32
      %dma_start3A_127 = arith.constant 0 : i32
      %dma_start3A_128 = tpu.memref_slice %arg9[%run_scoped3A_25, %dma_start3A_126, %dma_start3A_127] : memref<2x64x128xf32, #tpu.memory_space<vmem>> -> memref<1x64x128xf32, #tpu.memory_space<vmem>>
      %dma_start3A_129 = tpu.memref_squeeze %dma_start3A_128 : memref<1x64x128xf32, #tpu.memory_space<vmem>> -> memref<64x128xf32, #tpu.memory_space<vmem>>
      tpu.enqueue_dma source(%dma_start3A_129 : memref<64x128xf32, #tpu.memory_space<vmem>>) target(%dma_start3A_125 : memref<64x128xf32, #tpu.memory_space<vmem_shared>>) target_semaphore(%run_scoped3A_117 : memref<!tpu.dma_semaphore, #tpu.memory_space<semaphore_mem>>)
      %dma_wait3A_130 = arith.constant 0 : i32
      %dma_wait3A_131 = arith.constant 0 : i32
      %dma_wait3A_132 = tpu.memref_slice %arg9[%run_scoped3A_25, %dma_wait3A_130, %dma_wait3A_131] : memref<2x64x128xf32, #tpu.memory_space<vmem>> -> memref<1x64x128xf32, #tpu.memory_space<vmem>>
      %dma_wait3A_133 = tpu.memref_squeeze %dma_wait3A_132 : memref<1x64x128xf32, #tpu.memory_space<vmem>> -> memref<64x128xf32, #tpu.memory_space<vmem>>
      %dma_wait3A_134 = arith.constant 0 : i32
      %dma_wait3A_135 = tpu.memref_slice %arg10[%add3A_24, %dma_wait3A_134] : memref<10240x128xf32, #tpu.memory_space<vmem_shared>> -> memref<64x128xf32, #tpu.memory_space<vmem_shared>>
      %dma_wait3A_136 = arith.constant 0 : i32
      %dma_wait3A_137 = tpu.memref_slice %arg10[%add3A_24, %dma_wait3A_136] : memref<10240x128xf32, #tpu.memory_space<vmem_shared>> -> memref<64x128xf32, #tpu.memory_space<vmem_shared>>
      %dma_wait3A_138 = arith.constant 0 : i32
      %dma_wait3A_139 = arith.constant 0 : i32
      %dma_wait3A_140 = tpu.memref_slice %arg9[%run_scoped3A_25, %dma_wait3A_138, %dma_wait3A_139] : memref<2x64x128xf32, #tpu.memory_space<vmem>> -> memref<1x64x128xf32, #tpu.memory_space<vmem>>
      %dma_wait3A_141 = tpu.memref_squeeze %dma_wait3A_140 : memref<1x64x128xf32, #tpu.memory_space<vmem>> -> memref<64x128xf32, #tpu.memory_space<vmem>>
      tpu.wait_dma2 semaphore(%run_scoped3A_117 : memref<!tpu.dma_semaphore, #tpu.memory_space<semaphore_mem>>) src(%dma_wait3A_141 : memref<64x128xf32, #tpu.memory_space<vmem>>) dst(%dma_wait3A_137 : memref<64x128xf32, #tpu.memory_space<vmem_shared>>)
      tpu.yield
    }) : () -> ()
    %mul3A_26 = arith.constant 640 : i32
    %mul3A_27 = arith.muli %arg1, %mul3A_26 : i32
    %add3A_28 = arith.constant 256 : i32
    %add3A_29 = arith.addi %mul3A_27, %add3A_28 : i32
    %run_scoped3A_30 = arith.constant 0 : i32
    "tpu.region"() ({
      %run_scoped3A_117 = tpu.sem_alloc : memref<!tpu.dma_semaphore, #tpu.memory_space<semaphore_mem>>
      %dma_start3A_118 = arith.constant 0 : i32
      %dma_start3A_119 = arith.constant 0 : i32
      %dma_start3A_120 = tpu.memref_slice %arg9[%run_scoped3A_30, %dma_start3A_118, %dma_start3A_119] : memref<2x64x128xf32, #tpu.memory_space<vmem>> -> memref<1x64x128xf32, #tpu.memory_space<vmem>>
      %dma_start3A_121 = tpu.memref_squeeze %dma_start3A_120 : memref<1x64x128xf32, #tpu.memory_space<vmem>> -> memref<64x128xf32, #tpu.memory_space<vmem>>
      %dma_start3A_122 = arith.constant 0 : i32
      %dma_start3A_123 = tpu.memref_slice %arg10[%add3A_29, %dma_start3A_122] : memref<10240x128xf32, #tpu.memory_space<vmem_shared>> -> memref<64x128xf32, #tpu.memory_space<vmem_shared>>
      %dma_start3A_124 = arith.constant 0 : i32
      %dma_start3A_125 = tpu.memref_slice %arg10[%add3A_29, %dma_start3A_124] : memref<10240x128xf32, #tpu.memory_space<vmem_shared>> -> memref<64x128xf32, #tpu.memory_space<vmem_shared>>
      %dma_start3A_126 = arith.constant 0 : i32
      %dma_start3A_127 = arith.constant 0 : i32
      %dma_start3A_128 = tpu.memref_slice %arg9[%run_scoped3A_30, %dma_start3A_126, %dma_start3A_127] : memref<2x64x128xf32, #tpu.memory_space<vmem>> -> memref<1x64x128xf32, #tpu.memory_space<vmem>>
      %dma_start3A_129 = tpu.memref_squeeze %dma_start3A_128 : memref<1x64x128xf32, #tpu.memory_space<vmem>> -> memref<64x128xf32, #tpu.memory_space<vmem>>
      tpu.enqueue_dma source(%dma_start3A_129 : memref<64x128xf32, #tpu.memory_space<vmem>>) target(%dma_start3A_125 : memref<64x128xf32, #tpu.memory_space<vmem_shared>>) target_semaphore(%run_scoped3A_117 : memref<!tpu.dma_semaphore, #tpu.memory_space<semaphore_mem>>)
      %dma_wait3A_130 = arith.constant 0 : i32
      %dma_wait3A_131 = arith.constant 0 : i32
      %dma_wait3A_132 = tpu.memref_slice %arg9[%run_scoped3A_30, %dma_wait3A_130, %dma_wait3A_131] : memref<2x64x128xf32, #tpu.memory_space<vmem>> -> memref<1x64x128xf32, #tpu.memory_space<vmem>>
      %dma_wait3A_133 = tpu.memref_squeeze %dma_wait3A_132 : memref<1x64x128xf32, #tpu.memory_space<vmem>> -> memref<64x128xf32, #tpu.memory_space<vmem>>
      %dma_wait3A_134 = arith.constant 0 : i32
      %dma_wait3A_135 = tpu.memref_slice %arg10[%add3A_29, %dma_wait3A_134] : memref<10240x128xf32, #tpu.memory_space<vmem_shared>> -> memref<64x128xf32, #tpu.memory_space<vmem_shared>>
      %dma_wait3A_136 = arith.constant 0 : i32
      %dma_wait3A_137 = tpu.memref_slice %arg10[%add3A_29, %dma_wait3A_136] : memref<10240x128xf32, #tpu.memory_space<vmem_shared>> -> memref<64x128xf32, #tpu.memory_space<vmem_shared>>
      %dma_wait3A_138 = arith.constant 0 : i32
      %dma_wait3A_139 = arith.constant 0 : i32
      %dma_wait3A_140 = tpu.memref_slice %arg9[%run_scoped3A_30, %dma_wait3A_138, %dma_wait3A_139] : memref<2x64x128xf32, #tpu.memory_space<vmem>> -> memref<1x64x128xf32, #tpu.memory_space<vmem>>
      %dma_wait3A_141 = tpu.memref_squeeze %dma_wait3A_140 : memref<1x64x128xf32, #tpu.memory_space<vmem>> -> memref<64x128xf32, #tpu.memory_space<vmem>>
      tpu.wait_dma2 semaphore(%run_scoped3A_117 : memref<!tpu.dma_semaphore, #tpu.memory_space<semaphore_mem>>) src(%dma_wait3A_141 : memref<64x128xf32, #tpu.memory_space<vmem>>) dst(%dma_wait3A_137 : memref<64x128xf32, #tpu.memory_space<vmem_shared>>)
      tpu.yield
    }) : () -> ()
    %mul3A_31 = arith.constant 640 : i32
    %mul3A_32 = arith.muli %arg1, %mul3A_31 : i32
    %add3A_33 = arith.constant 320 : i32
    %add3A_34 = arith.addi %mul3A_32, %add3A_33 : i32
    %run_scoped3A_35 = arith.constant 0 : i32
    "tpu.region"() ({
      %run_scoped3A_117 = tpu.sem_alloc : memref<!tpu.dma_semaphore, #tpu.memory_space<semaphore_mem>>
      %dma_start3A_118 = arith.constant 0 : i32
      %dma_start3A_119 = arith.constant 0 : i32
      %dma_start3A_120 = tpu.memref_slice %arg9[%run_scoped3A_35, %dma_start3A_118, %dma_start3A_119] : memref<2x64x128xf32, #tpu.memory_space<vmem>> -> memref<1x64x128xf32, #tpu.memory_space<vmem>>
      %dma_start3A_121 = tpu.memref_squeeze %dma_start3A_120 : memref<1x64x128xf32, #tpu.memory_space<vmem>> -> memref<64x128xf32, #tpu.memory_space<vmem>>
      %dma_start3A_122 = arith.constant 0 : i32
      %dma_start3A_123 = tpu.memref_slice %arg10[%add3A_34, %dma_start3A_122] : memref<10240x128xf32, #tpu.memory_space<vmem_shared>> -> memref<64x128xf32, #tpu.memory_space<vmem_shared>>
      %dma_start3A_124 = arith.constant 0 : i32
      %dma_start3A_125 = tpu.memref_slice %arg10[%add3A_34, %dma_start3A_124] : memref<10240x128xf32, #tpu.memory_space<vmem_shared>> -> memref<64x128xf32, #tpu.memory_space<vmem_shared>>
      %dma_start3A_126 = arith.constant 0 : i32
      %dma_start3A_127 = arith.constant 0 : i32
      %dma_start3A_128 = tpu.memref_slice %arg9[%run_scoped3A_35, %dma_start3A_126, %dma_start3A_127] : memref<2x64x128xf32, #tpu.memory_space<vmem>> -> memref<1x64x128xf32, #tpu.memory_space<vmem>>
      %dma_start3A_129 = tpu.memref_squeeze %dma_start3A_128 : memref<1x64x128xf32, #tpu.memory_space<vmem>> -> memref<64x128xf32, #tpu.memory_space<vmem>>
      tpu.enqueue_dma source(%dma_start3A_129 : memref<64x128xf32, #tpu.memory_space<vmem>>) target(%dma_start3A_125 : memref<64x128xf32, #tpu.memory_space<vmem_shared>>) target_semaphore(%run_scoped3A_117 : memref<!tpu.dma_semaphore, #tpu.memory_space<semaphore_mem>>)
      %dma_wait3A_130 = arith.constant 0 : i32
      %dma_wait3A_131 = arith.constant 0 : i32
      %dma_wait3A_132 = tpu.memref_slice %arg9[%run_scoped3A_35, %dma_wait3A_130, %dma_wait3A_131] : memref<2x64x128xf32, #tpu.memory_space<vmem>> -> memref<1x64x128xf32, #tpu.memory_space<vmem>>
      %dma_wait3A_133 = tpu.memref_squeeze %dma_wait3A_132 : memref<1x64x128xf32, #tpu.memory_space<vmem>> -> memref<64x128xf32, #tpu.memory_space<vmem>>
      %dma_wait3A_134 = arith.constant 0 : i32
      %dma_wait3A_135 = tpu.memref_slice %arg10[%add3A_34, %dma_wait3A_134] : memref<10240x128xf32, #tpu.memory_space<vmem_shared>> -> memref<64x128xf32, #tpu.memory_space<vmem_shared>>
      %dma_wait3A_136 = arith.constant 0 : i32
      %dma_wait3A_137 = tpu.memref_slice %arg10[%add3A_34, %dma_wait3A_136] : memref<10240x128xf32, #tpu.memory_space<vmem_shared>> -> memref<64x128xf32, #tpu.memory_space<vmem_shared>>
      %dma_wait3A_138 = arith.constant 0 : i32
      %dma_wait3A_139 = arith.constant 0 : i32
      %dma_wait3A_140 = tpu.memref_slice %arg9[%run_scoped3A_35, %dma_wait3A_138, %dma_wait3A_139] : memref<2x64x128xf32, #tpu.memory_space<vmem>> -> memref<1x64x128xf32, #tpu.memory_space<vmem>>
      %dma_wait3A_141 = tpu.memref_squeeze %dma_wait3A_140 : memref<1x64x128xf32, #tpu.memory_space<vmem>> -> memref<64x128xf32, #tpu.memory_space<vmem>>
      tpu.wait_dma2 semaphore(%run_scoped3A_117 : memref<!tpu.dma_semaphore, #tpu.memory_space<semaphore_mem>>) src(%dma_wait3A_141 : memref<64x128xf32, #tpu.memory_space<vmem>>) dst(%dma_wait3A_137 : memref<64x128xf32, #tpu.memory_space<vmem_shared>>)
      tpu.yield
    }) : () -> ()
    %mul3A_36 = arith.constant 640 : i32
    %mul3A_37 = arith.muli %arg1, %mul3A_36 : i32
    %add3A_38 = arith.constant 384 : i32
    %add3A_39 = arith.addi %mul3A_37, %add3A_38 : i32
    %run_scoped3A_40 = arith.constant 0 : i32
    "tpu.region"() ({
      %run_scoped3A_117 = tpu.sem_alloc : memref<!tpu.dma_semaphore, #tpu.memory_space<semaphore_mem>>
      %dma_start3A_118 = arith.constant 0 : i32
      %dma_start3A_119 = arith.constant 0 : i32
      %dma_start3A_120 = tpu.memref_slice %arg9[%run_scoped3A_40, %dma_start3A_118, %dma_start3A_119] : memref<2x64x128xf32, #tpu.memory_space<vmem>> -> memref<1x64x128xf32, #tpu.memory_space<vmem>>
      %dma_start3A_121 = tpu.memref_squeeze %dma_start3A_120 : memref<1x64x128xf32, #tpu.memory_space<vmem>> -> memref<64x128xf32, #tpu.memory_space<vmem>>
      %dma_start3A_122 = arith.constant 0 : i32
      %dma_start3A_123 = tpu.memref_slice %arg10[%add3A_39, %dma_start3A_122] : memref<10240x128xf32, #tpu.memory_space<vmem_shared>> -> memref<64x128xf32, #tpu.memory_space<vmem_shared>>
      %dma_start3A_124 = arith.constant 0 : i32
      %dma_start3A_125 = tpu.memref_slice %arg10[%add3A_39, %dma_start3A_124] : memref<10240x128xf32, #tpu.memory_space<vmem_shared>> -> memref<64x128xf32, #tpu.memory_space<vmem_shared>>
      %dma_start3A_126 = arith.constant 0 : i32
      %dma_start3A_127 = arith.constant 0 : i32
      %dma_start3A_128 = tpu.memref_slice %arg9[%run_scoped3A_40, %dma_start3A_126, %dma_start3A_127] : memref<2x64x128xf32, #tpu.memory_space<vmem>> -> memref<1x64x128xf32, #tpu.memory_space<vmem>>
      %dma_start3A_129 = tpu.memref_squeeze %dma_start3A_128 : memref<1x64x128xf32, #tpu.memory_space<vmem>> -> memref<64x128xf32, #tpu.memory_space<vmem>>
      tpu.enqueue_dma source(%dma_start3A_129 : memref<64x128xf32, #tpu.memory_space<vmem>>) target(%dma_start3A_125 : memref<64x128xf32, #tpu.memory_space<vmem_shared>>) target_semaphore(%run_scoped3A_117 : memref<!tpu.dma_semaphore, #tpu.memory_space<semaphore_mem>>)
      %dma_wait3A_130 = arith.constant 0 : i32
      %dma_wait3A_131 = arith.constant 0 : i32
      %dma_wait3A_132 = tpu.memref_slice %arg9[%run_scoped3A_40, %dma_wait3A_130, %dma_wait3A_131] : memref<2x64x128xf32, #tpu.memory_space<vmem>> -> memref<1x64x128xf32, #tpu.memory_space<vmem>>
      %dma_wait3A_133 = tpu.memref_squeeze %dma_wait3A_132 : memref<1x64x128xf32, #tpu.memory_space<vmem>> -> memref<64x128xf32, #tpu.memory_space<vmem>>
      %dma_wait3A_134 = arith.constant 0 : i32
      %dma_wait3A_135 = tpu.memref_slice %arg10[%add3A_39, %dma_wait3A_134] : memref<10240x128xf32, #tpu.memory_space<vmem_shared>> -> memref<64x128xf32, #tpu.memory_space<vmem_shared>>
      %dma_wait3A_136 = arith.constant 0 : i32
      %dma_wait3A_137 = tpu.memref_slice %arg10[%add3A_39, %dma_wait3A_136] : memref<10240x128xf32, #tpu.memory_space<vmem_shared>> -> memref<64x128xf32, #tpu.memory_space<vmem_shared>>
      %dma_wait3A_138 = arith.constant 0 : i32
      %dma_wait3A_139 = arith.constant 0 : i32
      %dma_wait3A_140 = tpu.memref_slice %arg9[%run_scoped3A_40, %dma_wait3A_138, %dma_wait3A_139] : memref<2x64x128xf32, #tpu.memory_space<vmem>> -> memref<1x64x128xf32, #tpu.memory_space<vmem>>
      %dma_wait3A_141 = tpu.memref_squeeze %dma_wait3A_140 : memref<1x64x128xf32, #tpu.memory_space<vmem>> -> memref<64x128xf32, #tpu.memory_space<vmem>>
      tpu.wait_dma2 semaphore(%run_scoped3A_117 : memref<!tpu.dma_semaphore, #tpu.memory_space<semaphore_mem>>) src(%dma_wait3A_141 : memref<64x128xf32, #tpu.memory_space<vmem>>) dst(%dma_wait3A_137 : memref<64x128xf32, #tpu.memory_space<vmem_shared>>)
      tpu.yield
    }) : () -> ()
    %mul3A_41 = arith.constant 640 : i32
    %mul3A_42 = arith.muli %arg1, %mul3A_41 : i32
    %add3A_43 = arith.constant 448 : i32
    %add3A_44 = arith.addi %mul3A_42, %add3A_43 : i32
    %run_scoped3A_45 = arith.constant 0 : i32
    "tpu.region"() ({
      %run_scoped3A_117 = tpu.sem_alloc : memref<!tpu.dma_semaphore, #tpu.memory_space<semaphore_mem>>
      %dma_start3A_118 = arith.constant 0 : i32
      %dma_start3A_119 = arith.constant 0 : i32
      %dma_start3A_120 = tpu.memref_slice %arg9[%run_scoped3A_45, %dma_start3A_118, %dma_start3A_119] : memref<2x64x128xf32, #tpu.memory_space<vmem>> -> memref<1x64x128xf32, #tpu.memory_space<vmem>>
      %dma_start3A_121 = tpu.memref_squeeze %dma_start3A_120 : memref<1x64x128xf32, #tpu.memory_space<vmem>> -> memref<64x128xf32, #tpu.memory_space<vmem>>
      %dma_start3A_122 = arith.constant 0 : i32
      %dma_start3A_123 = tpu.memref_slice %arg10[%add3A_44, %dma_start3A_122] : memref<10240x128xf32, #tpu.memory_space<vmem_shared>> -> memref<64x128xf32, #tpu.memory_space<vmem_shared>>
      %dma_start3A_124 = arith.constant 0 : i32
      %dma_start3A_125 = tpu.memref_slice %arg10[%add3A_44, %dma_start3A_124] : memref<10240x128xf32, #tpu.memory_space<vmem_shared>> -> memref<64x128xf32, #tpu.memory_space<vmem_shared>>
      %dma_start3A_126 = arith.constant 0 : i32
      %dma_start3A_127 = arith.constant 0 : i32
      %dma_start3A_128 = tpu.memref_slice %arg9[%run_scoped3A_45, %dma_start3A_126, %dma_start3A_127] : memref<2x64x128xf32, #tpu.memory_space<vmem>> -> memref<1x64x128xf32, #tpu.memory_space<vmem>>
      %dma_start3A_129 = tpu.memref_squeeze %dma_start3A_128 : memref<1x64x128xf32, #tpu.memory_space<vmem>> -> memref<64x128xf32, #tpu.memory_space<vmem>>
      tpu.enqueue_dma source(%dma_start3A_129 : memref<64x128xf32, #tpu.memory_space<vmem>>) target(%dma_start3A_125 : memref<64x128xf32, #tpu.memory_space<vmem_shared>>) target_semaphore(%run_scoped3A_117 : memref<!tpu.dma_semaphore, #tpu.memory_space<semaphore_mem>>)
      %dma_wait3A_130 = arith.constant 0 : i32
      %dma_wait3A_131 = arith.constant 0 : i32
      %dma_wait3A_132 = tpu.memref_slice %arg9[%run_scoped3A_45, %dma_wait3A_130, %dma_wait3A_131] : memref<2x64x128xf32, #tpu.memory_space<vmem>> -> memref<1x64x128xf32, #tpu.memory_space<vmem>>
      %dma_wait3A_133 = tpu.memref_squeeze %dma_wait3A_132 : memref<1x64x128xf32, #tpu.memory_space<vmem>> -> memref<64x128xf32, #tpu.memory_space<vmem>>
      %dma_wait3A_134 = arith.constant 0 : i32
      %dma_wait3A_135 = tpu.memref_slice %arg10[%add3A_44, %dma_wait3A_134] : memref<10240x128xf32, #tpu.memory_space<vmem_shared>> -> memref<64x128xf32, #tpu.memory_space<vmem_shared>>
      %dma_wait3A_136 = arith.constant 0 : i32
      %dma_wait3A_137 = tpu.memref_slice %arg10[%add3A_44, %dma_wait3A_136] : memref<10240x128xf32, #tpu.memory_space<vmem_shared>> -> memref<64x128xf32, #tpu.memory_space<vmem_shared>>
      %dma_wait3A_138 = arith.constant 0 : i32
      %dma_wait3A_139 = arith.constant 0 : i32
      %dma_wait3A_140 = tpu.memref_slice %arg9[%run_scoped3A_45, %dma_wait3A_138, %dma_wait3A_139] : memref<2x64x128xf32, #tpu.memory_space<vmem>> -> memref<1x64x128xf32, #tpu.memory_space<vmem>>
      %dma_wait3A_141 = tpu.memref_squeeze %dma_wait3A_140 : memref<1x64x128xf32, #tpu.memory_space<vmem>> -> memref<64x128xf32, #tpu.memory_space<vmem>>
      tpu.wait_dma2 semaphore(%run_scoped3A_117 : memref<!tpu.dma_semaphore, #tpu.memory_space<semaphore_mem>>) src(%dma_wait3A_141 : memref<64x128xf32, #tpu.memory_space<vmem>>) dst(%dma_wait3A_137 : memref<64x128xf32, #tpu.memory_space<vmem_shared>>)
      tpu.yield
    }) : () -> ()
    %mul3A_46 = arith.constant 640 : i32
    %mul3A_47 = arith.muli %arg1, %mul3A_46 : i32
    %add3A_48 = arith.constant 512 : i32
    %add3A_49 = arith.addi %mul3A_47, %add3A_48 : i32
    %run_scoped3A_50 = arith.constant 0 : i32
    "tpu.region"() ({
      %run_scoped3A_117 = tpu.sem_alloc : memref<!tpu.dma_semaphore, #tpu.memory_space<semaphore_mem>>
      %dma_start3A_118 = arith.constant 0 : i32
      %dma_start3A_119 = arith.constant 0 : i32
      %dma_start3A_120 = tpu.memref_slice %arg9[%run_scoped3A_50, %dma_start3A_118, %dma_start3A_119] : memref<2x64x128xf32, #tpu.memory_space<vmem>> -> memref<1x64x128xf32, #tpu.memory_space<vmem>>
      %dma_start3A_121 = tpu.memref_squeeze %dma_start3A_120 : memref<1x64x128xf32, #tpu.memory_space<vmem>> -> memref<64x128xf32, #tpu.memory_space<vmem>>
      %dma_start3A_122 = arith.constant 0 : i32
      %dma_start3A_123 = tpu.memref_slice %arg10[%add3A_49, %dma_start3A_122] : memref<10240x128xf32, #tpu.memory_space<vmem_shared>> -> memref<64x128xf32, #tpu.memory_space<vmem_shared>>
      %dma_start3A_124 = arith.constant 0 : i32
      %dma_start3A_125 = tpu.memref_slice %arg10[%add3A_49, %dma_start3A_124] : memref<10240x128xf32, #tpu.memory_space<vmem_shared>> -> memref<64x128xf32, #tpu.memory_space<vmem_shared>>
      %dma_start3A_126 = arith.constant 0 : i32
      %dma_start3A_127 = arith.constant 0 : i32
      %dma_start3A_128 = tpu.memref_slice %arg9[%run_scoped3A_50, %dma_start3A_126, %dma_start3A_127] : memref<2x64x128xf32, #tpu.memory_space<vmem>> -> memref<1x64x128xf32, #tpu.memory_space<vmem>>
      %dma_start3A_129 = tpu.memref_squeeze %dma_start3A_128 : memref<1x64x128xf32, #tpu.memory_space<vmem>> -> memref<64x128xf32, #tpu.memory_space<vmem>>
      tpu.enqueue_dma source(%dma_start3A_129 : memref<64x128xf32, #tpu.memory_space<vmem>>) target(%dma_start3A_125 : memref<64x128xf32, #tpu.memory_space<vmem_shared>>) target_semaphore(%run_scoped3A_117 : memref<!tpu.dma_semaphore, #tpu.memory_space<semaphore_mem>>)
      %dma_wait3A_130 = arith.constant 0 : i32
      %dma_wait3A_131 = arith.constant 0 : i32
      %dma_wait3A_132 = tpu.memref_slice %arg9[%run_scoped3A_50, %dma_wait3A_130, %dma_wait3A_131] : memref<2x64x128xf32, #tpu.memory_space<vmem>> -> memref<1x64x128xf32, #tpu.memory_space<vmem>>
      %dma_wait3A_133 = tpu.memref_squeeze %dma_wait3A_132 : memref<1x64x128xf32, #tpu.memory_space<vmem>> -> memref<64x128xf32, #tpu.memory_space<vmem>>
      %dma_wait3A_134 = arith.constant 0 : i32
      %dma_wait3A_135 = tpu.memref_slice %arg10[%add3A_49, %dma_wait3A_134] : memref<10240x128xf32, #tpu.memory_space<vmem_shared>> -> memref<64x128xf32, #tpu.memory_space<vmem_shared>>
      %dma_wait3A_136 = arith.constant 0 : i32
      %dma_wait3A_137 = tpu.memref_slice %arg10[%add3A_49, %dma_wait3A_136] : memref<10240x128xf32, #tpu.memory_space<vmem_shared>> -> memref<64x128xf32, #tpu.memory_space<vmem_shared>>
      %dma_wait3A_138 = arith.constant 0 : i32
      %dma_wait3A_139 = arith.constant 0 : i32
      %dma_wait3A_140 = tpu.memref_slice %arg9[%run_scoped3A_50, %dma_wait3A_138, %dma_wait3A_139] : memref<2x64x128xf32, #tpu.memory_space<vmem>> -> memref<1x64x128xf32, #tpu.memory_space<vmem>>
      %dma_wait3A_141 = tpu.memref_squeeze %dma_wait3A_140 : memref<1x64x128xf32, #tpu.memory_space<vmem>> -> memref<64x128xf32, #tpu.memory_space<vmem>>
      tpu.wait_dma2 semaphore(%run_scoped3A_117 : memref<!tpu.dma_semaphore, #tpu.memory_space<semaphore_mem>>) src(%dma_wait3A_141 : memref<64x128xf32, #tpu.memory_space<vmem>>) dst(%dma_wait3A_137 : memref<64x128xf32, #tpu.memory_space<vmem_shared>>)
      tpu.yield
    }) : () -> ()
    %mul3A_51 = arith.constant 640 : i32
    %mul3A_52 = arith.muli %arg1, %mul3A_51 : i32
    %add3A_53 = arith.constant 576 : i32
    %add3A_54 = arith.addi %mul3A_52, %add3A_53 : i32
    %run_scoped3A_55 = arith.constant 0 : i32
    "tpu.region"() ({
      %run_scoped3A_117 = tpu.sem_alloc : memref<!tpu.dma_semaphore, #tpu.memory_space<semaphore_mem>>
      %dma_start3A_118 = arith.constant 0 : i32
      %dma_start3A_119 = arith.constant 0 : i32
      %dma_start3A_120 = tpu.memref_slice %arg9[%run_scoped3A_55, %dma_start3A_118, %dma_start3A_119] : memref<2x64x128xf32, #tpu.memory_space<vmem>> -> memref<1x64x128xf32, #tpu.memory_space<vmem>>
      %dma_start3A_121 = tpu.memref_squeeze %dma_start3A_120 : memref<1x64x128xf32, #tpu.memory_space<vmem>> -> memref<64x128xf32, #tpu.memory_space<vmem>>
      %dma_start3A_122 = arith.constant 0 : i32
      %dma_start3A_123 = tpu.memref_slice %arg10[%add3A_54, %dma_start3A_122] : memref<10240x128xf32, #tpu.memory_space<vmem_shared>> -> memref<64x128xf32, #tpu.memory_space<vmem_shared>>
      %dma_start3A_124 = arith.constant 0 : i32
      %dma_start3A_125 = tpu.memref_slice %arg10[%add3A_54, %dma_start3A_124] : memref<10240x128xf32, #tpu.memory_space<vmem_shared>> -> memref<64x128xf32, #tpu.memory_space<vmem_shared>>
      %dma_start3A_126 = arith.constant 0 : i32
      %dma_start3A_127 = arith.constant 0 : i32
      %dma_start3A_128 = tpu.memref_slice %arg9[%run_scoped3A_55, %dma_start3A_126, %dma_start3A_127] : memref<2x64x128xf32, #tpu.memory_space<vmem>> -> memref<1x64x128xf32, #tpu.memory_space<vmem>>
      %dma_start3A_129 = tpu.memref_squeeze %dma_start3A_128 : memref<1x64x128xf32, #tpu.memory_space<vmem>> -> memref<64x128xf32, #tpu.memory_space<vmem>>
      tpu.enqueue_dma source(%dma_start3A_129 : memref<64x128xf32, #tpu.memory_space<vmem>>) target(%dma_start3A_125 : memref<64x128xf32, #tpu.memory_space<vmem_shared>>) target_semaphore(%run_scoped3A_117 : memref<!tpu.dma_semaphore, #tpu.memory_space<semaphore_mem>>)
      %dma_wait3A_130 = arith.constant 0 : i32
      %dma_wait3A_131 = arith.constant 0 : i32
      %dma_wait3A_132 = tpu.memref_slice %arg9[%run_scoped3A_55, %dma_wait3A_130, %dma_wait3A_131] : memref<2x64x128xf32, #tpu.memory_space<vmem>> -> memref<1x64x128xf32, #tpu.memory_space<vmem>>
      %dma_wait3A_133 = tpu.memref_squeeze %dma_wait3A_132 : memref<1x64x128xf32, #tpu.memory_space<vmem>> -> memref<64x128xf32, #tpu.memory_space<vmem>>
      %dma_wait3A_134 = arith.constant 0 : i32
      %dma_wait3A_135 = tpu.memref_slice %arg10[%add3A_54, %dma_wait3A_134] : memref<10240x128xf32, #tpu.memory_space<vmem_shared>> -> memref<64x128xf32, #tpu.memory_space<vmem_shared>>
      %dma_wait3A_136 = arith.constant 0 : i32
      %dma_wait3A_137 = tpu.memref_slice %arg10[%add3A_54, %dma_wait3A_136] : memref<10240x128xf32, #tpu.memory_space<vmem_shared>> -> memref<64x128xf32, #tpu.memory_space<vmem_shared>>
      %dma_wait3A_138 = arith.constant 0 : i32
      %dma_wait3A_139 = arith.constant 0 : i32
      %dma_wait3A_140 = tpu.memref_slice %arg9[%run_scoped3A_55, %dma_wait3A_138, %dma_wait3A_139] : memref<2x64x128xf32, #tpu.memory_space<vmem>> -> memref<1x64x128xf32, #tpu.memory_space<vmem>>
      %dma_wait3A_141 = tpu.memref_squeeze %dma_wait3A_140 : memref<1x64x128xf32, #tpu.memory_space<vmem>> -> memref<64x128xf32, #tpu.memory_space<vmem>>
      tpu.wait_dma2 semaphore(%run_scoped3A_117 : memref<!tpu.dma_semaphore, #tpu.memory_space<semaphore_mem>>) src(%dma_wait3A_141 : memref<64x128xf32, #tpu.memory_space<vmem>>) dst(%dma_wait3A_137 : memref<64x128xf32, #tpu.memory_space<vmem_shared>>)
      tpu.yield
    }) : () -> ()
    %barrier3A = arith.constant 0 : index
    tpu.barrier barrier_id(%barrier3A)
    "tpu.region"() ({
      %run_scoped3A_117 = tpu.sem_alloc : memref<!tpu.dma_semaphore, #tpu.memory_space<semaphore_mem>>
      %dma_start3A_118 = arith.constant 0 : i32
      %dma_start3A_119 = arith.constant 0 : i32
      %dma_start3A_120 = arith.constant 0 : i32
      %dma_start3A_121 = tpu.memref_slice %arg2[%add3A, %dma_start3A_118, %dma_start3A_119, %dma_start3A_120] : memref<32x160x2x64xi32, #tpu.memory_space<hbm>> -> memref<1x16x2x64xi32, #tpu.memory_space<hbm>>
      %dma_start3A_122 = tpu.memref_squeeze %dma_start3A_121 : memref<1x16x2x64xi32, #tpu.memory_space<hbm>> -> memref<16x2x64xi32, #tpu.memory_space<hbm>>
      %dma_start3A_123 = arith.constant 0 : i32
      %dma_start3A_124 = arith.constant 0 : i32
      %dma_start3A_125 = arith.constant 0 : i32
      %dma_start3A_126 = tpu.memref_slice %arg2[%add3A, %dma_start3A_123, %dma_start3A_124, %dma_start3A_125] : memref<32x160x2x64xi32, #tpu.memory_space<hbm>> -> memref<1x16x2x64xi32, #tpu.memory_space<hbm>>
      %dma_start3A_127 = tpu.memref_squeeze %dma_start3A_126 : memref<1x16x2x64xi32, #tpu.memory_space<hbm>> -> memref<16x2x64xi32, #tpu.memory_space<hbm>>
      tpu.enqueue_dma source(%dma_start3A_127 : memref<16x2x64xi32, #tpu.memory_space<hbm>>) target(%arg6 : memref<16x2x64xi32, #tpu.memory_space<vmem>>) target_semaphore(%run_scoped3A_117 : memref<!tpu.dma_semaphore, #tpu.memory_space<semaphore_mem>>)
      %dma_wait3A_128 = arith.constant 0 : i32
      %dma_wait3A_129 = arith.constant 0 : i32
      %dma_wait3A_130 = arith.constant 0 : i32
      %dma_wait3A_131 = tpu.memref_slice %arg2[%add3A, %dma_wait3A_128, %dma_wait3A_129, %dma_wait3A_130] : memref<32x160x2x64xi32, #tpu.memory_space<hbm>> -> memref<1x16x2x64xi32, #tpu.memory_space<hbm>>
      %dma_wait3A_132 = tpu.memref_squeeze %dma_wait3A_131 : memref<1x16x2x64xi32, #tpu.memory_space<hbm>> -> memref<16x2x64xi32, #tpu.memory_space<hbm>>
      %dma_wait3A_133 = arith.constant 0 : i32
      %dma_wait3A_134 = arith.constant 0 : i32
      %dma_wait3A_135 = arith.constant 0 : i32
      %dma_wait3A_136 = tpu.memref_slice %arg2[%add3A, %dma_wait3A_133, %dma_wait3A_134, %dma_wait3A_135] : memref<32x160x2x64xi32, #tpu.memory_space<hbm>> -> memref<1x16x2x64xi32, #tpu.memory_space<hbm>>
      %dma_wait3A_137 = tpu.memref_squeeze %dma_wait3A_136 : memref<1x16x2x64xi32, #tpu.memory_space<hbm>> -> memref<16x2x64xi32, #tpu.memory_space<hbm>>
      tpu.wait_dma2 semaphore(%run_scoped3A_117 : memref<!tpu.dma_semaphore, #tpu.memory_space<semaphore_mem>>) src(%dma_wait3A_137 : memref<16x2x64xi32, #tpu.memory_space<hbm>>) dst(%arg6 : memref<16x2x64xi32, #tpu.memory_space<vmem>>)
      tpu.yield
    }) : () -> ()
    %mul3A_56 = arith.constant 10240 : i32
    %mul3A_57 = arith.muli %add3A, %mul3A_56 : i32
    %dma_start3A = arith.constant 0 : i32
    %dma_start3A_58 = arith.constant 0 : i32
    %dma_start3A_59 = arith.constant 0 : i32
    %dma_start3A_60 = tpu.memref_slice %arg8[%dma_start3A, %dma_start3A_58, %dma_start3A_59] : memref<2x64x64xi32, #tpu.memory_space<vmem>> -> memref<1x64x64xi32, #tpu.memory_space<vmem>>
    %dma_start3A_61 = tpu.memref_squeeze %dma_start3A_60 : memref<1x64x64xi32, #tpu.memory_space<vmem>> -> memref<64x64xi32, #tpu.memory_space<vmem>>
    %dma_start3A_62 = arith.constant 0 : i32
    %dma_start3A_63 = tpu.memref_slice %arg3[%mul3A_57, %dma_start3A_62] : memref<327680x64xi32, #tpu.memory_space<hbm>> -> memref<64x64xi32, #tpu.memory_space<hbm>>
    %dma_start3A_64 = arith.constant 0 : i32
    %dma_start3A_65 = arith.constant 0 : i32
    %dma_start3A_66 = tpu.memref_slice %arg8[%dma_start3A, %dma_start3A_64, %dma_start3A_65] : memref<2x64x64xi32, #tpu.memory_space<vmem>> -> memref<1x64x64xi32, #tpu.memory_space<vmem>>
    %dma_start3A_67 = tpu.memref_squeeze %dma_start3A_66 : memref<1x64x64xi32, #tpu.memory_space<vmem>> -> memref<64x64xi32, #tpu.memory_space<vmem>>
    %dma_start3A_68 = arith.constant 0 : i32
    %dma_start3A_69 = tpu.memref_slice %arg3[%mul3A_57, %dma_start3A_68] : memref<327680x64xi32, #tpu.memory_space<hbm>> -> memref<64x64xi32, #tpu.memory_space<hbm>>
    tpu.enqueue_dma source(%dma_start3A_69 : memref<64x64xi32, #tpu.memory_space<hbm>>) target(%dma_start3A_67 : memref<64x64xi32, #tpu.memory_space<vmem>>) target_semaphore(%arg11 : memref<!tpu.dma_semaphore, #tpu.memory_space<semaphore_mem>>)
    %dma_start3A_70 = arith.constant 0 : i32
    %dma_start3A_71 = arith.constant 0 : i32
    %dma_start3A_72 = arith.constant 0 : i32
    %dma_start3A_73 = arith.constant 0 : i32
    %dma_start3A_74 = arith.constant 0 : i32
    %dma_start3A_75 = tpu.memref_slice %arg9[%dma_start3A_72, %dma_start3A_73, %dma_start3A_74] : memref<2x64x128xf32, #tpu.memory_space<vmem>> -> memref<1x64x128xf32, #tpu.memory_space<vmem>>
    %dma_start3A_76 = tpu.memref_squeeze %dma_start3A_75 : memref<1x64x128xf32, #tpu.memory_space<vmem>> -> memref<64x128xf32, #tpu.memory_space<vmem>>
    %dma_start3A_77 = arith.constant 0 : i32
    %dma_start3A_78 = tpu.memref_slice %arg6[%dma_start3A_70, %dma_start3A_71, %dma_start3A_77] : memref<16x2x64xi32, #tpu.memory_space<vmem>> -> memref<1x1x64xi32, #tpu.memory_space<vmem>>
    %dma_start3A_79 = tpu.memref_squeeze %dma_start3A_78 : memref<1x1x64xi32, #tpu.memory_space<vmem>> -> memref<64xi32, #tpu.memory_space<vmem>>
    %dma_start3A_80 = arith.constant 0 : i32
    %dma_start3A_81 = arith.constant 0 : i32
    %dma_start3A_82 = tpu.memref_slice %arg4[%dma_start3A_80, %dma_start3A_81] : memref<10000x128xf32, #tpu.memory_space<hbm>> -> memref<10000x128xf32, #tpu.memory_space<hbm>>
    tpu.enqueue_indirect_dma source(%dma_start3A_82 : memref<10000x128xf32, #tpu.memory_space<hbm>>) target(%dma_start3A_76 : memref<64x128xf32, #tpu.memory_space<vmem>>) offsets(%dma_start3A_79 : memref<64xi32, #tpu.memory_space<vmem>>) semaphore(%arg13 : memref<!tpu.dma_semaphore, #tpu.memory_space<semaphore_mem>>)
    %scan3A_83 = arith.constant 0 : i32
    %scan3A_84 = arith.constant 0 : i32
    %scan3A_85 = arith.constant 80 : i32
    %scan3A_86 = arith.addi %scan3A_84, %scan3A_85 : i32
    %scan3A_87 = arith.constant 1 : i32
    scf.for %scan3A_117 = %scan3A_84 to %scan3A_86 step %scan3A_87  : i32 {
      %mul3A_118 = arith.constant 2 : i32
      %mul3A_119 = arith.muli %scan3A_117, %mul3A_118 : i32
      %add3A_120 = arith.constant 0 : i32
      %add3A_121 = arith.addi %mul3A_119, %add3A_120 : i32
      %add3A_122 = arith.constant 1 : i32
      %add3A_123 = arith.addi %add3A_121, %add3A_122 : i32
      %rem3A = arith.constant 8 : i32
      %rem3A_124 = arith.remsi %scan3A_117, %rem3A : i32
      %mul3A_125 = arith.constant 2 : i32
      %mul3A_126 = arith.muli %mul3A_125, %rem3A_124 : i32
      %add3A_127 = arith.constant 0 : i32
      %add3A_128 = arith.addi %mul3A_126, %add3A_127 : i32
      %dma_wait3A_129 = arith.constant 0 : i32
      %dma_wait3A_130 = arith.constant 0 : i32
      %dma_wait3A_131 = arith.constant 0 : i32
      %dma_wait3A_132 = tpu.memref_slice %arg8[%dma_wait3A_129, %dma_wait3A_130, %dma_wait3A_131] : memref<2x64x64xi32, #tpu.memory_space<vmem>> -> memref<1x64x64xi32, #tpu.memory_space<vmem>>
      %dma_wait3A_133 = tpu.memref_squeeze %dma_wait3A_132 : memref<1x64x64xi32, #tpu.memory_space<vmem>> -> memref<64x64xi32, #tpu.memory_space<vmem>>
      %dma_wait3A_134 = arith.constant 0 : i32
      %dma_wait3A_135 = arith.constant 0 : i32
      %dma_wait3A_136 = tpu.memref_slice %arg3[%dma_wait3A_134, %dma_wait3A_135] : memref<327680x64xi32, #tpu.memory_space<hbm>> -> memref<64x64xi32, #tpu.memory_space<hbm>>
      %dma_wait3A_137 = arith.constant 0 : i32
      %dma_wait3A_138 = arith.constant 0 : i32
      %dma_wait3A_139 = tpu.memref_slice %arg8[%dma_wait3A_129, %dma_wait3A_137, %dma_wait3A_138] : memref<2x64x64xi32, #tpu.memory_space<vmem>> -> memref<1x64x64xi32, #tpu.memory_space<vmem>>
      %dma_wait3A_140 = tpu.memref_squeeze %dma_wait3A_139 : memref<1x64x64xi32, #tpu.memory_space<vmem>> -> memref<64x64xi32, #tpu.memory_space<vmem>>
      %dma_wait3A_141 = arith.constant 0 : i32
      %dma_wait3A_142 = arith.constant 0 : i32
      %dma_wait3A_143 = tpu.memref_slice %arg3[%dma_wait3A_141, %dma_wait3A_142] : memref<327680x64xi32, #tpu.memory_space<hbm>> -> memref<64x64xi32, #tpu.memory_space<hbm>>
      tpu.wait_dma2 semaphore(%arg11 : memref<!tpu.dma_semaphore, #tpu.memory_space<semaphore_mem>>) src(%dma_wait3A_143 : memref<64x64xi32, #tpu.memory_space<hbm>>) dst(%dma_wait3A_140 : memref<64x64xi32, #tpu.memory_space<vmem>>)
      %dma_wait3A_144 = arith.constant 0 : i32
      %dma_wait3A_145 = arith.constant 0 : i32
      %dma_wait3A_146 = arith.constant 0 : i32
      %dma_wait3A_147 = arith.constant 0 : i32
      %dma_wait3A_148 = arith.constant 0 : i32
      %dma_wait3A_149 = tpu.memref_slice %arg9[%dma_wait3A_146, %dma_wait3A_147, %dma_wait3A_148] : memref<2x64x128xf32, #tpu.memory_space<vmem>> -> memref<1x64x128xf32, #tpu.memory_space<vmem>>
      %dma_wait3A_150 = tpu.memref_squeeze %dma_wait3A_149 : memref<1x64x128xf32, #tpu.memory_space<vmem>> -> memref<64x128xf32, #tpu.memory_space<vmem>>
      %dma_wait3A_151 = arith.constant 0 : i32
      %dma_wait3A_152 = tpu.memref_slice %arg6[%dma_wait3A_144, %dma_wait3A_145, %dma_wait3A_151] : memref<16x2x64xi32, #tpu.memory_space<vmem>> -> memref<1x1x64xi32, #tpu.memory_space<vmem>>
      %dma_wait3A_153 = tpu.memref_squeeze %dma_wait3A_152 : memref<1x1x64xi32, #tpu.memory_space<vmem>> -> memref<64xi32, #tpu.memory_space<vmem>>
      %dma_wait3A_154 = arith.constant 0 : i32
      %dma_wait3A_155 = arith.constant 0 : i32
      %dma_wait3A_156 = tpu.memref_slice %arg4[%dma_wait3A_154, %dma_wait3A_155] : memref<10000x128xf32, #tpu.memory_space<hbm>> -> memref<10000x128xf32, #tpu.memory_space<hbm>>
      tpu.wait_indirect_dma semaphore(%arg13 : memref<!tpu.dma_semaphore, #tpu.memory_space<semaphore_mem>>) src(%dma_wait3A_156 : memref<10000x128xf32, #tpu.memory_space<hbm>>) dst(%dma_wait3A_150 : memref<64x128xf32, #tpu.memory_space<vmem>>)
      %get3A = arith.constant 1 : i32
      %get3A_157 = arith.index_cast %add3A_128 : i32 to index
      %get3A_158 = arith.index_cast %get3A : i32 to index
      %get3A_159 = arith.constant 0 : index
      %get3A_160 = tpu.vector_load %arg6[%get3A_157, %get3A_158, %get3A_159] {strides = array<i32>} : memref<16x2x64xi32, #tpu.memory_space<vmem>>, vector<1x1x16xi32>,
      %get3A_161 = vector.shape_cast %get3A_160 : vector<1x1x16xi32> to vector<16xi32>
      %swap3A = arith.constant 0 : i32
      %swap3A_162 = arith.index_cast %swap3A : i32 to index
      %swap3A_163 = arith.constant 0 : index
      %swap3A_164 = tpu.vector_load %arg7[%swap3A_162, %swap3A_163] {strides = array<i32>} : memref<2x64xi32, #tpu.memory_space<vmem>>, vector<1x16xi32>,
      %swap3A_165 = vector.shape_cast %swap3A_164 : vector<1x16xi32> to vector<16xi32>
      %swap3A_166 = vector.shape_cast %get3A_161 : vector<16xi32> to vector<1x16xi32>
      tpu.vector_store %arg7[%swap3A_162, %swap3A_163], %swap3A_166 {strides = array<i32>} : memref<2x64xi32, #tpu.memory_space<vmem>>, vector<1x16xi32>,
      %get3A_167 = arith.constant 1 : i32
      %get3A_168 = arith.index_cast %add3A_128 : i32 to index
      %get3A_169 = arith.index_cast %get3A_167 : i32 to index
      %get3A_170 = arith.constant 16 : index
      %get3A_171 = tpu.vector_load %arg6[%get3A_168, %get3A_169, %get3A_170] {strides = array<i32>} : memref<16x2x64xi32, #tpu.memory_space<vmem>>, vector<1x1x16xi32>,
      %get3A_172 = vector.shape_cast %get3A_171 : vector<1x1x16xi32> to vector<16xi32>
      %swap3A_173 = arith.constant 0 : i32
      %swap3A_174 = arith.index_cast %swap3A_173 : i32 to index
      %swap3A_175 = arith.constant 16 : index
      %swap3A_176 = tpu.vector_load %arg7[%swap3A_174, %swap3A_175] {strides = array<i32>} : memref<2x64xi32, #tpu.memory_space<vmem>>, vector<1x16xi32>,
      %swap3A_177 = vector.shape_cast %swap3A_176 : vector<1x16xi32> to vector<16xi32>
      %swap3A_178 = vector.shape_cast %get3A_172 : vector<16xi32> to vector<1x16xi32>
      tpu.vector_store %arg7[%swap3A_174, %swap3A_175], %swap3A_178 {strides = array<i32>} : memref<2x64xi32, #tpu.memory_space<vmem>>, vector<1x16xi32>,
      %get3A_179 = arith.constant 1 : i32
      %get3A_180 = arith.index_cast %add3A_128 : i32 to index
      %get3A_181 = arith.index_cast %get3A_179 : i32 to index
      %get3A_182 = arith.constant 32 : index
      %get3A_183 = tpu.vector_load %arg6[%get3A_180, %get3A_181, %get3A_182] {strides = array<i32>} : memref<16x2x64xi32, #tpu.memory_space<vmem>>, vector<1x1x16xi32>,
      %get3A_184 = vector.shape_cast %get3A_183 : vector<1x1x16xi32> to vector<16xi32>
      %swap3A_185 = arith.constant 0 : i32
      %swap3A_186 = arith.index_cast %swap3A_185 : i32 to index
      %swap3A_187 = arith.constant 32 : index
      %swap3A_188 = tpu.vector_load %arg7[%swap3A_186, %swap3A_187] {strides = array<i32>} : memref<2x64xi32, #tpu.memory_space<vmem>>, vector<1x16xi32>,
      %swap3A_189 = vector.shape_cast %swap3A_188 : vector<1x16xi32> to vector<16xi32>
      %swap3A_190 = vector.shape_cast %get3A_184 : vector<16xi32> to vector<1x16xi32>
      tpu.vector_store %arg7[%swap3A_186, %swap3A_187], %swap3A_190 {strides = array<i32>} : memref<2x64xi32, #tpu.memory_space<vmem>>, vector<1x16xi32>,
      %get3A_191 = arith.constant 1 : i32
      %get3A_192 = arith.index_cast %add3A_128 : i32 to index
      %get3A_193 = arith.index_cast %get3A_191 : i32 to index
      %get3A_194 = arith.constant 48 : index
      %get3A_195 = tpu.vector_load %arg6[%get3A_192, %get3A_193, %get3A_194] {strides = array<i32>} : memref<16x2x64xi32, #tpu.memory_space<vmem>>, vector<1x1x16xi32>,
      %get3A_196 = vector.shape_cast %get3A_195 : vector<1x1x16xi32> to vector<16xi32>
      %swap3A_197 = arith.constant 0 : i32
      %swap3A_198 = arith.index_cast %swap3A_197 : i32 to index
      %swap3A_199 = arith.constant 48 : index
      %swap3A_200 = tpu.vector_load %arg7[%swap3A_198, %swap3A_199] {strides = array<i32>} : memref<2x64xi32, #tpu.memory_space<vmem>>, vector<1x16xi32>,
      %swap3A_201 = vector.shape_cast %swap3A_200 : vector<1x16xi32> to vector<16xi32>
      %swap3A_202 = vector.shape_cast %get3A_196 : vector<16xi32> to vector<1x16xi32>
      tpu.vector_store %arg7[%swap3A_198, %swap3A_199], %swap3A_202 {strides = array<i32>} : memref<2x64xi32, #tpu.memory_space<vmem>>, vector<1x16xi32>,
      %add3A_203 = arith.constant 1 : i32
      %add3A_204 = arith.addi %add3A_128, %add3A_203 : i32
      %ge3A = arith.constant 1 : i32
      %ge3A_205 = arith.cmpi sge, %scan3A_117, %ge3A : i32
      %convert_element_type3A = arith.extui %ge3A_205 : i1 to i32
      %cond3A = arith.constant 0 : i32
      %cond3A_206 = arith.cmpi ne, %convert_element_type3A, %cond3A : i32
      scf.if %cond3A_206 {
        %dma_wait3A_369 = arith.constant 1 : i32
        %dma_wait3A_370 = arith.constant 1 : i32
        %dma_wait3A_371 = arith.constant 0 : i32
        %dma_wait3A_372 = arith.constant 0 : i32
        %dma_wait3A_373 = tpu.memref_slice %arg9[%dma_wait3A_369, %dma_wait3A_371, %dma_wait3A_372] : memref<2x64x128xf32, #tpu.memory_space<vmem>> -> memref<1x64x128xf32, #tpu.memory_space<vmem>>
        %dma_wait3A_374 = tpu.memref_squeeze %dma_wait3A_373 : memref<1x64x128xf32, #tpu.memory_space<vmem>> -> memref<64x128xf32, #tpu.memory_space<vmem>>
        %dma_wait3A_375 = arith.constant 0 : i32
        %dma_wait3A_376 = tpu.memref_slice %arg7[%dma_wait3A_370, %dma_wait3A_375] : memref<2x64xi32, #tpu.memory_space<vmem>> -> memref<1x64xi32, #tpu.memory_space<vmem>>
        %dma_wait3A_377 = tpu.memref_squeeze %dma_wait3A_376 : memref<1x64xi32, #tpu.memory_space<vmem>> -> memref<64xi32, #tpu.memory_space<vmem>>
        %dma_wait3A_378 = arith.constant 0 : i32
        %dma_wait3A_379 = arith.constant 0 : i32
        %dma_wait3A_380 = tpu.memref_slice %arg10[%dma_wait3A_378, %dma_wait3A_379] : memref<10240x128xf32, #tpu.memory_space<vmem_shared>> -> memref<10240x128xf32, #tpu.memory_space<vmem_shared>>
        tpu.wait_indirect_dma semaphore(%arg16 : memref<!tpu.dma_semaphore, #tpu.memory_space<semaphore_mem>>) src(%dma_wait3A_374 : memref<64x128xf32, #tpu.memory_space<vmem>>) dst(%dma_wait3A_380 : memref<10240x128xf32, #tpu.memory_space<vmem_shared>>)
      } else {
      }
      %mul3A_207 = arith.constant 10240 : i32
      %mul3A_208 = arith.muli %add3A, %mul3A_207 : i32
      %mul3A_209 = arith.constant 64 : i32
      %mul3A_210 = arith.muli %add3A_123, %mul3A_209 : i32
      %add3A_211 = arith.addi %mul3A_208, %mul3A_210 : i32
      %dma_start3A_212 = arith.constant 1 : i32
      %dma_start3A_213 = arith.constant 0 : i32
      %dma_start3A_214 = arith.constant 0 : i32
      %dma_start3A_215 = tpu.memref_slice %arg8[%dma_start3A_212, %dma_start3A_213, %dma_start3A_214] : memref<2x64x64xi32, #tpu.memory_space<vmem>> -> memref<1x64x64xi32, #tpu.memory_space<vmem>>
      %dma_start3A_216 = tpu.memref_squeeze %dma_start3A_215 : memref<1x64x64xi32, #tpu.memory_space<vmem>> -> memref<64x64xi32, #tpu.memory_space<vmem>>
      %dma_start3A_217 = arith.constant 0 : i32
      %dma_start3A_218 = tpu.memref_slice %arg3[%add3A_211, %dma_start3A_217] : memref<327680x64xi32, #tpu.memory_space<hbm>> -> memref<64x64xi32, #tpu.memory_space<hbm>>
      %dma_start3A_219 = arith.constant 0 : i32
      %dma_start3A_220 = arith.constant 0 : i32
      %dma_start3A_221 = tpu.memref_slice %arg8[%dma_start3A_212, %dma_start3A_219, %dma_start3A_220] : memref<2x64x64xi32, #tpu.memory_space<vmem>> -> memref<1x64x64xi32, #tpu.memory_space<vmem>>
      %dma_start3A_222 = tpu.memref_squeeze %dma_start3A_221 : memref<1x64x64xi32, #tpu.memory_space<vmem>> -> memref<64x64xi32, #tpu.memory_space<vmem>>
      %dma_start3A_223 = arith.constant 0 : i32
      %dma_start3A_224 = tpu.memref_slice %arg3[%add3A_211, %dma_start3A_223] : memref<327680x64xi32, #tpu.memory_space<hbm>> -> memref<64x64xi32, #tpu.memory_space<hbm>>
      tpu.enqueue_dma source(%dma_start3A_224 : memref<64x64xi32, #tpu.memory_space<hbm>>) target(%dma_start3A_222 : memref<64x64xi32, #tpu.memory_space<vmem>>) target_semaphore(%arg12 : memref<!tpu.dma_semaphore, #tpu.memory_space<semaphore_mem>>)
      %dma_start3A_225 = arith.constant 0 : i32
      %dma_start3A_226 = arith.constant 1 : i32
      %dma_start3A_227 = arith.constant 0 : i32
      %dma_start3A_228 = arith.constant 0 : i32
      %dma_start3A_229 = tpu.memref_slice %arg9[%dma_start3A_226, %dma_start3A_227, %dma_start3A_228] : memref<2x64x128xf32, #tpu.memory_space<vmem>> -> memref<1x64x128xf32, #tpu.memory_space<vmem>>
      %dma_start3A_230 = tpu.memref_squeeze %dma_start3A_229 : memref<1x64x128xf32, #tpu.memory_space<vmem>> -> memref<64x128xf32, #tpu.memory_space<vmem>>
      %dma_start3A_231 = arith.constant 0 : i32
      %dma_start3A_232 = tpu.memref_slice %arg6[%add3A_204, %dma_start3A_225, %dma_start3A_231] : memref<16x2x64xi32, #tpu.memory_space<vmem>> -> memref<1x1x64xi32, #tpu.memory_space<vmem>>
      %dma_start3A_233 = tpu.memref_squeeze %dma_start3A_232 : memref<1x1x64xi32, #tpu.memory_space<vmem>> -> memref<64xi32, #tpu.memory_space<vmem>>
      %dma_start3A_234 = arith.constant 0 : i32
      %dma_start3A_235 = arith.constant 0 : i32
      %dma_start3A_236 = tpu.memref_slice %arg4[%dma_start3A_234, %dma_start3A_235] : memref<10000x128xf32, #tpu.memory_space<hbm>> -> memref<10000x128xf32, #tpu.memory_space<hbm>>
      tpu.enqueue_indirect_dma source(%dma_start3A_236 : memref<10000x128xf32, #tpu.memory_space<hbm>>) target(%dma_start3A_230 : memref<64x128xf32, #tpu.memory_space<vmem>>) offsets(%dma_start3A_233 : memref<64xi32, #tpu.memory_space<vmem>>) semaphore(%arg14 : memref<!tpu.dma_semaphore, #tpu.memory_space<semaphore_mem>>)
      %broadcast_in_dim3A_237 = arith.constant -65536 : i32
      %broadcast_in_dim3A_238 = vector.broadcast %broadcast_in_dim3A_237 : i32 to vector<16xi32>
      %scan3A_239 = arith.constant 0 : i32
      %scan3A_240 = arith.constant 0 : i32
      %scan3A_241 = arith.constant 64 : i32
      %scan3A_242 = arith.addi %scan3A_240, %scan3A_241 : i32
      %scan3A_243 = arith.constant 1 : i32
      scf.for %scan3A_369 = %scan3A_240 to %scan3A_242 step %scan3A_243  : i32 {
        %get3A_370 = arith.constant 0 : i32
        %get3A_371 = arith.index_cast %get3A_370 : i32 to index
        %get3A_372 = arith.index_cast %scan3A_369 : i32 to index
        %get3A_373 = arith.constant 0 : index
        %get3A_374 = tpu.vector_load %arg8[%get3A_371, %get3A_372, %get3A_373] {strides = array<i32>} : memref<2x64x64xi32, #tpu.memory_space<vmem>>, vector<1x1x16xi32>,
        %get3A_375 = vector.shape_cast %get3A_374 : vector<1x1x16xi32> to vector<16xi32>
        %shift_left3A = arith.constant 16 : i32
        %shift_left3A_376 = vector.broadcast %shift_left3A : i32 to vector<16xi32>
        %shift_left3A_377 = arith.shli %get3A_375, %shift_left3A_376 : vector<16xi32>
        %bitcast_convert_type3A = tpu.bitcast %shift_left3A_377 : vector<16xi32> -> vector<16xf32>
        %and3A = arith.andi %get3A_375, %broadcast_in_dim3A_238 : vector<16xi32>
        %bitcast_convert_type3A_378 = tpu.bitcast %and3A : vector<16xi32> -> vector<16xf32>
        %get3A_379 = arith.constant 0 : i32
        %get3A_380 = arith.index_cast %get3A_379 : i32 to index
        %get3A_381 = arith.index_cast %scan3A_369 : i32 to index
        %get3A_382 = arith.constant 0 : index
        %get3A_383 = tpu.vector_load %arg9[%get3A_380, %get3A_381, %get3A_382] {strides = array<i32>} : memref<2x64x128xf32, #tpu.memory_space<vmem>>, vector<1x1x16xf32>,
        %get3A_384 = vector.shape_cast %get3A_383 : vector<1x1x16xf32> to vector<16xf32>
        %add3A_385 = arith.addf %get3A_384, %bitcast_convert_type3A : vector<16xf32>
        %max3A = arith.constant 0.000000e+00 : f32
        %max3A_386 = vector.broadcast %max3A : f32 to vector<16xf32>
        %max3A_387 = arith.maximumf %add3A_385, %max3A_386 : vector<16xf32>
        %swap3A_388 = arith.constant 0 : i32
        %swap3A_389 = arith.index_cast %swap3A_388 : i32 to index
        %swap3A_390 = arith.index_cast %scan3A_369 : i32 to index
        %swap3A_391 = arith.constant 0 : index
        %swap3A_392 = tpu.vector_load %arg9[%swap3A_389, %swap3A_390, %swap3A_391] {strides = array<i32>} : memref<2x64x128xf32, #tpu.memory_space<vmem>>, vector<1x1x16xf32>,
        %swap3A_393 = vector.shape_cast %swap3A_392 : vector<1x1x16xf32> to vector<16xf32>
        %swap3A_394 = vector.shape_cast %max3A_387 : vector<16xf32> to vector<1x1x16xf32>
        tpu.vector_store %arg9[%swap3A_389, %swap3A_390, %swap3A_391], %swap3A_394 {strides = array<i32>} : memref<2x64x128xf32, #tpu.memory_space<vmem>>, vector<1x1x16xf32>,
        %get3A_395 = arith.constant 0 : i32
        %get3A_396 = arith.index_cast %get3A_395 : i32 to index
        %get3A_397 = arith.index_cast %scan3A_369 : i32 to index
        %get3A_398 = arith.constant 64 : index
        %get3A_399 = tpu.vector_load %arg9[%get3A_396, %get3A_397, %get3A_398] {strides = array<i32>} : memref<2x64x128xf32, #tpu.memory_space<vmem>>, vector<1x1x16xf32>,
        %get3A_400 = vector.shape_cast %get3A_399 : vector<1x1x16xf32> to vector<16xf32>
        %add3A_401 = arith.addf %get3A_400, %bitcast_convert_type3A_378 : vector<16xf32>
        %max3A_402 = arith.constant 0.000000e+00 : f32
        %max3A_403 = vector.broadcast %max3A_402 : f32 to vector<16xf32>
        %max3A_404 = arith.maximumf %add3A_401, %max3A_403 : vector<16xf32>
        %swap3A_405 = arith.constant 0 : i32
        %swap3A_406 = arith.index_cast %swap3A_405 : i32 to index
        %swap3A_407 = arith.index_cast %scan3A_369 : i32 to index
        %swap3A_408 = arith.constant 64 : index
        %swap3A_409 = tpu.vector_load %arg9[%swap3A_406, %swap3A_407, %swap3A_408] {strides = array<i32>} : memref<2x64x128xf32, #tpu.memory_space<vmem>>, vector<1x1x16xf32>,
        %swap3A_410 = vector.shape_cast %swap3A_409 : vector<1x1x16xf32> to vector<16xf32>
        %swap3A_411 = vector.shape_cast %max3A_404 : vector<16xf32> to vector<1x1x16xf32>
        tpu.vector_store %arg9[%swap3A_406, %swap3A_407, %swap3A_408], %swap3A_411 {strides = array<i32>} : memref<2x64x128xf32, #tpu.memory_space<vmem>>, vector<1x1x16xf32>,
        %get3A_412 = arith.constant 0 : i32
        %get3A_413 = arith.index_cast %get3A_412 : i32 to index
        %get3A_414 = arith.index_cast %scan3A_369 : i32 to index
        %get3A_415 = arith.constant 16 : index
        %get3A_416 = tpu.vector_load %arg8[%get3A_413, %get3A_414, %get3A_415] {strides = array<i32>} : memref<2x64x64xi32, #tpu.memory_space<vmem>>, vector<1x1x16xi32>,
        %get3A_417 = vector.shape_cast %get3A_416 : vector<1x1x16xi32> to vector<16xi32>
        %shift_left3A_418 = arith.constant 16 : i32
        %shift_left3A_419 = vector.broadcast %shift_left3A_418 : i32 to vector<16xi32>
        %shift_left3A_420 = arith.shli %get3A_417, %shift_left3A_419 : vector<16xi32>
        %bitcast_convert_type3A_421 = tpu.bitcast %shift_left3A_420 : vector<16xi32> -> vector<16xf32>
        %and3A_422 = arith.andi %get3A_417, %broadcast_in_dim3A_238 : vector<16xi32>
        %bitcast_convert_type3A_423 = tpu.bitcast %and3A_422 : vector<16xi32> -> vector<16xf32>
        %get3A_424 = arith.constant 0 : i32
        %get3A_425 = arith.index_cast %get3A_424 : i32 to index
        %get3A_426 = arith.index_cast %scan3A_369 : i32 to index
        %get3A_427 = arith.constant 16 : index
        %get3A_428 = tpu.vector_load %arg9[%get3A_425, %get3A_426, %get3A_427] {strides = array<i32>} : memref<2x64x128xf32, #tpu.memory_space<vmem>>, vector<1x1x16xf32>,
        %get3A_429 = vector.shape_cast %get3A_428 : vector<1x1x16xf32> to vector<16xf32>
        %add3A_430 = arith.addf %get3A_429, %bitcast_convert_type3A_421 : vector<16xf32>
        %max3A_431 = arith.constant 0.000000e+00 : f32
        %max3A_432 = vector.broadcast %max3A_431 : f32 to vector<16xf32>
        %max3A_433 = arith.maximumf %add3A_430, %max3A_432 : vector<16xf32>
        %swap3A_434 = arith.constant 0 : i32
        %swap3A_435 = arith.index_cast %swap3A_434 : i32 to index
        %swap3A_436 = arith.index_cast %scan3A_369 : i32 to index
        %swap3A_437 = arith.constant 16 : index
        %swap3A_438 = tpu.vector_load %arg9[%swap3A_435, %swap3A_436, %swap3A_437] {strides = array<i32>} : memref<2x64x128xf32, #tpu.memory_space<vmem>>, vector<1x1x16xf32>,
        %swap3A_439 = vector.shape_cast %swap3A_438 : vector<1x1x16xf32> to vector<16xf32>
        %swap3A_440 = vector.shape_cast %max3A_433 : vector<16xf32> to vector<1x1x16xf32>
        tpu.vector_store %arg9[%swap3A_435, %swap3A_436, %swap3A_437], %swap3A_440 {strides = array<i32>} : memref<2x64x128xf32, #tpu.memory_space<vmem>>, vector<1x1x16xf32>,
        %get3A_441 = arith.constant 0 : i32
        %get3A_442 = arith.index_cast %get3A_441 : i32 to index
        %get3A_443 = arith.index_cast %scan3A_369 : i32 to index
        %get3A_444 = arith.constant 80 : index
        %get3A_445 = tpu.vector_load %arg9[%get3A_442, %get3A_443, %get3A_444] {strides = array<i32>} : memref<2x64x128xf32, #tpu.memory_space<vmem>>, vector<1x1x16xf32>,
        %get3A_446 = vector.shape_cast %get3A_445 : vector<1x1x16xf32> to vector<16xf32>
        %add3A_447 = arith.addf %get3A_446, %bitcast_convert_type3A_423 : vector<16xf32>
        %max3A_448 = arith.constant 0.000000e+00 : f32
        %max3A_449 = vector.broadcast %max3A_448 : f32 to vector<16xf32>
        %max3A_450 = arith.maximumf %add3A_447, %max3A_449 : vector<16xf32>
        %swap3A_451 = arith.constant 0 : i32
        %swap3A_452 = arith.index_cast %swap3A_451 : i32 to index
        %swap3A_453 = arith.index_cast %scan3A_369 : i32 to index
        %swap3A_454 = arith.constant 80 : index
        %swap3A_455 = tpu.vector_load %arg9[%swap3A_452, %swap3A_453, %swap3A_454] {strides = array<i32>} : memref<2x64x128xf32, #tpu.memory_space<vmem>>, vector<1x1x16xf32>,
        %swap3A_456 = vector.shape_cast %swap3A_455 : vector<1x1x16xf32> to vector<16xf32>
        %swap3A_457 = vector.shape_cast %max3A_450 : vector<16xf32> to vector<1x1x16xf32>
        tpu.vector_store %arg9[%swap3A_452, %swap3A_453, %swap3A_454], %swap3A_457 {strides = array<i32>} : memref<2x64x128xf32, #tpu.memory_space<vmem>>, vector<1x1x16xf32>,
        %get3A_458 = arith.constant 0 : i32
        %get3A_459 = arith.index_cast %get3A_458 : i32 to index
        %get3A_460 = arith.index_cast %scan3A_369 : i32 to index
        %get3A_461 = arith.constant 32 : index
        %get3A_462 = tpu.vector_load %arg8[%get3A_459, %get3A_460, %get3A_461] {strides = array<i32>} : memref<2x64x64xi32, #tpu.memory_space<vmem>>, vector<1x1x16xi32>,
        %get3A_463 = vector.shape_cast %get3A_462 : vector<1x1x16xi32> to vector<16xi32>
        %shift_left3A_464 = arith.constant 16 : i32
        %shift_left3A_465 = vector.broadcast %shift_left3A_464 : i32 to vector<16xi32>
        %shift_left3A_466 = arith.shli %get3A_463, %shift_left3A_465 : vector<16xi32>
        %bitcast_convert_type3A_467 = tpu.bitcast %shift_left3A_466 : vector<16xi32> -> vector<16xf32>
        %and3A_468 = arith.andi %get3A_463, %broadcast_in_dim3A_238 : vector<16xi32>
        %bitcast_convert_type3A_469 = tpu.bitcast %and3A_468 : vector<16xi32> -> vector<16xf32>
        %get3A_470 = arith.constant 0 : i32
        %get3A_471 = arith.index_cast %get3A_470 : i32 to index
        %get3A_472 = arith.index_cast %scan3A_369 : i32 to index
        %get3A_473 = arith.constant 32 : index
        %get3A_474 = tpu.vector_load %arg9[%get3A_471, %get3A_472, %get3A_473] {strides = array<i32>} : memref<2x64x128xf32, #tpu.memory_space<vmem>>, vector<1x1x16xf32>,
        %get3A_475 = vector.shape_cast %get3A_474 : vector<1x1x16xf32> to vector<16xf32>
        %add3A_476 = arith.addf %get3A_475, %bitcast_convert_type3A_467 : vector<16xf32>
        %max3A_477 = arith.constant 0.000000e+00 : f32
        %max3A_478 = vector.broadcast %max3A_477 : f32 to vector<16xf32>
        %max3A_479 = arith.maximumf %add3A_476, %max3A_478 : vector<16xf32>
        %swap3A_480 = arith.constant 0 : i32
        %swap3A_481 = arith.index_cast %swap3A_480 : i32 to index
        %swap3A_482 = arith.index_cast %scan3A_369 : i32 to index
        %swap3A_483 = arith.constant 32 : index
        %swap3A_484 = tpu.vector_load %arg9[%swap3A_481, %swap3A_482, %swap3A_483] {strides = array<i32>} : memref<2x64x128xf32, #tpu.memory_space<vmem>>, vector<1x1x16xf32>,
        %swap3A_485 = vector.shape_cast %swap3A_484 : vector<1x1x16xf32> to vector<16xf32>
        %swap3A_486 = vector.shape_cast %max3A_479 : vector<16xf32> to vector<1x1x16xf32>
        tpu.vector_store %arg9[%swap3A_481, %swap3A_482, %swap3A_483], %swap3A_486 {strides = array<i32>} : memref<2x64x128xf32, #tpu.memory_space<vmem>>, vector<1x1x16xf32>,
        %get3A_487 = arith.constant 0 : i32
        %get3A_488 = arith.index_cast %get3A_487 : i32 to index
        %get3A_489 = arith.index_cast %scan3A_369 : i32 to index
        %get3A_490 = arith.constant 96 : index
        %get3A_491 = tpu.vector_load %arg9[%get3A_488, %get3A_489, %get3A_490] {strides = array<i32>} : memref<2x64x128xf32, #tpu.memory_space<vmem>>, vector<1x1x16xf32>,
        %get3A_492 = vector.shape_cast %get3A_491 : vector<1x1x16xf32> to vector<16xf32>
        %add3A_493 = arith.addf %get3A_492, %bitcast_convert_type3A_469 : vector<16xf32>
        %max3A_494 = arith.constant 0.000000e+00 : f32
        %max3A_495 = vector.broadcast %max3A_494 : f32 to vector<16xf32>
        %max3A_496 = arith.maximumf %add3A_493, %max3A_495 : vector<16xf32>
        %swap3A_497 = arith.constant 0 : i32
        %swap3A_498 = arith.index_cast %swap3A_497 : i32 to index
        %swap3A_499 = arith.index_cast %scan3A_369 : i32 to index
        %swap3A_500 = arith.constant 96 : index
        %swap3A_501 = tpu.vector_load %arg9[%swap3A_498, %swap3A_499, %swap3A_500] {strides = array<i32>} : memref<2x64x128xf32, #tpu.memory_space<vmem>>, vector<1x1x16xf32>,
        %swap3A_502 = vector.shape_cast %swap3A_501 : vector<1x1x16xf32> to vector<16xf32>
        %swap3A_503 = vector.shape_cast %max3A_496 : vector<16xf32> to vector<1x1x16xf32>
        tpu.vector_store %arg9[%swap3A_498, %swap3A_499, %swap3A_500], %swap3A_503 {strides = array<i32>} : memref<2x64x128xf32, #tpu.memory_space<vmem>>, vector<1x1x16xf32>,
        %get3A_504 = arith.constant 0 : i32
        %get3A_505 = arith.index_cast %get3A_504 : i32 to index
        %get3A_506 = arith.index_cast %scan3A_369 : i32 to index
        %get3A_507 = arith.constant 48 : index
        %get3A_508 = tpu.vector_load %arg8[%get3A_505, %get3A_506, %get3A_507] {strides = array<i32>} : memref<2x64x64xi32, #tpu.memory_space<vmem>>, vector<1x1x16xi32>,
        %get3A_509 = vector.shape_cast %get3A_508 : vector<1x1x16xi32> to vector<16xi32>
        %shift_left3A_510 = arith.constant 16 : i32
        %shift_left3A_511 = vector.broadcast %shift_left3A_510 : i32 to vector<16xi32>
        %shift_left3A_512 = arith.shli %get3A_509, %shift_left3A_511 : vector<16xi32>
        %bitcast_convert_type3A_513 = tpu.bitcast %shift_left3A_512 : vector<16xi32> -> vector<16xf32>
        %and3A_514 = arith.andi %get3A_509, %broadcast_in_dim3A_238 : vector<16xi32>
        %bitcast_convert_type3A_515 = tpu.bitcast %and3A_514 : vector<16xi32> -> vector<16xf32>
        %get3A_516 = arith.constant 0 : i32
        %get3A_517 = arith.index_cast %get3A_516 : i32 to index
        %get3A_518 = arith.index_cast %scan3A_369 : i32 to index
        %get3A_519 = arith.constant 48 : index
        %get3A_520 = tpu.vector_load %arg9[%get3A_517, %get3A_518, %get3A_519] {strides = array<i32>} : memref<2x64x128xf32, #tpu.memory_space<vmem>>, vector<1x1x16xf32>,
        %get3A_521 = vector.shape_cast %get3A_520 : vector<1x1x16xf32> to vector<16xf32>
        %add3A_522 = arith.addf %get3A_521, %bitcast_convert_type3A_513 : vector<16xf32>
        %max3A_523 = arith.constant 0.000000e+00 : f32
        %max3A_524 = vector.broadcast %max3A_523 : f32 to vector<16xf32>
        %max3A_525 = arith.maximumf %add3A_522, %max3A_524 : vector<16xf32>
        %swap3A_526 = arith.constant 0 : i32
        %swap3A_527 = arith.index_cast %swap3A_526 : i32 to index
        %swap3A_528 = arith.index_cast %scan3A_369 : i32 to index
        %swap3A_529 = arith.constant 48 : index
        %swap3A_530 = tpu.vector_load %arg9[%swap3A_527, %swap3A_528, %swap3A_529] {strides = array<i32>} : memref<2x64x128xf32, #tpu.memory_space<vmem>>, vector<1x1x16xf32>,
        %swap3A_531 = vector.shape_cast %swap3A_530 : vector<1x1x16xf32> to vector<16xf32>
        %swap3A_532 = vector.shape_cast %max3A_525 : vector<16xf32> to vector<1x1x16xf32>
        tpu.vector_store %arg9[%swap3A_527, %swap3A_528, %swap3A_529], %swap3A_532 {strides = array<i32>} : memref<2x64x128xf32, #tpu.memory_space<vmem>>, vector<1x1x16xf32>,
        %get3A_533 = arith.constant 0 : i32
        %get3A_534 = arith.index_cast %get3A_533 : i32 to index
        %get3A_535 = arith.index_cast %scan3A_369 : i32 to index
        %get3A_536 = arith.constant 112 : index
        %get3A_537 = tpu.vector_load %arg9[%get3A_534, %get3A_535, %get3A_536] {strides = array<i32>} : memref<2x64x128xf32, #tpu.memory_space<vmem>>, vector<1x1x16xf32>,
        %get3A_538 = vector.shape_cast %get3A_537 : vector<1x1x16xf32> to vector<16xf32>
        %add3A_539 = arith.addf %get3A_538, %bitcast_convert_type3A_515 : vector<16xf32>
        %max3A_540 = arith.constant 0.000000e+00 : f32
        %max3A_541 = vector.broadcast %max3A_540 : f32 to vector<16xf32>
        %max3A_542 = arith.maximumf %add3A_539, %max3A_541 : vector<16xf32>
        %swap3A_543 = arith.constant 0 : i32
        %swap3A_544 = arith.index_cast %swap3A_543 : i32 to index
        %swap3A_545 = arith.index_cast %scan3A_369 : i32 to index
        %swap3A_546 = arith.constant 112 : index
        %swap3A_547 = tpu.vector_load %arg9[%swap3A_544, %swap3A_545, %swap3A_546] {strides = array<i32>} : memref<2x64x128xf32, #tpu.memory_space<vmem>>, vector<1x1x16xf32>,
        %swap3A_548 = vector.shape_cast %swap3A_547 : vector<1x1x16xf32> to vector<16xf32>
        %swap3A_549 = vector.shape_cast %max3A_542 : vector<16xf32> to vector<1x1x16xf32>
        tpu.vector_store %arg9[%swap3A_544, %swap3A_545, %swap3A_546], %swap3A_549 {strides = array<i32>} : memref<2x64x128xf32, #tpu.memory_space<vmem>>, vector<1x1x16xf32>,
      }
      %scan3A_244 = arith.constant 64 : i32
      %dma_start3A_245 = arith.constant 0 : i32
      %dma_start3A_246 = arith.constant 0 : i32
      %dma_start3A_247 = arith.constant 0 : i32
      %dma_start3A_248 = arith.constant 0 : i32
      %dma_start3A_249 = tpu.memref_slice %arg9[%dma_start3A_245, %dma_start3A_247, %dma_start3A_248] : memref<2x64x128xf32, #tpu.memory_space<vmem>> -> memref<1x64x128xf32, #tpu.memory_space<vmem>>
      %dma_start3A_250 = tpu.memref_squeeze %dma_start3A_249 : memref<1x64x128xf32, #tpu.memory_space<vmem>> -> memref<64x128xf32, #tpu.memory_space<vmem>>
      %dma_start3A_251 = arith.constant 0 : i32
      %dma_start3A_252 = tpu.memref_slice %arg7[%dma_start3A_246, %dma_start3A_251] : memref<2x64xi32, #tpu.memory_space<vmem>> -> memref<1x64xi32, #tpu.memory_space<vmem>>
      %dma_start3A_253 = tpu.memref_squeeze %dma_start3A_252 : memref<1x64xi32, #tpu.memory_space<vmem>> -> memref<64xi32, #tpu.memory_space<vmem>>
      %dma_start3A_254 = arith.constant 0 : i32
      %dma_start3A_255 = arith.constant 0 : i32
      %dma_start3A_256 = tpu.memref_slice %arg10[%dma_start3A_254, %dma_start3A_255] : memref<10240x128xf32, #tpu.memory_space<vmem_shared>> -> memref<10240x128xf32, #tpu.memory_space<vmem_shared>>
      tpu.enqueue_indirect_dma source(%dma_start3A_250 : memref<64x128xf32, #tpu.memory_space<vmem>>) target(%dma_start3A_256 : memref<10240x128xf32, #tpu.memory_space<vmem_shared>>) offsets(%dma_start3A_253 : memref<64xi32, #tpu.memory_space<vmem>>) semaphore(%arg15 : memref<!tpu.dma_semaphore, #tpu.memory_space<semaphore_mem>>) {add = true}
      %mul3A_257 = arith.constant 2 : i32
      %mul3A_258 = arith.muli %scan3A_117, %mul3A_257 : i32
      %add3A_259 = arith.constant 1 : i32
      %add3A_260 = arith.addi %mul3A_258, %add3A_259 : i32
      %add3A_261 = arith.constant 1 : i32
      %add3A_262 = arith.addi %add3A_260, %add3A_261 : i32
      %rem3A_263 = arith.constant 8 : i32
      %rem3A_264 = arith.remsi %scan3A_117, %rem3A_263 : i32
      %mul3A_265 = arith.constant 2 : i32
      %mul3A_266 = arith.muli %mul3A_265, %rem3A_264 : i32
      %add3A_267 = arith.constant 1 : i32
      %add3A_268 = arith.addi %mul3A_266, %add3A_267 : i32
      %dma_wait3A_269 = arith.constant 1 : i32
      %dma_wait3A_270 = arith.constant 0 : i32
      %dma_wait3A_271 = arith.constant 0 : i32
      %dma_wait3A_272 = tpu.memref_slice %arg8[%dma_wait3A_269, %dma_wait3A_270, %dma_wait3A_271] : memref<2x64x64xi32, #tpu.memory_space<vmem>> -> memref<1x64x64xi32, #tpu.memory_space<vmem>>
      %dma_wait3A_273 = tpu.memref_squeeze %dma_wait3A_272 : memref<1x64x64xi32, #tpu.memory_space<vmem>> -> memref<64x64xi32, #tpu.memory_space<vmem>>
      %dma_wait3A_274 = arith.constant 0 : i32
      %dma_wait3A_275 = arith.constant 0 : i32
      %dma_wait3A_276 = tpu.memref_slice %arg3[%dma_wait3A_274, %dma_wait3A_275] : memref<327680x64xi32, #tpu.memory_space<hbm>> -> memref<64x64xi32, #tpu.memory_space<hbm>>
      %dma_wait3A_277 = arith.constant 0 : i32
      %dma_wait3A_278 = arith.constant 0 : i32
      %dma_wait3A_279 = tpu.memref_slice %arg8[%dma_wait3A_269, %dma_wait3A_277, %dma_wait3A_278] : memref<2x64x64xi32, #tpu.memory_space<vmem>> -> memref<1x64x64xi32, #tpu.memory_space<vmem>>
      %dma_wait3A_280 = tpu.memref_squeeze %dma_wait3A_279 : memref<1x64x64xi32, #tpu.memory_space<vmem>> -> memref<64x64xi32, #tpu.memory_space<vmem>>
      %dma_wait3A_281 = arith.constant 0 : i32
      %dma_wait3A_282 = arith.constant 0 : i32
      %dma_wait3A_283 = tpu.memref_slice %arg3[%dma_wait3A_281, %dma_wait3A_282] : memref<327680x64xi32, #tpu.memory_space<hbm>> -> memref<64x64xi32, #tpu.memory_space<hbm>>
      tpu.wait_dma2 semaphore(%arg12 : memref<!tpu.dma_semaphore, #tpu.memory_space<semaphore_mem>>) src(%dma_wait3A_283 : memref<64x64xi32, #tpu.memory_space<hbm>>) dst(%dma_wait3A_280 : memref<64x64xi32, #tpu.memory_space<vmem>>)
      %dma_wait3A_284 = arith.constant 0 : i32
      %dma_wait3A_285 = arith.constant 0 : i32
      %dma_wait3A_286 = arith.constant 1 : i32
      %dma_wait3A_287 = arith.constant 0 : i32
      %dma_wait3A_288 = arith.constant 0 : i32
      %dma_wait3A_289 = tpu.memref_slice %arg9[%dma_wait3A_286, %dma_wait3A_287, %dma_wait3A_288] : memref<2x64x128xf32, #tpu.memory_space<vmem>> -> memref<1x64x128xf32, #tpu.memory_space<vmem>>
      %dma_wait3A_290 = tpu.memref_squeeze %dma_wait3A_289 : memref<1x64x128xf32, #tpu.memory_space<vmem>> -> memref<64x128xf32, #tpu.memory_space<vmem>>
      %dma_wait3A_291 = arith.constant 0 : i32
      %dma_wait3A_292 = tpu.memref_slice %arg6[%dma_wait3A_284, %dma_wait3A_285, %dma_wait3A_291] : memref<16x2x64xi32, #tpu.memory_space<vmem>> -> memref<1x1x64xi32, #tpu.memory_space<vmem>>
      %dma_wait3A_293 = tpu.memref_squeeze %dma_wait3A_292 : memref<1x1x64xi32, #tpu.memory_space<vmem>> -> memref<64xi32, #tpu.memory_space<vmem>>
      %dma_wait3A_294 = arith.constant 0 : i32
      %dma_wait3A_295 = arith.constant 0 : i32
      %dma_wait3A_296 = tpu.memref_slice %arg4[%dma_wait3A_294, %dma_wait3A_295] : memref<10000x128xf32, #tpu.memory_space<hbm>> -> memref<10000x128xf32, #tpu.memory_space<hbm>>
      tpu.wait_indirect_dma semaphore(%arg14 : memref<!tpu.dma_semaphore, #tpu.memory_space<semaphore_mem>>) src(%dma_wait3A_296 : memref<10000x128xf32, #tpu.memory_space<hbm>>) dst(%dma_wait3A_290 : memref<64x128xf32, #tpu.memory_space<vmem>>)
      %get3A_297 = arith.constant 1 : i32
      %get3A_298 = arith.index_cast %add3A_268 : i32 to index
      %get3A_299 = arith.index_cast %get3A_297 : i32 to index
      %get3A_300 = arith.constant 0 : index
      %get3A_301 = tpu.vector_load %arg6[%get3A_298, %get3A_299, %get3A_300] {strides = array<i32>} : memref<16x2x64xi32, #tpu.memory_space<vmem>>, vector<1x1x16xi32>,
      %get3A_302 = vector.shape_cast %get3A_301 : vector<1x1x16xi32> to vector<16xi32>
      %swap3A_303 = arith.constant 1 : i32
      %swap3A_304 = arith.index_cast %swap3A_303 : i32 to index
      %swap3A_305 = arith.constant 0 : index
      %swap3A_306 = tpu.vector_load %arg7[%swap3A_304, %swap3A_305] {strides = array<i32>} : memref<2x64xi32, #tpu.memory_space<vmem>>, vector<1x16xi32>,
      %swap3A_307 = vector.shape_cast %swap3A_306 : vector<1x16xi32> to vector<16xi32>
      %swap3A_308 = vector.shape_cast %get3A_302 : vector<16xi32> to vector<1x16xi32>
      tpu.vector_store %arg7[%swap3A_304, %swap3A_305], %swap3A_308 {strides = array<i32>} : memref<2x64xi32, #tpu.memory_space<vmem>>, vector<1x16xi32>,
      %get3A_309 = arith.constant 1 : i32
      %get3A_310 = arith.index_cast %add3A_268 : i32 to index
      %get3A_311 = arith.index_cast %get3A_309 : i32 to index
      %get3A_312 = arith.constant 16 : index
      %get3A_313 = tpu.vector_load %arg6[%get3A_310, %get3A_311, %get3A_312] {strides = array<i32>} : memref<16x2x64xi32, #tpu.memory_space<vmem>>, vector<1x1x16xi32>,
      %get3A_314 = vector.shape_cast %get3A_313 : vector<1x1x16xi32> to vector<16xi32>
      %swap3A_315 = arith.constant 1 : i32
      %swap3A_316 = arith.index_cast %swap3A_315 : i32 to index
      %swap3A_317 = arith.constant 16 : index
      %swap3A_318 = tpu.vector_load %arg7[%swap3A_316, %swap3A_317] {strides = array<i32>} : memref<2x64xi32, #tpu.memory_space<vmem>>, vector<1x16xi32>,
      %swap3A_319 = vector.shape_cast %swap3A_318 : vector<1x16xi32> to vector<16xi32>
      %swap3A_320 = vector.shape_cast %get3A_314 : vector<16xi32> to vector<1x16xi32>
      tpu.vector_store %arg7[%swap3A_316, %swap3A_317], %swap3A_320 {strides = array<i32>} : memref<2x64xi32, #tpu.memory_space<vmem>>, vector<1x16xi32>,
      %get3A_321 = arith.constant 1 : i32
      %get3A_322 = arith.index_cast %add3A_268 : i32 to index
      %get3A_323 = arith.index_cast %get3A_321 : i32 to index
      %get3A_324 = arith.constant 32 : index
      %get3A_325 = tpu.vector_load %arg6[%get3A_322, %get3A_323, %get3A_324] {strides = array<i32>} : memref<16x2x64xi32, #tpu.memory_space<vmem>>, vector<1x1x16xi32>,
      %get3A_326 = vector.shape_cast %get3A_325 : vector<1x1x16xi32> to vector<16xi32>
      %swap3A_327 = arith.constant 1 : i32
      %swap3A_328 = arith.index_cast %swap3A_327 : i32 to index
      %swap3A_329 = arith.constant 32 : index
      %swap3A_330 = tpu.vector_load %arg7[%swap3A_328, %swap3A_329] {strides = array<i32>} : memref<2x64xi32, #tpu.memory_space<vmem>>, vector<1x16xi32>,
      %swap3A_331 = vector.shape_cast %swap3A_330 : vector<1x16xi32> to vector<16xi32>
      %swap3A_332 = vector.shape_cast %get3A_326 : vector<16xi32> to vector<1x16xi32>
      tpu.vector_store %arg7[%swap3A_328, %swap3A_329], %swap3A_332 {strides = array<i32>} : memref<2x64xi32, #tpu.memory_space<vmem>>, vector<1x16xi32>,
      %get3A_333 = arith.constant 1 : i32
      %get3A_334 = arith.index_cast %add3A_268 : i32 to index
      %get3A_335 = arith.index_cast %get3A_333 : i32 to index
      %get3A_336 = arith.constant 48 : index
      %get3A_337 = tpu.vector_load %arg6[%get3A_334, %get3A_335, %get3A_336] {strides = array<i32>} : memref<16x2x64xi32, #tpu.memory_space<vmem>>, vector<1x1x16xi32>,
      %get3A_338 = vector.shape_cast %get3A_337 : vector<1x1x16xi32> to vector<16xi32>
      %swap3A_339 = arith.constant 1 : i32
      %swap3A_340 = arith.index_cast %swap3A_339 : i32 to index
      %swap3A_341 = arith.constant 48 : index
      %swap3A_342 = tpu.vector_load %arg7[%swap3A_340, %swap3A_341] {strides = array<i32>} : memref<2x64xi32, #tpu.memory_space<vmem>>, vector<1x16xi32>,
      %swap3A_343 = vector.shape_cast %swap3A_342 : vector<1x16xi32> to vector<16xi32>
      %swap3A_344 = vector.shape_cast %get3A_338 : vector<16xi32> to vector<1x16xi32>
      tpu.vector_store %arg7[%swap3A_340, %swap3A_341], %swap3A_344 {strides = array<i32>} : memref<2x64xi32, #tpu.memory_space<vmem>>, vector<1x16xi32>,
      %lt3A = arith.constant 160 : i32
      %lt3A_345 = arith.cmpi slt, %add3A_262, %lt3A : i32
      %convert_element_type3A_346 = arith.extui %lt3A_345 : i1 to i32
      %cond3A_347 = arith.constant 0 : i32
      %cond3A_348 = arith.cmpi ne, %convert_element_type3A_346, %cond3A_347 : i32
      scf.if %cond3A_348 {
        %dma_wait3A_369 = arith.constant 0 : i32
        %dma_wait3A_370 = arith.constant 0 : i32
        %dma_wait3A_371 = arith.constant 0 : i32
        %dma_wait3A_372 = arith.constant 0 : i32
        %dma_wait3A_373 = tpu.memref_slice %arg9[%dma_wait3A_369, %dma_wait3A_371, %dma_wait3A_372] : memref<2x64x128xf32, #tpu.memory_space<vmem>> -> memref<1x64x128xf32, #tpu.memory_space<vmem>>
        %dma_wait3A_374 = tpu.memref_squeeze %dma_wait3A_373 : memref<1x64x128xf32, #tpu.memory_space<vmem>> -> memref<64x128xf32, #tpu.memory_space<vmem>>
        %dma_wait3A_375 = arith.constant 0 : i32
        %dma_wait3A_376 = tpu.memref_slice %arg7[%dma_wait3A_370, %dma_wait3A_375] : memref<2x64xi32, #tpu.memory_space<vmem>> -> memref<1x64xi32, #tpu.memory_space<vmem>>
        %dma_wait3A_377 = tpu.memref_squeeze %dma_wait3A_376 : memref<1x64xi32, #tpu.memory_space<vmem>> -> memref<64xi32, #tpu.memory_space<vmem>>
        %dma_wait3A_378 = arith.constant 0 : i32
        %dma_wait3A_379 = arith.constant 0 : i32
        %dma_wait3A_380 = tpu.memref_slice %arg10[%dma_wait3A_378, %dma_wait3A_379] : memref<10240x128xf32, #tpu.memory_space<vmem_shared>> -> memref<10240x128xf32, #tpu.memory_space<vmem_shared>>
        tpu.wait_indirect_dma semaphore(%arg15 : memref<!tpu.dma_semaphore, #tpu.memory_space<semaphore_mem>>) src(%dma_wait3A_374 : memref<64x128xf32, #tpu.memory_space<vmem>>) dst(%dma_wait3A_380 : memref<10240x128xf32, #tpu.memory_space<vmem_shared>>)
        %rem3A_381 = arith.constant 16 : i32
        %rem3A_382 = arith.remsi %add3A_262, %rem3A_381 : i32
        %eq3A = arith.constant 0 : i32
        %eq3A_383 = arith.cmpi eq, %rem3A_382, %eq3A : i32
        %convert_element_type3A_384 = arith.extui %eq3A_383 : i1 to i32
        %cond3A_385 = arith.constant 0 : i32
        %cond3A_386 = arith.cmpi ne, %convert_element_type3A_384, %cond3A_385 : i32
        scf.if %cond3A_386 {
          "tpu.region"() ({
            %run_scoped3A_419 = tpu.sem_alloc : memref<!tpu.dma_semaphore, #tpu.memory_space<semaphore_mem>>
            %dma_start3A_420 = arith.constant 0 : i32
            %dma_start3A_421 = arith.constant 0 : i32
            %dma_start3A_422 = tpu.memref_slice %arg2[%add3A, %add3A_262, %dma_start3A_420, %dma_start3A_421] : memref<32x160x2x64xi32, #tpu.memory_space<hbm>> -> memref<1x16x2x64xi32, #tpu.memory_space<hbm>>
            %dma_start3A_423 = tpu.memref_squeeze %dma_start3A_422 : memref<1x16x2x64xi32, #tpu.memory_space<hbm>> -> memref<16x2x64xi32, #tpu.memory_space<hbm>>
            %dma_start3A_424 = arith.constant 0 : i32
            %dma_start3A_425 = arith.constant 0 : i32
            %dma_start3A_426 = tpu.memref_slice %arg2[%add3A, %add3A_262, %dma_start3A_424, %dma_start3A_425] : memref<32x160x2x64xi32, #tpu.memory_space<hbm>> -> memref<1x16x2x64xi32, #tpu.memory_space<hbm>>
            %dma_start3A_427 = tpu.memref_squeeze %dma_start3A_426 : memref<1x16x2x64xi32, #tpu.memory_space<hbm>> -> memref<16x2x64xi32, #tpu.memory_space<hbm>>
            tpu.enqueue_dma source(%dma_start3A_427 : memref<16x2x64xi32, #tpu.memory_space<hbm>>) target(%arg6 : memref<16x2x64xi32, #tpu.memory_space<vmem>>) target_semaphore(%run_scoped3A_419 : memref<!tpu.dma_semaphore, #tpu.memory_space<semaphore_mem>>)
            %dma_wait3A_428 = arith.constant 0 : i32
            %dma_wait3A_429 = arith.constant 0 : i32
            %dma_wait3A_430 = tpu.memref_slice %arg2[%add3A, %add3A_262, %dma_wait3A_428, %dma_wait3A_429] : memref<32x160x2x64xi32, #tpu.memory_space<hbm>> -> memref<1x16x2x64xi32, #tpu.memory_space<hbm>>
            %dma_wait3A_431 = tpu.memref_squeeze %dma_wait3A_430 : memref<1x16x2x64xi32, #tpu.memory_space<hbm>> -> memref<16x2x64xi32, #tpu.memory_space<hbm>>
            %dma_wait3A_432 = arith.constant 0 : i32
            %dma_wait3A_433 = arith.constant 0 : i32
            %dma_wait3A_434 = tpu.memref_slice %arg2[%add3A, %add3A_262, %dma_wait3A_432, %dma_wait3A_433] : memref<32x160x2x64xi32, #tpu.memory_space<hbm>> -> memref<1x16x2x64xi32, #tpu.memory_space<hbm>>
            %dma_wait3A_435 = tpu.memref_squeeze %dma_wait3A_434 : memref<1x16x2x64xi32, #tpu.memory_space<hbm>> -> memref<16x2x64xi32, #tpu.memory_space<hbm>>
            tpu.wait_dma2 semaphore(%run_scoped3A_419 : memref<!tpu.dma_semaphore, #tpu.memory_space<semaphore_mem>>) src(%dma_wait3A_435 : memref<16x2x64xi32, #tpu.memory_space<hbm>>) dst(%arg6 : memref<16x2x64xi32, #tpu.memory_space<vmem>>)
            tpu.yield
          }) : () -> ()
        } else {
        }
        %rem3A_387 = arith.constant 16 : i32
        %rem3A_388 = arith.remsi %add3A_262, %rem3A_387 : i32
        %mul3A_389 = arith.constant 10240 : i32
        %mul3A_390 = arith.muli %add3A, %mul3A_389 : i32
        %mul3A_391 = arith.constant 64 : i32
        %mul3A_392 = arith.muli %add3A_262, %mul3A_391 : i32
        %add3A_393 = arith.addi %mul3A_390, %mul3A_392 : i32
        %dma_start3A_394 = arith.constant 0 : i32
        %dma_start3A_395 = arith.constant 0 : i32
        %dma_start3A_396 = arith.constant 0 : i32
        %dma_start3A_397 = tpu.memref_slice %arg8[%dma_start3A_394, %dma_start3A_395, %dma_start3A_396] : memref<2x64x64xi32, #tpu.memory_space<vmem>> -> memref<1x64x64xi32, #tpu.memory_space<vmem>>
        %dma_start3A_398 = tpu.memref_squeeze %dma_start3A_397 : memref<1x64x64xi32, #tpu.memory_space<vmem>> -> memref<64x64xi32, #tpu.memory_space<vmem>>
        %dma_start3A_399 = arith.constant 0 : i32
        %dma_start3A_400 = tpu.memref_slice %arg3[%add3A_393, %dma_start3A_399] : memref<327680x64xi32, #tpu.memory_space<hbm>> -> memref<64x64xi32, #tpu.memory_space<hbm>>
        %dma_start3A_401 = arith.constant 0 : i32
        %dma_start3A_402 = arith.constant 0 : i32
        %dma_start3A_403 = tpu.memref_slice %arg8[%dma_start3A_394, %dma_start3A_401, %dma_start3A_402] : memref<2x64x64xi32, #tpu.memory_space<vmem>> -> memref<1x64x64xi32, #tpu.memory_space<vmem>>
        %dma_start3A_404 = tpu.memref_squeeze %dma_start3A_403 : memref<1x64x64xi32, #tpu.memory_space<vmem>> -> memref<64x64xi32, #tpu.memory_space<vmem>>
        %dma_start3A_405 = arith.constant 0 : i32
        %dma_start3A_406 = tpu.memref_slice %arg3[%add3A_393, %dma_start3A_405] : memref<327680x64xi32, #tpu.memory_space<hbm>> -> memref<64x64xi32, #tpu.memory_space<hbm>>
        tpu.enqueue_dma source(%dma_start3A_406 : memref<64x64xi32, #tpu.memory_space<hbm>>) target(%dma_start3A_404 : memref<64x64xi32, #tpu.memory_space<vmem>>) target_semaphore(%arg11 : memref<!tpu.dma_semaphore, #tpu.memory_space<semaphore_mem>>)
        %dma_start3A_407 = arith.constant 0 : i32
        %dma_start3A_408 = arith.constant 0 : i32
        %dma_start3A_409 = arith.constant 0 : i32
        %dma_start3A_410 = arith.constant 0 : i32
        %dma_start3A_411 = tpu.memref_slice %arg9[%dma_start3A_408, %dma_start3A_409, %dma_start3A_410] : memref<2x64x128xf32, #tpu.memory_space<vmem>> -> memref<1x64x128xf32, #tpu.memory_space<vmem>>
        %dma_start3A_412 = tpu.memref_squeeze %dma_start3A_411 : memref<1x64x128xf32, #tpu.memory_space<vmem>> -> memref<64x128xf32, #tpu.memory_space<vmem>>
        %dma_start3A_413 = arith.constant 0 : i32
        %dma_start3A_414 = tpu.memref_slice %arg6[%rem3A_388, %dma_start3A_407, %dma_start3A_413] : memref<16x2x64xi32, #tpu.memory_space<vmem>> -> memref<1x1x64xi32, #tpu.memory_space<vmem>>
        %dma_start3A_415 = tpu.memref_squeeze %dma_start3A_414 : memref<1x1x64xi32, #tpu.memory_space<vmem>> -> memref<64xi32, #tpu.memory_space<vmem>>
        %dma_start3A_416 = arith.constant 0 : i32
        %dma_start3A_417 = arith.constant 0 : i32
        %dma_start3A_418 = tpu.memref_slice %arg4[%dma_start3A_416, %dma_start3A_417] : memref<10000x128xf32, #tpu.memory_space<hbm>> -> memref<10000x128xf32, #tpu.memory_space<hbm>>
        tpu.enqueue_indirect_dma source(%dma_start3A_418 : memref<10000x128xf32, #tpu.memory_space<hbm>>) target(%dma_start3A_412 : memref<64x128xf32, #tpu.memory_space<vmem>>) offsets(%dma_start3A_415 : memref<64xi32, #tpu.memory_space<vmem>>) semaphore(%arg13 : memref<!tpu.dma_semaphore, #tpu.memory_space<semaphore_mem>>)
      } else {
      }
      %broadcast_in_dim3A_349 = arith.constant -65536 : i32
      %broadcast_in_dim3A_350 = vector.broadcast %broadcast_in_dim3A_349 : i32 to vector<16xi32>
      %scan3A_351 = arith.constant 0 : i32
      %scan3A_352 = arith.constant 0 : i32
      %scan3A_353 = arith.constant 64 : i32
      %scan3A_354 = arith.addi %scan3A_352, %scan3A_353 : i32
      %scan3A_355 = arith.constant 1 : i32
      scf.for %scan3A_369 = %scan3A_352 to %scan3A_354 step %scan3A_355  : i32 {
        %get3A_370 = arith.constant 1 : i32
        %get3A_371 = arith.index_cast %get3A_370 : i32 to index
        %get3A_372 = arith.index_cast %scan3A_369 : i32 to index
        %get3A_373 = arith.constant 0 : index
        %get3A_374 = tpu.vector_load %arg8[%get3A_371, %get3A_372, %get3A_373] {strides = array<i32>} : memref<2x64x64xi32, #tpu.memory_space<vmem>>, vector<1x1x16xi32>,
        %get3A_375 = vector.shape_cast %get3A_374 : vector<1x1x16xi32> to vector<16xi32>
        %shift_left3A = arith.constant 16 : i32
        %shift_left3A_376 = vector.broadcast %shift_left3A : i32 to vector<16xi32>
        %shift_left3A_377 = arith.shli %get3A_375, %shift_left3A_376 : vector<16xi32>
        %bitcast_convert_type3A = tpu.bitcast %shift_left3A_377 : vector<16xi32> -> vector<16xf32>
        %and3A = arith.andi %get3A_375, %broadcast_in_dim3A_350 : vector<16xi32>
        %bitcast_convert_type3A_378 = tpu.bitcast %and3A : vector<16xi32> -> vector<16xf32>
        %get3A_379 = arith.constant 1 : i32
        %get3A_380 = arith.index_cast %get3A_379 : i32 to index
        %get3A_381 = arith.index_cast %scan3A_369 : i32 to index
        %get3A_382 = arith.constant 0 : index
        %get3A_383 = tpu.vector_load %arg9[%get3A_380, %get3A_381, %get3A_382] {strides = array<i32>} : memref<2x64x128xf32, #tpu.memory_space<vmem>>, vector<1x1x16xf32>,
        %get3A_384 = vector.shape_cast %get3A_383 : vector<1x1x16xf32> to vector<16xf32>
        %add3A_385 = arith.addf %get3A_384, %bitcast_convert_type3A : vector<16xf32>
        %max3A = arith.constant 0.000000e+00 : f32
        %max3A_386 = vector.broadcast %max3A : f32 to vector<16xf32>
        %max3A_387 = arith.maximumf %add3A_385, %max3A_386 : vector<16xf32>
        %swap3A_388 = arith.constant 1 : i32
        %swap3A_389 = arith.index_cast %swap3A_388 : i32 to index
        %swap3A_390 = arith.index_cast %scan3A_369 : i32 to index
        %swap3A_391 = arith.constant 0 : index
        %swap3A_392 = tpu.vector_load %arg9[%swap3A_389, %swap3A_390, %swap3A_391] {strides = array<i32>} : memref<2x64x128xf32, #tpu.memory_space<vmem>>, vector<1x1x16xf32>,
        %swap3A_393 = vector.shape_cast %swap3A_392 : vector<1x1x16xf32> to vector<16xf32>
        %swap3A_394 = vector.shape_cast %max3A_387 : vector<16xf32> to vector<1x1x16xf32>
        tpu.vector_store %arg9[%swap3A_389, %swap3A_390, %swap3A_391], %swap3A_394 {strides = array<i32>} : memref<2x64x128xf32, #tpu.memory_space<vmem>>, vector<1x1x16xf32>,
        %get3A_395 = arith.constant 1 : i32
        %get3A_396 = arith.index_cast %get3A_395 : i32 to index
        %get3A_397 = arith.index_cast %scan3A_369 : i32 to index
        %get3A_398 = arith.constant 64 : index
        %get3A_399 = tpu.vector_load %arg9[%get3A_396, %get3A_397, %get3A_398] {strides = array<i32>} : memref<2x64x128xf32, #tpu.memory_space<vmem>>, vector<1x1x16xf32>,
        %get3A_400 = vector.shape_cast %get3A_399 : vector<1x1x16xf32> to vector<16xf32>
        %add3A_401 = arith.addf %get3A_400, %bitcast_convert_type3A_378 : vector<16xf32>
        %max3A_402 = arith.constant 0.000000e+00 : f32
        %max3A_403 = vector.broadcast %max3A_402 : f32 to vector<16xf32>
        %max3A_404 = arith.maximumf %add3A_401, %max3A_403 : vector<16xf32>
        %swap3A_405 = arith.constant 1 : i32
        %swap3A_406 = arith.index_cast %swap3A_405 : i32 to index
        %swap3A_407 = arith.index_cast %scan3A_369 : i32 to index
        %swap3A_408 = arith.constant 64 : index
        %swap3A_409 = tpu.vector_load %arg9[%swap3A_406, %swap3A_407, %swap3A_408] {strides = array<i32>} : memref<2x64x128xf32, #tpu.memory_space<vmem>>, vector<1x1x16xf32>,
        %swap3A_410 = vector.shape_cast %swap3A_409 : vector<1x1x16xf32> to vector<16xf32>
        %swap3A_411 = vector.shape_cast %max3A_404 : vector<16xf32> to vector<1x1x16xf32>
        tpu.vector_store %arg9[%swap3A_406, %swap3A_407, %swap3A_408], %swap3A_411 {strides = array<i32>} : memref<2x64x128xf32, #tpu.memory_space<vmem>>, vector<1x1x16xf32>,
        %get3A_412 = arith.constant 1 : i32
        %get3A_413 = arith.index_cast %get3A_412 : i32 to index
        %get3A_414 = arith.index_cast %scan3A_369 : i32 to index
        %get3A_415 = arith.constant 16 : index
        %get3A_416 = tpu.vector_load %arg8[%get3A_413, %get3A_414, %get3A_415] {strides = array<i32>} : memref<2x64x64xi32, #tpu.memory_space<vmem>>, vector<1x1x16xi32>,
        %get3A_417 = vector.shape_cast %get3A_416 : vector<1x1x16xi32> to vector<16xi32>
        %shift_left3A_418 = arith.constant 16 : i32
        %shift_left3A_419 = vector.broadcast %shift_left3A_418 : i32 to vector<16xi32>
        %shift_left3A_420 = arith.shli %get3A_417, %shift_left3A_419 : vector<16xi32>
        %bitcast_convert_type3A_421 = tpu.bitcast %shift_left3A_420 : vector<16xi32> -> vector<16xf32>
        %and3A_422 = arith.andi %get3A_417, %broadcast_in_dim3A_350 : vector<16xi32>
        %bitcast_convert_type3A_423 = tpu.bitcast %and3A_422 : vector<16xi32> -> vector<16xf32>
        %get3A_424 = arith.constant 1 : i32
        %get3A_425 = arith.index_cast %get3A_424 : i32 to index
        %get3A_426 = arith.index_cast %scan3A_369 : i32 to index
        %get3A_427 = arith.constant 16 : index
        %get3A_428 = tpu.vector_load %arg9[%get3A_425, %get3A_426, %get3A_427] {strides = array<i32>} : memref<2x64x128xf32, #tpu.memory_space<vmem>>, vector<1x1x16xf32>,
        %get3A_429 = vector.shape_cast %get3A_428 : vector<1x1x16xf32> to vector<16xf32>
        %add3A_430 = arith.addf %get3A_429, %bitcast_convert_type3A_421 : vector<16xf32>
        %max3A_431 = arith.constant 0.000000e+00 : f32
        %max3A_432 = vector.broadcast %max3A_431 : f32 to vector<16xf32>
        %max3A_433 = arith.maximumf %add3A_430, %max3A_432 : vector<16xf32>
        %swap3A_434 = arith.constant 1 : i32
        %swap3A_435 = arith.index_cast %swap3A_434 : i32 to index
        %swap3A_436 = arith.index_cast %scan3A_369 : i32 to index
        %swap3A_437 = arith.constant 16 : index
        %swap3A_438 = tpu.vector_load %arg9[%swap3A_435, %swap3A_436, %swap3A_437] {strides = array<i32>} : memref<2x64x128xf32, #tpu.memory_space<vmem>>, vector<1x1x16xf32>,
        %swap3A_439 = vector.shape_cast %swap3A_438 : vector<1x1x16xf32> to vector<16xf32>
        %swap3A_440 = vector.shape_cast %max3A_433 : vector<16xf32> to vector<1x1x16xf32>
        tpu.vector_store %arg9[%swap3A_435, %swap3A_436, %swap3A_437], %swap3A_440 {strides = array<i32>} : memref<2x64x128xf32, #tpu.memory_space<vmem>>, vector<1x1x16xf32>,
        %get3A_441 = arith.constant 1 : i32
        %get3A_442 = arith.index_cast %get3A_441 : i32 to index
        %get3A_443 = arith.index_cast %scan3A_369 : i32 to index
        %get3A_444 = arith.constant 80 : index
        %get3A_445 = tpu.vector_load %arg9[%get3A_442, %get3A_443, %get3A_444] {strides = array<i32>} : memref<2x64x128xf32, #tpu.memory_space<vmem>>, vector<1x1x16xf32>,
        %get3A_446 = vector.shape_cast %get3A_445 : vector<1x1x16xf32> to vector<16xf32>
        %add3A_447 = arith.addf %get3A_446, %bitcast_convert_type3A_423 : vector<16xf32>
        %max3A_448 = arith.constant 0.000000e+00 : f32
        %max3A_449 = vector.broadcast %max3A_448 : f32 to vector<16xf32>
        %max3A_450 = arith.maximumf %add3A_447, %max3A_449 : vector<16xf32>
        %swap3A_451 = arith.constant 1 : i32
        %swap3A_452 = arith.index_cast %swap3A_451 : i32 to index
        %swap3A_453 = arith.index_cast %scan3A_369 : i32 to index
        %swap3A_454 = arith.constant 80 : index
        %swap3A_455 = tpu.vector_load %arg9[%swap3A_452, %swap3A_453, %swap3A_454] {strides = array<i32>} : memref<2x64x128xf32, #tpu.memory_space<vmem>>, vector<1x1x16xf32>,
        %swap3A_456 = vector.shape_cast %swap3A_455 : vector<1x1x16xf32> to vector<16xf32>
        %swap3A_457 = vector.shape_cast %max3A_450 : vector<16xf32> to vector<1x1x16xf32>
        tpu.vector_store %arg9[%swap3A_452, %swap3A_453, %swap3A_454], %swap3A_457 {strides = array<i32>} : memref<2x64x128xf32, #tpu.memory_space<vmem>>, vector<1x1x16xf32>,
        %get3A_458 = arith.constant 1 : i32
        %get3A_459 = arith.index_cast %get3A_458 : i32 to index
        %get3A_460 = arith.index_cast %scan3A_369 : i32 to index
        %get3A_461 = arith.constant 32 : index
        %get3A_462 = tpu.vector_load %arg8[%get3A_459, %get3A_460, %get3A_461] {strides = array<i32>} : memref<2x64x64xi32, #tpu.memory_space<vmem>>, vector<1x1x16xi32>,
        %get3A_463 = vector.shape_cast %get3A_462 : vector<1x1x16xi32> to vector<16xi32>
        %shift_left3A_464 = arith.constant 16 : i32
        %shift_left3A_465 = vector.broadcast %shift_left3A_464 : i32 to vector<16xi32>
        %shift_left3A_466 = arith.shli %get3A_463, %shift_left3A_465 : vector<16xi32>
        %bitcast_convert_type3A_467 = tpu.bitcast %shift_left3A_466 : vector<16xi32> -> vector<16xf32>
        %and3A_468 = arith.andi %get3A_463, %broadcast_in_dim3A_350 : vector<16xi32>
        %bitcast_convert_type3A_469 = tpu.bitcast %and3A_468 : vector<16xi32> -> vector<16xf32>
        %get3A_470 = arith.constant 1 : i32
        %get3A_471 = arith.index_cast %get3A_470 : i32 to index
        %get3A_472 = arith.index_cast %scan3A_369 : i32 to index
        %get3A_473 = arith.constant 32 : index
        %get3A_474 = tpu.vector_load %arg9[%get3A_471, %get3A_472, %get3A_473] {strides = array<i32>} : memref<2x64x128xf32, #tpu.memory_space<vmem>>, vector<1x1x16xf32>,
        %get3A_475 = vector.shape_cast %get3A_474 : vector<1x1x16xf32> to vector<16xf32>
        %add3A_476 = arith.addf %get3A_475, %bitcast_convert_type3A_467 : vector<16xf32>
        %max3A_477 = arith.constant 0.000000e+00 : f32
        %max3A_478 = vector.broadcast %max3A_477 : f32 to vector<16xf32>
        %max3A_479 = arith.maximumf %add3A_476, %max3A_478 : vector<16xf32>
        %swap3A_480 = arith.constant 1 : i32
        %swap3A_481 = arith.index_cast %swap3A_480 : i32 to index
        %swap3A_482 = arith.index_cast %scan3A_369 : i32 to index
        %swap3A_483 = arith.constant 32 : index
        %swap3A_484 = tpu.vector_load %arg9[%swap3A_481, %swap3A_482, %swap3A_483] {strides = array<i32>} : memref<2x64x128xf32, #tpu.memory_space<vmem>>, vector<1x1x16xf32>,
        %swap3A_485 = vector.shape_cast %swap3A_484 : vector<1x1x16xf32> to vector<16xf32>
        %swap3A_486 = vector.shape_cast %max3A_479 : vector<16xf32> to vector<1x1x16xf32>
        tpu.vector_store %arg9[%swap3A_481, %swap3A_482, %swap3A_483], %swap3A_486 {strides = array<i32>} : memref<2x64x128xf32, #tpu.memory_space<vmem>>, vector<1x1x16xf32>,
        %get3A_487 = arith.constant 1 : i32
        %get3A_488 = arith.index_cast %get3A_487 : i32 to index
        %get3A_489 = arith.index_cast %scan3A_369 : i32 to index
        %get3A_490 = arith.constant 96 : index
        %get3A_491 = tpu.vector_load %arg9[%get3A_488, %get3A_489, %get3A_490] {strides = array<i32>} : memref<2x64x128xf32, #tpu.memory_space<vmem>>, vector<1x1x16xf32>,
        %get3A_492 = vector.shape_cast %get3A_491 : vector<1x1x16xf32> to vector<16xf32>
        %add3A_493 = arith.addf %get3A_492, %bitcast_convert_type3A_469 : vector<16xf32>
        %max3A_494 = arith.constant 0.000000e+00 : f32
        %max3A_495 = vector.broadcast %max3A_494 : f32 to vector<16xf32>
        %max3A_496 = arith.maximumf %add3A_493, %max3A_495 : vector<16xf32>
        %swap3A_497 = arith.constant 1 : i32
        %swap3A_498 = arith.index_cast %swap3A_497 : i32 to index
        %swap3A_499 = arith.index_cast %scan3A_369 : i32 to index
        %swap3A_500 = arith.constant 96 : index
        %swap3A_501 = tpu.vector_load %arg9[%swap3A_498, %swap3A_499, %swap3A_500] {strides = array<i32>} : memref<2x64x128xf32, #tpu.memory_space<vmem>>, vector<1x1x16xf32>,
        %swap3A_502 = vector.shape_cast %swap3A_501 : vector<1x1x16xf32> to vector<16xf32>
        %swap3A_503 = vector.shape_cast %max3A_496 : vector<16xf32> to vector<1x1x16xf32>
        tpu.vector_store %arg9[%swap3A_498, %swap3A_499, %swap3A_500], %swap3A_503 {strides = array<i32>} : memref<2x64x128xf32, #tpu.memory_space<vmem>>, vector<1x1x16xf32>,
        %get3A_504 = arith.constant 1 : i32
        %get3A_505 = arith.index_cast %get3A_504 : i32 to index
        %get3A_506 = arith.index_cast %scan3A_369 : i32 to index
        %get3A_507 = arith.constant 48 : index
        %get3A_508 = tpu.vector_load %arg8[%get3A_505, %get3A_506, %get3A_507] {strides = array<i32>} : memref<2x64x64xi32, #tpu.memory_space<vmem>>, vector<1x1x16xi32>,
        %get3A_509 = vector.shape_cast %get3A_508 : vector<1x1x16xi32> to vector<16xi32>
        %shift_left3A_510 = arith.constant 16 : i32
        %shift_left3A_511 = vector.broadcast %shift_left3A_510 : i32 to vector<16xi32>
        %shift_left3A_512 = arith.shli %get3A_509, %shift_left3A_511 : vector<16xi32>
        %bitcast_convert_type3A_513 = tpu.bitcast %shift_left3A_512 : vector<16xi32> -> vector<16xf32>
        %and3A_514 = arith.andi %get3A_509, %broadcast_in_dim3A_350 : vector<16xi32>
        %bitcast_convert_type3A_515 = tpu.bitcast %and3A_514 : vector<16xi32> -> vector<16xf32>
        %get3A_516 = arith.constant 1 : i32
        %get3A_517 = arith.index_cast %get3A_516 : i32 to index
        %get3A_518 = arith.index_cast %scan3A_369 : i32 to index
        %get3A_519 = arith.constant 48 : index
        %get3A_520 = tpu.vector_load %arg9[%get3A_517, %get3A_518, %get3A_519] {strides = array<i32>} : memref<2x64x128xf32, #tpu.memory_space<vmem>>, vector<1x1x16xf32>,
        %get3A_521 = vector.shape_cast %get3A_520 : vector<1x1x16xf32> to vector<16xf32>
        %add3A_522 = arith.addf %get3A_521, %bitcast_convert_type3A_513 : vector<16xf32>
        %max3A_523 = arith.constant 0.000000e+00 : f32
        %max3A_524 = vector.broadcast %max3A_523 : f32 to vector<16xf32>
        %max3A_525 = arith.maximumf %add3A_522, %max3A_524 : vector<16xf32>
        %swap3A_526 = arith.constant 1 : i32
        %swap3A_527 = arith.index_cast %swap3A_526 : i32 to index
        %swap3A_528 = arith.index_cast %scan3A_369 : i32 to index
        %swap3A_529 = arith.constant 48 : index
        %swap3A_530 = tpu.vector_load %arg9[%swap3A_527, %swap3A_528, %swap3A_529] {strides = array<i32>} : memref<2x64x128xf32, #tpu.memory_space<vmem>>, vector<1x1x16xf32>,
        %swap3A_531 = vector.shape_cast %swap3A_530 : vector<1x1x16xf32> to vector<16xf32>
        %swap3A_532 = vector.shape_cast %max3A_525 : vector<16xf32> to vector<1x1x16xf32>
        tpu.vector_store %arg9[%swap3A_527, %swap3A_528, %swap3A_529], %swap3A_532 {strides = array<i32>} : memref<2x64x128xf32, #tpu.memory_space<vmem>>, vector<1x1x16xf32>,
        %get3A_533 = arith.constant 1 : i32
        %get3A_534 = arith.index_cast %get3A_533 : i32 to index
        %get3A_535 = arith.index_cast %scan3A_369 : i32 to index
        %get3A_536 = arith.constant 112 : index
        %get3A_537 = tpu.vector_load %arg9[%get3A_534, %get3A_535, %get3A_536] {strides = array<i32>} : memref<2x64x128xf32, #tpu.memory_space<vmem>>, vector<1x1x16xf32>,
        %get3A_538 = vector.shape_cast %get3A_537 : vector<1x1x16xf32> to vector<16xf32>
        %add3A_539 = arith.addf %get3A_538, %bitcast_convert_type3A_515 : vector<16xf32>
        %max3A_540 = arith.constant 0.000000e+00 : f32
        %max3A_541 = vector.broadcast %max3A_540 : f32 to vector<16xf32>
        %max3A_542 = arith.maximumf %add3A_539, %max3A_541 : vector<16xf32>
        %swap3A_543 = arith.constant 1 : i32
        %swap3A_544 = arith.index_cast %swap3A_543 : i32 to index
        %swap3A_545 = arith.index_cast %scan3A_369 : i32 to index
        %swap3A_546 = arith.constant 112 : index
        %swap3A_547 = tpu.vector_load %arg9[%swap3A_544, %swap3A_545, %swap3A_546] {strides = array<i32>} : memref<2x64x128xf32, #tpu.memory_space<vmem>>, vector<1x1x16xf32>,
        %swap3A_548 = vector.shape_cast %swap3A_547 : vector<1x1x16xf32> to vector<16xf32>
        %swap3A_549 = vector.shape_cast %max3A_542 : vector<16xf32> to vector<1x1x16xf32>
        tpu.vector_store %arg9[%swap3A_544, %swap3A_545, %swap3A_546], %swap3A_549 {strides = array<i32>} : memref<2x64x128xf32, #tpu.memory_space<vmem>>, vector<1x1x16xf32>,
      }
      %scan3A_356 = arith.constant 64 : i32
      %dma_start3A_357 = arith.constant 1 : i32
      %dma_start3A_358 = arith.constant 1 : i32
      %dma_start3A_359 = arith.constant 0 : i32
      %dma_start3A_360 = arith.constant 0 : i32
      %dma_start3A_361 = tpu.memref_slice %arg9[%dma_start3A_357, %dma_start3A_359, %dma_start3A_360] : memref<2x64x128xf32, #tpu.memory_space<vmem>> -> memref<1x64x128xf32, #tpu.memory_space<vmem>>
      %dma_start3A_362 = tpu.memref_squeeze %dma_start3A_361 : memref<1x64x128xf32, #tpu.memory_space<vmem>> -> memref<64x128xf32, #tpu.memory_space<vmem>>
      %dma_start3A_363 = arith.constant 0 : i32
      %dma_start3A_364 = tpu.memref_slice %arg7[%dma_start3A_358, %dma_start3A_363] : memref<2x64xi32, #tpu.memory_space<vmem>> -> memref<1x64xi32, #tpu.memory_space<vmem>>
      %dma_start3A_365 = tpu.memref_squeeze %dma_start3A_364 : memref<1x64xi32, #tpu.memory_space<vmem>> -> memref<64xi32, #tpu.memory_space<vmem>>
      %dma_start3A_366 = arith.constant 0 : i32
      %dma_start3A_367 = arith.constant 0 : i32
      %dma_start3A_368 = tpu.memref_slice %arg10[%dma_start3A_366, %dma_start3A_367] : memref<10240x128xf32, #tpu.memory_space<vmem_shared>> -> memref<10240x128xf32, #tpu.memory_space<vmem_shared>>
      tpu.enqueue_indirect_dma source(%dma_start3A_362 : memref<64x128xf32, #tpu.memory_space<vmem>>) target(%dma_start3A_368 : memref<10240x128xf32, #tpu.memory_space<vmem_shared>>) offsets(%dma_start3A_365 : memref<64xi32, #tpu.memory_space<vmem>>) semaphore(%arg16 : memref<!tpu.dma_semaphore, #tpu.memory_space<semaphore_mem>>) {add = true}
    }
    %scan3A_88 = arith.constant 80 : i32
    %dma_wait3A = arith.constant 0 : i32
    %dma_wait3A_89 = arith.constant 0 : i32
    %dma_wait3A_90 = arith.constant 0 : i32
    %dma_wait3A_91 = arith.constant 0 : i32
    %dma_wait3A_92 = tpu.memref_slice %arg9[%dma_wait3A, %dma_wait3A_90, %dma_wait3A_91] : memref<2x64x128xf32, #tpu.memory_space<vmem>> -> memref<1x64x128xf32, #tpu.memory_space<vmem>>
    %dma_wait3A_93 = tpu.memref_squeeze %dma_wait3A_92 : memref<1x64x128xf32, #tpu.memory_space<vmem>> -> memref<64x128xf32, #tpu.memory_space<vmem>>
    %dma_wait3A_94 = arith.constant 0 : i32
    %dma_wait3A_95 = tpu.memref_slice %arg7[%dma_wait3A_89, %dma_wait3A_94] : memref<2x64xi32, #tpu.memory_space<vmem>> -> memref<1x64xi32, #tpu.memory_space<vmem>>
    %dma_wait3A_96 = tpu.memref_squeeze %dma_wait3A_95 : memref<1x64xi32, #tpu.memory_space<vmem>> -> memref<64xi32, #tpu.memory_space<vmem>>
    %dma_wait3A_97 = arith.constant 0 : i32
    %dma_wait3A_98 = arith.constant 0 : i32
    %dma_wait3A_99 = tpu.memref_slice %arg10[%dma_wait3A_97, %dma_wait3A_98] : memref<10240x128xf32, #tpu.memory_space<vmem_shared>> -> memref<10240x128xf32, #tpu.memory_space<vmem_shared>>
    tpu.wait_indirect_dma semaphore(%arg15 : memref<!tpu.dma_semaphore, #tpu.memory_space<semaphore_mem>>) src(%dma_wait3A_93 : memref<64x128xf32, #tpu.memory_space<vmem>>) dst(%dma_wait3A_99 : memref<10240x128xf32, #tpu.memory_space<vmem_shared>>)
    %dma_wait3A_100 = arith.constant 1 : i32
    %dma_wait3A_101 = arith.constant 1 : i32
    %dma_wait3A_102 = arith.constant 0 : i32
    %dma_wait3A_103 = arith.constant 0 : i32
    %dma_wait3A_104 = tpu.memref_slice %arg9[%dma_wait3A_100, %dma_wait3A_102, %dma_wait3A_103] : memref<2x64x128xf32, #tpu.memory_space<vmem>> -> memref<1x64x128xf32, #tpu.memory_space<vmem>>
    %dma_wait3A_105 = tpu.memref_squeeze %dma_wait3A_104 : memref<1x64x128xf32, #tpu.memory_space<vmem>> -> memref<64x128xf32, #tpu.memory_space<vmem>>
    %dma_wait3A_106 = arith.constant 0 : i32
    %dma_wait3A_107 = tpu.memref_slice %arg7[%dma_wait3A_101, %dma_wait3A_106] : memref<2x64xi32, #tpu.memory_space<vmem>> -> memref<1x64xi32, #tpu.memory_space<vmem>>
    %dma_wait3A_108 = tpu.memref_squeeze %dma_wait3A_107 : memref<1x64xi32, #tpu.memory_space<vmem>> -> memref<64xi32, #tpu.memory_space<vmem>>
    %dma_wait3A_109 = arith.constant 0 : i32
    %dma_wait3A_110 = arith.constant 0 : i32
    %dma_wait3A_111 = tpu.memref_slice %arg10[%dma_wait3A_109, %dma_wait3A_110] : memref<10240x128xf32, #tpu.memory_space<vmem_shared>> -> memref<10240x128xf32, #tpu.memory_space<vmem_shared>>
    tpu.wait_indirect_dma semaphore(%arg16 : memref<!tpu.dma_semaphore, #tpu.memory_space<semaphore_mem>>) src(%dma_wait3A_105 : memref<64x128xf32, #tpu.memory_space<vmem>>) dst(%dma_wait3A_111 : memref<10240x128xf32, #tpu.memory_space<vmem_shared>>)
    %barrier3A_112 = arith.constant 0 : index
    tpu.barrier barrier_id(%barrier3A_112)
    %mul3A_113 = arith.constant 640 : i32
    %mul3A_114 = arith.muli %arg1, %mul3A_113 : i32
    %mul3A_115 = arith.constant 640 : i32
    %mul3A_116 = arith.muli %arg1, %mul3A_115 : i32
    "tpu.region"() ({
      %run_scoped3A_117 = tpu.sem_alloc : memref<!tpu.dma_semaphore, #tpu.memory_space<semaphore_mem>>
      %dma_start3A_118 = arith.constant 0 : i32
      %dma_start3A_119 = tpu.memref_slice %arg5[%arg0, %mul3A_116, %dma_start3A_118] : memref<2x10240x128xf32, #tpu.memory_space<hbm>> -> memref<1x640x128xf32, #tpu.memory_space<hbm>>
      %dma_start3A_120 = tpu.memref_squeeze %dma_start3A_119 : memref<1x640x128xf32, #tpu.memory_space<hbm>> -> memref<640x128xf32, #tpu.memory_space<hbm>>
      %dma_start3A_121 = arith.constant 0 : i32
      %dma_start3A_122 = tpu.memref_slice %arg10[%mul3A_114, %dma_start3A_121] : memref<10240x128xf32, #tpu.memory_space<vmem_shared>> -> memref<640x128xf32, #tpu.memory_space<vmem_shared>>
      tpu.enqueue_dma source(%dma_start3A_122 : memref<640x128xf32, #tpu.memory_space<vmem_shared>>) target(%dma_start3A_120 : memref<640x128xf32, #tpu.memory_space<hbm>>) target_semaphore(%run_scoped3A_117 : memref<!tpu.dma_semaphore, #tpu.memory_space<semaphore_mem>>)
      %dma_wait3A_123 = arith.constant 0 : i32
      %dma_wait3A_124 = tpu.memref_slice %arg5[%arg0, %mul3A_116, %dma_wait3A_123] : memref<2x10240x128xf32, #tpu.memory_space<hbm>> -> memref<1x640x128xf32, #tpu.memory_space<hbm>>
      %dma_wait3A_125 = tpu.memref_squeeze %dma_wait3A_124 : memref<1x640x128xf32, #tpu.memory_space<hbm>> -> memref<640x128xf32, #tpu.memory_space<hbm>>
      %dma_wait3A_126 = arith.constant 0 : i32
      %dma_wait3A_127 = tpu.memref_slice %arg10[%mul3A_114, %dma_wait3A_126] : memref<10240x128xf32, #tpu.memory_space<vmem_shared>> -> memref<640x128xf32, #tpu.memory_space<vmem_shared>>
      tpu.wait_dma2 semaphore(%run_scoped3A_117 : memref<!tpu.dma_semaphore, #tpu.memory_space<semaphore_mem>>) src(%dma_wait3A_127 : memref<640x128xf32, #tpu.memory_space<vmem_shared>>) dst(%dma_wait3A_125 : memref<640x128xf32, #tpu.memory_space<hbm>>)
      tpu.yield
    }) : () -> ()
    return
  }
}

module attributes {stable_mosaic.version = 14 : i64} {
  func.func @_edge_mlp_body(%arg0: i32, %arg1: memref<2048x32xf32, #tpu.memory_space<vmem>>, %arg2: memref<32x128xf32, #tpu.memory_space<vmem>>, %arg3: memref<1x128xf32, #tpu.memory_space<vmem>>, %arg4: memref<1x128xf32, #tpu.memory_space<vmem>>, %arg5: memref<1x128xf32, #tpu.memory_space<vmem>>, %arg6: memref<128x128xf32, #tpu.memory_space<vmem>>, %arg7: memref<1x128xf32, #tpu.memory_space<vmem>>, %arg8: memref<2048x64xi32, #tpu.memory_space<vmem>>) attributes {dimension_semantics = [#tpu.dimension_semantics<arbitrary>], iteration_bounds = array<i64: 160>, scalar_prefetch = 0 : i64, scratch_operands = 0 : i64, tpu.core_type = #tpu.core_type<tc>, window_params = [{transform_indices = @transform_0, window_bounds = array<i64: 2048, 32>}, {pipeline_mode = #tpu.pipeline_mode<synchronous>, transform_indices = @transform_1, window_bounds = array<i64: 32, 128>}, {pipeline_mode = #tpu.pipeline_mode<synchronous>, transform_indices = @transform_2, window_bounds = array<i64: 1, 128>}, {pipeline_mode = #tpu.pipeline_mode<synchronous>, transform_indices = @transform_3, window_bounds = array<i64: 1, 128>}, {pipeline_mode = #tpu.pipeline_mode<synchronous>, transform_indices = @transform_4, window_bounds = array<i64: 1, 128>}, {pipeline_mode = #tpu.pipeline_mode<synchronous>, transform_indices = @transform_5, window_bounds = array<i64: 128, 128>}, {pipeline_mode = #tpu.pipeline_mode<synchronous>, transform_indices = @transform_6, window_bounds = array<i64: 1, 128>}, {transform_indices = @transform_7, window_bounds = array<i64: 2048, 64>}]} {
    %get3A = arith.constant 0 : index
    %get3A_0 = arith.constant 0 : index
    %get3A_1 = vector.load %arg1[%get3A, %get3A_0] : memref<2048x32xf32, #tpu.memory_space<vmem>>, vector<2048x32xf32>
    %get3A_2 = arith.constant 0 : index
    %get3A_3 = arith.constant 0 : index
    %get3A_4 = vector.load %arg2[%get3A_2, %get3A_3] : memref<32x128xf32, #tpu.memory_space<vmem>>, vector<32x128xf32>
    %dot_general3A = arith.constant dense<0.000000e+00> : vector<2048x128xf32>
    %dot_general3A_5 = tpu.matmul %get3A_1, %get3A_4, %dot_general3A {dimension_numbers = #tpu.dot_dimension_numbers<[1], [0], [0], [1], [0, 0, 1, 1], [], []>, transpose_lhs_hint = false} : vector<2048x32xf32>, vector<32x128xf32>, vector<2048x128xf32> -> vector<2048x128xf32>
    %get3A_6 = arith.constant 0 : index
    %get3A_7 = arith.constant 0 : index
    %get3A_8 = vector.load %arg3[%get3A_6, %get3A_7] : memref<1x128xf32, #tpu.memory_space<vmem>>, vector<1x128xf32>
    %add3A = vector.broadcast %get3A_8 : vector<1x128xf32> to vector<2048x128xf32>
    %add3A_9 = arith.addf %dot_general3A_5, %add3A : vector<2048x128xf32>
    %max3A = arith.constant 0.000000e+00 : f32
    %max3A_10 = vector.broadcast %max3A : f32 to vector<2048x128xf32>
    %max3A_11 = arith.maximumf %add3A_9, %max3A_10 : vector<2048x128xf32>
    %get3A_12 = arith.constant 0 : index
    %get3A_13 = arith.constant 0 : index
    %get3A_14 = vector.load %arg4[%get3A_12, %get3A_13] : memref<1x128xf32, #tpu.memory_space<vmem>>, vector<1x128xf32>
    %get3A_15 = arith.constant 0 : index
    %get3A_16 = arith.constant 0 : index
    %get3A_17 = vector.load %arg5[%get3A_15, %get3A_16] : memref<1x128xf32, #tpu.memory_space<vmem>>, vector<1x128xf32>
    %reduce_sum3A = arith.constant dense<0.000000e+00> : vector<2048xf32>
    %reduce_sum3A_18 = vector.multi_reduction <add>, %max3A_11, %reduce_sum3A [1] : vector<2048x128xf32> to vector<2048xf32>
    %broadcast_in_dim3A = vector.shape_cast %reduce_sum3A_18 : vector<2048xf32> to vector<2048x1xf32>
    %div3A = arith.constant 1.280000e+02 : f32
    %div3A_19 = vector.broadcast %div3A : f32 to vector<2048x1xf32>
    %div3A_20 = arith.divf %broadcast_in_dim3A, %div3A_19 : vector<2048x1xf32>
    %jit3A = arith.constant 0 : i32
    %reduce_sum3A_21 = arith.constant dense<0.000000e+00> : vector<2048xf32>
    %reduce_sum3A_22 = vector.multi_reduction <add>, %max3A_11, %reduce_sum3A_21 [1] : vector<2048x128xf32> to vector<2048xf32>
    %broadcast_in_dim3A_23 = vector.shape_cast %reduce_sum3A_22 : vector<2048xf32> to vector<2048x1xf32>
    %div3A_24 = arith.constant 1.280000e+02 : f32
    %div3A_25 = vector.broadcast %div3A_24 : f32 to vector<2048x1xf32>
    %div3A_26 = arith.divf %broadcast_in_dim3A_23, %div3A_25 : vector<2048x1xf32>
    %sub3A = vector.broadcast %div3A_26 : vector<2048x1xf32> to vector<2048x128xf32>
    %sub3A_27 = arith.subf %max3A_11, %sub3A : vector<2048x128xf32>
    %square3A = arith.mulf %sub3A_27, %sub3A_27 : vector<2048x128xf32>
    %convert_element_type3A = arith.sitofp %jit3A : i32 to f32
    %sub3A_28 = arith.constant 1.280000e+02 : f32
    %sub3A_29 = arith.subf %sub3A_28, %convert_element_type3A : f32
    %reduce_sum3A_30 = arith.constant dense<0.000000e+00> : vector<2048xf32>
    %reduce_sum3A_31 = vector.multi_reduction <add>, %square3A, %reduce_sum3A_30 [1] : vector<2048x128xf32> to vector<2048xf32>
    %broadcast_in_dim3A_32 = vector.shape_cast %reduce_sum3A_31 : vector<2048xf32> to vector<2048x1xf32>
    %div3A_33 = vector.broadcast %sub3A_29 : f32 to vector<2048x1xf32>
    %div3A_34 = arith.divf %broadcast_in_dim3A_32, %div3A_33 : vector<2048x1xf32>
    %gt3A = arith.constant 0.000000e+00 : f32
    %gt3A_35 = arith.cmpf ogt, %sub3A_29, %gt3A : f32
    %jit3A_36 = arith.constant 0x7FC00000 : f32
    %broadcast_in_dim3A_37 = vector.broadcast %jit3A_36 : f32 to vector<2048x1xf32>
    %select_n3A = arith.select %gt3A_35, %div3A_34, %broadcast_in_dim3A_37 : vector<2048x1xf32>
    %sub3A_38 = vector.broadcast %div3A_20 : vector<2048x1xf32> to vector<2048x128xf32>
    %sub3A_39 = arith.subf %max3A_11, %sub3A_38 : vector<2048x128xf32>
    %add3A_40 = arith.constant 9.99999974E-6 : f32
    %add3A_41 = vector.broadcast %add3A_40 : f32 to vector<2048x1xf32>
    %add3A_42 = arith.addf %select_n3A, %add3A_41 : vector<2048x1xf32>
    %sqrt3A = math.sqrt %add3A_42 : vector<2048x1xf32>
    %div3A_43 = vector.broadcast %sqrt3A : vector<2048x1xf32> to vector<2048x128xf32>
    %div3A_44 = arith.divf %sub3A_39, %div3A_43 : vector<2048x128xf32>
    %mul3A = vector.broadcast %get3A_14 : vector<1x128xf32> to vector<2048x128xf32>
    %mul3A_45 = arith.mulf %div3A_44, %mul3A : vector<2048x128xf32>
    %add3A_46 = vector.broadcast %get3A_17 : vector<1x128xf32> to vector<2048x128xf32>
    %add3A_47 = arith.addf %mul3A_45, %add3A_46 : vector<2048x128xf32>
    %get3A_48 = arith.constant 0 : index
    %get3A_49 = arith.constant 0 : index
    %get3A_50 = vector.load %arg6[%get3A_48, %get3A_49] : memref<128x128xf32, #tpu.memory_space<vmem>>, vector<128x128xf32>
    %dot_general3A_51 = arith.constant dense<0.000000e+00> : vector<2048x128xf32>
    %dot_general3A_52 = tpu.matmul %add3A_47, %get3A_50, %dot_general3A_51 {dimension_numbers = #tpu.dot_dimension_numbers<[1], [0], [0], [1], [0, 0, 1, 1], [], []>, transpose_lhs_hint = false} : vector<2048x128xf32>, vector<128x128xf32>, vector<2048x128xf32> -> vector<2048x128xf32>
    %get3A_53 = arith.constant 0 : index
    %get3A_54 = arith.constant 0 : index
    %get3A_55 = vector.load %arg7[%get3A_53, %get3A_54] : memref<1x128xf32, #tpu.memory_space<vmem>>, vector<1x128xf32>
    %add3A_56 = vector.broadcast %get3A_55 : vector<1x128xf32> to vector<2048x128xf32>
    %add3A_57 = arith.addf %dot_general3A_52, %add3A_56 : vector<2048x128xf32>
    %bitcast_convert_type3A = tpu.bitcast %add3A_57 : vector<2048x128xf32> -> vector<2048x128xi32>
    %add3A_58 = arith.constant 32767 : i32
    %add3A_59 = vector.broadcast %add3A_58 : i32 to vector<2048x128xi32>
    %add3A_60 = arith.addi %bitcast_convert_type3A, %add3A_59 : vector<2048x128xi32>
    %shift_right_arithmetic3A = arith.constant 16 : i32
    %shift_right_arithmetic3A_61 = vector.broadcast %shift_right_arithmetic3A : i32 to vector<2048x128xi32>
    %shift_right_arithmetic3A_62 = arith.shrsi %bitcast_convert_type3A, %shift_right_arithmetic3A_61 : vector<2048x128xi32>
    %and3A = arith.constant 1 : i32
    %and3A_63 = vector.broadcast %and3A : i32 to vector<2048x128xi32>
    %and3A_64 = arith.andi %shift_right_arithmetic3A_62, %and3A_63 : vector<2048x128xi32>
    %add3A_65 = arith.addi %add3A_60, %and3A_64 : vector<2048x128xi32>
    %shift_right_arithmetic3A_66 = arith.constant 16 : i32
    %shift_right_arithmetic3A_67 = vector.broadcast %shift_right_arithmetic3A_66 : i32 to vector<2048x128xi32>
    %shift_right_arithmetic3A_68 = arith.shrsi %add3A_65, %shift_right_arithmetic3A_67 : vector<2048x128xi32>
    %slice3A = vector.extract_strided_slice %shift_right_arithmetic3A_68 {offsets = [0, 0], sizes = [2048, 64], strides = [1, 1]} : vector<2048x128xi32> to vector<2048x64xi32>
    %and3A_69 = arith.constant 65535 : i32
    %and3A_70 = vector.broadcast %and3A_69 : i32 to vector<2048x64xi32>
    %and3A_71 = arith.andi %slice3A, %and3A_70 : vector<2048x64xi32>
    %slice3A_72 = vector.extract_strided_slice %shift_right_arithmetic3A_68 {offsets = [0, 64], sizes = [2048, 64], strides = [1, 1]} : vector<2048x128xi32> to vector<2048x64xi32>
    %shift_left3A = arith.constant 16 : i32
    %shift_left3A_73 = vector.broadcast %shift_left3A : i32 to vector<2048x64xi32>
    %shift_left3A_74 = arith.shli %slice3A_72, %shift_left3A_73 : vector<2048x64xi32>
    %or3A = arith.ori %and3A_71, %shift_left3A_74 : vector<2048x64xi32>
    %swap3A = arith.constant 0 : index
    %swap3A_75 = arith.constant 0 : index
    %swap3A_76 = vector.load %arg8[%swap3A, %swap3A_75] : memref<2048x64xi32, #tpu.memory_space<vmem>>, vector<2048x64xi32>
    tpu.vector_store %arg8[%swap3A, %swap3A_75], %or3A {strides = array<i32>} : memref<2048x64xi32, #tpu.memory_space<vmem>>, vector<2048x64xi32>,
    return
  }
  func.func @transform_0(%arg0: i32) -> (i32, i32) {
    %c0_i32 = arith.constant 0 : i32
    %c0_i32_0 = arith.constant 0 : i32
    return %arg0, %c0_i32 : i32, i32
  }
  func.func @transform_1(%arg0: i32) -> (i32, i32) {
    %c0_i32 = arith.constant 0 : i32
    %c0_i32_0 = arith.constant 0 : i32
    %c0_i32_1 = arith.constant 0 : i32
    return %c0_i32, %c0_i32_0 : i32, i32
  }
  func.func @transform_2(%arg0: i32) -> (i32, i32) {
    %c0_i32 = arith.constant 0 : i32
    %c0_i32_0 = arith.constant 0 : i32
    %c0_i32_1 = arith.constant 0 : i32
    return %c0_i32, %c0_i32_0 : i32, i32
  }
  func.func @transform_3(%arg0: i32) -> (i32, i32) {
    %c0_i32 = arith.constant 0 : i32
    %c0_i32_0 = arith.constant 0 : i32
    %c0_i32_1 = arith.constant 0 : i32
    return %c0_i32, %c0_i32_0 : i32, i32
  }
  func.func @transform_4(%arg0: i32) -> (i32, i32) {
    %c0_i32 = arith.constant 0 : i32
    %c0_i32_0 = arith.constant 0 : i32
    %c0_i32_1 = arith.constant 0 : i32
    return %c0_i32, %c0_i32_0 : i32, i32
  }
  func.func @transform_5(%arg0: i32) -> (i32, i32) {
    %c0_i32 = arith.constant 0 : i32
    %c0_i32_0 = arith.constant 0 : i32
    %c0_i32_1 = arith.constant 0 : i32
    return %c0_i32, %c0_i32_0 : i32, i32
  }
  func.func @transform_6(%arg0: i32) -> (i32, i32) {
    %c0_i32 = arith.constant 0 : i32
    %c0_i32_0 = arith.constant 0 : i32
    %c0_i32_1 = arith.constant 0 : i32
    return %c0_i32, %c0_i32_0 : i32, i32
  }
  func.func @transform_7(%arg0: i32) -> (i32, i32) {
    %c0_i32 = arith.constant 0 : i32
    %c0_i32_0 = arith.constant 0 : i32
    return %arg0, %c0_i32 : i32, i32
  }
}

module attributes {stable_mosaic.version = 14 : i64} {
  func.func @_node_in_body(%arg0: i32, %arg1: memref<2000x128xf32, #tpu.memory_space<vmem>>, %arg2: memref<128x128xf32, #tpu.memory_space<vmem>>, %arg3: memref<1x128xf32, #tpu.memory_space<vmem>>, %arg4: memref<2000x128xf32, #tpu.memory_space<vmem>>) attributes {dimension_semantics = [#tpu.dimension_semantics<arbitrary>], iteration_bounds = array<i64: 5>, scalar_prefetch = 0 : i64, scratch_operands = 0 : i64, tpu.core_type = #tpu.core_type<tc>, window_params = [{transform_indices = @transform_0, window_bounds = array<i64: 2000, 128>}, {pipeline_mode = #tpu.pipeline_mode<synchronous>, transform_indices = @transform_1, window_bounds = array<i64: 128, 128>}, {pipeline_mode = #tpu.pipeline_mode<synchronous>, transform_indices = @transform_2, window_bounds = array<i64: 1, 128>}, {transform_indices = @transform_3, window_bounds = array<i64: 2000, 128>}]} {
    %get3A = arith.constant 0 : index
    %get3A_0 = arith.constant 0 : index
    %get3A_1 = vector.load %arg1[%get3A, %get3A_0] : memref<2000x128xf32, #tpu.memory_space<vmem>>, vector<2000x128xf32>
    %get3A_2 = arith.constant 0 : index
    %get3A_3 = arith.constant 0 : index
    %get3A_4 = vector.load %arg2[%get3A_2, %get3A_3] : memref<128x128xf32, #tpu.memory_space<vmem>>, vector<128x128xf32>
    %dot_general3A = arith.constant dense<0.000000e+00> : vector<2000x128xf32>
    %dot_general3A_5 = tpu.matmul %get3A_1, %get3A_4, %dot_general3A {dimension_numbers = #tpu.dot_dimension_numbers<[1], [0], [0], [1], [0, 0, 1, 1], [], []>, transpose_lhs_hint = false} : vector<2000x128xf32>, vector<128x128xf32>, vector<2000x128xf32> -> vector<2000x128xf32>
    %get3A_6 = arith.constant 0 : index
    %get3A_7 = arith.constant 0 : index
    %get3A_8 = vector.load %arg3[%get3A_6, %get3A_7] : memref<1x128xf32, #tpu.memory_space<vmem>>, vector<1x128xf32>
    %add3A = vector.broadcast %get3A_8 : vector<1x128xf32> to vector<2000x128xf32>
    %add3A_9 = arith.addf %dot_general3A_5, %add3A : vector<2000x128xf32>
    %swap3A = arith.constant 0 : index
    %swap3A_10 = arith.constant 0 : index
    %swap3A_11 = vector.load %arg4[%swap3A, %swap3A_10] : memref<2000x128xf32, #tpu.memory_space<vmem>>, vector<2000x128xf32>
    tpu.vector_store %arg4[%swap3A, %swap3A_10], %add3A_9 {strides = array<i32>} : memref<2000x128xf32, #tpu.memory_space<vmem>>, vector<2000x128xf32>,
    return
  }
  func.func @transform_0(%arg0: i32) -> (i32, i32) {
    %c0_i32 = arith.constant 0 : i32
    %c0_i32_0 = arith.constant 0 : i32
    return %arg0, %c0_i32 : i32, i32
  }
  func.func @transform_1(%arg0: i32) -> (i32, i32) {
    %c0_i32 = arith.constant 0 : i32
    %c0_i32_0 = arith.constant 0 : i32
    %c0_i32_1 = arith.constant 0 : i32
    return %c0_i32, %c0_i32_0 : i32, i32
  }
  func.func @transform_2(%arg0: i32) -> (i32, i32) {
    %c0_i32 = arith.constant 0 : i32
    %c0_i32_0 = arith.constant 0 : i32
    %c0_i32_1 = arith.constant 0 : i32
    return %c0_i32, %c0_i32_0 : i32, i32
  }
  func.func @transform_3(%arg0: i32) -> (i32, i32) {
    %c0_i32 = arith.constant 0 : i32
    %c0_i32_0 = arith.constant 0 : i32
    return %arg0, %c0_i32 : i32, i32
  }
}

module attributes {stable_mosaic.version = 14 : i64} {
  func.func @_node_update_body(%arg0: i32, %arg1: memref<2000x128xf32, #tpu.memory_space<vmem>>, %arg2: memref<2x2000x128xf32, #tpu.memory_space<vmem>>, %arg3: memref<1xf32, #tpu.memory_space<smem>>, %arg4: memref<128x128xf32, #tpu.memory_space<vmem>>, %arg5: memref<1x128xf32, #tpu.memory_space<vmem>>, %arg6: memref<1x128xf32, #tpu.memory_space<vmem>>, %arg7: memref<1x128xf32, #tpu.memory_space<vmem>>, %arg8: memref<128x128xf32, #tpu.memory_space<vmem>>, %arg9: memref<1x128xf32, #tpu.memory_space<vmem>>, %arg10: memref<1x128xf32, #tpu.memory_space<vmem>>, %arg11: memref<1x128xf32, #tpu.memory_space<vmem>>, %arg12: memref<2000x128xf32, #tpu.memory_space<vmem>>) attributes {dimension_semantics = [#tpu.dimension_semantics<arbitrary>], iteration_bounds = array<i64: 5>, scalar_prefetch = 0 : i64, scratch_operands = 0 : i64, tpu.core_type = #tpu.core_type<tc>, window_params = [{transform_indices = @transform_0, window_bounds = array<i64: 2000, 128>}, {transform_indices = @transform_1, window_bounds = array<i64: 2, 2000, 128>}, {transform_indices = @transform_2, window_bounds = array<i64: 1>}, {pipeline_mode = #tpu.pipeline_mode<synchronous>, transform_indices = @transform_3, window_bounds = array<i64: 128, 128>}, {pipeline_mode = #tpu.pipeline_mode<synchronous>, transform_indices = @transform_4, window_bounds = array<i64: 1, 128>}, {pipeline_mode = #tpu.pipeline_mode<synchronous>, transform_indices = @transform_5, window_bounds = array<i64: 1, 128>}, {pipeline_mode = #tpu.pipeline_mode<synchronous>, transform_indices = @transform_6, window_bounds = array<i64: 1, 128>}, {pipeline_mode = #tpu.pipeline_mode<synchronous>, transform_indices = @transform_7, window_bounds = array<i64: 128, 128>}, {pipeline_mode = #tpu.pipeline_mode<synchronous>, transform_indices = @transform_8, window_bounds = array<i64: 1, 128>}, {pipeline_mode = #tpu.pipeline_mode<synchronous>, transform_indices = @transform_9, window_bounds = array<i64: 1, 128>}, {pipeline_mode = #tpu.pipeline_mode<synchronous>, transform_indices = @transform_10, window_bounds = array<i64: 1, 128>}, {transform_indices = @transform_11, window_bounds = array<i64: 2000, 128>}]} {
    %get3A = arith.constant 0 : index
    %get3A_0 = arith.constant 0 : index
    %get3A_1 = vector.load %arg1[%get3A, %get3A_0] : memref<2000x128xf32, #tpu.memory_space<vmem>>, vector<2000x128xf32>
    %get3A_2 = arith.constant 0 : index
    %get3A_3 = arith.constant 0 : index
    %get3A_4 = arith.constant 0 : index
    %get3A_5 = vector.load %arg2[%get3A_2, %get3A_3, %get3A_4] : memref<2x2000x128xf32, #tpu.memory_space<vmem>>, vector<1x2000x128xf32>
    %get3A_6 = vector.shape_cast %get3A_5 : vector<1x2000x128xf32> to vector<2000x128xf32>
    %get3A_7 = arith.constant 1 : index
    %get3A_8 = arith.constant 0 : index
    %get3A_9 = arith.constant 0 : index
    %get3A_10 = vector.load %arg2[%get3A_7, %get3A_8, %get3A_9] : memref<2x2000x128xf32, #tpu.memory_space<vmem>>, vector<1x2000x128xf32>
    %get3A_11 = vector.shape_cast %get3A_10 : vector<1x2000x128xf32> to vector<2000x128xf32>
    %add3A = arith.addf %get3A_6, %get3A_11 : vector<2000x128xf32>
    %get3A_12 = arith.constant 0 : index
    %get3A_13 = memref.load %arg3[%get3A_12] : memref<1xf32, #tpu.memory_space<smem>>
    %add3A_14 = arith.constant 1.000000e+00 : f32
    %add3A_15 = arith.addf %add3A_14, %get3A_13 : f32
    %mul3A = vector.broadcast %add3A_15 : f32 to vector<2000x128xf32>
    %mul3A_16 = arith.mulf %mul3A, %get3A_1 : vector<2000x128xf32>
    %add3A_17 = arith.addf %mul3A_16, %add3A : vector<2000x128xf32>
    %get3A_18 = arith.constant 0 : index
    %get3A_19 = arith.constant 0 : index
    %get3A_20 = vector.load %arg4[%get3A_18, %get3A_19] : memref<128x128xf32, #tpu.memory_space<vmem>>, vector<128x128xf32>
    %dot_general3A = arith.constant dense<0.000000e+00> : vector<2000x128xf32>
    %dot_general3A_21 = tpu.matmul %add3A_17, %get3A_20, %dot_general3A {dimension_numbers = #tpu.dot_dimension_numbers<[1], [0], [0], [1], [0, 0, 1, 1], [], []>, transpose_lhs_hint = false} : vector<2000x128xf32>, vector<128x128xf32>, vector<2000x128xf32> -> vector<2000x128xf32>
    %get3A_22 = arith.constant 0 : index
    %get3A_23 = arith.constant 0 : index
    %get3A_24 = vector.load %arg5[%get3A_22, %get3A_23] : memref<1x128xf32, #tpu.memory_space<vmem>>, vector<1x128xf32>
    %add3A_25 = vector.broadcast %get3A_24 : vector<1x128xf32> to vector<2000x128xf32>
    %add3A_26 = arith.addf %dot_general3A_21, %add3A_25 : vector<2000x128xf32>
    %max3A = arith.constant 0.000000e+00 : f32
    %max3A_27 = vector.broadcast %max3A : f32 to vector<2000x128xf32>
    %max3A_28 = arith.maximumf %add3A_26, %max3A_27 : vector<2000x128xf32>
    %get3A_29 = arith.constant 0 : index
    %get3A_30 = arith.constant 0 : index
    %get3A_31 = vector.load %arg6[%get3A_29, %get3A_30] : memref<1x128xf32, #tpu.memory_space<vmem>>, vector<1x128xf32>
    %get3A_32 = arith.constant 0 : index
    %get3A_33 = arith.constant 0 : index
    %get3A_34 = vector.load %arg7[%get3A_32, %get3A_33] : memref<1x128xf32, #tpu.memory_space<vmem>>, vector<1x128xf32>
    %reduce_sum3A = arith.constant dense<0.000000e+00> : vector<2000xf32>
    %reduce_sum3A_35 = vector.multi_reduction <add>, %max3A_28, %reduce_sum3A [1] : vector<2000x128xf32> to vector<2000xf32>
    %broadcast_in_dim3A = vector.shape_cast %reduce_sum3A_35 : vector<2000xf32> to vector<2000x1xf32>
    %div3A = arith.constant 1.280000e+02 : f32
    %div3A_36 = vector.broadcast %div3A : f32 to vector<2000x1xf32>
    %div3A_37 = arith.divf %broadcast_in_dim3A, %div3A_36 : vector<2000x1xf32>
    %jit3A = arith.constant 0 : i32
    %reduce_sum3A_38 = arith.constant dense<0.000000e+00> : vector<2000xf32>
    %reduce_sum3A_39 = vector.multi_reduction <add>, %max3A_28, %reduce_sum3A_38 [1] : vector<2000x128xf32> to vector<2000xf32>
    %broadcast_in_dim3A_40 = vector.shape_cast %reduce_sum3A_39 : vector<2000xf32> to vector<2000x1xf32>
    %div3A_41 = arith.constant 1.280000e+02 : f32
    %div3A_42 = vector.broadcast %div3A_41 : f32 to vector<2000x1xf32>
    %div3A_43 = arith.divf %broadcast_in_dim3A_40, %div3A_42 : vector<2000x1xf32>
    %sub3A = vector.broadcast %div3A_43 : vector<2000x1xf32> to vector<2000x128xf32>
    %sub3A_44 = arith.subf %max3A_28, %sub3A : vector<2000x128xf32>
    %square3A = arith.mulf %sub3A_44, %sub3A_44 : vector<2000x128xf32>
    %convert_element_type3A = arith.sitofp %jit3A : i32 to f32
    %sub3A_45 = arith.constant 1.280000e+02 : f32
    %sub3A_46 = arith.subf %sub3A_45, %convert_element_type3A : f32
    %reduce_sum3A_47 = arith.constant dense<0.000000e+00> : vector<2000xf32>
    %reduce_sum3A_48 = vector.multi_reduction <add>, %square3A, %reduce_sum3A_47 [1] : vector<2000x128xf32> to vector<2000xf32>
    %broadcast_in_dim3A_49 = vector.shape_cast %reduce_sum3A_48 : vector<2000xf32> to vector<2000x1xf32>
    %div3A_50 = vector.broadcast %sub3A_46 : f32 to vector<2000x1xf32>
    %div3A_51 = arith.divf %broadcast_in_dim3A_49, %div3A_50 : vector<2000x1xf32>
    %gt3A = arith.constant 0.000000e+00 : f32
    %gt3A_52 = arith.cmpf ogt, %sub3A_46, %gt3A : f32
    %jit3A_53 = arith.constant 0x7FC00000 : f32
    %broadcast_in_dim3A_54 = vector.broadcast %jit3A_53 : f32 to vector<2000x1xf32>
    %select_n3A = arith.select %gt3A_52, %div3A_51, %broadcast_in_dim3A_54 : vector<2000x1xf32>
    %sub3A_55 = vector.broadcast %div3A_37 : vector<2000x1xf32> to vector<2000x128xf32>
    %sub3A_56 = arith.subf %max3A_28, %sub3A_55 : vector<2000x128xf32>
    %add3A_57 = arith.constant 9.99999974E-6 : f32
    %add3A_58 = vector.broadcast %add3A_57 : f32 to vector<2000x1xf32>
    %add3A_59 = arith.addf %select_n3A, %add3A_58 : vector<2000x1xf32>
    %sqrt3A = math.sqrt %add3A_59 : vector<2000x1xf32>
    %div3A_60 = vector.broadcast %sqrt3A : vector<2000x1xf32> to vector<2000x128xf32>
    %div3A_61 = arith.divf %sub3A_56, %div3A_60 : vector<2000x128xf32>
    %mul3A_62 = vector.broadcast %get3A_31 : vector<1x128xf32> to vector<2000x128xf32>
    %mul3A_63 = arith.mulf %div3A_61, %mul3A_62 : vector<2000x128xf32>
    %add3A_64 = vector.broadcast %get3A_34 : vector<1x128xf32> to vector<2000x128xf32>
    %add3A_65 = arith.addf %mul3A_63, %add3A_64 : vector<2000x128xf32>
    %get3A_66 = arith.constant 0 : index
    %get3A_67 = arith.constant 0 : index
    %get3A_68 = vector.load %arg8[%get3A_66, %get3A_67] : memref<128x128xf32, #tpu.memory_space<vmem>>, vector<128x128xf32>
    %dot_general3A_69 = arith.constant dense<0.000000e+00> : vector<2000x128xf32>
    %dot_general3A_70 = tpu.matmul %add3A_65, %get3A_68, %dot_general3A_69 {dimension_numbers = #tpu.dot_dimension_numbers<[1], [0], [0], [1], [0, 0, 1, 1], [], []>, transpose_lhs_hint = false} : vector<2000x128xf32>, vector<128x128xf32>, vector<2000x128xf32> -> vector<2000x128xf32>
    %get3A_71 = arith.constant 0 : index
    %get3A_72 = arith.constant 0 : index
    %get3A_73 = vector.load %arg9[%get3A_71, %get3A_72] : memref<1x128xf32, #tpu.memory_space<vmem>>, vector<1x128xf32>
    %add3A_74 = vector.broadcast %get3A_73 : vector<1x128xf32> to vector<2000x128xf32>
    %add3A_75 = arith.addf %dot_general3A_70, %add3A_74 : vector<2000x128xf32>
    %max3A_76 = arith.constant 0.000000e+00 : f32
    %max3A_77 = vector.broadcast %max3A_76 : f32 to vector<2000x128xf32>
    %max3A_78 = arith.maximumf %add3A_75, %max3A_77 : vector<2000x128xf32>
    %get3A_79 = arith.constant 0 : index
    %get3A_80 = arith.constant 0 : index
    %get3A_81 = vector.load %arg10[%get3A_79, %get3A_80] : memref<1x128xf32, #tpu.memory_space<vmem>>, vector<1x128xf32>
    %get3A_82 = arith.constant 0 : index
    %get3A_83 = arith.constant 0 : index
    %get3A_84 = vector.load %arg11[%get3A_82, %get3A_83] : memref<1x128xf32, #tpu.memory_space<vmem>>, vector<1x128xf32>
    %reduce_sum3A_85 = arith.constant dense<0.000000e+00> : vector<2000xf32>
    %reduce_sum3A_86 = vector.multi_reduction <add>, %max3A_78, %reduce_sum3A_85 [1] : vector<2000x128xf32> to vector<2000xf32>
    %broadcast_in_dim3A_87 = vector.shape_cast %reduce_sum3A_86 : vector<2000xf32> to vector<2000x1xf32>
    %div3A_88 = arith.constant 1.280000e+02 : f32
    %div3A_89 = vector.broadcast %div3A_88 : f32 to vector<2000x1xf32>
    %div3A_90 = arith.divf %broadcast_in_dim3A_87, %div3A_89 : vector<2000x1xf32>
    %jit3A_91 = arith.constant 0 : i32
    %reduce_sum3A_92 = arith.constant dense<0.000000e+00> : vector<2000xf32>
    %reduce_sum3A_93 = vector.multi_reduction <add>, %max3A_78, %reduce_sum3A_92 [1] : vector<2000x128xf32> to vector<2000xf32>
    %broadcast_in_dim3A_94 = vector.shape_cast %reduce_sum3A_93 : vector<2000xf32> to vector<2000x1xf32>
    %div3A_95 = arith.constant 1.280000e+02 : f32
    %div3A_96 = vector.broadcast %div3A_95 : f32 to vector<2000x1xf32>
    %div3A_97 = arith.divf %broadcast_in_dim3A_94, %div3A_96 : vector<2000x1xf32>
    %sub3A_98 = vector.broadcast %div3A_97 : vector<2000x1xf32> to vector<2000x128xf32>
    %sub3A_99 = arith.subf %max3A_78, %sub3A_98 : vector<2000x128xf32>
    %square3A_100 = arith.mulf %sub3A_99, %sub3A_99 : vector<2000x128xf32>
    %convert_element_type3A_101 = arith.sitofp %jit3A_91 : i32 to f32
    %sub3A_102 = arith.constant 1.280000e+02 : f32
    %sub3A_103 = arith.subf %sub3A_102, %convert_element_type3A_101 : f32
    %reduce_sum3A_104 = arith.constant dense<0.000000e+00> : vector<2000xf32>
    %reduce_sum3A_105 = vector.multi_reduction <add>, %square3A_100, %reduce_sum3A_104 [1] : vector<2000x128xf32> to vector<2000xf32>
    %broadcast_in_dim3A_106 = vector.shape_cast %reduce_sum3A_105 : vector<2000xf32> to vector<2000x1xf32>
    %div3A_107 = vector.broadcast %sub3A_103 : f32 to vector<2000x1xf32>
    %div3A_108 = arith.divf %broadcast_in_dim3A_106, %div3A_107 : vector<2000x1xf32>
    %gt3A_109 = arith.constant 0.000000e+00 : f32
    %gt3A_110 = arith.cmpf ogt, %sub3A_103, %gt3A_109 : f32
    %jit3A_111 = arith.constant 0x7FC00000 : f32
    %broadcast_in_dim3A_112 = vector.broadcast %jit3A_111 : f32 to vector<2000x1xf32>
    %select_n3A_113 = arith.select %gt3A_110, %div3A_108, %broadcast_in_dim3A_112 : vector<2000x1xf32>
    %sub3A_114 = vector.broadcast %div3A_90 : vector<2000x1xf32> to vector<2000x128xf32>
    %sub3A_115 = arith.subf %max3A_78, %sub3A_114 : vector<2000x128xf32>
    %add3A_116 = arith.constant 9.99999974E-6 : f32
    %add3A_117 = vector.broadcast %add3A_116 : f32 to vector<2000x1xf32>
    %add3A_118 = arith.addf %select_n3A_113, %add3A_117 : vector<2000x1xf32>
    %sqrt3A_119 = math.sqrt %add3A_118 : vector<2000x1xf32>
    %div3A_120 = vector.broadcast %sqrt3A_119 : vector<2000x1xf32> to vector<2000x128xf32>
    %div3A_121 = arith.divf %sub3A_115, %div3A_120 : vector<2000x128xf32>
    %mul3A_122 = vector.broadcast %get3A_81 : vector<1x128xf32> to vector<2000x128xf32>
    %mul3A_123 = arith.mulf %div3A_121, %mul3A_122 : vector<2000x128xf32>
    %add3A_124 = vector.broadcast %get3A_84 : vector<1x128xf32> to vector<2000x128xf32>
    %add3A_125 = arith.addf %mul3A_123, %add3A_124 : vector<2000x128xf32>
    %add3A_126 = arith.addf %add3A_125, %get3A_1 : vector<2000x128xf32>
    %swap3A = arith.constant 0 : index
    %swap3A_127 = arith.constant 0 : index
    %swap3A_128 = vector.load %arg12[%swap3A, %swap3A_127] : memref<2000x128xf32, #tpu.memory_space<vmem>>, vector<2000x128xf32>
    tpu.vector_store %arg12[%swap3A, %swap3A_127], %add3A_126 {strides = array<i32>} : memref<2000x128xf32, #tpu.memory_space<vmem>>, vector<2000x128xf32>,
    return
  }
  func.func @transform_0(%arg0: i32) -> (i32, i32) {
    %c0_i32 = arith.constant 0 : i32
    %c0_i32_0 = arith.constant 0 : i32
    return %arg0, %c0_i32 : i32, i32
  }
  func.func @transform_1(%arg0: i32) -> (i32, i32, i32) {
    %c0_i32 = arith.constant 0 : i32
    %c0_i32_0 = arith.constant 0 : i32
    %c0_i32_1 = arith.constant 0 : i32
    return %c0_i32, %arg0, %c0_i32_0 : i32, i32, i32
  }
  func.func @transform_2(%arg0: i32) -> i32 {
    %c0_i32 = arith.constant 0 : i32
    %c0_i32_0 = arith.constant 0 : i32
    return %c0_i32 : i32
  }
  func.func @transform_3(%arg0: i32) -> (i32, i32) {
    %c0_i32 = arith.constant 0 : i32
    %c0_i32_0 = arith.constant 0 : i32
    %c0_i32_1 = arith.constant 0 : i32
    return %c0_i32, %c0_i32_0 : i32, i32
  }
  func.func @transform_4(%arg0: i32) -> (i32, i32) {
    %c0_i32 = arith.constant 0 : i32
    %c0_i32_0 = arith.constant 0 : i32
    %c0_i32_1 = arith.constant 0 : i32
    return %c0_i32, %c0_i32_0 : i32, i32
  }
  func.func @transform_5(%arg0: i32) -> (i32, i32) {
    %c0_i32 = arith.constant 0 : i32
    %c0_i32_0 = arith.constant 0 : i32
    %c0_i32_1 = arith.constant 0 : i32
    return %c0_i32, %c0_i32_0 : i32, i32
  }
  func.func @transform_6(%arg0: i32) -> (i32, i32) {
    %c0_i32 = arith.constant 0 : i32
    %c0_i32_0 = arith.constant 0 : i32
    %c0_i32_1 = arith.constant 0 : i32
    return %c0_i32, %c0_i32_0 : i32, i32
  }
  func.func @transform_7(%arg0: i32) -> (i32, i32) {
    %c0_i32 = arith.constant 0 : i32
    %c0_i32_0 = arith.constant 0 : i32
    %c0_i32_1 = arith.constant 0 : i32
    return %c0_i32, %c0_i32_0 : i32, i32
  }
  func.func @transform_8(%arg0: i32) -> (i32, i32) {
    %c0_i32 = arith.constant 0 : i32
    %c0_i32_0 = arith.constant 0 : i32
    %c0_i32_1 = arith.constant 0 : i32
    return %c0_i32, %c0_i32_0 : i32, i32
  }
  func.func @transform_9(%arg0: i32) -> (i32, i32) {
    %c0_i32 = arith.constant 0 : i32
    %c0_i32_0 = arith.constant 0 : i32
    %c0_i32_1 = arith.constant 0 : i32
    return %c0_i32, %c0_i32_0 : i32, i32
  }
  func.func @transform_10(%arg0: i32) -> (i32, i32) {
    %c0_i32 = arith.constant 0 : i32
    %c0_i32_0 = arith.constant 0 : i32
    %c0_i32_1 = arith.constant 0 : i32
    return %c0_i32, %c0_i32_0 : i32, i32
  }
  func.func @transform_11(%arg0: i32) -> (i32, i32) {
    %c0_i32 = arith.constant 0 : i32
    %c0_i32_0 = arith.constant 0 : i32
    return %arg0, %c0_i32 : i32, i32
  }
}

module attributes {stable_mosaic.version = 14 : i64} {
  func.func @_pool_body(%arg0: memref<10000x128xf32, #tpu.memory_space<vmem>>, %arg1: memref<10000x1xi32, #tpu.memory_space<vmem>>, %arg2: memref<1x10000xi32, #tpu.memory_space<vmem>>, %arg3: memref<128x64xf32, #tpu.memory_space<vmem>>, %arg4: memref<1x64xf32, #tpu.memory_space<vmem>>, %arg5: memref<1x64xf32, #tpu.memory_space<vmem>>, %arg6: memref<1x64xf32, #tpu.memory_space<vmem>>, %arg7: memref<64x1xf32, #tpu.memory_space<vmem>>, %arg8: memref<1x1xf32, #tpu.memory_space<vmem>>, %arg9: memref<128x64xf32, #tpu.memory_space<vmem>>, %arg10: memref<1x64xf32, #tpu.memory_space<vmem>>, %arg11: memref<1x64xf32, #tpu.memory_space<vmem>>, %arg12: memref<1x64xf32, #tpu.memory_space<vmem>>, %arg13: memref<64x1xf32, #tpu.memory_space<vmem>>, %arg14: memref<1x1xf32, #tpu.memory_space<vmem>>, %arg15: memref<64x1xf32, #tpu.memory_space<vmem>>) attributes {dimension_semantics = [], scalar_prefetch = 0 : i64, scratch_operands = 0 : i64, tpu.core_type = #tpu.core_type<tc>} {
    %get3A = arith.constant 0 : index
    %get3A_0 = arith.constant 0 : index
    %get3A_1 = vector.load %arg0[%get3A, %get3A_0] : memref<10000x128xf32, #tpu.memory_space<vmem>>, vector<10000x128xf32>
    %get3A_2 = arith.constant 0 : index
    %get3A_3 = arith.constant 0 : index
    %get3A_4 = vector.load %arg3[%get3A_2, %get3A_3] : memref<128x64xf32, #tpu.memory_space<vmem>>, vector<128x64xf32>
    %dot_general3A = arith.constant dense<0.000000e+00> : vector<10000x64xf32>
    %dot_general3A_5 = tpu.matmul %get3A_1, %get3A_4, %dot_general3A {dimension_numbers = #tpu.dot_dimension_numbers<[1], [0], [0], [1], [0, 0, 1, 1], [], []>, transpose_lhs_hint = false} : vector<10000x128xf32>, vector<128x64xf32>, vector<10000x64xf32> -> vector<10000x64xf32>
    %get3A_6 = arith.constant 0 : index
    %get3A_7 = arith.constant 0 : index
    %get3A_8 = vector.load %arg4[%get3A_6, %get3A_7] : memref<1x64xf32, #tpu.memory_space<vmem>>, vector<1x64xf32>
    %add3A = vector.broadcast %get3A_8 : vector<1x64xf32> to vector<10000x64xf32>
    %add3A_9 = arith.addf %dot_general3A_5, %add3A : vector<10000x64xf32>
    %max3A = arith.constant 0.000000e+00 : f32
    %max3A_10 = vector.broadcast %max3A : f32 to vector<10000x64xf32>
    %max3A_11 = arith.maximumf %add3A_9, %max3A_10 : vector<10000x64xf32>
    %get3A_12 = arith.constant 0 : index
    %get3A_13 = arith.constant 0 : index
    %get3A_14 = vector.load %arg5[%get3A_12, %get3A_13] : memref<1x64xf32, #tpu.memory_space<vmem>>, vector<1x64xf32>
    %get3A_15 = arith.constant 0 : index
    %get3A_16 = arith.constant 0 : index
    %get3A_17 = vector.load %arg6[%get3A_15, %get3A_16] : memref<1x64xf32, #tpu.memory_space<vmem>>, vector<1x64xf32>
    %reduce_sum3A = arith.constant dense<0.000000e+00> : vector<10000xf32>
    %reduce_sum3A_18 = vector.multi_reduction <add>, %max3A_11, %reduce_sum3A [1] : vector<10000x64xf32> to vector<10000xf32>
    %broadcast_in_dim3A = vector.shape_cast %reduce_sum3A_18 : vector<10000xf32> to vector<10000x1xf32>
    %div3A = arith.constant 6.400000e+01 : f32
    %div3A_19 = vector.broadcast %div3A : f32 to vector<10000x1xf32>
    %div3A_20 = arith.divf %broadcast_in_dim3A, %div3A_19 : vector<10000x1xf32>
    %jit3A = arith.constant 0 : i32
    %reduce_sum3A_21 = arith.constant dense<0.000000e+00> : vector<10000xf32>
    %reduce_sum3A_22 = vector.multi_reduction <add>, %max3A_11, %reduce_sum3A_21 [1] : vector<10000x64xf32> to vector<10000xf32>
    %broadcast_in_dim3A_23 = vector.shape_cast %reduce_sum3A_22 : vector<10000xf32> to vector<10000x1xf32>
    %div3A_24 = arith.constant 6.400000e+01 : f32
    %div3A_25 = vector.broadcast %div3A_24 : f32 to vector<10000x1xf32>
    %div3A_26 = arith.divf %broadcast_in_dim3A_23, %div3A_25 : vector<10000x1xf32>
    %sub3A = vector.broadcast %div3A_26 : vector<10000x1xf32> to vector<10000x64xf32>
    %sub3A_27 = arith.subf %max3A_11, %sub3A : vector<10000x64xf32>
    %square3A = arith.mulf %sub3A_27, %sub3A_27 : vector<10000x64xf32>
    %convert_element_type3A = arith.sitofp %jit3A : i32 to f32
    %sub3A_28 = arith.constant 6.400000e+01 : f32
    %sub3A_29 = arith.subf %sub3A_28, %convert_element_type3A : f32
    %reduce_sum3A_30 = arith.constant dense<0.000000e+00> : vector<10000xf32>
    %reduce_sum3A_31 = vector.multi_reduction <add>, %square3A, %reduce_sum3A_30 [1] : vector<10000x64xf32> to vector<10000xf32>
    %broadcast_in_dim3A_32 = vector.shape_cast %reduce_sum3A_31 : vector<10000xf32> to vector<10000x1xf32>
    %div3A_33 = vector.broadcast %sub3A_29 : f32 to vector<10000x1xf32>
    %div3A_34 = arith.divf %broadcast_in_dim3A_32, %div3A_33 : vector<10000x1xf32>
    %gt3A = arith.constant 0.000000e+00 : f32
    %gt3A_35 = arith.cmpf ogt, %sub3A_29, %gt3A : f32
    %jit3A_36 = arith.constant 0x7FC00000 : f32
    %broadcast_in_dim3A_37 = vector.broadcast %jit3A_36 : f32 to vector<10000x1xf32>
    %select_n3A = arith.select %gt3A_35, %div3A_34, %broadcast_in_dim3A_37 : vector<10000x1xf32>
    %sub3A_38 = vector.broadcast %div3A_20 : vector<10000x1xf32> to vector<10000x64xf32>
    %sub3A_39 = arith.subf %max3A_11, %sub3A_38 : vector<10000x64xf32>
    %add3A_40 = arith.constant 9.99999974E-6 : f32
    %add3A_41 = vector.broadcast %add3A_40 : f32 to vector<10000x1xf32>
    %add3A_42 = arith.addf %select_n3A, %add3A_41 : vector<10000x1xf32>
    %sqrt3A = math.sqrt %add3A_42 : vector<10000x1xf32>
    %div3A_43 = vector.broadcast %sqrt3A : vector<10000x1xf32> to vector<10000x64xf32>
    %div3A_44 = arith.divf %sub3A_39, %div3A_43 : vector<10000x64xf32>
    %mul3A = vector.broadcast %get3A_14 : vector<1x64xf32> to vector<10000x64xf32>
    %mul3A_45 = arith.mulf %div3A_44, %mul3A : vector<10000x64xf32>
    %add3A_46 = vector.broadcast %get3A_17 : vector<1x64xf32> to vector<10000x64xf32>
    %add3A_47 = arith.addf %mul3A_45, %add3A_46 : vector<10000x64xf32>
    %get3A_48 = arith.constant 0 : index
    %get3A_49 = arith.constant 0 : index
    %get3A_50 = vector.load %arg7[%get3A_48, %get3A_49] : memref<64x1xf32, #tpu.memory_space<vmem>>, vector<64x1xf32>
    %dot_general3A_51 = arith.constant dense<0.000000e+00> : vector<10000x1xf32>
    %dot_general3A_52 = tpu.matmul %add3A_47, %get3A_50, %dot_general3A_51 {dimension_numbers = #tpu.dot_dimension_numbers<[1], [0], [0], [1], [0, 0, 1, 1], [], []>, transpose_lhs_hint = false} : vector<10000x64xf32>, vector<64x1xf32>, vector<10000x1xf32> -> vector<10000x1xf32>
    %get3A_53 = arith.constant 0 : index
    %get3A_54 = arith.constant 0 : index
    %get3A_55 = vector.load %arg8[%get3A_53, %get3A_54] : memref<1x1xf32, #tpu.memory_space<vmem>>, vector<1x1xf32>
    %add3A_56 = vector.broadcast %get3A_55 : vector<1x1xf32> to vector<10000x1xf32>
    %add3A_57 = arith.addf %dot_general3A_52, %add3A_56 : vector<10000x1xf32>
    %iota3A = tpu.iota {dimensions = array<i32: 1>} : vector<10000x64xi32>
    %get3A_58 = arith.constant 0 : index
    %get3A_59 = arith.constant 0 : index
    %get3A_60 = vector.load %arg1[%get3A_58, %get3A_59] : memref<10000x1xi32, #tpu.memory_space<vmem>>, vector<10000x1xi32>
    %eq3A = vector.broadcast %get3A_60 : vector<10000x1xi32> to vector<10000x64xi32>
    %eq3A_61 = arith.cmpi eq, %iota3A, %eq3A : vector<10000x64xi32>
    %convert_element_type3A_62 = arith.extui %eq3A_61 : vector<10000x64xi1> to vector<10000x64xi32>
    %convert_element_type3A_63 = arith.sitofp %convert_element_type3A_62 : vector<10000x64xi32> to vector<10000x64xf32>
    %jit3A_64 = arith.constant 0xFF800000 : f32
    %broadcast_in_dim3A_65 = vector.shape_cast %add3A_57 : vector<10000x1xf32> to vector<10000x1xf32>
    %broadcast_in_dim3A_66 = vector.broadcast %broadcast_in_dim3A_65 : vector<10000x1xf32> to vector<10000x64xf32>
    %broadcast_in_dim3A_67 = vector.broadcast %jit3A_64 : f32 to vector<10000x64xf32>
    %select_n3A_68 = arith.select %eq3A_61, %broadcast_in_dim3A_66, %broadcast_in_dim3A_67 : vector<10000x64xi1>, vector<10000x64xf32>
    %reduce_max3A = arith.constant dense<0xFF800000> : vector<64xf32>
    %reduce_max3A_69 = vector.multi_reduction <maximumf>, %select_n3A_68, %reduce_max3A [0] : vector<10000x64xf32> to vector<64xf32>
    %broadcast_in_dim3A_70 = vector.shape_cast %reduce_max3A_69 : vector<64xf32> to vector<1x64xf32>
    %is_finite3A = tpu.weird %broadcast_in_dim3A_70 : vector<1x64xf32> -> vector<1x64xi1>
    %is_finite3A_71 = arith.constant dense<true> : vector<1x64xi1>
    %is_finite3A_72 = arith.xori %is_finite3A, %is_finite3A_71 : vector<1x64xi1>
    %jit3A_73 = arith.constant 0.000000e+00 : f32
    %broadcast_in_dim3A_74 = vector.broadcast %jit3A_73 : f32 to vector<1x64xf32>
    %select_n3A_75 = arith.select %is_finite3A_72, %broadcast_in_dim3A_70, %broadcast_in_dim3A_74 : vector<1x64xi1>, vector<1x64xf32>
    %mul3A_76 = vector.broadcast %select_n3A_75 : vector<1x64xf32> to vector<10000x64xf32>
    %mul3A_77 = arith.mulf %convert_element_type3A_63, %mul3A_76 : vector<10000x64xf32>
    %reduce_sum3A_78 = arith.constant dense<0.000000e+00> : vector<10000xf32>
    %reduce_sum3A_79 = vector.multi_reduction <add>, %mul3A_77, %reduce_sum3A_78 [1] : vector<10000x64xf32> to vector<10000xf32>
    %broadcast_in_dim3A_80 = vector.shape_cast %reduce_sum3A_79 : vector<10000xf32> to vector<10000x1xf32>
    %sub3A_81 = arith.subf %add3A_57, %broadcast_in_dim3A_80 : vector<10000x1xf32>
    %exp3A = math.exp %sub3A_81 : vector<10000x1xf32>
    %mul3A_82 = vector.broadcast %exp3A : vector<10000x1xf32> to vector<10000x64xf32>
    %mul3A_83 = arith.mulf %convert_element_type3A_63, %mul3A_82 : vector<10000x64xf32>
    %reduce_sum3A_84 = arith.constant dense<0.000000e+00> : vector<64xf32>
    %reduce_sum3A_85 = vector.multi_reduction <add>, %mul3A_83, %reduce_sum3A_84 [0] : vector<10000x64xf32> to vector<64xf32>
    %broadcast_in_dim3A_86 = vector.shape_cast %reduce_sum3A_85 : vector<64xf32> to vector<1x64xf32>
    %mul3A_87 = vector.broadcast %broadcast_in_dim3A_86 : vector<1x64xf32> to vector<10000x64xf32>
    %mul3A_88 = arith.mulf %convert_element_type3A_63, %mul3A_87 : vector<10000x64xf32>
    %reduce_sum3A_89 = arith.constant dense<0.000000e+00> : vector<10000xf32>
    %reduce_sum3A_90 = vector.multi_reduction <add>, %mul3A_88, %reduce_sum3A_89 [1] : vector<10000x64xf32> to vector<10000xf32>
    %broadcast_in_dim3A_91 = vector.shape_cast %reduce_sum3A_90 : vector<10000xf32> to vector<10000x1xf32>
    %add3A_92 = arith.constant 1.000000e-16 : f32
    %add3A_93 = vector.broadcast %add3A_92 : f32 to vector<10000x1xf32>
    %add3A_94 = arith.addf %broadcast_in_dim3A_91, %add3A_93 : vector<10000x1xf32>
    %div3A_95 = arith.divf %exp3A, %add3A_94 : vector<10000x1xf32>
    %mul3A_96 = vector.broadcast %div3A_95 : vector<10000x1xf32> to vector<10000x128xf32>
    %mul3A_97 = arith.mulf %mul3A_96, %get3A_1 : vector<10000x128xf32>
    %iota3A_98 = tpu.iota {dimensions = array<i32: 0>} : vector<64x10000xi32>
    %get3A_99 = arith.constant 0 : index
    %get3A_100 = arith.constant 0 : index
    %get3A_101 = vector.load %arg2[%get3A_99, %get3A_100] : memref<1x10000xi32, #tpu.memory_space<vmem>>, vector<1x10000xi32>
    %eq3A_102 = vector.broadcast %get3A_101 : vector<1x10000xi32> to vector<64x10000xi32>
    %eq3A_103 = arith.cmpi eq, %iota3A_98, %eq3A_102 : vector<64x10000xi32>
    %convert_element_type3A_104 = arith.extui %eq3A_103 : vector<64x10000xi1> to vector<64x10000xi32>
    %convert_element_type3A_105 = arith.sitofp %convert_element_type3A_104 : vector<64x10000xi32> to vector<64x10000xf32>
    %dot_general3A_106 = arith.constant dense<0.000000e+00> : vector<64x128xf32>
    %dot_general3A_107 = tpu.matmul %convert_element_type3A_105, %mul3A_97, %dot_general3A_106 {dimension_numbers = #tpu.dot_dimension_numbers<[1], [0], [0], [1], [0, 0, 1, 1], [], []>, transpose_lhs_hint = false} : vector<64x10000xf32>, vector<10000x128xf32>, vector<64x128xf32> -> vector<64x128xf32>
    %get3A_108 = arith.constant 0 : index
    %get3A_109 = arith.constant 0 : index
    %get3A_110 = vector.load %arg9[%get3A_108, %get3A_109] : memref<128x64xf32, #tpu.memory_space<vmem>>, vector<128x64xf32>
    %dot_general3A_111 = arith.constant dense<0.000000e+00> : vector<64x64xf32>
    %dot_general3A_112 = tpu.matmul %dot_general3A_107, %get3A_110, %dot_general3A_111 {dimension_numbers = #tpu.dot_dimension_numbers<[1], [0], [0], [1], [0, 0, 1, 1], [], []>, transpose_lhs_hint = false} : vector<64x128xf32>, vector<128x64xf32>, vector<64x64xf32> -> vector<64x64xf32>
    %get3A_113 = arith.constant 0 : index
    %get3A_114 = arith.constant 0 : index
    %get3A_115 = vector.load %arg10[%get3A_113, %get3A_114] : memref<1x64xf32, #tpu.memory_space<vmem>>, vector<1x64xf32>
    %add3A_116 = vector.broadcast %get3A_115 : vector<1x64xf32> to vector<64x64xf32>
    %add3A_117 = arith.addf %dot_general3A_112, %add3A_116 : vector<64x64xf32>
    %max3A_118 = arith.constant 0.000000e+00 : f32
    %max3A_119 = vector.broadcast %max3A_118 : f32 to vector<64x64xf32>
    %max3A_120 = arith.maximumf %add3A_117, %max3A_119 : vector<64x64xf32>
    %get3A_121 = arith.constant 0 : index
    %get3A_122 = arith.constant 0 : index
    %get3A_123 = vector.load %arg11[%get3A_121, %get3A_122] : memref<1x64xf32, #tpu.memory_space<vmem>>, vector<1x64xf32>
    %get3A_124 = arith.constant 0 : index
    %get3A_125 = arith.constant 0 : index
    %get3A_126 = vector.load %arg12[%get3A_124, %get3A_125] : memref<1x64xf32, #tpu.memory_space<vmem>>, vector<1x64xf32>
    %reduce_sum3A_127 = arith.constant dense<0.000000e+00> : vector<64xf32>
    %reduce_sum3A_128 = vector.multi_reduction <add>, %max3A_120, %reduce_sum3A_127 [1] : vector<64x64xf32> to vector<64xf32>
    %broadcast_in_dim3A_129 = vector.shape_cast %reduce_sum3A_128 : vector<64xf32> to vector<64x1xf32>
    %div3A_130 = arith.constant 6.400000e+01 : f32
    %div3A_131 = vector.broadcast %div3A_130 : f32 to vector<64x1xf32>
    %div3A_132 = arith.divf %broadcast_in_dim3A_129, %div3A_131 : vector<64x1xf32>
    %jit3A_133 = arith.constant 0 : i32
    %reduce_sum3A_134 = arith.constant dense<0.000000e+00> : vector<64xf32>
    %reduce_sum3A_135 = vector.multi_reduction <add>, %max3A_120, %reduce_sum3A_134 [1] : vector<64x64xf32> to vector<64xf32>
    %broadcast_in_dim3A_136 = vector.shape_cast %reduce_sum3A_135 : vector<64xf32> to vector<64x1xf32>
    %div3A_137 = arith.constant 6.400000e+01 : f32
    %div3A_138 = vector.broadcast %div3A_137 : f32 to vector<64x1xf32>
    %div3A_139 = arith.divf %broadcast_in_dim3A_136, %div3A_138 : vector<64x1xf32>
    %sub3A_140 = vector.broadcast %div3A_139 : vector<64x1xf32> to vector<64x64xf32>
    %sub3A_141 = arith.subf %max3A_120, %sub3A_140 : vector<64x64xf32>
    %square3A_142 = arith.mulf %sub3A_141, %sub3A_141 : vector<64x64xf32>
    %convert_element_type3A_143 = arith.sitofp %jit3A_133 : i32 to f32
    %sub3A_144 = arith.constant 6.400000e+01 : f32
    %sub3A_145 = arith.subf %sub3A_144, %convert_element_type3A_143 : f32
    %reduce_sum3A_146 = arith.constant dense<0.000000e+00> : vector<64xf32>
    %reduce_sum3A_147 = vector.multi_reduction <add>, %square3A_142, %reduce_sum3A_146 [1] : vector<64x64xf32> to vector<64xf32>
    %broadcast_in_dim3A_148 = vector.shape_cast %reduce_sum3A_147 : vector<64xf32> to vector<64x1xf32>
    %div3A_149 = vector.broadcast %sub3A_145 : f32 to vector<64x1xf32>
    %div3A_150 = arith.divf %broadcast_in_dim3A_148, %div3A_149 : vector<64x1xf32>
    %gt3A_151 = arith.constant 0.000000e+00 : f32
    %gt3A_152 = arith.cmpf ogt, %sub3A_145, %gt3A_151 : f32
    %jit3A_153 = arith.constant 0x7FC00000 : f32
    %broadcast_in_dim3A_154 = vector.broadcast %jit3A_153 : f32 to vector<64x1xf32>
    %select_n3A_155 = arith.select %gt3A_152, %div3A_150, %broadcast_in_dim3A_154 : vector<64x1xf32>
    %sub3A_156 = vector.broadcast %div3A_132 : vector<64x1xf32> to vector<64x64xf32>
    %sub3A_157 = arith.subf %max3A_120, %sub3A_156 : vector<64x64xf32>
    %add3A_158 = arith.constant 9.99999974E-6 : f32
    %add3A_159 = vector.broadcast %add3A_158 : f32 to vector<64x1xf32>
    %add3A_160 = arith.addf %select_n3A_155, %add3A_159 : vector<64x1xf32>
    %sqrt3A_161 = math.sqrt %add3A_160 : vector<64x1xf32>
    %div3A_162 = vector.broadcast %sqrt3A_161 : vector<64x1xf32> to vector<64x64xf32>
    %div3A_163 = arith.divf %sub3A_157, %div3A_162 : vector<64x64xf32>
    %mul3A_164 = vector.broadcast %get3A_123 : vector<1x64xf32> to vector<64x64xf32>
    %mul3A_165 = arith.mulf %div3A_163, %mul3A_164 : vector<64x64xf32>
    %add3A_166 = vector.broadcast %get3A_126 : vector<1x64xf32> to vector<64x64xf32>
    %add3A_167 = arith.addf %mul3A_165, %add3A_166 : vector<64x64xf32>
    %get3A_168 = arith.constant 0 : index
    %get3A_169 = arith.constant 0 : index
    %get3A_170 = vector.load %arg13[%get3A_168, %get3A_169] : memref<64x1xf32, #tpu.memory_space<vmem>>, vector<64x1xf32>
    %dot_general3A_171 = arith.constant dense<0.000000e+00> : vector<64x1xf32>
    %dot_general3A_172 = tpu.matmul %add3A_167, %get3A_170, %dot_general3A_171 {dimension_numbers = #tpu.dot_dimension_numbers<[1], [0], [0], [1], [0, 0, 1, 1], [], []>, transpose_lhs_hint = false} : vector<64x64xf32>, vector<64x1xf32>, vector<64x1xf32> -> vector<64x1xf32>
    %get3A_173 = arith.constant 0 : index
    %get3A_174 = arith.constant 0 : index
    %get3A_175 = vector.load %arg14[%get3A_173, %get3A_174] : memref<1x1xf32, #tpu.memory_space<vmem>>, vector<1x1xf32>
    %add3A_176 = vector.broadcast %get3A_175 : vector<1x1xf32> to vector<64x1xf32>
    %add3A_177 = arith.addf %dot_general3A_172, %add3A_176 : vector<64x1xf32>
    %swap3A = arith.constant 0 : index
    %swap3A_178 = arith.constant 0 : index
    %swap3A_179 = vector.load %arg15[%swap3A, %swap3A_178] : memref<64x1xf32, #tpu.memory_space<vmem>>, vector<64x1xf32>
    tpu.vector_store %arg15[%swap3A, %swap3A_178], %add3A_177 {strides = array<i32>} : memref<64x1xf32, #tpu.memory_space<vmem>>, vector<64x1xf32>,
    return
  }
}

</mosaic_0001>

<sc_bundles>
// kernel: kernel.11.cloned.1.call-start
scs
__scs_entry_jumppad:
0x0: {  	(pc) =	sbr.rel $0x88, $3  }
0x1: {  	(tag) =	ssettag $0x0;
	lr =	simm.s32 $0x1  }
0x2: {  	[smem:$0x3F80] =	sst lr;
	_ =	strace $0xD0000000  }
0x3: {  	_ = 	snop  }
0x4: {  	_ = 	snop  }
0x5: {  	_ = 	snop  }
0x6: {  	_ = 	snop  }
0x7: {  	_ = 	snop  }
__scs_overlays_trampoline_lowered:
0x8: {  	[smem:$0x3F8F] =	sst s0  }
0x9: {  	[smem:$0x3F90] =	sst s1  }
0xa: {  	[smem:$0x3F91] =	sst s2  }
0xb: {  	[smem:$0x3F92] =	sst s3  }
0xc: {  	[smem:$0x3F93] =	sst s4  }
0xd: {  	[smem:$0x3F94] =	sst s5  }
0xe: {  	[smem:$0x3F95] =	sst s6  }
0xf: {  	[smem:$0x3F96] =	sst s7  }
0x10: {  	[smem:$0x3F97] =	sst s8  }
0x11: {  	[smem:$0x3F98] =	sst s9;
	s0 =	simm.s32 @!p0 $0x0  }
0x12: {  	s1 =	sld [smem:$0x3F7E];
	s0 =	simm.s32 @p0 $0x1  }
0x13: {  	[smem:$0x3F99] =	sst s0;
	s0 =	simm.s32 @!p1 $0x0  }
0x14: {  	s2 =	sld [smem:$0x3F7D];
	s0 =	simm.s32 @p1 $0x1  }
0x15: {  	[smem:$0x3F9A] =	sst s0;
	s0 =	simm.s32 @!p2 $0x0  }
0x16: {  	s3 =	sld [smem:$0x3FDB];
	s0 =	simm.s32 @p2 $0x1  }
0x17: {  	s4 =	simm.s32 $0x1BF5;
	[smem:$0x3F9C] =	sst s0  }
0x18: {  	s0 =	sld [smem:$0x3F7F];
	_ =	swait.ge [sflag:s4], $0x0  }
0x19: {  	s7 =	sld [smem:$0x3F80]  }
0x1a: {  	s8 =	sadd.s32 $0xFFFFE003, lr  }
0x1b: {  	s9 =	sadd.s32 $0xFFFFFEF7, lr;
	s5 =	simm.s32 $0xFFFFFFFF;
	p2 =	slt.u32 s8, $0xFFFFF086  }
0x1c: {  	p1 =	slt.u32 s9, $0xF7A;
	s5 =	simm.s32 @!p2 $0x0  }
0x1d: {  	s5 =	simm.s32 @p1 $0x1;
	p0 =	seq.s32 s7, s2  }
0x1e: {  	s7 =	smul.u32 @!p0 $0xF7A, s2;
	p2 =	seq.s32 @!p0 s5, $0x0  }
0x1f: {  	s9 =	smul.u32 $0xF7A, s1;
	s8 =	simm.s32 @!p0 $0x1BF5;
	p2 =	por !p2, p0  }
0x20: {  	[sflag:s8] =	ssyncset.s32 @!p0 $0xFFFFF086;
	s6 =	sadd.s32 @!p0 s3, s7;
	s7 =	simm.s32 @!p0 $0x108  }
0x21: {  	s3 =	sadd.s32 s3, s9;
	s6 =	sadd.s32 @!p0 $0x88, s6;
	s7 =	simm.s32 @p2 $0x1082  }
0x22: {  	[simem:s7], [sflag:s8] =	dma.local @!p0 [hbm:s6], $0xF7A  }
0x23: {  	s9 =	sor.u32 $0xD0000000, s2;
	s6 =	simm.s32 $0x108;
	_ =	swait.ge @!p0 [sflag:s8], $0x0  }
0x24: {  	s3 =	sadd.s32 $0x88, s3;
	s6 =	simm.s32 @!p1 $0x1082;
	[sflag:s4] =	ssyncset.s32 $0xFFFFF086  }
0x25: {  	[simem:s6], [sflag:s4] =	dma.local [hbm:s3], $0xF7A  }
0x26: {  	[smem:$0x3F80] =	sst s1;
	(tag) =	ssettag s2;
	_ =	strace s9  }
0x27: {  	s1 =	sld [smem:$0x3F90]  }
0x28: {  	s2 =	sld [smem:$0x3F91]  }
0x29: {  	s4 =	sld [smem:$0x3F93]  }
0x2a: {  	p0 =	seq.s32 s5, $0x0;
	s5 =	sld [smem:$0x3F94]  }
0x2b: {  	s6 =	sld [smem:$0x3F95]  }
0x2c: {  	s7 =	sld [smem:$0x3F96]  }
0x2d: {  	s3 =	simm.s32 $0x108;
	s8 =	sld [smem:$0x3F97]  }
0x2e: {  	s3 =	simm.s32 @!p0 $0x1082;
	s9 =	sld [smem:$0x3F98]  }
0x2f: {  	lr =	sadd.s32 s0, s3;
	s0 =	sld [smem:$0x3F8F]  }
0x30: {  	s3 =	sld [smem:$0x3F92]  }
0x31: {  	[smem:$0x3F9B] =	sst s10  }
0x32: {  	s10 =	sld [smem:$0x3F99];
	_ =	sdelay $0x3  }
0x33: {  	p0 =	seq.s32 s10, $0x1;
	s10 =	sld [smem:$0x3F9B];
	_ =	sdelay $0x3  }
0x34: {  	[smem:$0x3F9B] =	sst s10  }
0x35: {  	s10 =	sld [smem:$0x3F9A];
	_ =	sdelay $0x3  }
0x36: {  	p1 =	seq.s32 s10, $0x1;
	s10 =	sld [smem:$0x3F9B];
	_ =	sdelay $0x3  }
0x37: {  	[smem:$0x3F9B] =	sst s10  }
0x38: {  	s10 =	sld [smem:$0x3F9C]  }
0x39: {  	_ = 	snop;
	(pc) =	sbr.ind lr, $3  }
0x3a: {  	_ = 	snop  }
0x3b: {  	_ = 	snop  }
0x3c: {  	p2 =	seq.s32 s10, $0x1;
	s10 =	sld [smem:$0x3F9B]  }
0x3d: {  	_ =	shalt  }
0x3e: {  	_ =	shalt  }
0x3f: {  	_ =	shalt  }
0x40: {  	_ =	shalt  }
0x41: {  	_ =	shalt  }
0x42: {  	_ =	shalt  }
0x43: {  	_ =	shalt  }
0x44: {  	_ =	shalt  }
0x45: {  	_ =	shalt  }
0x46: {  	_ =	shalt  }
0x47: {  	_ =	shalt  }
0x48: {  	_ =	shalt  }
0x49: {  	_ =	shalt  }
0x4a: {  	_ =	shalt  }
0x4b: {  	_ =	shalt  }
0x4c: {  	_ =	shalt  }
0x4d: {  	_ =	shalt  }
0x4e: {  	_ =	shalt  }
0x4f: {  	_ =	shalt  }
0x50: {  	_ =	shalt  }
0x51: {  	_ =	shalt  }
0x52: {  	_ =	shalt  }
0x53: {  	_ =	shalt  }
0x54: {  	_ =	shalt  }
0x55: {  	_ =	shalt  }
0x56: {  	_ =	shalt  }
0x57: {  	_ =	shalt  }
0x58: {  	_ =	shalt  }
0x59: {  	_ =	shalt  }
0x5a: {  	_ =	shalt  }
0x5b: {  	_ =	shalt  }
0x5c: {  	_ =	shalt  }
0x5d: {  	_ =	shalt  }
0x5e: {  	_ =	shalt  }
0x5f: {  	_ =	shalt  }
0x60: {  	_ =	shalt  }
0x61: {  	_ =	shalt  }
0x62: {  	_ =	shalt  }
0x63: {  	_ =	shalt  }
0x64: {  	_ =	shalt  }
0x65: {  	_ =	shalt  }
0x66: {  	_ =	shalt  }
0x67: {  	_ =	shalt  }
0x68: {  	_ =	shalt  }
0x69: {  	_ =	shalt  }
0x6a: {  	_ =	shalt  }
0x6b: {  	_ =	shalt  }
0x6c: {  	_ =	shalt  }
0x6d: {  	_ =	shalt  }
0x6e: {  	_ =	shalt  }
0x6f: {  	_ =	shalt  }
0x70: {  	_ =	shalt  }
0x71: {  	_ =	shalt  }
0x72: {  	_ =	shalt  }
0x73: {  	_ =	shalt  }
0x74: {  	_ =	shalt  }
0x75: {  	_ =	shalt  }
0x76: {  	_ =	shalt  }
0x77: {  	_ =	shalt  }
0x78: {  	_ =	shalt  }
0x79: {  	_ =	shalt  }
0x7a: {  	_ =	shalt  }
0x7b: {  	_ =	shalt  }
0x7c: {  	_ =	shalt  }
0x7d: {  	_ =	shalt  }
0x7e: {  	_ =	shalt  }
0x7f: {  	_ =	shalt  }
0x80: {  	_ =	shalt  }
0x81: {  	_ =	shalt  }
0x82: {  	_ =	shalt  }
0x83: {  	_ =	shalt  }
0x84: {  	_ =	shalt  }
0x85: {  	_ =	shalt  }
0x86: {  	_ =	shalt  }
0x87: {  	_ =	shalt  }
.Lfunc_end0:
.L_simem_size_0:
called_computation_lowered:
.L_overlay_start_0:
0x88: {  	s2 =	sld [smem:$0x3FD9]  }
0x89: {  	s3 =	sld [smem:$0x3FFE];
	_ =	sdelay $0x1  }
0x8a: {  	s1 =	srdreg.scid  }
0x8b: {  	s0 =	sand.u32 $0x1, s1  }
0x8c: {  	s16 =	sshll.u32 s0, $0xA;
	s2 =	sadd.s32 s3, s2  }
0x8d: {  	s2 =	sadd.s32 s2, s16  }
0x8e: {  	[smem:$0x3FA7] =	sst s2  }
0x8f: {  	_ = 	snop  }
0x90: {  	(tm) =	ssettm $0x1  }
0x91: {  	s17 =	sld [smem:$0x3FFB];
	_ =	sdelay $0x3  }
0x92: {  	_ =	strace s17  }
0x93: {  	s2 =	sld [smem:$0x3FFC];
	_ =	sdelay $0x3  }
0x94: {  	_ =	strace s2  }
0x95: {  	s2 =	sld [smem:$0x3FFD];
	_ =	sdelay $0x3  }
0x96: {  	_ =	strace s2  }
0x97: {  	_ =	strace $0x8FFFFFFF  }
0x98: {  	s18 =	sld [smem:$0x3FDB];
	_ =	sdelay $0x1  }
0x99: {  	s19 =	simm.s32 $_scs_section_size  }
0x9a: {  	s4 =	simm.s32 $_size__tile_overlayer_lowered;
	s5 =	simm.s32 $_tile_overlayer_lowered  }
0x9b: {  	s22 =	simm.s32 $0x1BFF;
	s21 =	sshll.u32 s5, $0x1;
	s2 =	sadd.s32 s19, s18  }
0x9c: {  	s6 =	simm.s32 $0x0;
	s20 =	sshll.u32 s4, $0x1;
	s4 =	sadd.s32 s21, s2  }
0x9d: {  	[timem:s6], [sflag:s22] =	dma.local [hbm:s4], s20  }
0x9e: {  	_ =	swait.ge [sflag:s22], s20  }
0x9f: {  	s3 =	ssub.s32 $0x0, s20;
	[sflag:s22] =	ssyncset.done $0x0  }
0xa0: {  	[sflag:s22] =	ssyncadd.s32 s3;
	_ =	sdelay $0x1  }
0xa1: {  	s23 =	simm.s32 $0x1B8B  }
0xa2: {  	_ =	swait.ge [sflag:s23], $0x1  }
0xa3: {  	[sflag:s23] =	ssyncset.done $0x0  }
0xa4: {  	s25 =	simm.s32 $0x1B8E;
	s24 =	sld [smem:$0x3FFE];
	[sflag:s23] =	ssyncadd.s32 $0xFFFFFFFF  }
0xa5: {  	s26 =	simm.s32 $execute0_lowered;
	[smem:$0x3FD2] =	sst s25  }
0xa6: {  	s4 =	sshll.u32 s26, $0x1;
	_ =	strace $0x80000046;
	[dreg:$0x1] =	wrdreg $0xFFFFFFFF  }
0xa7: {  	s28 =	simm.s32 $_size_execute0_lowered;
	s2 =	sadd.s32 s2, s4;
	[dreg:$0x0] =	wrdreg $0x0  }
0xa8: {  	s4 =	sshll.u32 s28, $0x1;
	[dreg:$0x2] =	wrdreg s2  }
0xa9: {  	[dreg:$0x3] =	wrdreg s4  }
0xaa: {  	[dreg:$0x4] =	wrdreg $0xC0  }
0xab: {  	_ =	task [dreg:s6], $0x5FFFF  }
0xac: {  	[dreg:$0x1] =	wrdreg $0xFFFFFFFF  }
0xad: {  	[dreg:$0x0] =	wrdreg $0x60  }
0xae: {  	[dreg:$0x2] =	wrdreg s24  }
0xaf: {  	[dreg:$0x3] =	wrdreg $0x91000  }
0xb0: {  	[dreg:$0x4] =	wrdreg $0x9  }
0xb1: {  	_ =	task.clear_ibuf [dreg:s6], $0x5FFFF;
	_ =	strace $0x90000046  }
0xb2: {  	s29 =	simm.s32 $0x9;
	_ =	strace $0x80000048  }
0xb3: {  	_ =	swait.ge [sflag:s29], $0x1  }
0xb4: {  	[sflag:s29] =	ssyncadd.s32 $0xFFFFFFFF  }
0xb5: {  	_ =	strace $0x90000048  }
0xb6: {  	_ =	sfence  }
0xb7: {  	s30 =	sld [smem:$0x0];
	_ =	sdelay $0x2  }
0xb8: {  	s31 =	sshll.u32 s1, $0xD;
	s1 =	sshrl.u32 s1, $0x2  }
0xb9: {  	s3 =	sand.u32 $0x4000, s31;
	s1 =	sadd.s32 s1, s30  }
0xba: {  	s0 =	sor.u32 s3, s0;
	s1 =	sshll.u32 s1, $0x11  }
0xbb: {  	s0 =	sor.u32 s1, s0  }
0xbc: {  	s0 =	sadd.s32 $0x8F2B, s0  }
0xbd: {  	[sflag:s0] =	ssyncadd.remote.s32 $0x1  }
0xbe: {  	_ =	sfence.sel $0xFFFF  }
0xbf: {  	[dreg:$0x0] =	wrdreg $0xFFFFFFFF;
	(pc) =	sbr.abs _section_cstart, $3  }
0xc0: {  	[dreg:$0x1] =	wrdreg $0xFFFFFFFF  }
0xc1: {  	_ =	task.clear_ibuf [dreg:s6], $0x2FFFF;
	_ =	strace $0x9FFFFFFF  }
0xc2: {  	(tm) =	ssettm $0x7FFFFFFF  }
0xc3: {  	_ =	shalt  }
tec
execute0_lowered:
.L_overlay_start_1:
0x0: {  	(tag) =	ssettag $0x1  }
0x1: {  	s0 =	rddreg [dreg:$0x0]  }
0x2: {  	s1 =	rddreg [dreg:$0x1];
	s10 =	stileid.u32  }
0x3: {  	s2 =	srdreg.scid;
	s3 =	simm.s32 $0x0;
	s7 =	smul.u32 $0x14000, s10  }
0x4: {  	s2 =	sand.u32 $0x1, s2;
	s8 =	smul.u32 $0x50000, s10;
	s10 =	sshll.u32 s10, $0x1  }
0x5: {  	s6 =	smul.u32 $0x140000, s2;
	s9 =	ssub.s32 $0x2, s2;
	s2 =	sor.u32 s2, s10  }
0x6: {  	[smem:$0x7FF] =	sst s3;
	s4 =	sadd.s32 $0x7A00, s0;
	s12 =	smul.u32 $0xA000, s2  }
0x7: {  	s5 =	sadd.s32 $0xA11A00, s0;
	s8 =	sshrl.u32 s8, $0x2;
	s7 =	sadd.s32 s7, s6  }
0x8: {  	s6 =	sadd.s32 $0x2FA00, s0;
	s7 =	sshrl.u32 s7, $0x3;
	s26 =	sshrl.u32 s12, $0x3  }
0x9: {  	s0 =	sadd.s32 s7, s0;
	s7 =	sadd.s32 s8, s1;
	s10 =	sadd.s32 s4, s26  }
0xa: {  	_ =	strace $0x80000047;
	s8 =	sadd.s32 $0x2000, s7;
	[dreg:$0xc] =	wrdreg s10  }
0xb: {  	s28 =	simm.s32 $0x40;
	s18 =	sadd.s32 $0x4000, s7;
	[dreg:$0x3] =	wrdreg s8  }
0xc: {  	s29 =	simm.s32 $0x1;
	s19 =	sadd.s32 $0x6000, s7;
	[dreg:$0x4] =	wrdreg s18  }
0xd: {  	s30 =	simm.s32 $0x3;
	s20 =	sadd.s32 $0x8000, s7;
	[dreg:$0x5] =	wrdreg s19  }
0xe: {  	s31 =	simm.s32 $0x3100;
	s21 =	sadd.s32 $0xA000, s7;
	[dreg:$0x6] =	wrdreg s20  }
0xf: {  	s17 =	sshrl.u32 s9, $0x1;
	s22 =	sadd.s32 $0xC000, s7;
	[dreg:$0x7] =	wrdreg s21  }
0x10: {  	s23 =	smul.u32 $0x28000, s2;
	s24 =	sadd.s32 $0xE000, s7;
	[dreg:$0x8] =	wrdreg s22  }
0x11: {  	s9 =	ssub.s32 s9, s17;
	s25 =	sadd.s32 $0x10000, s7;
	[dreg:$0x9] =	wrdreg s24  }
0x12: {  	s26 =	simm.s32 $0x1000;
	s11 =	sadd.s32 $0x12000, s7;
	[dreg:$0xa] =	wrdreg s25  }
0x13: {  	s0 =	sadd.s32 $0x56C00, s0;
	s10 =	simm.s32 $0x5;
	[dreg:$0xb] =	wrdreg s11  }
0x14: {  	s19 =	sadd.s32 s5, s23;
	s20 =	smul.u32 $0x140000, s2;
	[dreg:$0xd] =	wrdreg s0  }
0x15: {  	s22 =	smax.u32 s9, $0x1;
	s24 =	simm.s32 $0x5100;
	s25 =	simm.s32 $0x7  }
0x16: {  	s0 =	simm.s32 $0x7100;
	s2 =	simm.s32 $0x2;
	s8 =	simm.s32 $0x4  }
0x17: {  	v0 =	vimm.f32 $0.0e+00;
	s9 =	simm.s32 $0x1080;
	s11 =	simm.s32 $0x6;
	s23 =	sadd.s32 $0x400, s19  }
.LBB2_1:
0x18: {  	s13 =	simm.s32 $0x0;
	s14 =	simm.s32 $0x200  }
.LBB2_2:
0x19: {  	p0 =	sne.s32 s14, $0x7E00;
	[tilespmem:s13+$0x5170] =	vst v0  }
0x1a: {  	[tilespmem:s13+$0x5100] =	vst v0  }
0x1b: {  	[tilespmem:s13+$0x5110] =	vst v0  }
.Ltmp0:
0x1c: {  	[tilespmem:s13+$0x5120] =	vst v0;
	(pc) =	sbr.rel @p0 .LBB2_2-.Ltmp0, $4  }
0x1d: {  	[tilespmem:s13+$0x5130] =	vst v0  }
0x1e: {  	[tilespmem:s13+$0x5140] =	vst v0  }
0x1f: {  	[tilespmem:s13+$0x5150] =	vst v0  }
0x20: {  	[tilespmem:s13+$0x5160] =	vst v0;
	s13 =	sshra.s32 s14, $0x2;
	s14 =	sadd.s32 $0x200, s14  }
0x21: {  	[tilespmem:s13+$0x5170] =	vst v0  }
0x22: {  	[tilespmem:s13+$0x5100] =	vst v0  }
0x23: {  	[tilespmem:s13+$0x5110] =	vst v0  }
0x24: {  	[tilespmem:s13+$0x5120] =	vst v0  }
0x25: {  	[tilespmem:s13+$0x5130] =	vst v0  }
0x26: {  	[tilespmem:s13+$0x5140] =	vst v0  }
0x27: {  	[tilespmem:s13+$0x5150] =	vst v0  }
0x28: {  	[tilespmem:s13+$0x5160] =	vst v0  }
0x29: {  	[spmem:s7] =	stream.linear.scatter [tilespmem:s24], [sflag:$0x7], $0x2000, $0x38;
	[tilespmem:$0x1D100] =	vst v63  }
0x2a: {  	_ =	swait.ge [sflag:s25], $0x2000  }
0x2b: {  	[sflag:s25] =	ssyncset.done $0x0  }
0x2c: {  	s16 =	rddreg [dreg:$0x3];
	[sflag:s25] =	ssyncadd.s32 $0xFFFFE000  }
0x2d: {  	[spmem:s16] =	stream.linear.scatter [tilespmem:s24], [sflag:$0x7], $0x2000, $0x38;
	[tilespmem:$0x1D100] =	vst v63  }
0x2e: {  	_ =	swait.ge [sflag:s25], $0x2000  }
0x2f: {  	[sflag:s25] =	ssyncset.done $0x0  }
0x30: {  	s17 =	rddreg [dreg:$0x4];
	[sflag:s25] =	ssyncadd.s32 $0xFFFFE000  }
0x31: {  	[spmem:s17] =	stream.linear.scatter [tilespmem:s24], [sflag:$0x7], $0x2000, $0x38;
	[tilespmem:$0x1D100] =	vst v63  }
0x32: {  	_ =	swait.ge [sflag:s25], $0x2000  }
0x33: {  	[sflag:s25] =	ssyncset.done $0x0  }
0x34: {  	s18 =	rddreg [dreg:$0x5];
	[sflag:s25] =	ssyncadd.s32 $0xFFFFE000  }
0x35: {  	[spmem:s18] =	stream.linear.scatter [tilespmem:s24], [sflag:$0x7], $0x2000, $0x38;
	[tilespmem:$0x1D100] =	vst v63  }
0x36: {  	_ =	swait.ge [sflag:s25], $0x2000  }
0x37: {  	[sflag:s25] =	ssyncset.done $0x0  }
0x38: {  	s21 =	rddreg [dreg:$0x6];
	[sflag:s25] =	ssyncadd.s32 $0xFFFFE000  }
0x39: {  	[spmem:s21] =	stream.linear.scatter [tilespmem:s24], [sflag:$0x7], $0x2000, $0x38;
	[tilespmem:$0x1D100] =	vst v63  }
0x3a: {  	_ =	swait.ge [sflag:s25], $0x2000  }
0x3b: {  	[sflag:s25] =	ssyncset.done $0x0  }
0x3c: {  	s14 =	rddreg [dreg:$0x7];
	[sflag:s25] =	ssyncadd.s32 $0xFFFFE000  }
0x3d: {  	[spmem:s14] =	stream.linear.scatter [tilespmem:s24], [sflag:$0x7], $0x2000, $0x38;
	[tilespmem:$0x1D100] =	vst v63  }
0x3e: {  	_ =	swait.ge [sflag:s25], $0x2000  }
0x3f: {  	[sflag:s25] =	ssyncset.done $0x0  }
0x40: {  	s15 =	rddreg [dreg:$0x8];
	[sflag:s25] =	ssyncadd.s32 $0xFFFFE000  }
0x41: {  	[spmem:s15] =	stream.linear.scatter [tilespmem:s24], [sflag:$0x7], $0x2000, $0x38;
	[tilespmem:$0x1D100] =	vst v63  }
0x42: {  	_ =	swait.ge [sflag:s25], $0x2000  }
0x43: {  	[sflag:s25] =	ssyncset.done $0x0  }
0x44: {  	s16 =	rddreg [dreg:$0x9];
	[sflag:s25] =	ssyncadd.s32 $0xFFFFE000  }
0x45: {  	[spmem:s16] =	stream.linear.scatter [tilespmem:s24], [sflag:$0x7], $0x2000, $0x38;
	[tilespmem:$0x1D100] =	vst v63  }
0x46: {  	_ =	swait.ge [sflag:s25], $0x2000  }
0x47: {  	[sflag:s25] =	ssyncset.done $0x0  }
0x48: {  	s17 =	rddreg [dreg:$0xa];
	[sflag:s25] =	ssyncadd.s32 $0xFFFFE000  }
0x49: {  	[spmem:s17] =	stream.linear.scatter [tilespmem:s24], [sflag:$0x7], $0x2000, $0x38;
	[tilespmem:$0x1D100] =	vst v63  }
0x4a: {  	_ =	swait.ge [sflag:s25], $0x2000  }
0x4b: {  	[sflag:s25] =	ssyncset.done $0x0  }
0x4c: {  	s18 =	rddreg [dreg:$0xb];
	[sflag:s25] =	ssyncadd.s32 $0xFFFFE000  }
0x4d: {  	[spmem:s18] =	stream.linear.scatter [tilespmem:s24], [sflag:$0x7], $0x2000, $0x38;
	[tilespmem:$0x1D100] =	vst v63  }
0x4e: {  	_ =	swait.ge [sflag:s25], $0x2000  }
0x4f: {  	[sflag:s25] =	ssyncset.done $0x0  }
0x50: {  	[sflag:s25] =	ssyncadd.s32 $0xFFFFE000  }
0x51: {  	[bflag:$0x0] =	sbarrier.arrive $0xFFFF  }
0x52: {  	s13 =	simm.s32 $0x0;
	s14 =	rddreg [dreg:$0xc]  }
0x53: {  	[tilespmem:s13], [sflag:$0x7] =	stream.linear.gather [hbm4b:s14+s13], $0x1000, $0x38;
	[tilespmem:$0x1D100] =	vst v63  }
0x54: {  	_ =	swait.ge [sflag:s25], $0x1000  }
0x55: {  	[sflag:s25] =	ssyncset.done $0x0  }
0x56: {  	s21 =	simm.s32 $0x1100;
	[sflag:s25] =	ssyncadd.s32 $0xFFFFF000  }
0x57: {  	[tilespmem:s21], [sflag:$0x1] =	stream.linear.gather [hbm4b:s19+s13], $0x2000, $0x38;
	[tilespmem:$0x1D100] =	vst v63  }
0x58: {  	s14 =	simm.s32 $0x0  }
0x59: {  	[tilespmem:s24], [sflag:$0x3] =	stream.indirect.gather [hbm4b:s6+s28], $0x80, s13, s28, $0xb8;
	[tilespmem:$0x1D100] =	vst v63  }
.LBB2_4:
0x5a: {  	_ =	swait.ge [sflag:s29], $0x2000  }
0x5b: {  	[sflag:s29] =	ssyncset.done $0x0  }
0x5c: {  	[sflag:s29] =	ssyncadd.s32 $0xFFFFE000  }
0x5d: {  	_ =	swait.ge [sflag:s30], $0x2000  }
0x5e: {  	s15 =	sshll.u32 s14, $0x9;
	[sflag:s30] =	ssyncset.done $0x0  }
0x5f: {  	s15 =	sand.u32 $0xE00, s15;
	[sflag:s30] =	ssyncadd.s32 $0xFFFFE000  }
0x60: {  	v1 =	vld [tilespmem:s15+$0x80];
	_ =	sdelay $0x4  }
0x61: {  	[tilespmem:$0x1000] =	vst v1  }
0x62: {  	v1 =	vld [tilespmem:s15+$0x90];
	_ =	sdelay $0x4  }
0x63: {  	[tilespmem:$0x1010] =	vst v1  }
0x64: {  	v1 =	vld [tilespmem:s15+$0xA0];
	_ =	sdelay $0x4  }
0x65: {  	[tilespmem:$0x1020] =	vst v1  }
0x66: {  	v1 =	vld [tilespmem:s15+$0xB0];
	_ =	sdelay $0x3  }
0x67: {  	p0 =	seq.s32 s14, $0x0  }
0x68: {  	s16 =	simm.s32 @!p0 $0x6;
	[tilespmem:$0x1030] =	vst v1  }
0x69: {  	_ =	swait.ge @!p0 [sflag:s16], $0x2000  }
0x6a: {  	s17 =	sshll.u32 s14, $0xB;
	[sflag:s16] =	ssyncset.done @!p0 $0x0  }
0x6b: {  	s18 =	sadd.s32 s23, s17;
	[sflag:s16] =	ssyncadd.s32 @!p0 $0xFFFFE000  }
0x6c: {  	[tilespmem:s31], [sflag:$0x2] =	stream.linear.gather [hbm4b:s18+s13], $0x2000, $0x38;
	[tilespmem:$0x1D100] =	vst v63  }
0x6d: {  	s17 =	simm.s32 $0x0;
	s21 =	sadd.s32 $0x100, s15  }
0x6e: {  	[tilespmem:s0], [sflag:$0x4] =	stream.indirect.gather [hbm4b:s6+s28], $0x80, s21, s28, $0xb8;
	[tilespmem:$0x1D100] =	vst v63  }
0x6f: {  	v5 =	vld [tilespmem:s17+$0x1100]  }
0x70: {  	v3 =	vld [tilespmem:s17+$0x1110]  }
0x71: {  	v2 =	vld [tilespmem:s17+$0x1120]  }
0x72: {  	v1 =	vld [tilespmem:s17+$0x1130]  }
0x73: {  	v9 =	vld [tilespmem:s17+$0x5100]  }
0x74: {  	v8 =	vld [tilespmem:s17+$0x5140]  }
0x75: {  	v7 =	vld [tilespmem:s17+$0x5110]  }
0x76: {  	v6 =	vld [tilespmem:s17+$0x5150]  }
0x77: {  	v4 =	vld [tilespmem:s17+$0x5120];
	v11 =	vshll.u32 v5, $0x10  }
0x78: {  	s16 =	sshll.u32 s14, $0x1;
	s18 =	simm.s32 $0x200;
	v10 =	vand.u32 $0xFFFF0000, v5;
	v5 =	vld [tilespmem:s17+$0x5160];
	v9 =	vadd.f32 v11, v9  }
.LBB2_5:
0x79: {  	p0 =	sne.s32 s18, $0x7E00;
	v8 =	vadd.f32 v10, v8;
	v10 =	vshll.u32 v3, $0x10;
	v11 =	vld [tilespmem:s17+$0x5130]  }
0x7a: {  	s21 =	sshra.s32 s18, $0x2;
	v3 =	vand.u32 $0xFFFF0000, v3;
	v9 =	vmax.f32 v9, $0.0e+00;
	v7 =	vadd.f32 v10, v7;
	v10 =	vld [tilespmem:s17+$0x5170]  }
0x7b: {  	v12 =	vld [tilespmem:s21+$0x1100];
	[tilespmem:s17+$0x5100] =	vst v9;
	v8 =	vmax.f32 v8, $0.0e+00;
	v6 =	vadd.f32 v3, v6;
	v9 =	vshll.u32 v2, $0x10  }
0x7c: {  	v3 =	vld [tilespmem:s21+$0x1110];
	[tilespmem:s17+$0x5140] =	vst v8;
	v7 =	vmax.f32 v7, $0.0e+00;
	v8 =	vand.u32 $0xFFFF0000, v2;
	v4 =	vadd.f32 v9, v4  }
0x7d: {  	v2 =	vld [tilespmem:s21+$0x1120];
	[tilespmem:s17+$0x5110] =	vst v7;
	v6 =	vmax.f32 v6, $0.0e+00;
	v5 =	vadd.f32 v8, v5;
	v7 =	vshll.u32 v1, $0x10  }
0x7e: {  	[tilespmem:s17+$0x5150] =	vst v6;
	v4 =	vmax.f32 v4, $0.0e+00;
	v6 =	vand.u32 $0xFFFF0000, v1;
	v1 =	vld [tilespmem:s21+$0x1130];
	v7 =	vadd.f32 v7, v11  }
0x7f: {  	v9 =	vld [tilespmem:s21+$0x5100];
	[tilespmem:s17+$0x5120] =	vst v4;
	v4 =	vmax.f32 v5, $0.0e+00;
	v5 =	vadd.f32 v6, v10  }
.Ltmp1:
0x80: {  	v8 =	vld [tilespmem:s21+$0x5140];
	[tilespmem:s17+$0x5160] =	vst v4;
	v4 =	vmax.f32 v7, $0.0e+00;
	(pc) =	sbr.rel @p0 .LBB2_5-.Ltmp1, $4  }
0x81: {  	v7 =	vld [tilespmem:s21+$0x5110];
	[tilespmem:s17+$0x5130] =	vst v4;
	v4 =	vmax.f32 v5, $0.0e+00  }
0x82: {  	v6 =	vld [tilespmem:s21+$0x5150];
	[tilespmem:s17+$0x5170] =	vst v4;
	s17 =	smov.u32 s21  }
0x83: {  	v5 =	vshll.u32 v12, $0x10;
	v4 =	vld [tilespmem:s17+$0x5120]  }
0x84: {  	s18 =	sadd.s32 $0x200, s18;
	v10 =	vand.u32 $0xFFFF0000, v12;
	v9 =	vadd.f32 v5, v9;
	v5 =	vld [tilespmem:s17+$0x5160]  }
0x85: {  	v8 =	vadd.f32 v10, v8;
	v10 =	vshll.u32 v3, $0x10;
	v11 =	vld [tilespmem:s17+$0x5130]  }
0x86: {  	v3 =	vand.u32 $0xFFFF0000, v3;
	v9 =	vmax.f32 v9, $0.0e+00;
	v7 =	vadd.f32 v10, v7;
	v10 =	vld [tilespmem:s17+$0x5170]  }
0x87: {  	[tilespmem:s17+$0x5100] =	vst v9;
	v8 =	vmax.f32 v8, $0.0e+00;
	v3 =	vadd.f32 v3, v6;
	v6 =	vshll.u32 v2, $0x10  }
0x88: {  	v2 =	vand.u32 $0xFFFF0000, v2;
	[tilespmem:s17+$0x5140] =	vst v8;
	v7 =	vmax.f32 v7, $0.0e+00;
	v4 =	vadd.f32 v6, v4  }
0x89: {  	[tilespmem:s17+$0x5110] =	vst v7;
	v3 =	vmax.f32 v3, $0.0e+00;
	v2 =	vadd.f32 v2, v5;
	v5 =	vshll.u32 v1, $0x10  }
0x8a: {  	v1 =	vand.u32 $0xFFFF0000, v1;
	[tilespmem:s17+$0x5150] =	vst v3;
	v3 =	vmax.f32 v4, $0.0e+00;
	v4 =	vadd.f32 v5, v11  }
0x8b: {  	[tilespmem:s17+$0x5120] =	vst v3;
	v2 =	vmax.f32 v2, $0.0e+00;
	v1 =	vadd.f32 v1, v10  }
0x8c: {  	[tilespmem:s17+$0x5160] =	vst v2;
	v2 =	vmax.f32 v4, $0.0e+00  }
0x8d: {  	[tilespmem:s17+$0x5130] =	vst v2;
	v1 =	vmax.f32 v1, $0.0e+00  }
0x8e: {  	[tilespmem:s17+$0x5170] =	vst v1  }
0x8f: {  	[spmem:s1] =	stream.indirect.scatter.add.f32 [tilespmem:s24], [sflag:$0x5], $0x80, s26, s28, $0xb8;
	[tilespmem:$0x1D100] =	vst v63  }
0x90: {  	_ =	swait.ge [sflag:s2], $0x2000  }
0x91: {  	[sflag:s2] =	ssyncset.done $0x0  }
0x92: {  	[sflag:s2] =	ssyncadd.s32 $0xFFFFE000  }
0x93: {  	_ =	swait.ge [sflag:s8], $0x2000  }
0x94: {  	[sflag:s8] =	ssyncset.done $0x0  }
0x95: {  	[sflag:s8] =	ssyncadd.s32 $0xFFFFE000  }
0x96: {  	v1 =	vld [tilespmem:s15+$0x180];
	_ =	sdelay $0x4  }
0x97: {  	[tilespmem:$0x1080] =	vst v1  }
0x98: {  	v1 =	vld [tilespmem:s15+$0x190];
	_ =	sdelay $0x4  }
0x99: {  	[tilespmem:$0x1090] =	vst v1  }
0x9a: {  	v1 =	vld [tilespmem:s15+$0x1A0];
	_ =	sdelay $0x4  }
0x9b: {  	[tilespmem:$0x10A0] =	vst v1  }
0x9c: {  	v1 =	vld [tilespmem:s15+$0x1B0]  }
0x9d: {  	p0 =	seq.s32 s14, $0x4F;
	s15 =	sadd.s32 $0x2, s16  }
0x9e: {  	s16 =	sand.u32 @!p0 $0xE, s15  }
0x9f: {  	p1 =	sne.s32 @!p0 s16, $0x0  }
0xa0: {  	p1 =	por p1, p0  }
0xa1: {  	s17 =	simm.s32 @!p0 $0x5;
	s18 =	sshll.u32 @!p1 s15, $0x8;
	[tilespmem:$0x10B0] =	vst v1  }
0xa2: {  	s18 =	sadd.s32 @!p1 s12, s18;
	_ =	swait.ge @!p0 [sflag:s17], $0x2000  }
0xa3: {  	s15 =	sshll.u32 @!p0 s15, $0xD;
	s18 =	sshrl.u32 @!p1 s18, $0x3;
	[sflag:s17] =	ssyncset.done @!p0 $0x0  }
0xa4: {  	[sflag:s17] =	ssyncadd.s32 @!p0 $0xFFFFE000;
	s17 =	sadd.s32 @!p1 s4, s18;
	s18 =	simm.s32 @!p1 $0x0  }
0xa5: {  	[tilespmem:s18], [sflag:$0x7] =	stream.linear.gather @!p1 [hbm4b:s17+s18], $0x1000, $0x38;
	[tilespmem:$0x1D100] =	vst v63  }
0xa6: {  	s15 =	sadd.s32 @!p0 s20, s15;
	s17 =	simm.s32 @!p1 $0x7  }
0xa7: {  	s15 =	sshrl.u32 @!p0 s15, $0x3;
	_ =	swait.ge @!p1 [sflag:s17], $0x1000  }
0xa8: {  	s15 =	sadd.s32 @!p0 s5, s15;
	[sflag:s17] =	ssyncset.done @!p1 $0x0  }
0xa9: {  	s18 =	simm.s32 @!p0 $0x1100;
	[sflag:s17] =	ssyncadd.s32 @!p1 $0xFFFFF000;
	s17 =	simm.s32 @!p0 $0x0  }
0xaa: {  	[tilespmem:s18], [sflag:$0x1] =	stream.linear.gather @!p0 [hbm4b:s15+s17], $0x2000, $0x38;
	[tilespmem:$0x1D100] =	vst v63  }
0xab: {  	s15 =	sshll.u32 @!p0 s16, $0x8;
	s16 =	simm.s32 @!p0 $0x40;
	s17 =	simm.s32 @!p0 $0x5100  }
0xac: {  	[tilespmem:s17], [sflag:$0x3] =	stream.indirect.gather @!p0 [hbm4b:s6+s16], $0x80, s15, s16, $0xb8;
	[tilespmem:$0x1D100] =	vst v63  }
0xad: {  	s15 =	simm.s32 $0x0  }
0xae: {  	v4 =	vld [tilespmem:s15+$0x3100]  }
0xaf: {  	v3 =	vld [tilespmem:s15+$0x3110]  }
0xb0: {  	v2 =	vld [tilespmem:s15+$0x3120]  }
0xb1: {  	v1 =	vld [tilespmem:s15+$0x3130]  }
0xb2: {  	v9 =	vld [tilespmem:s15+$0x7100]  }
0xb3: {  	v8 =	vld [tilespmem:s15+$0x7140]  }
0xb4: {  	v7 =	vld [tilespmem:s15+$0x7110]  }
0xb5: {  	v6 =	vld [tilespmem:s15+$0x7150]  }
0xb6: {  	v5 =	vld [tilespmem:s15+$0x7120];
	v11 =	vshll.u32 v4, $0x10  }
0xb7: {  	s16 =	simm.s32 $0x200;
	v10 =	vand.u32 $0xFFFF0000, v4;
	v4 =	vld [tilespmem:s15+$0x7160];
	v9 =	vadd.f32 v11, v9  }
.LBB2_7:
0xb8: {  	p0 =	sne.s32 s16, $0x7E00;
	v8 =	vadd.f32 v10, v8;
	v10 =	vshll.u32 v3, $0x10;
	v11 =	vld [tilespmem:s15+$0x7130]  }
0xb9: {  	s17 =	sshra.s32 s16, $0x2;
	v3 =	vand.u32 $0xFFFF0000, v3;
	v9 =	vmax.f32 v9, $0.0e+00;
	v7 =	vadd.f32 v10, v7;
	v10 =	vld [tilespmem:s15+$0x7170]  }
0xba: {  	v12 =	vld [tilespmem:s17+$0x3100];
	[tilespmem:s15+$0x7100] =	vst v9;
	v8 =	vmax.f32 v8, $0.0e+00;
	v6 =	vadd.f32 v3, v6;
	v9 =	vshll.u32 v2, $0x10  }
0xbb: {  	v3 =	vld [tilespmem:s17+$0x3110];
	[tilespmem:s15+$0x7140] =	vst v8;
	v7 =	vmax.f32 v7, $0.0e+00;
	v8 =	vand.u32 $0xFFFF0000, v2;
	v5 =	vadd.f32 v9, v5  }
0xbc: {  	v2 =	vld [tilespmem:s17+$0x3120];
	[tilespmem:s15+$0x7110] =	vst v7;
	v6 =	vmax.f32 v6, $0.0e+00;
	v4 =	vadd.f32 v8, v4;
	v7 =	vshll.u32 v1, $0x10  }
0xbd: {  	[tilespmem:s15+$0x7150] =	vst v6;
	v5 =	vmax.f32 v5, $0.0e+00;
	v6 =	vand.u32 $0xFFFF0000, v1;
	v1 =	vld [tilespmem:s17+$0x3130];
	v7 =	vadd.f32 v7, v11  }
0xbe: {  	v9 =	vld [tilespmem:s17+$0x7100];
	[tilespmem:s15+$0x7120] =	vst v5;
	v4 =	vmax.f32 v4, $0.0e+00;
	v5 =	vadd.f32 v6, v10  }
.Ltmp2:
0xbf: {  	v8 =	vld [tilespmem:s17+$0x7140];
	[tilespmem:s15+$0x7160] =	vst v4;
	v4 =	vmax.f32 v7, $0.0e+00;
	(pc) =	sbr.rel @p0 .LBB2_7-.Ltmp2, $4  }
0xc0: {  	v7 =	vld [tilespmem:s17+$0x7110];
	[tilespmem:s15+$0x7130] =	vst v4;
	v4 =	vmax.f32 v5, $0.0e+00  }
0xc1: {  	v6 =	vld [tilespmem:s17+$0x7150];
	[tilespmem:s15+$0x7170] =	vst v4;
	s15 =	smov.u32 s17  }
0xc2: {  	v4 =	vshll.u32 v12, $0x10;
	v5 =	vld [tilespmem:s15+$0x7120]  }
0xc3: {  	s16 =	sadd.s32 $0x200, s16;
	v10 =	vand.u32 $0xFFFF0000, v12;
	v9 =	vadd.f32 v4, v9;
	v4 =	vld [tilespmem:s15+$0x7160]  }
0xc4: {  	v8 =	vadd.f32 v10, v8;
	v60 =	vshll.u32 v3, $0x10;
	v11 =	vld [tilespmem:s15+$0x7130]  }
0xc5: {  	v3 =	vand.u32 $0xFFFF0000, v3;
	v61 =	vld [tilespmem:s15+$0x7170];
	v9 =	vmax.f32 v9, $0.0e+00;
	v7 =	vadd.f32 v60, v7  }
0xc6: {  	v62 =	vshll.u32 v2, $0x10;
	[tilespmem:s15+$0x7100] =	vst v9;
	v8 =	vmax.f32 v8, $0.0e+00;
	v3 =	vadd.f32 v3, v6  }
0xc7: {  	v2 =	vand.u32 $0xFFFF0000, v2;
	[tilespmem:s15+$0x7140] =	vst v8;
	v7 =	vmax.f32 v7, $0.0e+00;
	v5 =	vadd.f32 v62, v5  }
0xc8: {  	v63 =	vshll.u32 v1, $0x10;
	s14 =	sadd.s32 $0x1, s14;
	[tilespmem:s15+$0x7110] =	vst v7;
	v3 =	vmax.f32 v3, $0.0e+00;
	v2 =	vadd.f32 v2, v4  }
0xc9: {  	v1 =	vand.u32 $0xFFFF0000, v1;
	p0 =	sne.s32 s14, $0x50;
	[tilespmem:s15+$0x7150] =	vst v3;
	v3 =	vmax.f32 v5, $0.0e+00;
	v4 =	vadd.f32 v63, v11  }
.Ltmp3:
0xca: {  	v1 =	vadd.f32 v1, v61;
	[tilespmem:s15+$0x7120] =	vst v3;
	v2 =	vmax.f32 v2, $0.0e+00;
	(pc) =	sbr.rel @p0 .LBB2_4-.Ltmp3, $4  }
0xcb: {  	[tilespmem:s15+$0x7160] =	vst v2;
	v2 =	vmax.f32 v4, $0.0e+00  }
0xcc: {  	v1 =	vmax.f32 v1, $0.0e+00;
	[tilespmem:s15+$0x7130] =	vst v2  }
0xcd: {  	[tilespmem:s15+$0x7170] =	vst v1  }
0xce: {  	[spmem:s1] =	stream.indirect.scatter.add.f32 [tilespmem:s0], [sflag:$0x6], $0x80, s9, s28, $0xb8;
	[tilespmem:$0x1D100] =	vst v63  }
0xcf: {  	_ =	swait.ge [sflag:s10], $0x2000  }
0xd0: {  	[sflag:s10] =	ssyncset.done $0x0  }
0xd1: {  	[sflag:s10] =	ssyncadd.s32 $0xFFFFE000  }
0xd2: {  	_ =	swait.ge [sflag:s11], $0x2000  }
0xd3: {  	s13 =	stileid.u32;
	[sflag:s11] =	ssyncset.done $0x0  }
0xd4: {  	s14 =	sshrl.u32 s7, $0x3;
	s3 =	sadd.s32 $0x1, s3;
	[sflag:s11] =	ssyncadd.s32 $0xFFFFE000  }
0xd5: {  	s13 =	sshll.u32 s13, $0x6;
	p0 =	sne.s32 s3, s22;
	[bflag:$0x0] =	sbarrier.arrive $0xFFFF  }
.Ltmp4:
0xd6: {  	s13 =	sor.u32 $0x1C07, s13;
	s15 =	rddreg [dreg:$0xd];
	(pc) =	sbr.rel @p0 .LBB2_1-.Ltmp4, $4  }
0xd7: {  	[hbm:s15], [sflag:s13] =	dma.local [spmem:s14], $0x2800  }
0xd8: {  	_ =	swait.ge [sflag:s25], $0x2800  }
0xd9: {  	[sflag:s25] =	ssyncset.done $0x0  }
0xda: {  	[sflag:s25] =	ssyncadd.s32 $0xFFFFD800  }
0xdb: {  	_ =	sfence.sel $0x180000  }
0xdc: {  	[bflag:$0x0] =	sbarrier.arrive $0xFFFF  }
0xdd: {  	_ =	strace $0x90000047  }
0xde: {  	s0 =	stileid.u32;
	[bflag:$0x2] =	sbarrier.arrive $0xFFFF  }
0xdf: {  	p0 =	sne.s32 s0, $0x0;
	s0 =	rddreg [dreg:$0x2]  }
0xe0: {  	s0 =	sadd.s32 @!p0 $0x100000, s0  }
0xe1: {  	[sflag:s0] =	ssyncadd.tile.s32 @!p0 $0x1;
	_ =	shalt  }
.Lfunc_end2:
_tile_overlayer_lowered:
.L_overlay_start_2:
0xe2: {  	(tag) =	ssettag $0x2  }
0xe3: {  	s0 =	rddreg [dreg:$0x0];
	s2 =	stileid.u32  }
0xe4: {  	s1 =	rddreg [dreg:$0x1];
	p0 =	sne.s32 s2, $0x0  }
0xe5: {  	s3 =	rddreg [dreg:$0x2];
	[bflag:$0x3] =	sbarrier.arrive $0xFFFF;
	s2 =	simm.s32 @!p0 $0x1C07  }
0xe6: {  	[timem:s3], [sflag:s2] =	dma.local @!p0 [hbm:s0], s1  }
0xe7: {  	s0 =	simm.s32 @!p0 $0x7  }
0xe8: {  	_ =	swait.ge @!p0 [sflag:s0], s1  }
0xe9: {  	s1 =	ssub.s32 @!p0 $0x0, s1;
	[sflag:s0] =	ssyncset.done @!p0 $0x0  }
0xea: {  	[sflag:s0] =	ssyncadd.s32 @!p0 s1  }
0xeb: {  	[bflag:$0x3] =	sbarrier.arrive $0xFFFF  }
0xec: {  	_ =	shalt  }

// kernel: kernel.14.cloned.1.call-start
scs
__scs_entry_jumppad:
0x0: {  	(pc) =	sbr.rel $0x88, $3  }
0x1: {  	(tag) =	ssettag $0x0;
	lr =	simm.s32 $0x1  }
0x2: {  	[smem:$0x3F80] =	sst lr;
	_ =	strace $0xD0000000  }
0x3: {  	_ = 	snop  }
0x4: {  	_ = 	snop  }
0x5: {  	_ = 	snop  }
0x6: {  	_ = 	snop  }
0x7: {  	_ = 	snop  }
__scs_overlays_trampoline_lowered:
0x8: {  	[smem:$0x3F8F] =	sst s0  }
0x9: {  	[smem:$0x3F90] =	sst s1  }
0xa: {  	[smem:$0x3F91] =	sst s2  }
0xb: {  	[smem:$0x3F92] =	sst s3  }
0xc: {  	[smem:$0x3F93] =	sst s4  }
0xd: {  	[smem:$0x3F94] =	sst s5  }
0xe: {  	[smem:$0x3F95] =	sst s6  }
0xf: {  	[smem:$0x3F96] =	sst s7  }
0x10: {  	[smem:$0x3F97] =	sst s8  }
0x11: {  	[smem:$0x3F98] =	sst s9;
	s0 =	simm.s32 @!p0 $0x0  }
0x12: {  	s1 =	sld [smem:$0x3F7E];
	s0 =	simm.s32 @p0 $0x1  }
0x13: {  	[smem:$0x3F99] =	sst s0;
	s0 =	simm.s32 @!p1 $0x0  }
0x14: {  	s2 =	sld [smem:$0x3F7D];
	s0 =	simm.s32 @p1 $0x1  }
0x15: {  	[smem:$0x3F9A] =	sst s0;
	s0 =	simm.s32 @!p2 $0x0  }
0x16: {  	s3 =	sld [smem:$0x3FDB];
	s0 =	simm.s32 @p2 $0x1  }
0x17: {  	s4 =	simm.s32 $0x1BF5;
	[smem:$0x3F9C] =	sst s0  }
0x18: {  	s0 =	sld [smem:$0x3F7F];
	_ =	swait.ge [sflag:s4], $0x0  }
0x19: {  	s7 =	sld [smem:$0x3F80]  }
0x1a: {  	s8 =	sadd.s32 $0xFFFFE003, lr  }
0x1b: {  	s9 =	sadd.s32 $0xFFFFFEF7, lr;
	s5 =	simm.s32 $0xFFFFFFFF;
	p2 =	slt.u32 s8, $0xFFFFF086  }
0x1c: {  	p1 =	slt.u32 s9, $0xF7A;
	s5 =	simm.s32 @!p2 $0x0  }
0x1d: {  	s5 =	simm.s32 @p1 $0x1;
	p0 =	seq.s32 s7, s2  }
0x1e: {  	s7 =	smul.u32 @!p0 $0xF7A, s2;
	p2 =	seq.s32 @!p0 s5, $0x0  }
0x1f: {  	s9 =	smul.u32 $0xF7A, s1;
	s8 =	simm.s32 @!p0 $0x1BF5;
	p2 =	por !p2, p0  }
0x20: {  	[sflag:s8] =	ssyncset.s32 @!p0 $0xFFFFF086;
	s6 =	sadd.s32 @!p0 s3, s7;
	s7 =	simm.s32 @!p0 $0x108  }
0x21: {  	s3 =	sadd.s32 s3, s9;
	s6 =	sadd.s32 @!p0 $0x88, s6;
	s7 =	simm.s32 @p2 $0x1082  }
0x22: {  	[simem:s7], [sflag:s8] =	dma.local @!p0 [hbm:s6], $0xF7A  }
0x23: {  	s9 =	sor.u32 $0xD0000000, s2;
	s6 =	simm.s32 $0x108;
	_ =	swait.ge @!p0 [sflag:s8], $0x0  }
0x24: {  	s3 =	sadd.s32 $0x88, s3;
	s6 =	simm.s32 @!p1 $0x1082;
	[sflag:s4] =	ssyncset.s32 $0xFFFFF086  }
0x25: {  	[simem:s6], [sflag:s4] =	dma.local [hbm:s3], $0xF7A  }
0x26: {  	[smem:$0x3F80] =	sst s1;
	(tag) =	ssettag s2;
	_ =	strace s9  }
0x27: {  	s1 =	sld [smem:$0x3F90]  }
0x28: {  	s2 =	sld [smem:$0x3F91]  }
0x29: {  	s4 =	sld [smem:$0x3F93]  }
0x2a: {  	p0 =	seq.s32 s5, $0x0;
	s5 =	sld [smem:$0x3F94]  }
0x2b: {  	s6 =	sld [smem:$0x3F95]  }
0x2c: {  	s7 =	sld [smem:$0x3F96]  }
0x2d: {  	s3 =	simm.s32 $0x108;
	s8 =	sld [smem:$0x3F97]  }
0x2e: {  	s3 =	simm.s32 @!p0 $0x1082;
	s9 =	sld [smem:$0x3F98]  }
0x2f: {  	lr =	sadd.s32 s0, s3;
	s0 =	sld [smem:$0x3F8F]  }
0x30: {  	s3 =	sld [smem:$0x3F92]  }
0x31: {  	[smem:$0x3F9B] =	sst s10  }
0x32: {  	s10 =	sld [smem:$0x3F99];
	_ =	sdelay $0x3  }
0x33: {  	p0 =	seq.s32 s10, $0x1;
	s10 =	sld [smem:$0x3F9B];
	_ =	sdelay $0x3  }
0x34: {  	[smem:$0x3F9B] =	sst s10  }
0x35: {  	s10 =	sld [smem:$0x3F9A];
	_ =	sdelay $0x3  }
0x36: {  	p1 =	seq.s32 s10, $0x1;
	s10 =	sld [smem:$0x3F9B];
	_ =	sdelay $0x3  }
0x37: {  	[smem:$0x3F9B] =	sst s10  }
0x38: {  	s10 =	sld [smem:$0x3F9C]  }
0x39: {  	_ = 	snop;
	(pc) =	sbr.ind lr, $3  }
0x3a: {  	_ = 	snop  }
0x3b: {  	_ = 	snop  }
0x3c: {  	p2 =	seq.s32 s10, $0x1;
	s10 =	sld [smem:$0x3F9B]  }
0x3d: {  	_ =	shalt  }
0x3e: {  	_ =	shalt  }
0x3f: {  	_ =	shalt  }
0x40: {  	_ =	shalt  }
0x41: {  	_ =	shalt  }
0x42: {  	_ =	shalt  }
0x43: {  	_ =	shalt  }
0x44: {  	_ =	shalt  }
0x45: {  	_ =	shalt  }
0x46: {  	_ =	shalt  }
0x47: {  	_ =	shalt  }
0x48: {  	_ =	shalt  }
0x49: {  	_ =	shalt  }
0x4a: {  	_ =	shalt  }
0x4b: {  	_ =	shalt  }
0x4c: {  	_ =	shalt  }
0x4d: {  	_ =	shalt  }
0x4e: {  	_ =	shalt  }
0x4f: {  	_ =	shalt  }
0x50: {  	_ =	shalt  }
0x51: {  	_ =	shalt  }
0x52: {  	_ =	shalt  }
0x53: {  	_ =	shalt  }
0x54: {  	_ =	shalt  }
0x55: {  	_ =	shalt  }
0x56: {  	_ =	shalt  }
0x57: {  	_ =	shalt  }
0x58: {  	_ =	shalt  }
0x59: {  	_ =	shalt  }
0x5a: {  	_ =	shalt  }
0x5b: {  	_ =	shalt  }
0x5c: {  	_ =	shalt  }
0x5d: {  	_ =	shalt  }
0x5e: {  	_ =	shalt  }
0x5f: {  	_ =	shalt  }
0x60: {  	_ =	shalt  }
0x61: {  	_ =	shalt  }
0x62: {  	_ =	shalt  }
0x63: {  	_ =	shalt  }
0x64: {  	_ =	shalt  }
0x65: {  	_ =	shalt  }
0x66: {  	_ =	shalt  }
0x67: {  	_ =	shalt  }
0x68: {  	_ =	shalt  }
0x69: {  	_ =	shalt  }
0x6a: {  	_ =	shalt  }
0x6b: {  	_ =	shalt  }
0x6c: {  	_ =	shalt  }
0x6d: {  	_ =	shalt  }
0x6e: {  	_ =	shalt  }
0x6f: {  	_ =	shalt  }
0x70: {  	_ =	shalt  }
0x71: {  	_ =	shalt  }
0x72: {  	_ =	shalt  }
0x73: {  	_ =	shalt  }
0x74: {  	_ =	shalt  }
0x75: {  	_ =	shalt  }
0x76: {  	_ =	shalt  }
0x77: {  	_ =	shalt  }
0x78: {  	_ =	shalt  }
0x79: {  	_ =	shalt  }
0x7a: {  	_ =	shalt  }
0x7b: {  	_ =	shalt  }
0x7c: {  	_ =	shalt  }
0x7d: {  	_ =	shalt  }
0x7e: {  	_ =	shalt  }
0x7f: {  	_ =	shalt  }
0x80: {  	_ =	shalt  }
0x81: {  	_ =	shalt  }
0x82: {  	_ =	shalt  }
0x83: {  	_ =	shalt  }
0x84: {  	_ =	shalt  }
0x85: {  	_ =	shalt  }
0x86: {  	_ =	shalt  }
0x87: {  	_ =	shalt  }
.Lfunc_end0:
.L_simem_size_0:
called_computation.1_lowered:
.L_overlay_start_0:
0x88: {  	s2 =	sld [smem:$0x3FD9]  }
0x89: {  	s3 =	sld [smem:$0x3FFE];
	_ =	sdelay $0x1  }
0x8a: {  	s1 =	srdreg.scid  }
0x8b: {  	s0 =	sand.u32 $0x1, s1  }
0x8c: {  	s16 =	sshll.u32 s0, $0xA;
	s2 =	sadd.s32 s3, s2  }
0x8d: {  	s2 =	sadd.s32 s2, s16  }
0x8e: {  	[smem:$0x3FA7] =	sst s2  }
0x8f: {  	_ = 	snop  }
0x90: {  	(tm) =	ssettm $0x1  }
0x91: {  	s17 =	sld [smem:$0x3FFB];
	_ =	sdelay $0x3  }
0x92: {  	_ =	strace s17  }
0x93: {  	s2 =	sld [smem:$0x3FFC];
	_ =	sdelay $0x3  }
0x94: {  	_ =	strace s2  }
0x95: {  	s2 =	sld [smem:$0x3FFD];
	_ =	sdelay $0x3  }
0x96: {  	_ =	strace s2  }
0x97: {  	_ =	strace $0x8FFFFFFF  }
0x98: {  	s18 =	sld [smem:$0x3FDB];
	_ =	sdelay $0x1  }
0x99: {  	s19 =	simm.s32 $_scs_section_size  }
0x9a: {  	s4 =	simm.s32 $_size__tile_overlayer_lowered;
	s5 =	simm.s32 $_tile_overlayer_lowered  }
0x9b: {  	s22 =	simm.s32 $0x1BFF;
	s21 =	sshll.u32 s5, $0x1;
	s2 =	sadd.s32 s19, s18  }
0x9c: {  	s6 =	simm.s32 $0x0;
	s20 =	sshll.u32 s4, $0x1;
	s4 =	sadd.s32 s21, s2  }
0x9d: {  	[timem:s6], [sflag:s22] =	dma.local [hbm:s4], s20  }
0x9e: {  	_ =	swait.ge [sflag:s22], s20  }
0x9f: {  	s3 =	ssub.s32 $0x0, s20;
	[sflag:s22] =	ssyncset.done $0x0  }
0xa0: {  	[sflag:s22] =	ssyncadd.s32 s3;
	_ =	sdelay $0x1  }
0xa1: {  	s23 =	simm.s32 $0x1B8B  }
0xa2: {  	_ =	swait.ge [sflag:s23], $0x1  }
0xa3: {  	[sflag:s23] =	ssyncset.done $0x0  }
0xa4: {  	s25 =	simm.s32 $0x1B8E;
	s24 =	sld [smem:$0x3FFE];
	[sflag:s23] =	ssyncadd.s32 $0xFFFFFFFF  }
0xa5: {  	s26 =	simm.s32 $execute0_lowered;
	[smem:$0x3FD2] =	sst s25  }
0xa6: {  	s4 =	sshll.u32 s26, $0x1;
	_ =	strace $0x80000049;
	[dreg:$0x1] =	wrdreg $0xFFFFFFFF  }
0xa7: {  	s28 =	simm.s32 $_size_execute0_lowered;
	s2 =	sadd.s32 s2, s4;
	[dreg:$0x0] =	wrdreg $0x0  }
0xa8: {  	s4 =	sshll.u32 s28, $0x1;
	[dreg:$0x2] =	wrdreg s2  }
0xa9: {  	[dreg:$0x3] =	wrdreg s4  }
0xaa: {  	[dreg:$0x4] =	wrdreg $0xC0  }
0xab: {  	_ =	task [dreg:s6], $0x5FFFF  }
0xac: {  	[dreg:$0x1] =	wrdreg $0xFFFFFFFF  }
0xad: {  	[dreg:$0x0] =	wrdreg $0x60  }
0xae: {  	[dreg:$0x2] =	wrdreg s24  }
0xaf: {  	[dreg:$0x3] =	wrdreg $0x91000  }
0xb0: {  	[dreg:$0x4] =	wrdreg $0x9  }
0xb1: {  	_ =	task.clear_ibuf [dreg:s6], $0x5FFFF;
	_ =	strace $0x90000049  }
0xb2: {  	s29 =	simm.s32 $0x9;
	_ =	strace $0x8000004B  }
0xb3: {  	_ =	swait.ge [sflag:s29], $0x1  }
0xb4: {  	[sflag:s29] =	ssyncadd.s32 $0xFFFFFFFF  }
0xb5: {  	_ =	strace $0x9000004B  }
0xb6: {  	_ =	sfence  }
0xb7: {  	s30 =	sld [smem:$0x0];
	_ =	sdelay $0x2  }
0xb8: {  	s31 =	sshll.u32 s1, $0xD;
	s1 =	sshrl.u32 s1, $0x2  }
0xb9: {  	s3 =	sand.u32 $0x4000, s31;
	s1 =	sadd.s32 s1, s30  }
0xba: {  	s0 =	sor.u32 s3, s0;
	s1 =	sshll.u32 s1, $0x11  }
0xbb: {  	s0 =	sor.u32 s1, s0  }
0xbc: {  	s0 =	sadd.s32 $0x8F2B, s0  }
0xbd: {  	[sflag:s0] =	ssyncadd.remote.s32 $0x1  }
0xbe: {  	_ =	sfence.sel $0xFFFF  }
0xbf: {  	[dreg:$0x0] =	wrdreg $0xFFFFFFFF;
	(pc) =	sbr.abs _section_cstart, $3  }
0xc0: {  	[dreg:$0x1] =	wrdreg $0xFFFFFFFF  }
0xc1: {  	_ =	task.clear_ibuf [dreg:s6], $0x2FFFF;
	_ =	strace $0x9FFFFFFF  }
0xc2: {  	(tm) =	ssettm $0x7FFFFFFF  }
0xc3: {  	_ =	shalt  }
tec
execute0_lowered:
.L_overlay_start_1:
0x0: {  	(tag) =	ssettag $0x1  }
0x1: {  	s0 =	rddreg [dreg:$0x0]  }
0x2: {  	s1 =	rddreg [dreg:$0x1];
	s10 =	stileid.u32  }
0x3: {  	s2 =	srdreg.scid;
	s3 =	simm.s32 $0x0;
	s7 =	smul.u32 $0x14000, s10  }
0x4: {  	s2 =	sand.u32 $0x1, s2;
	s8 =	smul.u32 $0x50000, s10;
	s10 =	sshll.u32 s10, $0x1  }
0x5: {  	s6 =	smul.u32 $0x140000, s2;
	s9 =	ssub.s32 $0x2, s2;
	s2 =	sor.u32 s2, s10  }
0x6: {  	[smem:$0x7FF] =	sst s3;
	s4 =	sadd.s32 $0x7A00, s0;
	s12 =	smul.u32 $0xA000, s2  }
0x7: {  	s5 =	sadd.s32 $0xA11A00, s0;
	s8 =	sshrl.u32 s8, $0x2;
	s7 =	sadd.s32 s7, s6  }
0x8: {  	s6 =	sadd.s32 $0x2FA00, s0;
	s7 =	sshrl.u32 s7, $0x3;
	s26 =	sshrl.u32 s12, $0x3  }
0x9: {  	s0 =	sadd.s32 s7, s0;
	s7 =	sadd.s32 s8, s1;
	s10 =	sadd.s32 s4, s26  }
0xa: {  	_ =	strace $0x8000004A;
	s8 =	sadd.s32 $0x2000, s7;
	[dreg:$0xc] =	wrdreg s10  }
0xb: {  	s28 =	simm.s32 $0x40;
	s18 =	sadd.s32 $0x4000, s7;
	[dreg:$0x3] =	wrdreg s8  }
0xc: {  	s29 =	simm.s32 $0x1;
	s19 =	sadd.s32 $0x6000, s7;
	[dreg:$0x4] =	wrdreg s18  }
0xd: {  	s30 =	simm.s32 $0x3;
	s20 =	sadd.s32 $0x8000, s7;
	[dreg:$0x5] =	wrdreg s19  }
0xe: {  	s31 =	simm.s32 $0x3100;
	s21 =	sadd.s32 $0xA000, s7;
	[dreg:$0x6] =	wrdreg s20  }
0xf: {  	s17 =	sshrl.u32 s9, $0x1;
	s22 =	sadd.s32 $0xC000, s7;
	[dreg:$0x7] =	wrdreg s21  }
0x10: {  	s23 =	smul.u32 $0x28000, s2;
	s24 =	sadd.s32 $0xE000, s7;
	[dreg:$0x8] =	wrdreg s22  }
0x11: {  	s9 =	ssub.s32 s9, s17;
	s25 =	sadd.s32 $0x10000, s7;
	[dreg:$0x9] =	wrdreg s24  }
0x12: {  	s26 =	simm.s32 $0x1000;
	s11 =	sadd.s32 $0x12000, s7;
	[dreg:$0xa] =	wrdreg s25  }
0x13: {  	s0 =	sadd.s32 $0x56C00, s0;
	s10 =	simm.s32 $0x5;
	[dreg:$0xb] =	wrdreg s11  }
0x14: {  	s19 =	sadd.s32 s5, s23;
	s20 =	smul.u32 $0x140000, s2;
	[dreg:$0xd] =	wrdreg s0  }
0x15: {  	s22 =	smax.u32 s9, $0x1;
	s24 =	simm.s32 $0x5100;
	s25 =	simm.s32 $0x7  }
0x16: {  	s0 =	simm.s32 $0x7100;
	s2 =	simm.s32 $0x2;
	s8 =	simm.s32 $0x4  }
0x17: {  	v0 =	vimm.f32 $0.0e+00;
	s9 =	simm.s32 $0x1080;
	s11 =	simm.s32 $0x6;
	s23 =	sadd.s32 $0x400, s19  }
.LBB2_1:
0x18: {  	s13 =	simm.s32 $0x0;
	s14 =	simm.s32 $0x200  }
.LBB2_2:
0x19: {  	p0 =	sne.s32 s14, $0x7E00;
	[tilespmem:s13+$0x5170] =	vst v0  }
0x1a: {  	[tilespmem:s13+$0x5100] =	vst v0  }
0x1b: {  	[tilespmem:s13+$0x5110] =	vst v0  }
.Ltmp0:
0x1c: {  	[tilespmem:s13+$0x5120] =	vst v0;
	(pc) =	sbr.rel @p0 .LBB2_2-.Ltmp0, $4  }
0x1d: {  	[tilespmem:s13+$0x5130] =	vst v0  }
0x1e: {  	[tilespmem:s13+$0x5140] =	vst v0  }
0x1f: {  	[tilespmem:s13+$0x5150] =	vst v0  }
0x20: {  	[tilespmem:s13+$0x5160] =	vst v0;
	s13 =	sshra.s32 s14, $0x2;
	s14 =	sadd.s32 $0x200, s14  }
0x21: {  	[tilespmem:s13+$0x5170] =	vst v0  }
0x22: {  	[tilespmem:s13+$0x5100] =	vst v0  }
0x23: {  	[tilespmem:s13+$0x5110] =	vst v0  }
0x24: {  	[tilespmem:s13+$0x5120] =	vst v0  }
0x25: {  	[tilespmem:s13+$0x5130] =	vst v0  }
0x26: {  	[tilespmem:s13+$0x5140] =	vst v0  }
0x27: {  	[tilespmem:s13+$0x5150] =	vst v0  }
0x28: {  	[tilespmem:s13+$0x5160] =	vst v0  }
0x29: {  	[spmem:s7] =	stream.linear.scatter [tilespmem:s24], [sflag:$0x7], $0x2000, $0x38;
	[tilespmem:$0x1D100] =	vst v63  }
0x2a: {  	_ =	swait.ge [sflag:s25], $0x2000  }
0x2b: {  	[sflag:s25] =	ssyncset.done $0x0  }
0x2c: {  	s16 =	rddreg [dreg:$0x3];
	[sflag:s25] =	ssyncadd.s32 $0xFFFFE000  }
0x2d: {  	[spmem:s16] =	stream.linear.scatter [tilespmem:s24], [sflag:$0x7], $0x2000, $0x38;
	[tilespmem:$0x1D100] =	vst v63  }
0x2e: {  	_ =	swait.ge [sflag:s25], $0x2000  }
0x2f: {  	[sflag:s25] =	ssyncset.done $0x0  }
0x30: {  	s17 =	rddreg [dreg:$0x4];
	[sflag:s25] =	ssyncadd.s32 $0xFFFFE000  }
0x31: {  	[spmem:s17] =	stream.linear.scatter [tilespmem:s24], [sflag:$0x7], $0x2000, $0x38;
	[tilespmem:$0x1D100] =	vst v63  }
0x32: {  	_ =	swait.ge [sflag:s25], $0x2000  }
0x33: {  	[sflag:s25] =	ssyncset.done $0x0  }
0x34: {  	s18 =	rddreg [dreg:$0x5];
	[sflag:s25] =	ssyncadd.s32 $0xFFFFE000  }
0x35: {  	[spmem:s18] =	stream.linear.scatter [tilespmem:s24], [sflag:$0x7], $0x2000, $0x38;
	[tilespmem:$0x1D100] =	vst v63  }
0x36: {  	_ =	swait.ge [sflag:s25], $0x2000  }
0x37: {  	[sflag:s25] =	ssyncset.done $0x0  }
0x38: {  	s21 =	rddreg [dreg:$0x6];
	[sflag:s25] =	ssyncadd.s32 $0xFFFFE000  }
0x39: {  	[spmem:s21] =	stream.linear.scatter [tilespmem:s24], [sflag:$0x7], $0x2000, $0x38;
	[tilespmem:$0x1D100] =	vst v63  }
0x3a: {  	_ =	swait.ge [sflag:s25], $0x2000  }
0x3b: {  	[sflag:s25] =	ssyncset.done $0x0  }
0x3c: {  	s14 =	rddreg [dreg:$0x7];
	[sflag:s25] =	ssyncadd.s32 $0xFFFFE000  }
0x3d: {  	[spmem:s14] =	stream.linear.scatter [tilespmem:s24], [sflag:$0x7], $0x2000, $0x38;
	[tilespmem:$0x1D100] =	vst v63  }
0x3e: {  	_ =	swait.ge [sflag:s25], $0x2000  }
0x3f: {  	[sflag:s25] =	ssyncset.done $0x0  }
0x40: {  	s15 =	rddreg [dreg:$0x8];
	[sflag:s25] =	ssyncadd.s32 $0xFFFFE000  }
0x41: {  	[spmem:s15] =	stream.linear.scatter [tilespmem:s24], [sflag:$0x7], $0x2000, $0x38;
	[tilespmem:$0x1D100] =	vst v63  }
0x42: {  	_ =	swait.ge [sflag:s25], $0x2000  }
0x43: {  	[sflag:s25] =	ssyncset.done $0x0  }
0x44: {  	s16 =	rddreg [dreg:$0x9];
	[sflag:s25] =	ssyncadd.s32 $0xFFFFE000  }
0x45: {  	[spmem:s16] =	stream.linear.scatter [tilespmem:s24], [sflag:$0x7], $0x2000, $0x38;
	[tilespmem:$0x1D100] =	vst v63  }
0x46: {  	_ =	swait.ge [sflag:s25], $0x2000  }
0x47: {  	[sflag:s25] =	ssyncset.done $0x0  }
0x48: {  	s17 =	rddreg [dreg:$0xa];
	[sflag:s25] =	ssyncadd.s32 $0xFFFFE000  }
0x49: {  	[spmem:s17] =	stream.linear.scatter [tilespmem:s24], [sflag:$0x7], $0x2000, $0x38;
	[tilespmem:$0x1D100] =	vst v63  }
0x4a: {  	_ =	swait.ge [sflag:s25], $0x2000  }
0x4b: {  	[sflag:s25] =	ssyncset.done $0x0  }
0x4c: {  	s18 =	rddreg [dreg:$0xb];
	[sflag:s25] =	ssyncadd.s32 $0xFFFFE000  }
0x4d: {  	[spmem:s18] =	stream.linear.scatter [tilespmem:s24], [sflag:$0x7], $0x2000, $0x38;
	[tilespmem:$0x1D100] =	vst v63  }
0x4e: {  	_ =	swait.ge [sflag:s25], $0x2000  }
0x4f: {  	[sflag:s25] =	ssyncset.done $0x0  }
0x50: {  	[sflag:s25] =	ssyncadd.s32 $0xFFFFE000  }
0x51: {  	[bflag:$0x0] =	sbarrier.arrive $0xFFFF  }
0x52: {  	s13 =	simm.s32 $0x0;
	s14 =	rddreg [dreg:$0xc]  }
0x53: {  	[tilespmem:s13], [sflag:$0x7] =	stream.linear.gather [hbm4b:s14+s13], $0x1000, $0x38;
	[tilespmem:$0x1D100] =	vst v63  }
0x54: {  	_ =	swait.ge [sflag:s25], $0x1000  }
0x55: {  	[sflag:s25] =	ssyncset.done $0x0  }
0x56: {  	s21 =	simm.s32 $0x1100;
	[sflag:s25] =	ssyncadd.s32 $0xFFFFF000  }
0x57: {  	[tilespmem:s21], [sflag:$0x1] =	stream.linear.gather [hbm4b:s19+s13], $0x2000, $0x38;
	[tilespmem:$0x1D100] =	vst v63  }
0x58: {  	s14 =	simm.s32 $0x0  }
0x59: {  	[tilespmem:s24], [sflag:$0x3] =	stream.indirect.gather [hbm4b:s6+s28], $0x80, s13, s28, $0xb8;
	[tilespmem:$0x1D100] =	vst v63  }
.LBB2_4:
0x5a: {  	_ =	swait.ge [sflag:s29], $0x2000  }
0x5b: {  	[sflag:s29] =	ssyncset.done $0x0  }
0x5c: {  	[sflag:s29] =	ssyncadd.s32 $0xFFFFE000  }
0x5d: {  	_ =	swait.ge [sflag:s30], $0x2000  }
0x5e: {  	s15 =	sshll.u32 s14, $0x9;
	[sflag:s30] =	ssyncset.done $0x0  }
0x5f: {  	s15 =	sand.u32 $0xE00, s15;
	[sflag:s30] =	ssyncadd.s32 $0xFFFFE000  }
0x60: {  	v1 =	vld [tilespmem:s15+$0x80];
	_ =	sdelay $0x4  }
0x61: {  	[tilespmem:$0x1000] =	vst v1  }
0x62: {  	v1 =	vld [tilespmem:s15+$0x90];
	_ =	sdelay $0x4  }
0x63: {  	[tilespmem:$0x1010] =	vst v1  }
0x64: {  	v1 =	vld [tilespmem:s15+$0xA0];
	_ =	sdelay $0x4  }
0x65: {  	[tilespmem:$0x1020] =	vst v1  }
0x66: {  	v1 =	vld [tilespmem:s15+$0xB0];
	_ =	sdelay $0x3  }
0x67: {  	p0 =	seq.s32 s14, $0x0  }
0x68: {  	s16 =	simm.s32 @!p0 $0x6;
	[tilespmem:$0x1030] =	vst v1  }
0x69: {  	_ =	swait.ge @!p0 [sflag:s16], $0x2000  }
0x6a: {  	s17 =	sshll.u32 s14, $0xB;
	[sflag:s16] =	ssyncset.done @!p0 $0x0  }
0x6b: {  	s18 =	sadd.s32 s23, s17;
	[sflag:s16] =	ssyncadd.s32 @!p0 $0xFFFFE000  }
0x6c: {  	[tilespmem:s31], [sflag:$0x2] =	stream.linear.gather [hbm4b:s18+s13], $0x2000, $0x38;
	[tilespmem:$0x1D100] =	vst v63  }
0x6d: {  	s17 =	simm.s32 $0x0;
	s21 =	sadd.s32 $0x100, s15  }
0x6e: {  	[tilespmem:s0], [sflag:$0x4] =	stream.indirect.gather [hbm4b:s6+s28], $0x80, s21, s28, $0xb8;
	[tilespmem:$0x1D100] =	vst v63  }
0x6f: {  	v5 =	vld [tilespmem:s17+$0x1100]  }
0x70: {  	v3 =	vld [tilespmem:s17+$0x1110]  }
0x71: {  	v2 =	vld [tilespmem:s17+$0x1120]  }
0x72: {  	v1 =	vld [tilespmem:s17+$0x1130]  }
0x73: {  	v9 =	vld [tilespmem:s17+$0x5100]  }
0x74: {  	v8 =	vld [tilespmem:s17+$0x5140]  }
0x75: {  	v7 =	vld [tilespmem:s17+$0x5110]  }
0x76: {  	v6 =	vld [tilespmem:s17+$0x5150]  }
0x77: {  	v4 =	vld [tilespmem:s17+$0x5120];
	v11 =	vshll.u32 v5, $0x10  }
0x78: {  	s16 =	sshll.u32 s14, $0x1;
	s18 =	simm.s32 $0x200;
	v10 =	vand.u32 $0xFFFF0000, v5;
	v5 =	vld [tilespmem:s17+$0x5160];
	v9 =	vadd.f32 v11, v9  }
.LBB2_5:
0x79: {  	p0 =	sne.s32 s18, $0x7E00;
	v8 =	vadd.f32 v10, v8;
	v10 =	vshll.u32 v3, $0x10;
	v11 =	vld [tilespmem:s17+$0x5130]  }
0x7a: {  	s21 =	sshra.s32 s18, $0x2;
	v3 =	vand.u32 $0xFFFF0000, v3;
	v9 =	vmax.f32 v9, $0.0e+00;
	v7 =	vadd.f32 v10, v7;
	v10 =	vld [tilespmem:s17+$0x5170]  }
0x7b: {  	v12 =	vld [tilespmem:s21+$0x1100];
	[tilespmem:s17+$0x5100] =	vst v9;
	v8 =	vmax.f32 v8, $0.0e+00;
	v6 =	vadd.f32 v3, v6;
	v9 =	vshll.u32 v2, $0x10  }
0x7c: {  	v3 =	vld [tilespmem:s21+$0x1110];
	[tilespmem:s17+$0x5140] =	vst v8;
	v7 =	vmax.f32 v7, $0.0e+00;
	v8 =	vand.u32 $0xFFFF0000, v2;
	v4 =	vadd.f32 v9, v4  }
0x7d: {  	v2 =	vld [tilespmem:s21+$0x1120];
	[tilespmem:s17+$0x5110] =	vst v7;
	v6 =	vmax.f32 v6, $0.0e+00;
	v5 =	vadd.f32 v8, v5;
	v7 =	vshll.u32 v1, $0x10  }
0x7e: {  	[tilespmem:s17+$0x5150] =	vst v6;
	v4 =	vmax.f32 v4, $0.0e+00;
	v6 =	vand.u32 $0xFFFF0000, v1;
	v1 =	vld [tilespmem:s21+$0x1130];
	v7 =	vadd.f32 v7, v11  }
0x7f: {  	v9 =	vld [tilespmem:s21+$0x5100];
	[tilespmem:s17+$0x5120] =	vst v4;
	v4 =	vmax.f32 v5, $0.0e+00;
	v5 =	vadd.f32 v6, v10  }
.Ltmp1:
0x80: {  	v8 =	vld [tilespmem:s21+$0x5140];
	[tilespmem:s17+$0x5160] =	vst v4;
	v4 =	vmax.f32 v7, $0.0e+00;
	(pc) =	sbr.rel @p0 .LBB2_5-.Ltmp1, $4  }
0x81: {  	v7 =	vld [tilespmem:s21+$0x5110];
	[tilespmem:s17+$0x5130] =	vst v4;
	v4 =	vmax.f32 v5, $0.0e+00  }
0x82: {  	v6 =	vld [tilespmem:s21+$0x5150];
	[tilespmem:s17+$0x5170] =	vst v4;
	s17 =	smov.u32 s21  }
0x83: {  	v5 =	vshll.u32 v12, $0x10;
	v4 =	vld [tilespmem:s17+$0x5120]  }
0x84: {  	s18 =	sadd.s32 $0x200, s18;
	v10 =	vand.u32 $0xFFFF0000, v12;
	v9 =	vadd.f32 v5, v9;
	v5 =	vld [tilespmem:s17+$0x5160]  }
0x85: {  	v8 =	vadd.f32 v10, v8;
	v10 =	vshll.u32 v3, $0x10;
	v11 =	vld [tilespmem:s17+$0x5130]  }
0x86: {  	v3 =	vand.u32 $0xFFFF0000, v3;
	v9 =	vmax.f32 v9, $0.0e+00;
	v7 =	vadd.f32 v10, v7;
	v10 =	vld [tilespmem:s17+$0x5170]  }
0x87: {  	[tilespmem:s17+$0x5100] =	vst v9;
	v8 =	vmax.f32 v8, $0.0e+00;
	v3 =	vadd.f32 v3, v6;
	v6 =	vshll.u32 v2, $0x10  }
0x88: {  	v2 =	vand.u32 $0xFFFF0000, v2;
	[tilespmem:s17+$0x5140] =	vst v8;
	v7 =	vmax.f32 v7, $0.0e+00;
	v4 =	vadd.f32 v6, v4  }
0x89: {  	[tilespmem:s17+$0x5110] =	vst v7;
	v3 =	vmax.f32 v3, $0.0e+00;
	v2 =	vadd.f32 v2, v5;
	v5 =	vshll.u32 v1, $0x10  }
0x8a: {  	v1 =	vand.u32 $0xFFFF0000, v1;
	[tilespmem:s17+$0x5150] =	vst v3;
	v3 =	vmax.f32 v4, $0.0e+00;
	v4 =	vadd.f32 v5, v11  }
0x8b: {  	[tilespmem:s17+$0x5120] =	vst v3;
	v2 =	vmax.f32 v2, $0.0e+00;
	v1 =	vadd.f32 v1, v10  }
0x8c: {  	[tilespmem:s17+$0x5160] =	vst v2;
	v2 =	vmax.f32 v4, $0.0e+00  }
0x8d: {  	[tilespmem:s17+$0x5130] =	vst v2;
	v1 =	vmax.f32 v1, $0.0e+00  }
0x8e: {  	[tilespmem:s17+$0x5170] =	vst v1  }
0x8f: {  	[spmem:s1] =	stream.indirect.scatter.add.f32 [tilespmem:s24], [sflag:$0x5], $0x80, s26, s28, $0xb8;
	[tilespmem:$0x1D100] =	vst v63  }
0x90: {  	_ =	swait.ge [sflag:s2], $0x2000  }
0x91: {  	[sflag:s2] =	ssyncset.done $0x0  }
0x92: {  	[sflag:s2] =	ssyncadd.s32 $0xFFFFE000  }
0x93: {  	_ =	swait.ge [sflag:s8], $0x2000  }
0x94: {  	[sflag:s8] =	ssyncset.done $0x0  }
0x95: {  	[sflag:s8] =	ssyncadd.s32 $0xFFFFE000  }
0x96: {  	v1 =	vld [tilespmem:s15+$0x180];
	_ =	sdelay $0x4  }
0x97: {  	[tilespmem:$0x1080] =	vst v1  }
0x98: {  	v1 =	vld [tilespmem:s15+$0x190];
	_ =	sdelay $0x4  }
0x99: {  	[tilespmem:$0x1090] =	vst v1  }
0x9a: {  	v1 =	vld [tilespmem:s15+$0x1A0];
	_ =	sdelay $0x4  }
0x9b: {  	[tilespmem:$0x10A0] =	vst v1  }
0x9c: {  	v1 =	vld [tilespmem:s15+$0x1B0]  }
0x9d: {  	p0 =	seq.s32 s14, $0x4F;
	s15 =	sadd.s32 $0x2, s16  }
0x9e: {  	s16 =	sand.u32 @!p0 $0xE, s15  }
0x9f: {  	p1 =	sne.s32 @!p0 s16, $0x0  }
0xa0: {  	p1 =	por p1, p0  }
0xa1: {  	s17 =	simm.s32 @!p0 $0x5;
	s18 =	sshll.u32 @!p1 s15, $0x8;
	[tilespmem:$0x10B0] =	vst v1  }
0xa2: {  	s18 =	sadd.s32 @!p1 s12, s18;
	_ =	swait.ge @!p0 [sflag:s17], $0x2000  }
0xa3: {  	s15 =	sshll.u32 @!p0 s15, $0xD;
	s18 =	sshrl.u32 @!p1 s18, $0x3;
	[sflag:s17] =	ssyncset.done @!p0 $0x0  }
0xa4: {  	[sflag:s17] =	ssyncadd.s32 @!p0 $0xFFFFE000;
	s17 =	sadd.s32 @!p1 s4, s18;
	s18 =	simm.s32 @!p1 $0x0  }
0xa5: {  	[tilespmem:s18], [sflag:$0x7] =	stream.linear.gather @!p1 [hbm4b:s17+s18], $0x1000, $0x38;
	[tilespmem:$0x1D100] =	vst v63  }
0xa6: {  	s15 =	sadd.s32 @!p0 s20, s15;
	s17 =	simm.s32 @!p1 $0x7  }
0xa7: {  	s15 =	sshrl.u32 @!p0 s15, $0x3;
	_ =	swait.ge @!p1 [sflag:s17], $0x1000  }
0xa8: {  	s15 =	sadd.s32 @!p0 s5, s15;
	[sflag:s17] =	ssyncset.done @!p1 $0x0  }
0xa9: {  	s18 =	simm.s32 @!p0 $0x1100;
	[sflag:s17] =	ssyncadd.s32 @!p1 $0xFFFFF000;
	s17 =	simm.s32 @!p0 $0x0  }
0xaa: {  	[tilespmem:s18], [sflag:$0x1] =	stream.linear.gather @!p0 [hbm4b:s15+s17], $0x2000, $0x38;
	[tilespmem:$0x1D100] =	vst v63  }
0xab: {  	s15 =	sshll.u32 @!p0 s16, $0x8;
	s16 =	simm.s32 @!p0 $0x40;
	s17 =	simm.s32 @!p0 $0x5100  }
0xac: {  	[tilespmem:s17], [sflag:$0x3] =	stream.indirect.gather @!p0 [hbm4b:s6+s16], $0x80, s15, s16, $0xb8;
	[tilespmem:$0x1D100] =	vst v63  }
0xad: {  	s15 =	simm.s32 $0x0  }
0xae: {  	v4 =	vld [tilespmem:s15+$0x3100]  }
0xaf: {  	v3 =	vld [tilespmem:s15+$0x3110]  }
0xb0: {  	v2 =	vld [tilespmem:s15+$0x3120]  }
0xb1: {  	v1 =	vld [tilespmem:s15+$0x3130]  }
0xb2: {  	v9 =	vld [tilespmem:s15+$0x7100]  }
0xb3: {  	v8 =	vld [tilespmem:s15+$0x7140]  }
0xb4: {  	v7 =	vld [tilespmem:s15+$0x7110]  }
0xb5: {  	v6 =	vld [tilespmem:s15+$0x7150]  }
0xb6: {  	v5 =	vld [tilespmem:s15+$0x7120];
	v11 =	vshll.u32 v4, $0x10  }
0xb7: {  	s16 =	simm.s32 $0x200;
	v10 =	vand.u32 $0xFFFF0000, v4;
	v4 =	vld [tilespmem:s15+$0x7160];
	v9 =	vadd.f32 v11, v9  }
.LBB2_7:
0xb8: {  	p0 =	sne.s32 s16, $0x7E00;
	v8 =	vadd.f32 v10, v8;
	v10 =	vshll.u32 v3, $0x10;
	v11 =	vld [tilespmem:s15+$0x7130]  }
0xb9: {  	s17 =	sshra.s32 s16, $0x2;
	v3 =	vand.u32 $0xFFFF0000, v3;
	v9 =	vmax.f32 v9, $0.0e+00;
	v7 =	vadd.f32 v10, v7;
	v10 =	vld [tilespmem:s15+$0x7170]  }
0xba: {  	v12 =	vld [tilespmem:s17+$0x3100];
	[tilespmem:s15+$0x7100] =	vst v9;
	v8 =	vmax.f32 v8, $0.0e+00;
	v6 =	vadd.f32 v3, v6;
	v9 =	vshll.u32 v2, $0x10  }
0xbb: {  	v3 =	vld [tilespmem:s17+$0x3110];
	[tilespmem:s15+$0x7140] =	vst v8;
	v7 =	vmax.f32 v7, $0.0e+00;
	v8 =	vand.u32 $0xFFFF0000, v2;
	v5 =	vadd.f32 v9, v5  }
0xbc: {  	v2 =	vld [tilespmem:s17+$0x3120];
	[tilespmem:s15+$0x7110] =	vst v7;
	v6 =	vmax.f32 v6, $0.0e+00;
	v4 =	vadd.f32 v8, v4;
	v7 =	vshll.u32 v1, $0x10  }
0xbd: {  	[tilespmem:s15+$0x7150] =	vst v6;
	v5 =	vmax.f32 v5, $0.0e+00;
	v6 =	vand.u32 $0xFFFF0000, v1;
	v1 =	vld [tilespmem:s17+$0x3130];
	v7 =	vadd.f32 v7, v11  }
0xbe: {  	v9 =	vld [tilespmem:s17+$0x7100];
	[tilespmem:s15+$0x7120] =	vst v5;
	v4 =	vmax.f32 v4, $0.0e+00;
	v5 =	vadd.f32 v6, v10  }
.Ltmp2:
0xbf: {  	v8 =	vld [tilespmem:s17+$0x7140];
	[tilespmem:s15+$0x7160] =	vst v4;
	v4 =	vmax.f32 v7, $0.0e+00;
	(pc) =	sbr.rel @p0 .LBB2_7-.Ltmp2, $4  }
0xc0: {  	v7 =	vld [tilespmem:s17+$0x7110];
	[tilespmem:s15+$0x7130] =	vst v4;
	v4 =	vmax.f32 v5, $0.0e+00  }
0xc1: {  	v6 =	vld [tilespmem:s17+$0x7150];
	[tilespmem:s15+$0x7170] =	vst v4;
	s15 =	smov.u32 s17  }
0xc2: {  	v4 =	vshll.u32 v12, $0x10;
	v5 =	vld [tilespmem:s15+$0x7120]  }
0xc3: {  	s16 =	sadd.s32 $0x200, s16;
	v10 =	vand.u32 $0xFFFF0000, v12;
	v9 =	vadd.f32 v4, v9;
	v4 =	vld [tilespmem:s15+$0x7160]  }
0xc4: {  	v8 =	vadd.f32 v10, v8;
	v60 =	vshll.u32 v3, $0x10;
	v11 =	vld [tilespmem:s15+$0x7130]  }
0xc5: {  	v3 =	vand.u32 $0xFFFF0000, v3;
	v61 =	vld [tilespmem:s15+$0x7170];
	v9 =	vmax.f32 v9, $0.0e+00;
	v7 =	vadd.f32 v60, v7  }
0xc6: {  	v62 =	vshll.u32 v2, $0x10;
	[tilespmem:s15+$0x7100] =	vst v9;
	v8 =	vmax.f32 v8, $0.0e+00;
	v3 =	vadd.f32 v3, v6  }
0xc7: {  	v2 =	vand.u32 $0xFFFF0000, v2;
	[tilespmem:s15+$0x7140] =	vst v8;
	v7 =	vmax.f32 v7, $0.0e+00;
	v5 =	vadd.f32 v62, v5  }
0xc8: {  	v63 =	vshll.u32 v1, $0x10;
	s14 =	sadd.s32 $0x1, s14;
	[tilespmem:s15+$0x7110] =	vst v7;
	v3 =	vmax.f32 v3, $0.0e+00;
	v2 =	vadd.f32 v2, v4  }
0xc9: {  	v1 =	vand.u32 $0xFFFF0000, v1;
	p0 =	sne.s32 s14, $0x50;
	[tilespmem:s15+$0x7150] =	vst v3;
	v3 =	vmax.f32 v5, $0.0e+00;
	v4 =	vadd.f32 v63, v11  }
.Ltmp3:
0xca: {  	v1 =	vadd.f32 v1, v61;
	[tilespmem:s15+$0x7120] =	vst v3;
	v2 =	vmax.f32 v2, $0.0e+00;
	(pc) =	sbr.rel @p0 .LBB2_4-.Ltmp3, $4  }
0xcb: {  	[tilespmem:s15+$0x7160] =	vst v2;
	v2 =	vmax.f32 v4, $0.0e+00  }
0xcc: {  	v1 =	vmax.f32 v1, $0.0e+00;
	[tilespmem:s15+$0x7130] =	vst v2  }
0xcd: {  	[tilespmem:s15+$0x7170] =	vst v1  }
0xce: {  	[spmem:s1] =	stream.indirect.scatter.add.f32 [tilespmem:s0], [sflag:$0x6], $0x80, s9, s28, $0xb8;
	[tilespmem:$0x1D100] =	vst v63  }
0xcf: {  	_ =	swait.ge [sflag:s10], $0x2000  }
0xd0: {  	[sflag:s10] =	ssyncset.done $0x0  }
0xd1: {  	[sflag:s10] =	ssyncadd.s32 $0xFFFFE000  }
0xd2: {  	_ =	swait.ge [sflag:s11], $0x2000  }
0xd3: {  	s13 =	stileid.u32;
	[sflag:s11] =	ssyncset.done $0x0  }
0xd4: {  	s14 =	sshrl.u32 s7, $0x3;
	s3 =	sadd.s32 $0x1, s3;
	[sflag:s11] =	ssyncadd.s32 $0xFFFFE000  }
0xd5: {  	s13 =	sshll.u32 s13, $0x6;
	p0 =	sne.s32 s3, s22;
	[bflag:$0x0] =	sbarrier.arrive $0xFFFF  }
.Ltmp4:
0xd6: {  	s13 =	sor.u32 $0x1C07, s13;
	s15 =	rddreg [dreg:$0xd];
	(pc) =	sbr.rel @p0 .LBB2_1-.Ltmp4, $4  }
0xd7: {  	[hbm:s15], [sflag:s13] =	dma.local [spmem:s14], $0x2800  }
0xd8: {  	_ =	swait.ge [sflag:s25], $0x2800  }
0xd9: {  	[sflag:s25] =	ssyncset.done $0x0  }
0xda: {  	[sflag:s25] =	ssyncadd.s32 $0xFFFFD800  }
0xdb: {  	_ =	sfence.sel $0x180000  }
0xdc: {  	[bflag:$0x0] =	sbarrier.arrive $0xFFFF  }
0xdd: {  	_ =	strace $0x9000004A  }
0xde: {  	s0 =	stileid.u32;
	[bflag:$0x2] =	sbarrier.arrive $0xFFFF  }
0xdf: {  	p0 =	sne.s32 s0, $0x0;
	s0 =	rddreg [dreg:$0x2]  }
0xe0: {  	s0 =	sadd.s32 @!p0 $0x100000, s0  }
0xe1: {  	[sflag:s0] =	ssyncadd.tile.s32 @!p0 $0x1;
	_ =	shalt  }
.Lfunc_end2:
_tile_overlayer_lowered:
.L_overlay_start_2:
0xe2: {  	(tag) =	ssettag $0x2  }
0xe3: {  	s0 =	rddreg [dreg:$0x0];
	s2 =	stileid.u32  }
0xe4: {  	s1 =	rddreg [dreg:$0x1];
	p0 =	sne.s32 s2, $0x0  }
0xe5: {  	s3 =	rddreg [dreg:$0x2];
	[bflag:$0x3] =	sbarrier.arrive $0xFFFF;
	s2 =	simm.s32 @!p0 $0x1C07  }
0xe6: {  	[timem:s3], [sflag:s2] =	dma.local @!p0 [hbm:s0], s1  }
0xe7: {  	s0 =	simm.s32 @!p0 $0x7  }
0xe8: {  	_ =	swait.ge @!p0 [sflag:s0], s1  }
0xe9: {  	s1 =	ssub.s32 @!p0 $0x0, s1;
	[sflag:s0] =	ssyncset.done @!p0 $0x0  }
0xea: {  	[sflag:s0] =	ssyncadd.s32 @!p0 s1  }
0xeb: {  	[bflag:$0x3] =	sbarrier.arrive $0xFFFF  }
0xec: {  	_ =	shalt  }

// kernel: kernel.17.cloned.1.call-start
scs
__scs_entry_jumppad:
0x0: {  	(pc) =	sbr.rel $0x88, $3  }
0x1: {  	(tag) =	ssettag $0x0;
	lr =	simm.s32 $0x1  }
0x2: {  	[smem:$0x3F80] =	sst lr;
	_ =	strace $0xD0000000  }
0x3: {  	_ = 	snop  }
0x4: {  	_ = 	snop  }
0x5: {  	_ = 	snop  }
0x6: {  	_ = 	snop  }
0x7: {  	_ = 	snop  }
__scs_overlays_trampoline_lowered:
0x8: {  	[smem:$0x3F8F] =	sst s0  }
0x9: {  	[smem:$0x3F90] =	sst s1  }
0xa: {  	[smem:$0x3F91] =	sst s2  }
0xb: {  	[smem:$0x3F92] =	sst s3  }
0xc: {  	[smem:$0x3F93] =	sst s4  }
0xd: {  	[smem:$0x3F94] =	sst s5  }
0xe: {  	[smem:$0x3F95] =	sst s6  }
0xf: {  	[smem:$0x3F96] =	sst s7  }
0x10: {  	[smem:$0x3F97] =	sst s8  }
0x11: {  	[smem:$0x3F98] =	sst s9;
	s0 =	simm.s32 @!p0 $0x0  }
0x12: {  	s1 =	sld [smem:$0x3F7E];
	s0 =	simm.s32 @p0 $0x1  }
0x13: {  	[smem:$0x3F99] =	sst s0;
	s0 =	simm.s32 @!p1 $0x0  }
0x14: {  	s2 =	sld [smem:$0x3F7D];
	s0 =	simm.s32 @p1 $0x1  }
0x15: {  	[smem:$0x3F9A] =	sst s0;
	s0 =	simm.s32 @!p2 $0x0  }
0x16: {  	s3 =	sld [smem:$0x3FDB];
	s0 =	simm.s32 @p2 $0x1  }
0x17: {  	s4 =	simm.s32 $0x1BF5;
	[smem:$0x3F9C] =	sst s0  }
0x18: {  	s0 =	sld [smem:$0x3F7F];
	_ =	swait.ge [sflag:s4], $0x0  }
0x19: {  	s7 =	sld [smem:$0x3F80]  }
0x1a: {  	s8 =	sadd.s32 $0xFFFFE003, lr  }
0x1b: {  	s9 =	sadd.s32 $0xFFFFFEF7, lr;
	s5 =	simm.s32 $0xFFFFFFFF;
	p2 =	slt.u32 s8, $0xFFFFF086  }
0x1c: {  	p1 =	slt.u32 s9, $0xF7A;
	s5 =	simm.s32 @!p2 $0x0  }
0x1d: {  	s5 =	simm.s32 @p1 $0x1;
	p0 =	seq.s32 s7, s2  }
0x1e: {  	s7 =	smul.u32 @!p0 $0xF7A, s2;
	p2 =	seq.s32 @!p0 s5, $0x0  }
0x1f: {  	s9 =	smul.u32 $0xF7A, s1;
	s8 =	simm.s32 @!p0 $0x1BF5;
	p2 =	por !p2, p0  }
0x20: {  	[sflag:s8] =	ssyncset.s32 @!p0 $0xFFFFF086;
	s6 =	sadd.s32 @!p0 s3, s7;
	s7 =	simm.s32 @!p0 $0x108  }
0x21: {  	s3 =	sadd.s32 s3, s9;
	s6 =	sadd.s32 @!p0 $0x88, s6;
	s7 =	simm.s32 @p2 $0x1082  }
0x22: {  	[simem:s7], [sflag:s8] =	dma.local @!p0 [hbm:s6], $0xF7A  }
0x23: {  	s9 =	sor.u32 $0xD0000000, s2;
	s6 =	simm.s32 $0x108;
	_ =	swait.ge @!p0 [sflag:s8], $0x0  }
0x24: {  	s3 =	sadd.s32 $0x88, s3;
	s6 =	simm.s32 @!p1 $0x1082;
	[sflag:s4] =	ssyncset.s32 $0xFFFFF086  }
0x25: {  	[simem:s6], [sflag:s4] =	dma.local [hbm:s3], $0xF7A  }
0x26: {  	[smem:$0x3F80] =	sst s1;
	(tag) =	ssettag s2;
	_ =	strace s9  }
0x27: {  	s1 =	sld [smem:$0x3F90]  }
0x28: {  	s2 =	sld [smem:$0x3F91]  }
0x29: {  	s4 =	sld [smem:$0x3F93]  }
0x2a: {  	p0 =	seq.s32 s5, $0x0;
	s5 =	sld [smem:$0x3F94]  }
0x2b: {  	s6 =	sld [smem:$0x3F95]  }
0x2c: {  	s7 =	sld [smem:$0x3F96]  }
0x2d: {  	s3 =	simm.s32 $0x108;
	s8 =	sld [smem:$0x3F97]  }
0x2e: {  	s3 =	simm.s32 @!p0 $0x1082;
	s9 =	sld [smem:$0x3F98]  }
0x2f: {  	lr =	sadd.s32 s0, s3;
	s0 =	sld [smem:$0x3F8F]  }
0x30: {  	s3 =	sld [smem:$0x3F92]  }
0x31: {  	[smem:$0x3F9B] =	sst s10  }
0x32: {  	s10 =	sld [smem:$0x3F99];
	_ =	sdelay $0x3  }
0x33: {  	p0 =	seq.s32 s10, $0x1;
	s10 =	sld [smem:$0x3F9B];
	_ =	sdelay $0x3  }
0x34: {  	[smem:$0x3F9B] =	sst s10  }
0x35: {  	s10 =	sld [smem:$0x3F9A];
	_ =	sdelay $0x3  }
0x36: {  	p1 =	seq.s32 s10, $0x1;
	s10 =	sld [smem:$0x3F9B];
	_ =	sdelay $0x3  }
0x37: {  	[smem:$0x3F9B] =	sst s10  }
0x38: {  	s10 =	sld [smem:$0x3F9C]  }
0x39: {  	_ = 	snop;
	(pc) =	sbr.ind lr, $3  }
0x3a: {  	_ = 	snop  }
0x3b: {  	_ = 	snop  }
0x3c: {  	p2 =	seq.s32 s10, $0x1;
	s10 =	sld [smem:$0x3F9B]  }
0x3d: {  	_ =	shalt  }
0x3e: {  	_ =	shalt  }
0x3f: {  	_ =	shalt  }
0x40: {  	_ =	shalt  }
0x41: {  	_ =	shalt  }
0x42: {  	_ =	shalt  }
0x43: {  	_ =	shalt  }
0x44: {  	_ =	shalt  }
0x45: {  	_ =	shalt  }
0x46: {  	_ =	shalt  }
0x47: {  	_ =	shalt  }
0x48: {  	_ =	shalt  }
0x49: {  	_ =	shalt  }
0x4a: {  	_ =	shalt  }
0x4b: {  	_ =	shalt  }
0x4c: {  	_ =	shalt  }
0x4d: {  	_ =	shalt  }
0x4e: {  	_ =	shalt  }
0x4f: {  	_ =	shalt  }
0x50: {  	_ =	shalt  }
0x51: {  	_ =	shalt  }
0x52: {  	_ =	shalt  }
0x53: {  	_ =	shalt  }
0x54: {  	_ =	shalt  }
0x55: {  	_ =	shalt  }
0x56: {  	_ =	shalt  }
0x57: {  	_ =	shalt  }
0x58: {  	_ =	shalt  }
0x59: {  	_ =	shalt  }
0x5a: {  	_ =	shalt  }
0x5b: {  	_ =	shalt  }
0x5c: {  	_ =	shalt  }
0x5d: {  	_ =	shalt  }
0x5e: {  	_ =	shalt  }
0x5f: {  	_ =	shalt  }
0x60: {  	_ =	shalt  }
0x61: {  	_ =	shalt  }
0x62: {  	_ =	shalt  }
0x63: {  	_ =	shalt  }
0x64: {  	_ =	shalt  }
0x65: {  	_ =	shalt  }
0x66: {  	_ =	shalt  }
0x67: {  	_ =	shalt  }
0x68: {  	_ =	shalt  }
0x69: {  	_ =	shalt  }
0x6a: {  	_ =	shalt  }
0x6b: {  	_ =	shalt  }
0x6c: {  	_ =	shalt  }
0x6d: {  	_ =	shalt  }
0x6e: {  	_ =	shalt  }
0x6f: {  	_ =	shalt  }
0x70: {  	_ =	shalt  }
0x71: {  	_ =	shalt  }
0x72: {  	_ =	shalt  }
0x73: {  	_ =	shalt  }
0x74: {  	_ =	shalt  }
0x75: {  	_ =	shalt  }
0x76: {  	_ =	shalt  }
0x77: {  	_ =	shalt  }
0x78: {  	_ =	shalt  }
0x79: {  	_ =	shalt  }
0x7a: {  	_ =	shalt  }
0x7b: {  	_ =	shalt  }
0x7c: {  	_ =	shalt  }
0x7d: {  	_ =	shalt  }
0x7e: {  	_ =	shalt  }
0x7f: {  	_ =	shalt  }
0x80: {  	_ =	shalt  }
0x81: {  	_ =	shalt  }
0x82: {  	_ =	shalt  }
0x83: {  	_ =	shalt  }
0x84: {  	_ =	shalt  }
0x85: {  	_ =	shalt  }
0x86: {  	_ =	shalt  }
0x87: {  	_ =	shalt  }
.Lfunc_end0:
.L_simem_size_0:
called_computation.2_lowered:
.L_overlay_start_0:
0x88: {  	s2 =	sld [smem:$0x3FD9]  }
0x89: {  	s3 =	sld [smem:$0x3FFE];
	_ =	sdelay $0x1  }
0x8a: {  	s1 =	srdreg.scid  }
0x8b: {  	s0 =	sand.u32 $0x1, s1  }
0x8c: {  	s16 =	sshll.u32 s0, $0xA;
	s2 =	sadd.s32 s3, s2  }
0x8d: {  	s2 =	sadd.s32 s2, s16  }
0x8e: {  	[smem:$0x3FA7] =	sst s2  }
0x8f: {  	_ = 	snop  }
0x90: {  	(tm) =	ssettm $0x1  }
0x91: {  	s17 =	sld [smem:$0x3FFB];
	_ =	sdelay $0x3  }
0x92: {  	_ =	strace s17  }
0x93: {  	s2 =	sld [smem:$0x3FFC];
	_ =	sdelay $0x3  }
0x94: {  	_ =	strace s2  }
0x95: {  	s2 =	sld [smem:$0x3FFD];
	_ =	sdelay $0x3  }
0x96: {  	_ =	strace s2  }
0x97: {  	_ =	strace $0x8FFFFFFF  }
0x98: {  	s18 =	sld [smem:$0x3FDB];
	_ =	sdelay $0x1  }
0x99: {  	s19 =	simm.s32 $_scs_section_size  }
0x9a: {  	s4 =	simm.s32 $_size__tile_overlayer_lowered;
	s5 =	simm.s32 $_tile_overlayer_lowered  }
0x9b: {  	s22 =	simm.s32 $0x1BFF;
	s21 =	sshll.u32 s5, $0x1;
	s2 =	sadd.s32 s19, s18  }
0x9c: {  	s6 =	simm.s32 $0x0;
	s20 =	sshll.u32 s4, $0x1;
	s4 =	sadd.s32 s21, s2  }
0x9d: {  	[timem:s6], [sflag:s22] =	dma.local [hbm:s4], s20  }
0x9e: {  	_ =	swait.ge [sflag:s22], s20  }
0x9f: {  	s3 =	ssub.s32 $0x0, s20;
	[sflag:s22] =	ssyncset.done $0x0  }
0xa0: {  	[sflag:s22] =	ssyncadd.s32 s3;
	_ =	sdelay $0x1  }
0xa1: {  	s23 =	simm.s32 $0x1B8B  }
0xa2: {  	_ =	swait.ge [sflag:s23], $0x1  }
0xa3: {  	[sflag:s23] =	ssyncset.done $0x0  }
0xa4: {  	s25 =	simm.s32 $0x1B8E;
	s24 =	sld [smem:$0x3FFE];
	[sflag:s23] =	ssyncadd.s32 $0xFFFFFFFF  }
0xa5: {  	s26 =	simm.s32 $execute0_lowered;
	[smem:$0x3FD2] =	sst s25  }
0xa6: {  	s4 =	sshll.u32 s26, $0x1;
	_ =	strace $0x8000004C;
	[dreg:$0x1] =	wrdreg $0xFFFFFFFF  }
0xa7: {  	s28 =	simm.s32 $_size_execute0_lowered;
	s2 =	sadd.s32 s2, s4;
	[dreg:$0x0] =	wrdreg $0x0  }
0xa8: {  	s4 =	sshll.u32 s28, $0x1;
	[dreg:$0x2] =	wrdreg s2  }
0xa9: {  	[dreg:$0x3] =	wrdreg s4  }
0xaa: {  	[dreg:$0x4] =	wrdreg $0xC0  }
0xab: {  	_ =	task [dreg:s6], $0x5FFFF  }
0xac: {  	[dreg:$0x1] =	wrdreg $0xFFFFFFFF  }
0xad: {  	[dreg:$0x0] =	wrdreg $0x60  }
0xae: {  	[dreg:$0x2] =	wrdreg s24  }
0xaf: {  	[dreg:$0x3] =	wrdreg $0x91000  }
0xb0: {  	[dreg:$0x4] =	wrdreg $0x9  }
0xb1: {  	_ =	task.clear_ibuf [dreg:s6], $0x5FFFF;
	_ =	strace $0x9000004C  }
0xb2: {  	s29 =	simm.s32 $0x9;
	_ =	strace $0x8000004E  }
0xb3: {  	_ =	swait.ge [sflag:s29], $0x1  }
0xb4: {  	[sflag:s29] =	ssyncadd.s32 $0xFFFFFFFF  }
0xb5: {  	_ =	strace $0x9000004E  }
0xb6: {  	_ =	sfence  }
0xb7: {  	s30 =	sld [smem:$0x0];
	_ =	sdelay $0x2  }
0xb8: {  	s31 =	sshll.u32 s1, $0xD;
	s1 =	sshrl.u32 s1, $0x2  }
0xb9: {  	s3 =	sand.u32 $0x4000, s31;
	s1 =	sadd.s32 s1, s30  }
0xba: {  	s0 =	sor.u32 s3, s0;
	s1 =	sshll.u32 s1, $0x11  }
0xbb: {  	s0 =	sor.u32 s1, s0  }
0xbc: {  	s0 =	sadd.s32 $0x8F2B, s0  }
0xbd: {  	[sflag:s0] =	ssyncadd.remote.s32 $0x1  }
0xbe: {  	_ =	sfence.sel $0xFFFF  }
0xbf: {  	[dreg:$0x0] =	wrdreg $0xFFFFFFFF;
	(pc) =	sbr.abs _section_cstart, $3  }
0xc0: {  	[dreg:$0x1] =	wrdreg $0xFFFFFFFF  }
0xc1: {  	_ =	task.clear_ibuf [dreg:s6], $0x2FFFF;
	_ =	strace $0x9FFFFFFF  }
0xc2: {  	(tm) =	ssettm $0x7FFFFFFF  }
0xc3: {  	_ =	shalt  }
tec
execute0_lowered:
.L_overlay_start_1:
0x0: {  	(tag) =	ssettag $0x1  }
0x1: {  	s0 =	rddreg [dreg:$0x0]  }
0x2: {  	s1 =	rddreg [dreg:$0x1];
	s10 =	stileid.u32  }
0x3: {  	s2 =	srdreg.scid;
	s3 =	simm.s32 $0x0;
	s7 =	smul.u32 $0x14000, s10  }
0x4: {  	s2 =	sand.u32 $0x1, s2;
	s8 =	smul.u32 $0x50000, s10;
	s10 =	sshll.u32 s10, $0x1  }
0x5: {  	s6 =	smul.u32 $0x140000, s2;
	s9 =	ssub.s32 $0x2, s2;
	s2 =	sor.u32 s2, s10  }
0x6: {  	[smem:$0x7FF] =	sst s3;
	s4 =	sadd.s32 $0x7A00, s0;
	s12 =	smul.u32 $0xA000, s2  }
0x7: {  	s5 =	sadd.s32 $0xA11A00, s0;
	s8 =	sshrl.u32 s8, $0x2;
	s7 =	sadd.s32 s7, s6  }
0x8: {  	s6 =	sadd.s32 $0x2FA00, s0;
	s7 =	sshrl.u32 s7, $0x3;
	s26 =	sshrl.u32 s12, $0x3  }
0x9: {  	s0 =	sadd.s32 s7, s0;
	s7 =	sadd.s32 s8, s1;
	s10 =	sadd.s32 s4, s26  }
0xa: {  	_ =	strace $0x8000004D;
	s8 =	sadd.s32 $0x2000, s7;
	[dreg:$0xc] =	wrdreg s10  }
0xb: {  	s28 =	simm.s32 $0x40;
	s18 =	sadd.s32 $0x4000, s7;
	[dreg:$0x3] =	wrdreg s8  }
0xc: {  	s29 =	simm.s32 $0x1;
	s19 =	sadd.s32 $0x6000, s7;
	[dreg:$0x4] =	wrdreg s18  }
0xd: {  	s30 =	simm.s32 $0x3;
	s20 =	sadd.s32 $0x8000, s7;
	[dreg:$0x5] =	wrdreg s19  }
0xe: {  	s31 =	simm.s32 $0x3100;
	s21 =	sadd.s32 $0xA000, s7;
	[dreg:$0x6] =	wrdreg s20  }
0xf: {  	s17 =	sshrl.u32 s9, $0x1;
	s22 =	sadd.s32 $0xC000, s7;
	[dreg:$0x7] =	wrdreg s21  }
0x10: {  	s23 =	smul.u32 $0x28000, s2;
	s24 =	sadd.s32 $0xE000, s7;
	[dreg:$0x8] =	wrdreg s22  }
0x11: {  	s9 =	ssub.s32 s9, s17;
	s25 =	sadd.s32 $0x10000, s7;
	[dreg:$0x9] =	wrdreg s24  }
0x12: {  	s26 =	simm.s32 $0x1000;
	s11 =	sadd.s32 $0x12000, s7;
	[dreg:$0xa] =	wrdreg s25  }
0x13: {  	s0 =	sadd.s32 $0x56C00, s0;
	s10 =	simm.s32 $0x5;
	[dreg:$0xb] =	wrdreg s11  }
0x14: {  	s19 =	sadd.s32 s5, s23;
	s20 =	smul.u32 $0x140000, s2;
	[dreg:$0xd] =	wrdreg s0  }
0x15: {  	s22 =	smax.u32 s9, $0x1;
	s24 =	simm.s32 $0x5100;
	s25 =	simm.s32 $0x7  }
0x16: {  	s0 =	simm.s32 $0x7100;
	s2 =	simm.s32 $0x2;
	s8 =	simm.s32 $0x4  }
0x17: {  	v0 =	vimm.f32 $0.0e+00;
	s9 =	simm.s32 $0x1080;
	s11 =	simm.s32 $0x6;
	s23 =	sadd.s32 $0x400, s19  }
.LBB2_1:
0x18: {  	s13 =	simm.s32 $0x0;
	s14 =	simm.s32 $0x200  }
.LBB2_2:
0x19: {  	p0 =	sne.s32 s14, $0x7E00;
	[tilespmem:s13+$0x5170] =	vst v0  }
0x1a: {  	[tilespmem:s13+$0x5100] =	vst v0  }
0x1b: {  	[tilespmem:s13+$0x5110] =	vst v0  }
.Ltmp0:
0x1c: {  	[tilespmem:s13+$0x5120] =	vst v0;
	(pc) =	sbr.rel @p0 .LBB2_2-.Ltmp0, $4  }
0x1d: {  	[tilespmem:s13+$0x5130] =	vst v0  }
0x1e: {  	[tilespmem:s13+$0x5140] =	vst v0  }
0x1f: {  	[tilespmem:s13+$0x5150] =	vst v0  }
0x20: {  	[tilespmem:s13+$0x5160] =	vst v0;
	s13 =	sshra.s32 s14, $0x2;
	s14 =	sadd.s32 $0x200, s14  }
0x21: {  	[tilespmem:s13+$0x5170] =	vst v0  }
0x22: {  	[tilespmem:s13+$0x5100] =	vst v0  }
0x23: {  	[tilespmem:s13+$0x5110] =	vst v0  }
0x24: {  	[tilespmem:s13+$0x5120] =	vst v0  }
0x25: {  	[tilespmem:s13+$0x5130] =	vst v0  }
0x26: {  	[tilespmem:s13+$0x5140] =	vst v0  }
0x27: {  	[tilespmem:s13+$0x5150] =	vst v0  }
0x28: {  	[tilespmem:s13+$0x5160] =	vst v0  }
0x29: {  	[spmem:s7] =	stream.linear.scatter [tilespmem:s24], [sflag:$0x7], $0x2000, $0x38;
	[tilespmem:$0x1D100] =	vst v63  }
0x2a: {  	_ =	swait.ge [sflag:s25], $0x2000  }
0x2b: {  	[sflag:s25] =	ssyncset.done $0x0  }
0x2c: {  	s16 =	rddreg [dreg:$0x3];
	[sflag:s25] =	ssyncadd.s32 $0xFFFFE000  }
0x2d: {  	[spmem:s16] =	stream.linear.scatter [tilespmem:s24], [sflag:$0x7], $0x2000, $0x38;
	[tilespmem:$0x1D100] =	vst v63  }
0x2e: {  	_ =	swait.ge [sflag:s25], $0x2000  }
0x2f: {  	[sflag:s25] =	ssyncset.done $0x0  }
0x30: {  	s17 =	rddreg [dreg:$0x4];
	[sflag:s25] =	ssyncadd.s32 $0xFFFFE000  }
0x31: {  	[spmem:s17] =	stream.linear.scatter [tilespmem:s24], [sflag:$0x7], $0x2000, $0x38;
	[tilespmem:$0x1D100] =	vst v63  }
0x32: {  	_ =	swait.ge [sflag:s25], $0x2000  }
0x33: {  	[sflag:s25] =	ssyncset.done $0x0  }
0x34: {  	s18 =	rddreg [dreg:$0x5];
	[sflag:s25] =	ssyncadd.s32 $0xFFFFE000  }
0x35: {  	[spmem:s18] =	stream.linear.scatter [tilespmem:s24], [sflag:$0x7], $0x2000, $0x38;
	[tilespmem:$0x1D100] =	vst v63  }
0x36: {  	_ =	swait.ge [sflag:s25], $0x2000  }
0x37: {  	[sflag:s25] =	ssyncset.done $0x0  }
0x38: {  	s21 =	rddreg [dreg:$0x6];
	[sflag:s25] =	ssyncadd.s32 $0xFFFFE000  }
0x39: {  	[spmem:s21] =	stream.linear.scatter [tilespmem:s24], [sflag:$0x7], $0x2000, $0x38;
	[tilespmem:$0x1D100] =	vst v63  }
0x3a: {  	_ =	swait.ge [sflag:s25], $0x2000  }
0x3b: {  	[sflag:s25] =	ssyncset.done $0x0  }
0x3c: {  	s14 =	rddreg [dreg:$0x7];
	[sflag:s25] =	ssyncadd.s32 $0xFFFFE000  }
0x3d: {  	[spmem:s14] =	stream.linear.scatter [tilespmem:s24], [sflag:$0x7], $0x2000, $0x38;
	[tilespmem:$0x1D100] =	vst v63  }
0x3e: {  	_ =	swait.ge [sflag:s25], $0x2000  }
0x3f: {  	[sflag:s25] =	ssyncset.done $0x0  }
0x40: {  	s15 =	rddreg [dreg:$0x8];
	[sflag:s25] =	ssyncadd.s32 $0xFFFFE000  }
0x41: {  	[spmem:s15] =	stream.linear.scatter [tilespmem:s24], [sflag:$0x7], $0x2000, $0x38;
	[tilespmem:$0x1D100] =	vst v63  }
0x42: {  	_ =	swait.ge [sflag:s25], $0x2000  }
0x43: {  	[sflag:s25] =	ssyncset.done $0x0  }
0x44: {  	s16 =	rddreg [dreg:$0x9];
	[sflag:s25] =	ssyncadd.s32 $0xFFFFE000  }
0x45: {  	[spmem:s16] =	stream.linear.scatter [tilespmem:s24], [sflag:$0x7], $0x2000, $0x38;
	[tilespmem:$0x1D100] =	vst v63  }
0x46: {  	_ =	swait.ge [sflag:s25], $0x2000  }
0x47: {  	[sflag:s25] =	ssyncset.done $0x0  }
0x48: {  	s17 =	rddreg [dreg:$0xa];
	[sflag:s25] =	ssyncadd.s32 $0xFFFFE000  }
0x49: {  	[spmem:s17] =	stream.linear.scatter [tilespmem:s24], [sflag:$0x7], $0x2000, $0x38;
	[tilespmem:$0x1D100] =	vst v63  }
0x4a: {  	_ =	swait.ge [sflag:s25], $0x2000  }
0x4b: {  	[sflag:s25] =	ssyncset.done $0x0  }
0x4c: {  	s18 =	rddreg [dreg:$0xb];
	[sflag:s25] =	ssyncadd.s32 $0xFFFFE000  }
0x4d: {  	[spmem:s18] =	stream.linear.scatter [tilespmem:s24], [sflag:$0x7], $0x2000, $0x38;
	[tilespmem:$0x1D100] =	vst v63  }
0x4e: {  	_ =	swait.ge [sflag:s25], $0x2000  }
0x4f: {  	[sflag:s25] =	ssyncset.done $0x0  }
0x50: {  	[sflag:s25] =	ssyncadd.s32 $0xFFFFE000  }
0x51: {  	[bflag:$0x0] =	sbarrier.arrive $0xFFFF  }
0x52: {  	s13 =	simm.s32 $0x0;
	s14 =	rddreg [dreg:$0xc]  }
0x53: {  	[tilespmem:s13], [sflag:$0x7] =	stream.linear.gather [hbm4b:s14+s13], $0x1000, $0x38;
	[tilespmem:$0x1D100] =	vst v63  }
0x54: {  	_ =	swait.ge [sflag:s25], $0x1000  }
0x55: {  	[sflag:s25] =	ssyncset.done $0x0  }
0x56: {  	s21 =	simm.s32 $0x1100;
	[sflag:s25] =	ssyncadd.s32 $0xFFFFF000  }
0x57: {  	[tilespmem:s21], [sflag:$0x1] =	stream.linear.gather [hbm4b:s19+s13], $0x2000, $0x38;
	[tilespmem:$0x1D100] =	vst v63  }
0x58: {  	s14 =	simm.s32 $0x0  }
0x59: {  	[tilespmem:s24], [sflag:$0x3] =	stream.indirect.gather [hbm4b:s6+s28], $0x80, s13, s28, $0xb8;
	[tilespmem:$0x1D100] =	vst v63  }
.LBB2_4:
0x5a: {  	_ =	swait.ge [sflag:s29], $0x2000  }
0x5b: {  	[sflag:s29] =	ssyncset.done $0x0  }
0x5c: {  	[sflag:s29] =	ssyncadd.s32 $0xFFFFE000  }
0x5d: {  	_ =	swait.ge [sflag:s30], $0x2000  }
0x5e: {  	s15 =	sshll.u32 s14, $0x9;
	[sflag:s30] =	ssyncset.done $0x0  }
0x5f: {  	s15 =	sand.u32 $0xE00, s15;
	[sflag:s30] =	ssyncadd.s32 $0xFFFFE000  }
0x60: {  	v1 =	vld [tilespmem:s15+$0x80];
	_ =	sdelay $0x4  }
0x61: {  	[tilespmem:$0x1000] =	vst v1  }
0x62: {  	v1 =	vld [tilespmem:s15+$0x90];
	_ =	sdelay $0x4  }
0x63: {  	[tilespmem:$0x1010] =	vst v1  }
0x64: {  	v1 =	vld [tilespmem:s15+$0xA0];
	_ =	sdelay $0x4  }
0x65: {  	[tilespmem:$0x1020] =	vst v1  }
0x66: {  	v1 =	vld [tilespmem:s15+$0xB0];
	_ =	sdelay $0x3  }
0x67: {  	p0 =	seq.s32 s14, $0x0  }
0x68: {  	s16 =	simm.s32 @!p0 $0x6;
	[tilespmem:$0x1030] =	vst v1  }
0x69: {  	_ =	swait.ge @!p0 [sflag:s16], $0x2000  }
0x6a: {  	s17 =	sshll.u32 s14, $0xB;
	[sflag:s16] =	ssyncset.done @!p0 $0x0  }
0x6b: {  	s18 =	sadd.s32 s23, s17;
	[sflag:s16] =	ssyncadd.s32 @!p0 $0xFFFFE000  }
0x6c: {  	[tilespmem:s31], [sflag:$0x2] =	stream.linear.gather [hbm4b:s18+s13], $0x2000, $0x38;
	[tilespmem:$0x1D100] =	vst v63  }
0x6d: {  	s17 =	simm.s32 $0x0;
	s21 =	sadd.s32 $0x100, s15  }
0x6e: {  	[tilespmem:s0], [sflag:$0x4] =	stream.indirect.gather [hbm4b:s6+s28], $0x80, s21, s28, $0xb8;
	[tilespmem:$0x1D100] =	vst v63  }
0x6f: {  	v5 =	vld [tilespmem:s17+$0x1100]  }
0x70: {  	v3 =	vld [tilespmem:s17+$0x1110]  }
0x71: {  	v2 =	vld [tilespmem:s17+$0x1120]  }
0x72: {  	v1 =	vld [tilespmem:s17+$0x1130]  }
0x73: {  	v9 =	vld [tilespmem:s17+$0x5100]  }
0x74: {  	v8 =	vld [tilespmem:s17+$0x5140]  }
0x75: {  	v7 =	vld [tilespmem:s17+$0x5110]  }
0x76: {  	v6 =	vld [tilespmem:s17+$0x5150]  }
0x77: {  	v4 =	vld [tilespmem:s17+$0x5120];
	v11 =	vshll.u32 v5, $0x10  }
0x78: {  	s16 =	sshll.u32 s14, $0x1;
	s18 =	simm.s32 $0x200;
	v10 =	vand.u32 $0xFFFF0000, v5;
	v5 =	vld [tilespmem:s17+$0x5160];
	v9 =	vadd.f32 v11, v9  }
.LBB2_5:
0x79: {  	p0 =	sne.s32 s18, $0x7E00;
	v8 =	vadd.f32 v10, v8;
	v10 =	vshll.u32 v3, $0x10;
	v11 =	vld [tilespmem:s17+$0x5130]  }
0x7a: {  	s21 =	sshra.s32 s18, $0x2;
	v3 =	vand.u32 $0xFFFF0000, v3;
	v9 =	vmax.f32 v9, $0.0e+00;
	v7 =	vadd.f32 v10, v7;
	v10 =	vld [tilespmem:s17+$0x5170]  }
0x7b: {  	v12 =	vld [tilespmem:s21+$0x1100];
	[tilespmem:s17+$0x5100] =	vst v9;
	v8 =	vmax.f32 v8, $0.0e+00;
	v6 =	vadd.f32 v3, v6;
	v9 =	vshll.u32 v2, $0x10  }
0x7c: {  	v3 =	vld [tilespmem:s21+$0x1110];
	[tilespmem:s17+$0x5140] =	vst v8;
	v7 =	vmax.f32 v7, $0.0e+00;
	v8 =	vand.u32 $0xFFFF0000, v2;
	v4 =	vadd.f32 v9, v4  }
0x7d: {  	v2 =	vld [tilespmem:s21+$0x1120];
	[tilespmem:s17+$0x5110] =	vst v7;
	v6 =	vmax.f32 v6, $0.0e+00;
	v5 =	vadd.f32 v8, v5;
	v7 =	vshll.u32 v1, $0x10  }
0x7e: {  	[tilespmem:s17+$0x5150] =	vst v6;
	v4 =	vmax.f32 v4, $0.0e+00;
	v6 =	vand.u32 $0xFFFF0000, v1;
	v1 =	vld [tilespmem:s21+$0x1130];
	v7 =	vadd.f32 v7, v11  }
0x7f: {  	v9 =	vld [tilespmem:s21+$0x5100];
	[tilespmem:s17+$0x5120] =	vst v4;
	v4 =	vmax.f32 v5, $0.0e+00;
	v5 =	vadd.f32 v6, v10  }
.Ltmp1:
0x80: {  	v8 =	vld [tilespmem:s21+$0x5140];
	[tilespmem:s17+$0x5160] =	vst v4;
	v4 =	vmax.f32 v7, $0.0e+00;
	(pc) =	sbr.rel @p0 .LBB2_5-.Ltmp1, $4  }
0x81: {  	v7 =	vld [tilespmem:s21+$0x5110];
	[tilespmem:s17+$0x5130] =	vst v4;
	v4 =	vmax.f32 v5, $0.0e+00  }
0x82: {  	v6 =	vld [tilespmem:s21+$0x5150];
	[tilespmem:s17+$0x5170] =	vst v4;
	s17 =	smov.u32 s21  }
0x83: {  	v5 =	vshll.u32 v12, $0x10;
	v4 =	vld [tilespmem:s17+$0x5120]  }
0x84: {  	s18 =	sadd.s32 $0x200, s18;
	v10 =	vand.u32 $0xFFFF0000, v12;
	v9 =	vadd.f32 v5, v9;
	v5 =	vld [tilespmem:s17+$0x5160]  }
0x85: {  	v8 =	vadd.f32 v10, v8;
	v10 =	vshll.u32 v3, $0x10;
	v11 =	vld [tilespmem:s17+$0x5130]  }
0x86: {  	v3 =	vand.u32 $0xFFFF0000, v3;
	v9 =	vmax.f32 v9, $0.0e+00;
	v7 =	vadd.f32 v10, v7;
	v10 =	vld [tilespmem:s17+$0x5170]  }
0x87: {  	[tilespmem:s17+$0x5100] =	vst v9;
	v8 =	vmax.f32 v8, $0.0e+00;
	v3 =	vadd.f32 v3, v6;
	v6 =	vshll.u32 v2, $0x10  }
0x88: {  	v2 =	vand.u32 $0xFFFF0000, v2;
	[tilespmem:s17+$0x5140] =	vst v8;
	v7 =	vmax.f32 v7, $0.0e+00;
	v4 =	vadd.f32 v6, v4  }
0x89: {  	[tilespmem:s17+$0x5110] =	vst v7;
	v3 =	vmax.f32 v3, $0.0e+00;
	v2 =	vadd.f32 v2, v5;
	v5 =	vshll.u32 v1, $0x10  }
0x8a: {  	v1 =	vand.u32 $0xFFFF0000, v1;
	[tilespmem:s17+$0x5150] =	vst v3;
	v3 =	vmax.f32 v4, $0.0e+00;
	v4 =	vadd.f32 v5, v11  }
0x8b: {  	[tilespmem:s17+$0x5120] =	vst v3;
	v2 =	vmax.f32 v2, $0.0e+00;
	v1 =	vadd.f32 v1, v10  }
0x8c: {  	[tilespmem:s17+$0x5160] =	vst v2;
	v2 =	vmax.f32 v4, $0.0e+00  }
0x8d: {  	[tilespmem:s17+$0x5130] =	vst v2;
	v1 =	vmax.f32 v1, $0.0e+00  }
0x8e: {  	[tilespmem:s17+$0x5170] =	vst v1  }
0x8f: {  	[spmem:s1] =	stream.indirect.scatter.add.f32 [tilespmem:s24], [sflag:$0x5], $0x80, s26, s28, $0xb8;
	[tilespmem:$0x1D100] =	vst v63  }
0x90: {  	_ =	swait.ge [sflag:s2], $0x2000  }
0x91: {  	[sflag:s2] =	ssyncset.done $0x0  }
0x92: {  	[sflag:s2] =	ssyncadd.s32 $0xFFFFE000  }
0x93: {  	_ =	swait.ge [sflag:s8], $0x2000  }
0x94: {  	[sflag:s8] =	ssyncset.done $0x0  }
0x95: {  	[sflag:s8] =	ssyncadd.s32 $0xFFFFE000  }
0x96: {  	v1 =	vld [tilespmem:s15+$0x180];
	_ =	sdelay $0x4  }
0x97: {  	[tilespmem:$0x1080] =	vst v1  }
0x98: {  	v1 =	vld [tilespmem:s15+$0x190];
	_ =	sdelay $0x4  }
0x99: {  	[tilespmem:$0x1090] =	vst v1  }
0x9a: {  	v1 =	vld [tilespmem:s15+$0x1A0];
	_ =	sdelay $0x4  }
0x9b: {  	[tilespmem:$0x10A0] =	vst v1  }
0x9c: {  	v1 =	vld [tilespmem:s15+$0x1B0]  }
0x9d: {  	p0 =	seq.s32 s14, $0x4F;
	s15 =	sadd.s32 $0x2, s16  }
0x9e: {  	s16 =	sand.u32 @!p0 $0xE, s15  }
0x9f: {  	p1 =	sne.s32 @!p0 s16, $0x0  }
0xa0: {  	p1 =	por p1, p0  }
0xa1: {  	s17 =	simm.s32 @!p0 $0x5;
	s18 =	sshll.u32 @!p1 s15, $0x8;
	[tilespmem:$0x10B0] =	vst v1  }
0xa2: {  	s18 =	sadd.s32 @!p1 s12, s18;
	_ =	swait.ge @!p0 [sflag:s17], $0x2000  }
0xa3: {  	s15 =	sshll.u32 @!p0 s15, $0xD;
	s18 =	sshrl.u32 @!p1 s18, $0x3;
	[sflag:s17] =	ssyncset.done @!p0 $0x0  }
0xa4: {  	[sflag:s17] =	ssyncadd.s32 @!p0 $0xFFFFE000;
	s17 =	sadd.s32 @!p1 s4, s18;
	s18 =	simm.s32 @!p1 $0x0  }
0xa5: {  	[tilespmem:s18], [sflag:$0x7] =	stream.linear.gather @!p1 [hbm4b:s17+s18], $0x1000, $0x38;
	[tilespmem:$0x1D100] =	vst v63  }
0xa6: {  	s15 =	sadd.s32 @!p0 s20, s15;
	s17 =	simm.s32 @!p1 $0x7  }
0xa7: {  	s15 =	sshrl.u32 @!p0 s15, $0x3;
	_ =	swait.ge @!p1 [sflag:s17], $0x1000  }
0xa8: {  	s15 =	sadd.s32 @!p0 s5, s15;
	[sflag:s17] =	ssyncset.done @!p1 $0x0  }
0xa9: {  	s18 =	simm.s32 @!p0 $0x1100;
	[sflag:s17] =	ssyncadd.s32 @!p1 $0xFFFFF000;
	s17 =	simm.s32 @!p0 $0x0  }
0xaa: {  	[tilespmem:s18], [sflag:$0x1] =	stream.linear.gather @!p0 [hbm4b:s15+s17], $0x2000, $0x38;
	[tilespmem:$0x1D100] =	vst v63  }
0xab: {  	s15 =	sshll.u32 @!p0 s16, $0x8;
	s16 =	simm.s32 @!p0 $0x40;
	s17 =	simm.s32 @!p0 $0x5100  }
0xac: {  	[tilespmem:s17], [sflag:$0x3] =	stream.indirect.gather @!p0 [hbm4b:s6+s16], $0x80, s15, s16, $0xb8;
	[tilespmem:$0x1D100] =	vst v63  }
0xad: {  	s15 =	simm.s32 $0x0  }
0xae: {  	v4 =	vld [tilespmem:s15+$0x3100]  }
0xaf: {  	v3 =	vld [tilespmem:s15+$0x3110]  }
0xb0: {  	v2 =	vld [tilespmem:s15+$0x3120]  }
0xb1: {  	v1 =	vld [tilespmem:s15+$0x3130]  }
0xb2: {  	v9 =	vld [tilespmem:s15+$0x7100]  }
0xb3: {  	v8 =	vld [tilespmem:s15+$0x7140]  }
0xb4: {  	v7 =	vld [tilespmem:s15+$0x7110]  }
0xb5: {  	v6 =	vld [tilespmem:s15+$0x7150]  }
0xb6: {  	v5 =	vld [tilespmem:s15+$0x7120];
	v11 =	vshll.u32 v4, $0x10  }
0xb7: {  	s16 =	simm.s32 $0x200;
	v10 =	vand.u32 $0xFFFF0000, v4;
	v4 =	vld [tilespmem:s15+$0x7160];
	v9 =	vadd.f32 v11, v9  }
.LBB2_7:
0xb8: {  	p0 =	sne.s32 s16, $0x7E00;
	v8 =	vadd.f32 v10, v8;
	v10 =	vshll.u32 v3, $0x10;
	v11 =	vld [tilespmem:s15+$0x7130]  }
0xb9: {  	s17 =	sshra.s32 s16, $0x2;
	v3 =	vand.u32 $0xFFFF0000, v3;
	v9 =	vmax.f32 v9, $0.0e+00;
	v7 =	vadd.f32 v10, v7;
	v10 =	vld [tilespmem:s15+$0x7170]  }
0xba: {  	v12 =	vld [tilespmem:s17+$0x3100];
	[tilespmem:s15+$0x7100] =	vst v9;
	v8 =	vmax.f32 v8, $0.0e+00;
	v6 =	vadd.f32 v3, v6;
	v9 =	vshll.u32 v2, $0x10  }
0xbb: {  	v3 =	vld [tilespmem:s17+$0x3110];
	[tilespmem:s15+$0x7140] =	vst v8;
	v7 =	vmax.f32 v7, $0.0e+00;
	v8 =	vand.u32 $0xFFFF0000, v2;
	v5 =	vadd.f32 v9, v5  }
0xbc: {  	v2 =	vld [tilespmem:s17+$0x3120];
	[tilespmem:s15+$0x7110] =	vst v7;
	v6 =	vmax.f32 v6, $0.0e+00;
	v4 =	vadd.f32 v8, v4;
	v7 =	vshll.u32 v1, $0x10  }
0xbd: {  	[tilespmem:s15+$0x7150] =	vst v6;
	v5 =	vmax.f32 v5, $0.0e+00;
	v6 =	vand.u32 $0xFFFF0000, v1;
	v1 =	vld [tilespmem:s17+$0x3130];
	v7 =	vadd.f32 v7, v11  }
0xbe: {  	v9 =	vld [tilespmem:s17+$0x7100];
	[tilespmem:s15+$0x7120] =	vst v5;
	v4 =	vmax.f32 v4, $0.0e+00;
	v5 =	vadd.f32 v6, v10  }
.Ltmp2:
0xbf: {  	v8 =	vld [tilespmem:s17+$0x7140];
	[tilespmem:s15+$0x7160] =	vst v4;
	v4 =	vmax.f32 v7, $0.0e+00;
	(pc) =	sbr.rel @p0 .LBB2_7-.Ltmp2, $4  }
0xc0: {  	v7 =	vld [tilespmem:s17+$0x7110];
	[tilespmem:s15+$0x7130] =	vst v4;
	v4 =	vmax.f32 v5, $0.0e+00  }
0xc1: {  	v6 =	vld [tilespmem:s17+$0x7150];
	[tilespmem:s15+$0x7170] =	vst v4;
	s15 =	smov.u32 s17  }
0xc2: {  	v4 =	vshll.u32 v12, $0x10;
	v5 =	vld [tilespmem:s15+$0x7120]  }
0xc3: {  	s16 =	sadd.s32 $0x200, s16;
	v10 =	vand.u32 $0xFFFF0000, v12;
	v9 =	vadd.f32 v4, v9;
	v4 =	vld [tilespmem:s15+$0x7160]  }
0xc4: {  	v8 =	vadd.f32 v10, v8;
	v60 =	vshll.u32 v3, $0x10;
	v11 =	vld [tilespmem:s15+$0x7130]  }
0xc5: {  	v3 =	vand.u32 $0xFFFF0000, v3;
	v61 =	vld [tilespmem:s15+$0x7170];
	v9 =	vmax.f32 v9, $0.0e+00;
	v7 =	vadd.f32 v60, v7  }
0xc6: {  	v62 =	vshll.u32 v2, $0x10;
	[tilespmem:s15+$0x7100] =	vst v9;
	v8 =	vmax.f32 v8, $0.0e+00;
	v3 =	vadd.f32 v3, v6  }
0xc7: {  	v2 =	vand.u32 $0xFFFF0000, v2;
	[tilespmem:s15+$0x7140] =	vst v8;
	v7 =	vmax.f32 v7, $0.0e+00;
	v5 =	vadd.f32 v62, v5  }
0xc8: {  	v63 =	vshll.u32 v1, $0x10;
	s14 =	sadd.s32 $0x1, s14;
	[tilespmem:s15+$0x7110] =	vst v7;
	v3 =	vmax.f32 v3, $0.0e+00;
	v2 =	vadd.f32 v2, v4  }
0xc9: {  	v1 =	vand.u32 $0xFFFF0000, v1;
	p0 =	sne.s32 s14, $0x50;
	[tilespmem:s15+$0x7150] =	vst v3;
	v3 =	vmax.f32 v5, $0.0e+00;
	v4 =	vadd.f32 v63, v11  }
.Ltmp3:
0xca: {  	v1 =	vadd.f32 v1, v61;
	[tilespmem:s15+$0x7120] =	vst v3;
	v2 =	vmax.f32 v2, $0.0e+00;
	(pc) =	sbr.rel @p0 .LBB2_4-.Ltmp3, $4  }
0xcb: {  	[tilespmem:s15+$0x7160] =	vst v2;
	v2 =	vmax.f32 v4, $0.0e+00  }
0xcc: {  	v1 =	vmax.f32 v1, $0.0e+00;
	[tilespmem:s15+$0x7130] =	vst v2  }
0xcd: {  	[tilespmem:s15+$0x7170] =	vst v1  }
0xce: {  	[spmem:s1] =	stream.indirect.scatter.add.f32 [tilespmem:s0], [sflag:$0x6], $0x80, s9, s28, $0xb8;
	[tilespmem:$0x1D100] =	vst v63  }
0xcf: {  	_ =	swait.ge [sflag:s10], $0x2000  }
0xd0: {  	[sflag:s10] =	ssyncset.done $0x0  }
0xd1: {  	[sflag:s10] =	ssyncadd.s32 $0xFFFFE000  }
0xd2: {  	_ =	swait.ge [sflag:s11], $0x2000  }
0xd3: {  	s13 =	stileid.u32;
	[sflag:s11] =	ssyncset.done $0x0  }
0xd4: {  	s14 =	sshrl.u32 s7, $0x3;
	s3 =	sadd.s32 $0x1, s3;
	[sflag:s11] =	ssyncadd.s32 $0xFFFFE000  }
0xd5: {  	s13 =	sshll.u32 s13, $0x6;
	p0 =	sne.s32 s3, s22;
	[bflag:$0x0] =	sbarrier.arrive $0xFFFF  }
.Ltmp4:
0xd6: {  	s13 =	sor.u32 $0x1C07, s13;
	s15 =	rddreg [dreg:$0xd];
	(pc) =	sbr.rel @p0 .LBB2_1-.Ltmp4, $4  }
0xd7: {  	[hbm:s15], [sflag:s13] =	dma.local [spmem:s14], $0x2800  }
0xd8: {  	_ =	swait.ge [sflag:s25], $0x2800  }
0xd9: {  	[sflag:s25] =	ssyncset.done $0x0  }
0xda: {  	[sflag:s25] =	ssyncadd.s32 $0xFFFFD800  }
0xdb: {  	_ =	sfence.sel $0x180000  }
0xdc: {  	[bflag:$0x0] =	sbarrier.arrive $0xFFFF  }
0xdd: {  	_ =	strace $0x9000004D  }
0xde: {  	s0 =	stileid.u32;
	[bflag:$0x2] =	sbarrier.arrive $0xFFFF  }
0xdf: {  	p0 =	sne.s32 s0, $0x0;
	s0 =	rddreg [dreg:$0x2]  }
0xe0: {  	s0 =	sadd.s32 @!p0 $0x100000, s0  }
0xe1: {  	[sflag:s0] =	ssyncadd.tile.s32 @!p0 $0x1;
	_ =	shalt  }
.Lfunc_end2:
_tile_overlayer_lowered:
.L_overlay_start_2:
0xe2: {  	(tag) =	ssettag $0x2  }
0xe3: {  	s0 =	rddreg [dreg:$0x0];
	s2 =	stileid.u32  }
0xe4: {  	s1 =	rddreg [dreg:$0x1];
	p0 =	sne.s32 s2, $0x0  }
0xe5: {  	s3 =	rddreg [dreg:$0x2];
	[bflag:$0x3] =	sbarrier.arrive $0xFFFF;
	s2 =	simm.s32 @!p0 $0x1C07  }
0xe6: {  	[timem:s3], [sflag:s2] =	dma.local @!p0 [hbm:s0], s1  }
0xe7: {  	s0 =	simm.s32 @!p0 $0x7  }
0xe8: {  	_ =	swait.ge @!p0 [sflag:s0], s1  }
0xe9: {  	s1 =	ssub.s32 @!p0 $0x0, s1;
	[sflag:s0] =	ssyncset.done @!p0 $0x0  }
0xea: {  	[sflag:s0] =	ssyncadd.s32 @!p0 s1  }
0xeb: {  	[bflag:$0x3] =	sbarrier.arrive $0xFFFF  }
0xec: {  	_ =	shalt  }

</sc_bundles>
